<compile_context>
chip_gen: v7x
topology: tpu7x:2x2x1
jax: 0.10.2.dev20260603
libtpu: 0.0.44.dev20260713+nightly
codegen_flags: <defaults>
</compile_context>

<pallas_src>
import functools

import jax
import jax.numpy as jnp
import numpy as np
from jax import lax
from jax.experimental import pallas as pl
from jax.experimental.pallas import tpu as pltpu
from jax.experimental.pallas import tpu_sc as plsc

N = 10000
E = 320000
D = 128
H = 8
DH = 16
ROWS = 400
NBLK = N // ROWS

NC = 2
NS = 16
NW = NC * NS
HH = H // NC
DHH = HH * DH
EB = 80
EW = 20480
NB = EW // EB
N_ACC = 10240
RPT = N_ACC // NS
RCH = 80


def _qkv_body(h_ref, wq_ref, bq_ref, wk_ref, bk_ref, wv_ref, bv_ref,
              q_ref, k_ref, v_ref):
    hb = h_ref[...]
    q_ref[...] = (jnp.dot(hb, wq_ref[...], preferred_element_type=jnp.float32)
                  + bq_ref[...]) * 0.25
    k_ref[...] = jnp.dot(hb, wk_ref[...], preferred_element_type=jnp.float32) + bk_ref[...]
    v_ref[...] = jnp.dot(hb, wv_ref[...], preferred_element_type=jnp.float32) + bv_ref[...]


def _qkv(h, WQ_w, WQ_b, WK_w, WK_b, WV_w, WV_b):
    row_spec = pl.BlockSpec((ROWS, D), lambda i: (i, 0))
    w_spec = pl.BlockSpec((D, D), lambda i: (0, 0))
    b_spec = pl.BlockSpec((1, D), lambda i: (0, 0))
    out = jax.ShapeDtypeStruct((N, D), jnp.float32)
    return pl.pallas_call(
        _qkv_body,
        grid=(NBLK,),
        in_specs=[row_spec, w_spec, b_spec, w_spec, b_spec, w_spec, b_spec],
        out_specs=[row_spec, row_spec, row_spec],
        out_shape=[out, out, out],
    )(h, WQ_w.T, WQ_b.reshape(1, D), WK_w.T, WK_b.reshape(1, D),
      WV_w.T, WV_b.reshape(1, D))


def _ln_rows(x, g, b, eps=1e-5):
    mu = jnp.mean(x, axis=-1, keepdims=True)
    var = jnp.mean((x - mu) ** 2, axis=-1, keepdims=True)
    return (x - mu) * jax.lax.rsqrt(var + eps) * g + b


def _epi_body(acc_ref, z0_ref, z1_ref, zm_ref, h_ref, wo_ref, bo_ref,
              l1_ref, b1_ref, l2_ref, b2_ref,
              g1_ref, be1_ref, g2_ref, be2_ref, out_ref):
    zm = zm_ref[...]
    zv0 = jnp.dot(jnp.sum(z0_ref[...], axis=0, keepdims=True), zm,
                  preferred_element_type=jnp.float32)
    zv1 = jnp.dot(jnp.sum(z1_ref[...], axis=0, keepdims=True), zm,
                  preferred_element_type=jnp.float32)
    a0 = acc_ref[0] / zv0
    a1 = acc_ref[1] / zv1
    wo = wo_ref[...]
    h2 = (h_ref[...] + bo_ref[...]
          + jnp.dot(a0, wo[:DHH], preferred_element_type=jnp.float32)
          + jnp.dot(a1, wo[DHH:], preferred_element_type=jnp.float32))
    h2 = _ln_rows(h2, g1_ref[...], be1_ref[...])
    ff = jnp.dot(jax.nn.relu(
        jnp.dot(h2, l1_ref[...], preferred_element_type=jnp.float32) + b1_ref[...]),
        l2_ref[...], preferred_element_type=jnp.float32) + b2_ref[...]
    out_ref[...] = _ln_rows(h2 + ff, g2_ref[...], be2_ref[...])


_ZMASK = np.zeros((DH, DHH), np.float32)
for _h in range(HH):
    _ZMASK[_h, _h * DH:(_h + 1) * DH] = 1.0


def _epilogue(acc, zp0, zp1, h, WO_w, WO_b, l1_w, l1_b, l2_w, l2_b,
              ln1_g, ln1_b, ln2_g, ln2_b):
    row_spec = pl.BlockSpec((ROWS, D), lambda i: (i, 0))
    acc_spec = pl.BlockSpec((NC, ROWS, DHH), lambda i: (0, i, 0))
    w_spec = pl.BlockSpec((D, D), lambda i: (0, 0))
    b_spec = pl.BlockSpec((1, D), lambda i: (0, 0))
    z_spec = pl.BlockSpec((NS, DH), lambda i: (0, 0))
    zm_spec = pl.BlockSpec((DH, DHH), lambda i: (0, 0))
    return pl.pallas_call(
        _epi_body,
        grid=(NBLK,),
        in_specs=[acc_spec, z_spec, z_spec, zm_spec, row_spec, w_spec, b_spec,
                  w_spec, b_spec, w_spec, b_spec,
                  b_spec, b_spec, b_spec, b_spec],
        out_specs=row_spec,
        out_shape=jax.ShapeDtypeStruct((N, D), jnp.float32),
    )(acc, zp0, zp1, jnp.asarray(_ZMASK), h, WO_w.T, WO_b.reshape(1, D),
      l1_w.T, l1_b.reshape(1, D), l2_w.T, l2_b.reshape(1, D),
      ln1_g.reshape(1, D), ln1_b.reshape(1, D),
      ln2_g.reshape(1, D), ln2_b.reshape(1, D))


def _edge_sc_body(q0_hbm, q1_hbm, k0_hbm, k1_hbm, v0_hbm, v1_hbm,
                  src_hbm, dst_hbm, acc_out, z_out,
                  srcb_v, dstb_v, qrow_v, krow_v, vrow_v, msg_v, zacc_v,
                  acc_sh, semi, semg):
    c = lax.axis_index("c")
    s = lax.axis_index("s")
    wid = s * NC + c

    z16 = jnp.zeros((16,), jnp.float32)
    lanes = lax.iota(jnp.int32, 16)

    def _zero_row(i, _):
        for jj in range(DHH // 16):
            msg_v[0][i, pl.ds(jj * 16, 16)] = z16
        return 0
    lax.fori_loop(0, EB, _zero_row, 0)
    for kk in range(RPT // RCH):
        pltpu.sync_copy(msg_v[0].at[pl.ds(0, RCH)],
                        acc_sh.at[pl.ds(s * RPT + kk * RCH, RCH)])
    plsc.subcore_barrier()

    def _issue_idx(jb, b, r):
        pltpu.async_copy(src_hbm.at[s, jb], srcb_v[2 * b + r], semi[2 * b + r])
        pltpu.async_copy(dst_hbm.at[s, jb], dstb_v[2 * b + r], semi[2 * b + r])

    def _wait_idx(b, r):
        for _ in range(2):
            pltpu.make_async_copy(src_hbm.at[s, 0], srcb_v[2 * b + r],
                                  semi[2 * b + r]).wait()

    def _issue_gathers(b, r):
        @pl.when(c == 0)
        def _():
            pltpu.async_copy(q0_hbm.at[dstb_v[2 * b + r].at[0]], qrow_v[b], semg[b])
            pltpu.async_copy(k0_hbm.at[srcb_v[2 * b + r].at[0]], krow_v[b], semg[b])
            pltpu.async_copy(v0_hbm.at[srcb_v[2 * b + r].at[0]], vrow_v[b], semg[b])

        @pl.when(c == 1)
        def _():
            pltpu.async_copy(q1_hbm.at[dstb_v[2 * b + r].at[0]], qrow_v[b], semg[b])
            pltpu.async_copy(k1_hbm.at[srcb_v[2 * b + r].at[0]], krow_v[b], semg[b])
            pltpu.async_copy(v1_hbm.at[srcb_v[2 * b + r].at[0]], vrow_v[b], semg[b])

    def _wait_gathers(b):
        for _ in range(3):
            pltpu.make_async_copy(q0_hbm.at[pl.ds(0, EB)], qrow_v[b], semg[b]).wait()

    def _compute(j, b, zacc):
        ebase = s * EW + j * EB

        def _edge(e, zacc):
            s8 = z16
            for h in range(HH):
                qv = qrow_v[b][e, pl.ds(h * DH, DH)]
                kv = krow_v[b][e, pl.ds(h * DH, DH)]
                sh = jnp.sum(qv * kv)
                s8 = jnp.where(lanes == h, sh, s8)
            w8 = jnp.exp(jnp.clip(s8, -5.0, 5.0))
            w8 = jnp.where(ebase + e < E, w8, 0.0)
            zacc = zacc + w8
            for h in range(HH):
                wb = w8[h]
                vv = vrow_v[b][e, pl.ds(h * DH, DH)]
                msg_v[b][e, pl.ds(h * DH, DH)] = wb * vv
            return zacc

        return lax.fori_loop(0, EB, _edge, zacc)

    for b in range(2):
        _issue_idx(b, b, 0)
    for b in range(2):
        _wait_idx(b, 0)
        _issue_gathers(b, 0)
    for b in range(2):
        _issue_idx(b + 2, b, 1)

    def _quad(t, zacc):
        for u in range(4):
            j = 4 * t + u
            b = u % 2
            r = u // 2
            _wait_gathers(b)
            zacc = _compute(j, b, zacc)
            pltpu.sync_copy(msg_v[b], acc_sh.at[dstb_v[2 * b + r].at[0]], add=True)
            _wait_idx(b, 1 - r)
            _issue_gathers(b, 1 - r)
            _issue_idx(j + 4, b, r)
        return zacc

    zacc = lax.fori_loop(0, NB // 4, _quad, z16)
    for b in range(2):
        _wait_gathers(b)
        _wait_idx(b, 1)
    plsc.subcore_barrier()

    zacc_v[0, :] = zacc
    pltpu.sync_copy(zacc_v, z_out.at[pl.ds(wid, 1)])
    for kk in range(RPT // RCH):
        rows = pl.ds(s * RPT + kk * RCH, RCH)
        pltpu.sync_copy(acc_sh.at[rows], msg_v[0].at[pl.ds(0, RCH)])
        pltpu.sync_copy(msg_v[0].at[pl.ds(0, RCH)], acc_out.at[c, rows])


def _edge_phase_sc(q, k, v, src, dst):
    pad = NS * EW - E
    zb = jnp.zeros((NS, 4, EB), jnp.int32)
    src_r = jnp.concatenate(
        [jnp.pad(src, (0, pad)).reshape(NS, NB, EB), zb], 1).reshape(NS, NB + 4, 1, EB)
    dst_r = jnp.concatenate(
        [jnp.pad(dst, (0, pad)).reshape(NS, NB, EB), zb], 1).reshape(NS, NB + 4, 1, EB)
    mesh = plsc.VectorSubcoreMesh(core_axis_name="c", subcore_axis_name="s", num_cores=NC)
    dbuf = lambda shape, dt: [pltpu.VMEM(shape, dt), pltpu.VMEM(shape, dt)]
    acc2, zpart = pl.kernel(
        _edge_sc_body,
        compiler_params=pltpu.CompilerParams(needs_layout_passes=False,
                                             use_tc_tiling_on_sc=False),
        out_type=[jax.ShapeDtypeStruct((NC, N_ACC, DHH), jnp.float32),
                  jax.ShapeDtypeStruct((NW, DH), jnp.float32)],
        mesh=mesh,
        scratch_types=[
            [pltpu.VMEM((1, EB), jnp.int32) for _ in range(4)],
            [pltpu.VMEM((1, EB), jnp.int32) for _ in range(4)],
            dbuf((EB, DHH), jnp.float32),
            dbuf((EB, DHH), jnp.float32),
            dbuf((EB, DHH), jnp.float32),
            dbuf((EB, DHH), jnp.float32),
            pltpu.VMEM((1, DH), jnp.float32),
            pltpu.VMEM_SHARED((N_ACC, DHH), jnp.float32),
            [pltpu.SemaphoreType.DMA for _ in range(4)],
            [pltpu.SemaphoreType.DMA, pltpu.SemaphoreType.DMA],
        ],
    )(q[:, :DHH], q[:, DHH:], k[:, :DHH], k[:, DHH:], v[:, :DHH], v[:, DHH:],
      src_r, dst_r)
    zp = zpart.reshape(NS, NC, DH)
    return acc2, zp[:, 0, :], zp[:, 1, :]


def _edge_phase_xla(q, k, v, src, dst):
    qe = jnp.take(q, dst, axis=0).reshape(E, H, DH)
    ke = jnp.take(k, src, axis=0).reshape(E, H, DH)
    ve = jnp.take(v, src, axis=0).reshape(E, H, DH)
    s = (qe * ke).sum(axis=-1)
    w = jnp.exp(jnp.clip(s, -5.0, 5.0))
    z = w.sum(axis=0)
    msg = w[:, :, None] * ve
    acc = jnp.zeros((N, H, DH), jnp.float32).at[dst].add(msg)
    zpart = jnp.pad(z.reshape(1, H), ((0, 0), (0, D - H)))
    return acc.reshape(N, D), zpart


def kernel(edge_index, h, WQ_w, WQ_b, WK_w, WK_b, WV_w, WV_b, WO_w, WO_b,
           l1_w, l1_b, l2_w, l2_b, ln1_g, ln1_b, ln2_g, ln2_b):
    src = edge_index[0].astype(jnp.int32)
    dst = edge_index[1].astype(jnp.int32)
    q, k, v = _qkv(h, WQ_w, WQ_b, WK_w, WK_b, WV_w, WV_b)
    acc, zp0, zp1 = _edge_phase_sc(q, k, v, src, dst)
    return _epilogue(acc, zp0, zp1, h, WO_w, WO_b, l1_w, l1_b, l2_w, l2_b,
                     ln1_g, ln1_b, ln2_g, ln2_b)

# --- scband reference (transcript-rebuilt; emitter-appended) ---
"""Pipeline reference for scband-graph-transformer-layer-44641890075106 (READ-ONLY COPY).

The authoritative reference and input builder live on the scoring server;
editing this copy changes nothing except your own understanding.
"""

import jax, jax.numpy as jnp
import numpy as np

N = 10000
E = 320000
D = 128
H = 8
DH = D // H


def _ln(x, g, b, eps=1e-5):
    mu = x.mean(axis=-1, keepdims=True)
    var = ((x - mu) ** 2).mean(axis=-1, keepdims=True)
    return (x - mu) / jnp.sqrt(var + eps) * g + b


def setup_inputs(seed: int = 0):
    key = jax.random.key(seed)
    ks = jax.random.split(key, 16)
    s = 1.0 / np.sqrt(D)
    inp = {}
    inp['edge_index'] = jax.random.randint(ks[0], (2, E), 0, N).astype(jnp.int64)
    inp['h'] = jax.random.normal(ks[1], (N, D), dtype=jnp.float32)
    inp['WQ_w'] = jax.random.uniform(ks[2], (D, D), jnp.float32, -s, s)
    inp['WQ_b'] = jax.random.uniform(ks[3], (D,), jnp.float32, -s, s)
    inp['WK_w'] = jax.random.uniform(ks[4], (D, D), jnp.float32, -s, s)
    inp['WK_b'] = jax.random.uniform(ks[5], (D,), jnp.float32, -s, s)
    inp['WV_w'] = jax.random.uniform(ks[6], (D, D), jnp.float32, -s, s)
    inp['WV_b'] = jax.random.uniform(ks[7], (D,), jnp.float32, -s, s)
    inp['WO_w'] = jax.random.uniform(ks[8], (D, D), jnp.float32, -s, s)
    inp['WO_b'] = jax.random.uniform(ks[9], (D,), jnp.float32, -s, s)
    inp['l1_w'] = jax.random.uniform(ks[10], (D, D), jnp.float32, -s, s)
    inp['l1_b'] = jax.random.uniform(ks[11], (D,), jnp.float32, -s, s)
    inp['l2_w'] = jax.random.uniform(ks[12], (D, D), jnp.float32, -s, s)
    inp['l2_b'] = jax.random.uniform(ks[13], (D,), jnp.float32, -s, s)
    inp['ln1_g'] = jnp.ones((D,), jnp.float32)
    inp['ln1_b'] = jnp.zeros((D,), jnp.float32)
    inp['ln2_g'] = jnp.ones((D,), jnp.float32)
    inp['ln2_b'] = jnp.zeros((D,), jnp.float32)
    return inp


def reference(edge_index, h, WQ_w, WQ_b, WK_w, WK_b, WV_w, WV_b, WO_w, WO_b, l1_w, l1_b, l2_w, l2_b, ln1_g, ln1_b, ln2_g, ln2_b):
    Q = (h @ WQ_w.T + WQ_b).reshape(-1, H, DH)
    K = (h @ WK_w.T + WK_b).reshape(-1, H, DH)
    V = (h @ WV_w.T + WV_b).reshape(-1, H, DH)
    src = edge_index[0]
    dst = edge_index[1]
    q_dst = jnp.take(Q, dst, axis=0)
    k_src = jnp.take(K, src, axis=0)
    v_src = jnp.take(V, src, axis=0)
    attn = (q_dst * k_src).sum(axis=-1) / np.sqrt(DH)
    attn = jnp.clip(attn, -5.0, 5.0)
    attn = jax.nn.softmax(attn, axis=0)
    msg = attn[:, :, None] * v_src
    h_out = jnp.zeros_like(Q).at[dst].add(msg)
    h_attn = h_out.reshape(-1, H * DH)
    h2 = h + (h_attn @ WO_w.T + WO_b)
    h2 = _ln(h2, ln1_g, ln1_b)
    ff = jax.nn.relu(h2 @ l1_w.T + l1_b) @ l2_w.T + l2_b
    h3 = _ln(h2 + ff, ln2_g, ln2_b)
    return h3

if __name__ == "__main__":
    import jax
    _d = setup_inputs()
    print(jax.jit(kernel)(*tuple(_d.values())))

</pallas_src>

<mosaic_0001>
#map = affine_map<(d0, d1) -> (0, 0)>
#map1 = affine_map<(d0, d1) -> (0, 0, 0, 0)>
#map2 = affine_map<(d0, d1) -> (0, 0, 0)>
module attributes {stable_mosaic.version = 14 : i64} {
  func.func @_edge_sc_body(%arg0: i32, %arg1: i32, %arg2: memref<10000x64xf32, #tpu.memory_space<hbm>>, %arg3: memref<10000x64xf32, #tpu.memory_space<hbm>>, %arg4: memref<10000x64xf32, #tpu.memory_space<hbm>>, %arg5: memref<10000x64xf32, #tpu.memory_space<hbm>>, %arg6: memref<10000x64xf32, #tpu.memory_space<hbm>>, %arg7: memref<10000x64xf32, #tpu.memory_space<hbm>>, %arg8: memref<16x260x1x80xi32, #tpu.memory_space<hbm>>, %arg9: memref<16x260x1x80xi32, #tpu.memory_space<hbm>>, %arg10: memref<2x10240x64xf32, #tpu.memory_space<hbm>>, %arg11: memref<32x16xf32, #tpu.memory_space<hbm>>, %arg12: memref<1x80xi32, #tpu.memory_space<vmem>>, %arg13: memref<1x80xi32, #tpu.memory_space<vmem>>, %arg14: memref<1x80xi32, #tpu.memory_space<vmem>>, %arg15: memref<1x80xi32, #tpu.memory_space<vmem>>, %arg16: memref<1x80xi32, #tpu.memory_space<vmem>>, %arg17: memref<1x80xi32, #tpu.memory_space<vmem>>, %arg18: memref<1x80xi32, #tpu.memory_space<vmem>>, %arg19: memref<1x80xi32, #tpu.memory_space<vmem>>, %arg20: memref<80x64xf32, #tpu.memory_space<vmem>>, %arg21: memref<80x64xf32, #tpu.memory_space<vmem>>, %arg22: memref<80x64xf32, #tpu.memory_space<vmem>>, %arg23: memref<80x64xf32, #tpu.memory_space<vmem>>, %arg24: memref<80x64xf32, #tpu.memory_space<vmem>>, %arg25: memref<80x64xf32, #tpu.memory_space<vmem>>, %arg26: memref<80x64xf32, #tpu.memory_space<vmem>>, %arg27: memref<80x64xf32, #tpu.memory_space<vmem>>, %arg28: memref<1x16xf32, #tpu.memory_space<vmem>>, %arg29: memref<10240x64xf32, #tpu.memory_space<vmem_shared>>, %arg30: memref<!tpu.dma_semaphore, #tpu.memory_space<semaphore_mem>>, %arg31: memref<!tpu.dma_semaphore, #tpu.memory_space<semaphore_mem>>, %arg32: memref<!tpu.dma_semaphore, #tpu.memory_space<semaphore_mem>>, %arg33: memref<!tpu.dma_semaphore, #tpu.memory_space<semaphore_mem>>, %arg34: memref<!tpu.dma_semaphore, #tpu.memory_space<semaphore_mem>>, %arg35: memref<!tpu.dma_semaphore, #tpu.memory_space<semaphore_mem>>) attributes {dimension_semantics = [#tpu.dimension_semantics<core_parallel>, #tpu.dimension_semantics<subcore_parallel>], iteration_bounds = array<i64: 2, 16>, scalar_prefetch = 0 : i64, scratch_operands = 24 : i64, tpu.core_type = #tpu.core_type<sc_vector_subcore>, window_params = [{transform_indices = #map}, {transform_indices = #map}, {transform_indices = #map}, {transform_indices = #map}, {transform_indices = #map}, {transform_indices = #map}, {transform_indices = #map1}, {transform_indices = #map1}, {transform_indices = #map2}, {transform_indices = #map}]} {
    %mul3A = arith.constant 2 : i32
    %mul3A_0 = arith.muli %arg1, %mul3A : i32
    %add3A = arith.addi %mul3A_0, %arg0 : i32
    %broadcast_in_dim3A = arith.constant 0.000000e+00 : f32
    %broadcast_in_dim3A_1 = vector.broadcast %broadcast_in_dim3A : f32 to vector<16xf32>
    %iota3A = tpu.iota {dimensions = array<i32: 0>} : vector<16xi32>
    %scan3A = arith.constant 0 : i32
    %scan3A_2 = arith.constant 0 : i32
    %scan3A_3 = arith.constant 80 : i32
    %scan3A_4 = arith.addi %scan3A_2, %scan3A_3 : i32
    %scan3A_5 = arith.constant 1 : i32
    %scan3A_6 = scf.for %scan3A_277 = %scan3A_2 to %scan3A_4 step %scan3A_5 iter_args(%scan3A_278 = %scan3A) -> (i32)  : i32 {
      %swap3A_279 = arith.index_cast %scan3A_277 : i32 to index
      %swap3A_280 = arith.constant 0 : index
      %swap3A_281 = tpu.vector_load %arg26[%swap3A_279, %swap3A_280] {strides = array<i32>} : memref<80x64xf32, #tpu.memory_space<vmem>>, vector<16xf32>,
      tpu.vector_store %arg26[%swap3A_279, %swap3A_280], %broadcast_in_dim3A_1 {strides = array<i32>} : memref<80x64xf32, #tpu.memory_space<vmem>>, vector<16xf32>,
      %swap3A_282 = arith.index_cast %scan3A_277 : i32 to index
      %swap3A_283 = arith.constant 16 : index
      %swap3A_284 = tpu.vector_load %arg26[%swap3A_282, %swap3A_283] {strides = array<i32>} : memref<80x64xf32, #tpu.memory_space<vmem>>, vector<16xf32>,
      tpu.vector_store %arg26[%swap3A_282, %swap3A_283], %broadcast_in_dim3A_1 {strides = array<i32>} : memref<80x64xf32, #tpu.memory_space<vmem>>, vector<16xf32>,
      %swap3A_285 = arith.index_cast %scan3A_277 : i32 to index
      %swap3A_286 = arith.constant 32 : index
      %swap3A_287 = tpu.vector_load %arg26[%swap3A_285, %swap3A_286] {strides = array<i32>} : memref<80x64xf32, #tpu.memory_space<vmem>>, vector<16xf32>,
      tpu.vector_store %arg26[%swap3A_285, %swap3A_286], %broadcast_in_dim3A_1 {strides = array<i32>} : memref<80x64xf32, #tpu.memory_space<vmem>>, vector<16xf32>,
      %swap3A_288 = arith.index_cast %scan3A_277 : i32 to index
      %swap3A_289 = arith.constant 48 : index
      %swap3A_290 = tpu.vector_load %arg26[%swap3A_288, %swap3A_289] {strides = array<i32>} : memref<80x64xf32, #tpu.memory_space<vmem>>, vector<16xf32>,
      tpu.vector_store %arg26[%swap3A_288, %swap3A_289], %broadcast_in_dim3A_1 {strides = array<i32>} : memref<80x64xf32, #tpu.memory_space<vmem>>, vector<16xf32>,
      %scan3A_291 = arith.constant 0 : i32
      scf.yield %scan3A_291 : i32
    }
    %scan3A_7 = arith.constant 80 : i32
    %mul3A_8 = arith.constant 640 : i32
    %mul3A_9 = arith.muli %arg1, %mul3A_8 : i32
    %add3A_10 = arith.constant 0 : i32
    %add3A_11 = arith.addi %mul3A_9, %add3A_10 : i32
    "tpu.region"() ({
      %run_scoped3A = tpu.sem_alloc : memref<!tpu.dma_semaphore, #tpu.memory_space<semaphore_mem>>
      %dma_start3A_277 = arith.constant 0 : i32
      %dma_start3A_278 = arith.constant 0 : i32
      %dma_start3A_279 = tpu.memref_slice %arg26[%dma_start3A_277, %dma_start3A_278] : memref<80x64xf32, #tpu.memory_space<vmem>> -> memref<80x64xf32, #tpu.memory_space<vmem>>
      %dma_start3A_280 = arith.constant 0 : i32
      %dma_start3A_281 = tpu.memref_slice %arg29[%add3A_11, %dma_start3A_280] : memref<10240x64xf32, #tpu.memory_space<vmem_shared>> -> memref<80x64xf32, #tpu.memory_space<vmem_shared>>
      %dma_start3A_282 = arith.constant 0 : i32
      %dma_start3A_283 = tpu.memref_slice %arg29[%add3A_11, %dma_start3A_282] : memref<10240x64xf32, #tpu.memory_space<vmem_shared>> -> memref<80x64xf32, #tpu.memory_space<vmem_shared>>
      %dma_start3A_284 = arith.constant 0 : i32
      %dma_start3A_285 = arith.constant 0 : i32
      %dma_start3A_286 = tpu.memref_slice %arg26[%dma_start3A_284, %dma_start3A_285] : memref<80x64xf32, #tpu.memory_space<vmem>> -> memref<80x64xf32, #tpu.memory_space<vmem>>
      tpu.enqueue_dma source(%dma_start3A_286 : memref<80x64xf32, #tpu.memory_space<vmem>>) target(%dma_start3A_283 : memref<80x64xf32, #tpu.memory_space<vmem_shared>>) target_semaphore(%run_scoped3A : memref<!tpu.dma_semaphore, #tpu.memory_space<semaphore_mem>>)
      %dma_wait3A_287 = arith.constant 0 : i32
      %dma_wait3A_288 = arith.constant 0 : i32
      %dma_wait3A_289 = tpu.memref_slice %arg26[%dma_wait3A_287, %dma_wait3A_288] : memref<80x64xf32, #tpu.memory_space<vmem>> -> memref<80x64xf32, #tpu.memory_space<vmem>>
      %dma_wait3A_290 = arith.constant 0 : i32
      %dma_wait3A_291 = tpu.memref_slice %arg29[%add3A_11, %dma_wait3A_290] : memref<10240x64xf32, #tpu.memory_space<vmem_shared>> -> memref<80x64xf32, #tpu.memory_space<vmem_shared>>
      %dma_wait3A_292 = arith.constant 0 : i32
      %dma_wait3A_293 = tpu.memref_slice %arg29[%add3A_11, %dma_wait3A_292] : memref<10240x64xf32, #tpu.memory_space<vmem_shared>> -> memref<80x64xf32, #tpu.memory_space<vmem_shared>>
      %dma_wait3A_294 = arith.constant 0 : i32
      %dma_wait3A_295 = arith.constant 0 : i32
      %dma_wait3A_296 = tpu.memref_slice %arg26[%dma_wait3A_294, %dma_wait3A_295] : memref<80x64xf32, #tpu.memory_space<vmem>> -> memref<80x64xf32, #tpu.memory_space<vmem>>
      tpu.wait_dma2 semaphore(%run_scoped3A : memref<!tpu.dma_semaphore, #tpu.memory_space<semaphore_mem>>) src(%dma_wait3A_296 : memref<80x64xf32, #tpu.memory_space<vmem>>) dst(%dma_wait3A_293 : memref<80x64xf32, #tpu.memory_space<vmem_shared>>)
      tpu.yield
    }) : () -> ()
    %mul3A_12 = arith.constant 640 : i32
    %mul3A_13 = arith.muli %arg1, %mul3A_12 : i32
    %add3A_14 = arith.constant 80 : i32
    %add3A_15 = arith.addi %mul3A_13, %add3A_14 : i32
    "tpu.region"() ({
      %run_scoped3A = tpu.sem_alloc : memref<!tpu.dma_semaphore, #tpu.memory_space<semaphore_mem>>
      %dma_start3A_277 = arith.constant 0 : i32
      %dma_start3A_278 = arith.constant 0 : i32
      %dma_start3A_279 = tpu.memref_slice %arg26[%dma_start3A_277, %dma_start3A_278] : memref<80x64xf32, #tpu.memory_space<vmem>> -> memref<80x64xf32, #tpu.memory_space<vmem>>
      %dma_start3A_280 = arith.constant 0 : i32
      %dma_start3A_281 = tpu.memref_slice %arg29[%add3A_15, %dma_start3A_280] : memref<10240x64xf32, #tpu.memory_space<vmem_shared>> -> memref<80x64xf32, #tpu.memory_space<vmem_shared>>
      %dma_start3A_282 = arith.constant 0 : i32
      %dma_start3A_283 = tpu.memref_slice %arg29[%add3A_15, %dma_start3A_282] : memref<10240x64xf32, #tpu.memory_space<vmem_shared>> -> memref<80x64xf32, #tpu.memory_space<vmem_shared>>
      %dma_start3A_284 = arith.constant 0 : i32
      %dma_start3A_285 = arith.constant 0 : i32
      %dma_start3A_286 = tpu.memref_slice %arg26[%dma_start3A_284, %dma_start3A_285] : memref<80x64xf32, #tpu.memory_space<vmem>> -> memref<80x64xf32, #tpu.memory_space<vmem>>
      tpu.enqueue_dma source(%dma_start3A_286 : memref<80x64xf32, #tpu.memory_space<vmem>>) target(%dma_start3A_283 : memref<80x64xf32, #tpu.memory_space<vmem_shared>>) target_semaphore(%run_scoped3A : memref<!tpu.dma_semaphore, #tpu.memory_space<semaphore_mem>>)
      %dma_wait3A_287 = arith.constant 0 : i32
      %dma_wait3A_288 = arith.constant 0 : i32
      %dma_wait3A_289 = tpu.memref_slice %arg26[%dma_wait3A_287, %dma_wait3A_288] : memref<80x64xf32, #tpu.memory_space<vmem>> -> memref<80x64xf32, #tpu.memory_space<vmem>>
      %dma_wait3A_290 = arith.constant 0 : i32
      %dma_wait3A_291 = tpu.memref_slice %arg29[%add3A_15, %dma_wait3A_290] : memref<10240x64xf32, #tpu.memory_space<vmem_shared>> -> memref<80x64xf32, #tpu.memory_space<vmem_shared>>
      %dma_wait3A_292 = arith.constant 0 : i32
      %dma_wait3A_293 = tpu.memref_slice %arg29[%add3A_15, %dma_wait3A_292] : memref<10240x64xf32, #tpu.memory_space<vmem_shared>> -> memref<80x64xf32, #tpu.memory_space<vmem_shared>>
      %dma_wait3A_294 = arith.constant 0 : i32
      %dma_wait3A_295 = arith.constant 0 : i32
      %dma_wait3A_296 = tpu.memref_slice %arg26[%dma_wait3A_294, %dma_wait3A_295] : memref<80x64xf32, #tpu.memory_space<vmem>> -> memref<80x64xf32, #tpu.memory_space<vmem>>
      tpu.wait_dma2 semaphore(%run_scoped3A : memref<!tpu.dma_semaphore, #tpu.memory_space<semaphore_mem>>) src(%dma_wait3A_296 : memref<80x64xf32, #tpu.memory_space<vmem>>) dst(%dma_wait3A_293 : memref<80x64xf32, #tpu.memory_space<vmem_shared>>)
      tpu.yield
    }) : () -> ()
    %mul3A_16 = arith.constant 640 : i32
    %mul3A_17 = arith.muli %arg1, %mul3A_16 : i32
    %add3A_18 = arith.constant 160 : i32
    %add3A_19 = arith.addi %mul3A_17, %add3A_18 : i32
    "tpu.region"() ({
      %run_scoped3A = tpu.sem_alloc : memref<!tpu.dma_semaphore, #tpu.memory_space<semaphore_mem>>
      %dma_start3A_277 = arith.constant 0 : i32
      %dma_start3A_278 = arith.constant 0 : i32
      %dma_start3A_279 = tpu.memref_slice %arg26[%dma_start3A_277, %dma_start3A_278] : memref<80x64xf32, #tpu.memory_space<vmem>> -> memref<80x64xf32, #tpu.memory_space<vmem>>
      %dma_start3A_280 = arith.constant 0 : i32
      %dma_start3A_281 = tpu.memref_slice %arg29[%add3A_19, %dma_start3A_280] : memref<10240x64xf32, #tpu.memory_space<vmem_shared>> -> memref<80x64xf32, #tpu.memory_space<vmem_shared>>
      %dma_start3A_282 = arith.constant 0 : i32
      %dma_start3A_283 = tpu.memref_slice %arg29[%add3A_19, %dma_start3A_282] : memref<10240x64xf32, #tpu.memory_space<vmem_shared>> -> memref<80x64xf32, #tpu.memory_space<vmem_shared>>
      %dma_start3A_284 = arith.constant 0 : i32
      %dma_start3A_285 = arith.constant 0 : i32
      %dma_start3A_286 = tpu.memref_slice %arg26[%dma_start3A_284, %dma_start3A_285] : memref<80x64xf32, #tpu.memory_space<vmem>> -> memref<80x64xf32, #tpu.memory_space<vmem>>
      tpu.enqueue_dma source(%dma_start3A_286 : memref<80x64xf32, #tpu.memory_space<vmem>>) target(%dma_start3A_283 : memref<80x64xf32, #tpu.memory_space<vmem_shared>>) target_semaphore(%run_scoped3A : memref<!tpu.dma_semaphore, #tpu.memory_space<semaphore_mem>>)
      %dma_wait3A_287 = arith.constant 0 : i32
      %dma_wait3A_288 = arith.constant 0 : i32
      %dma_wait3A_289 = tpu.memref_slice %arg26[%dma_wait3A_287, %dma_wait3A_288] : memref<80x64xf32, #tpu.memory_space<vmem>> -> memref<80x64xf32, #tpu.memory_space<vmem>>
      %dma_wait3A_290 = arith.constant 0 : i32
      %dma_wait3A_291 = tpu.memref_slice %arg29[%add3A_19, %dma_wait3A_290] : memref<10240x64xf32, #tpu.memory_space<vmem_shared>> -> memref<80x64xf32, #tpu.memory_space<vmem_shared>>
      %dma_wait3A_292 = arith.constant 0 : i32
      %dma_wait3A_293 = tpu.memref_slice %arg29[%add3A_19, %dma_wait3A_292] : memref<10240x64xf32, #tpu.memory_space<vmem_shared>> -> memref<80x64xf32, #tpu.memory_space<vmem_shared>>
      %dma_wait3A_294 = arith.constant 0 : i32
      %dma_wait3A_295 = arith.constant 0 : i32
      %dma_wait3A_296 = tpu.memref_slice %arg26[%dma_wait3A_294, %dma_wait3A_295] : memref<80x64xf32, #tpu.memory_space<vmem>> -> memref<80x64xf32, #tpu.memory_space<vmem>>
      tpu.wait_dma2 semaphore(%run_scoped3A : memref<!tpu.dma_semaphore, #tpu.memory_space<semaphore_mem>>) src(%dma_wait3A_296 : memref<80x64xf32, #tpu.memory_space<vmem>>) dst(%dma_wait3A_293 : memref<80x64xf32, #tpu.memory_space<vmem_shared>>)
      tpu.yield
    }) : () -> ()
    %mul3A_20 = arith.constant 640 : i32
    %mul3A_21 = arith.muli %arg1, %mul3A_20 : i32
    %add3A_22 = arith.constant 240 : i32
    %add3A_23 = arith.addi %mul3A_21, %add3A_22 : i32
    "tpu.region"() ({
      %run_scoped3A = tpu.sem_alloc : memref<!tpu.dma_semaphore, #tpu.memory_space<semaphore_mem>>
      %dma_start3A_277 = arith.constant 0 : i32
      %dma_start3A_278 = arith.constant 0 : i32
      %dma_start3A_279 = tpu.memref_slice %arg26[%dma_start3A_277, %dma_start3A_278] : memref<80x64xf32, #tpu.memory_space<vmem>> -> memref<80x64xf32, #tpu.memory_space<vmem>>
      %dma_start3A_280 = arith.constant 0 : i32
      %dma_start3A_281 = tpu.memref_slice %arg29[%add3A_23, %dma_start3A_280] : memref<10240x64xf32, #tpu.memory_space<vmem_shared>> -> memref<80x64xf32, #tpu.memory_space<vmem_shared>>
      %dma_start3A_282 = arith.constant 0 : i32
      %dma_start3A_283 = tpu.memref_slice %arg29[%add3A_23, %dma_start3A_282] : memref<10240x64xf32, #tpu.memory_space<vmem_shared>> -> memref<80x64xf32, #tpu.memory_space<vmem_shared>>
      %dma_start3A_284 = arith.constant 0 : i32
      %dma_start3A_285 = arith.constant 0 : i32
      %dma_start3A_286 = tpu.memref_slice %arg26[%dma_start3A_284, %dma_start3A_285] : memref<80x64xf32, #tpu.memory_space<vmem>> -> memref<80x64xf32, #tpu.memory_space<vmem>>
      tpu.enqueue_dma source(%dma_start3A_286 : memref<80x64xf32, #tpu.memory_space<vmem>>) target(%dma_start3A_283 : memref<80x64xf32, #tpu.memory_space<vmem_shared>>) target_semaphore(%run_scoped3A : memref<!tpu.dma_semaphore, #tpu.memory_space<semaphore_mem>>)
      %dma_wait3A_287 = arith.constant 0 : i32
      %dma_wait3A_288 = arith.constant 0 : i32
      %dma_wait3A_289 = tpu.memref_slice %arg26[%dma_wait3A_287, %dma_wait3A_288] : memref<80x64xf32, #tpu.memory_space<vmem>> -> memref<80x64xf32, #tpu.memory_space<vmem>>
      %dma_wait3A_290 = arith.constant 0 : i32
      %dma_wait3A_291 = tpu.memref_slice %arg29[%add3A_23, %dma_wait3A_290] : memref<10240x64xf32, #tpu.memory_space<vmem_shared>> -> memref<80x64xf32, #tpu.memory_space<vmem_shared>>
      %dma_wait3A_292 = arith.constant 0 : i32
      %dma_wait3A_293 = tpu.memref_slice %arg29[%add3A_23, %dma_wait3A_292] : memref<10240x64xf32, #tpu.memory_space<vmem_shared>> -> memref<80x64xf32, #tpu.memory_space<vmem_shared>>
      %dma_wait3A_294 = arith.constant 0 : i32
      %dma_wait3A_295 = arith.constant 0 : i32
      %dma_wait3A_296 = tpu.memref_slice %arg26[%dma_wait3A_294, %dma_wait3A_295] : memref<80x64xf32, #tpu.memory_space<vmem>> -> memref<80x64xf32, #tpu.memory_space<vmem>>
      tpu.wait_dma2 semaphore(%run_scoped3A : memref<!tpu.dma_semaphore, #tpu.memory_space<semaphore_mem>>) src(%dma_wait3A_296 : memref<80x64xf32, #tpu.memory_space<vmem>>) dst(%dma_wait3A_293 : memref<80x64xf32, #tpu.memory_space<vmem_shared>>)
      tpu.yield
    }) : () -> ()
    %mul3A_24 = arith.constant 640 : i32
    %mul3A_25 = arith.muli %arg1, %mul3A_24 : i32
    %add3A_26 = arith.constant 320 : i32
    %add3A_27 = arith.addi %mul3A_25, %add3A_26 : i32
    "tpu.region"() ({
      %run_scoped3A = tpu.sem_alloc : memref<!tpu.dma_semaphore, #tpu.memory_space<semaphore_mem>>
      %dma_start3A_277 = arith.constant 0 : i32
      %dma_start3A_278 = arith.constant 0 : i32
      %dma_start3A_279 = tpu.memref_slice %arg26[%dma_start3A_277, %dma_start3A_278] : memref<80x64xf32, #tpu.memory_space<vmem>> -> memref<80x64xf32, #tpu.memory_space<vmem>>
      %dma_start3A_280 = arith.constant 0 : i32
      %dma_start3A_281 = tpu.memref_slice %arg29[%add3A_27, %dma_start3A_280] : memref<10240x64xf32, #tpu.memory_space<vmem_shared>> -> memref<80x64xf32, #tpu.memory_space<vmem_shared>>
      %dma_start3A_282 = arith.constant 0 : i32
      %dma_start3A_283 = tpu.memref_slice %arg29[%add3A_27, %dma_start3A_282] : memref<10240x64xf32, #tpu.memory_space<vmem_shared>> -> memref<80x64xf32, #tpu.memory_space<vmem_shared>>
      %dma_start3A_284 = arith.constant 0 : i32
      %dma_start3A_285 = arith.constant 0 : i32
      %dma_start3A_286 = tpu.memref_slice %arg26[%dma_start3A_284, %dma_start3A_285] : memref<80x64xf32, #tpu.memory_space<vmem>> -> memref<80x64xf32, #tpu.memory_space<vmem>>
      tpu.enqueue_dma source(%dma_start3A_286 : memref<80x64xf32, #tpu.memory_space<vmem>>) target(%dma_start3A_283 : memref<80x64xf32, #tpu.memory_space<vmem_shared>>) target_semaphore(%run_scoped3A : memref<!tpu.dma_semaphore, #tpu.memory_space<semaphore_mem>>)
      %dma_wait3A_287 = arith.constant 0 : i32
      %dma_wait3A_288 = arith.constant 0 : i32
      %dma_wait3A_289 = tpu.memref_slice %arg26[%dma_wait3A_287, %dma_wait3A_288] : memref<80x64xf32, #tpu.memory_space<vmem>> -> memref<80x64xf32, #tpu.memory_space<vmem>>
      %dma_wait3A_290 = arith.constant 0 : i32
      %dma_wait3A_291 = tpu.memref_slice %arg29[%add3A_27, %dma_wait3A_290] : memref<10240x64xf32, #tpu.memory_space<vmem_shared>> -> memref<80x64xf32, #tpu.memory_space<vmem_shared>>
      %dma_wait3A_292 = arith.constant 0 : i32
      %dma_wait3A_293 = tpu.memref_slice %arg29[%add3A_27, %dma_wait3A_292] : memref<10240x64xf32, #tpu.memory_space<vmem_shared>> -> memref<80x64xf32, #tpu.memory_space<vmem_shared>>
      %dma_wait3A_294 = arith.constant 0 : i32
      %dma_wait3A_295 = arith.constant 0 : i32
      %dma_wait3A_296 = tpu.memref_slice %arg26[%dma_wait3A_294, %dma_wait3A_295] : memref<80x64xf32, #tpu.memory_space<vmem>> -> memref<80x64xf32, #tpu.memory_space<vmem>>
      tpu.wait_dma2 semaphore(%run_scoped3A : memref<!tpu.dma_semaphore, #tpu.memory_space<semaphore_mem>>) src(%dma_wait3A_296 : memref<80x64xf32, #tpu.memory_space<vmem>>) dst(%dma_wait3A_293 : memref<80x64xf32, #tpu.memory_space<vmem_shared>>)
      tpu.yield
    }) : () -> ()
    %mul3A_28 = arith.constant 640 : i32
    %mul3A_29 = arith.muli %arg1, %mul3A_28 : i32
    %add3A_30 = arith.constant 400 : i32
    %add3A_31 = arith.addi %mul3A_29, %add3A_30 : i32
    "tpu.region"() ({
      %run_scoped3A = tpu.sem_alloc : memref<!tpu.dma_semaphore, #tpu.memory_space<semaphore_mem>>
      %dma_start3A_277 = arith.constant 0 : i32
      %dma_start3A_278 = arith.constant 0 : i32
      %dma_start3A_279 = tpu.memref_slice %arg26[%dma_start3A_277, %dma_start3A_278] : memref<80x64xf32, #tpu.memory_space<vmem>> -> memref<80x64xf32, #tpu.memory_space<vmem>>
      %dma_start3A_280 = arith.constant 0 : i32
      %dma_start3A_281 = tpu.memref_slice %arg29[%add3A_31, %dma_start3A_280] : memref<10240x64xf32, #tpu.memory_space<vmem_shared>> -> memref<80x64xf32, #tpu.memory_space<vmem_shared>>
      %dma_start3A_282 = arith.constant 0 : i32
      %dma_start3A_283 = tpu.memref_slice %arg29[%add3A_31, %dma_start3A_282] : memref<10240x64xf32, #tpu.memory_space<vmem_shared>> -> memref<80x64xf32, #tpu.memory_space<vmem_shared>>
      %dma_start3A_284 = arith.constant 0 : i32
      %dma_start3A_285 = arith.constant 0 : i32
      %dma_start3A_286 = tpu.memref_slice %arg26[%dma_start3A_284, %dma_start3A_285] : memref<80x64xf32, #tpu.memory_space<vmem>> -> memref<80x64xf32, #tpu.memory_space<vmem>>
      tpu.enqueue_dma source(%dma_start3A_286 : memref<80x64xf32, #tpu.memory_space<vmem>>) target(%dma_start3A_283 : memref<80x64xf32, #tpu.memory_space<vmem_shared>>) target_semaphore(%run_scoped3A : memref<!tpu.dma_semaphore, #tpu.memory_space<semaphore_mem>>)
      %dma_wait3A_287 = arith.constant 0 : i32
      %dma_wait3A_288 = arith.constant 0 : i32
      %dma_wait3A_289 = tpu.memref_slice %arg26[%dma_wait3A_287, %dma_wait3A_288] : memref<80x64xf32, #tpu.memory_space<vmem>> -> memref<80x64xf32, #tpu.memory_space<vmem>>
      %dma_wait3A_290 = arith.constant 0 : i32
      %dma_wait3A_291 = tpu.memref_slice %arg29[%add3A_31, %dma_wait3A_290] : memref<10240x64xf32, #tpu.memory_space<vmem_shared>> -> memref<80x64xf32, #tpu.memory_space<vmem_shared>>
      %dma_wait3A_292 = arith.constant 0 : i32
      %dma_wait3A_293 = tpu.memref_slice %arg29[%add3A_31, %dma_wait3A_292] : memref<10240x64xf32, #tpu.memory_space<vmem_shared>> -> memref<80x64xf32, #tpu.memory_space<vmem_shared>>
      %dma_wait3A_294 = arith.constant 0 : i32
      %dma_wait3A_295 = arith.constant 0 : i32
      %dma_wait3A_296 = tpu.memref_slice %arg26[%dma_wait3A_294, %dma_wait3A_295] : memref<80x64xf32, #tpu.memory_space<vmem>> -> memref<80x64xf32, #tpu.memory_space<vmem>>
      tpu.wait_dma2 semaphore(%run_scoped3A : memref<!tpu.dma_semaphore, #tpu.memory_space<semaphore_mem>>) src(%dma_wait3A_296 : memref<80x64xf32, #tpu.memory_space<vmem>>) dst(%dma_wait3A_293 : memref<80x64xf32, #tpu.memory_space<vmem_shared>>)
      tpu.yield
    }) : () -> ()
    %mul3A_32 = arith.constant 640 : i32
    %mul3A_33 = arith.muli %arg1, %mul3A_32 : i32
    %add3A_34 = arith.constant 480 : i32
    %add3A_35 = arith.addi %mul3A_33, %add3A_34 : i32
    "tpu.region"() ({
      %run_scoped3A = tpu.sem_alloc : memref<!tpu.dma_semaphore, #tpu.memory_space<semaphore_mem>>
      %dma_start3A_277 = arith.constant 0 : i32
      %dma_start3A_278 = arith.constant 0 : i32
      %dma_start3A_279 = tpu.memref_slice %arg26[%dma_start3A_277, %dma_start3A_278] : memref<80x64xf32, #tpu.memory_space<vmem>> -> memref<80x64xf32, #tpu.memory_space<vmem>>
      %dma_start3A_280 = arith.constant 0 : i32
      %dma_start3A_281 = tpu.memref_slice %arg29[%add3A_35, %dma_start3A_280] : memref<10240x64xf32, #tpu.memory_space<vmem_shared>> -> memref<80x64xf32, #tpu.memory_space<vmem_shared>>
      %dma_start3A_282 = arith.constant 0 : i32
      %dma_start3A_283 = tpu.memref_slice %arg29[%add3A_35, %dma_start3A_282] : memref<10240x64xf32, #tpu.memory_space<vmem_shared>> -> memref<80x64xf32, #tpu.memory_space<vmem_shared>>
      %dma_start3A_284 = arith.constant 0 : i32
      %dma_start3A_285 = arith.constant 0 : i32
      %dma_start3A_286 = tpu.memref_slice %arg26[%dma_start3A_284, %dma_start3A_285] : memref<80x64xf32, #tpu.memory_space<vmem>> -> memref<80x64xf32, #tpu.memory_space<vmem>>
      tpu.enqueue_dma source(%dma_start3A_286 : memref<80x64xf32, #tpu.memory_space<vmem>>) target(%dma_start3A_283 : memref<80x64xf32, #tpu.memory_space<vmem_shared>>) target_semaphore(%run_scoped3A : memref<!tpu.dma_semaphore, #tpu.memory_space<semaphore_mem>>)
      %dma_wait3A_287 = arith.constant 0 : i32
      %dma_wait3A_288 = arith.constant 0 : i32
      %dma_wait3A_289 = tpu.memref_slice %arg26[%dma_wait3A_287, %dma_wait3A_288] : memref<80x64xf32, #tpu.memory_space<vmem>> -> memref<80x64xf32, #tpu.memory_space<vmem>>
      %dma_wait3A_290 = arith.constant 0 : i32
      %dma_wait3A_291 = tpu.memref_slice %arg29[%add3A_35, %dma_wait3A_290] : memref<10240x64xf32, #tpu.memory_space<vmem_shared>> -> memref<80x64xf32, #tpu.memory_space<vmem_shared>>
      %dma_wait3A_292 = arith.constant 0 : i32
      %dma_wait3A_293 = tpu.memref_slice %arg29[%add3A_35, %dma_wait3A_292] : memref<10240x64xf32, #tpu.memory_space<vmem_shared>> -> memref<80x64xf32, #tpu.memory_space<vmem_shared>>
      %dma_wait3A_294 = arith.constant 0 : i32
      %dma_wait3A_295 = arith.constant 0 : i32
      %dma_wait3A_296 = tpu.memref_slice %arg26[%dma_wait3A_294, %dma_wait3A_295] : memref<80x64xf32, #tpu.memory_space<vmem>> -> memref<80x64xf32, #tpu.memory_space<vmem>>
      tpu.wait_dma2 semaphore(%run_scoped3A : memref<!tpu.dma_semaphore, #tpu.memory_space<semaphore_mem>>) src(%dma_wait3A_296 : memref<80x64xf32, #tpu.memory_space<vmem>>) dst(%dma_wait3A_293 : memref<80x64xf32, #tpu.memory_space<vmem_shared>>)
      tpu.yield
    }) : () -> ()
    %mul3A_36 = arith.constant 640 : i32
    %mul3A_37 = arith.muli %arg1, %mul3A_36 : i32
    %add3A_38 = arith.constant 560 : i32
    %add3A_39 = arith.addi %mul3A_37, %add3A_38 : i32
    "tpu.region"() ({
      %run_scoped3A = tpu.sem_alloc : memref<!tpu.dma_semaphore, #tpu.memory_space<semaphore_mem>>
      %dma_start3A_277 = arith.constant 0 : i32
      %dma_start3A_278 = arith.constant 0 : i32
      %dma_start3A_279 = tpu.memref_slice %arg26[%dma_start3A_277, %dma_start3A_278] : memref<80x64xf32, #tpu.memory_space<vmem>> -> memref<80x64xf32, #tpu.memory_space<vmem>>
      %dma_start3A_280 = arith.constant 0 : i32
      %dma_start3A_281 = tpu.memref_slice %arg29[%add3A_39, %dma_start3A_280] : memref<10240x64xf32, #tpu.memory_space<vmem_shared>> -> memref<80x64xf32, #tpu.memory_space<vmem_shared>>
      %dma_start3A_282 = arith.constant 0 : i32
      %dma_start3A_283 = tpu.memref_slice %arg29[%add3A_39, %dma_start3A_282] : memref<10240x64xf32, #tpu.memory_space<vmem_shared>> -> memref<80x64xf32, #tpu.memory_space<vmem_shared>>
      %dma_start3A_284 = arith.constant 0 : i32
      %dma_start3A_285 = arith.constant 0 : i32
      %dma_start3A_286 = tpu.memref_slice %arg26[%dma_start3A_284, %dma_start3A_285] : memref<80x64xf32, #tpu.memory_space<vmem>> -> memref<80x64xf32, #tpu.memory_space<vmem>>
      tpu.enqueue_dma source(%dma_start3A_286 : memref<80x64xf32, #tpu.memory_space<vmem>>) target(%dma_start3A_283 : memref<80x64xf32, #tpu.memory_space<vmem_shared>>) target_semaphore(%run_scoped3A : memref<!tpu.dma_semaphore, #tpu.memory_space<semaphore_mem>>)
      %dma_wait3A_287 = arith.constant 0 : i32
      %dma_wait3A_288 = arith.constant 0 : i32
      %dma_wait3A_289 = tpu.memref_slice %arg26[%dma_wait3A_287, %dma_wait3A_288] : memref<80x64xf32, #tpu.memory_space<vmem>> -> memref<80x64xf32, #tpu.memory_space<vmem>>
      %dma_wait3A_290 = arith.constant 0 : i32
      %dma_wait3A_291 = tpu.memref_slice %arg29[%add3A_39, %dma_wait3A_290] : memref<10240x64xf32, #tpu.memory_space<vmem_shared>> -> memref<80x64xf32, #tpu.memory_space<vmem_shared>>
      %dma_wait3A_292 = arith.constant 0 : i32
      %dma_wait3A_293 = tpu.memref_slice %arg29[%add3A_39, %dma_wait3A_292] : memref<10240x64xf32, #tpu.memory_space<vmem_shared>> -> memref<80x64xf32, #tpu.memory_space<vmem_shared>>
      %dma_wait3A_294 = arith.constant 0 : i32
      %dma_wait3A_295 = arith.constant 0 : i32
      %dma_wait3A_296 = tpu.memref_slice %arg26[%dma_wait3A_294, %dma_wait3A_295] : memref<80x64xf32, #tpu.memory_space<vmem>> -> memref<80x64xf32, #tpu.memory_space<vmem>>
      tpu.wait_dma2 semaphore(%run_scoped3A : memref<!tpu.dma_semaphore, #tpu.memory_space<semaphore_mem>>) src(%dma_wait3A_296 : memref<80x64xf32, #tpu.memory_space<vmem>>) dst(%dma_wait3A_293 : memref<80x64xf32, #tpu.memory_space<vmem_shared>>)
      tpu.yield
    }) : () -> ()
    %barrier3A = arith.constant 0 : index
    tpu.barrier barrier_id(%barrier3A)
    %dma_start3A = arith.constant 0 : i32
    %dma_start3A_40 = arith.constant 0 : i32
    %dma_start3A_41 = arith.constant 0 : i32
    %dma_start3A_42 = tpu.memref_slice %arg8[%arg1, %dma_start3A, %dma_start3A_40, %dma_start3A_41] : memref<16x260x1x80xi32, #tpu.memory_space<hbm>> -> memref<1x1x1x80xi32, #tpu.memory_space<hbm>>
    %dma_start3A_43 = tpu.memref_squeeze %dma_start3A_42 : memref<1x1x1x80xi32, #tpu.memory_space<hbm>> -> memref<1x80xi32, #tpu.memory_space<hbm>>
    %dma_start3A_44 = arith.constant 0 : i32
    %dma_start3A_45 = arith.constant 0 : i32
    %dma_start3A_46 = tpu.memref_slice %arg8[%arg1, %dma_start3A, %dma_start3A_44, %dma_start3A_45] : memref<16x260x1x80xi32, #tpu.memory_space<hbm>> -> memref<1x1x1x80xi32, #tpu.memory_space<hbm>>
    %dma_start3A_47 = tpu.memref_squeeze %dma_start3A_46 : memref<1x1x1x80xi32, #tpu.memory_space<hbm>> -> memref<1x80xi32, #tpu.memory_space<hbm>>
    tpu.enqueue_dma source(%dma_start3A_47 : memref<1x80xi32, #tpu.memory_space<hbm>>) target(%arg12 : memref<1x80xi32, #tpu.memory_space<vmem>>) target_semaphore(%arg30 : memref<!tpu.dma_semaphore, #tpu.memory_space<semaphore_mem>>)
    %dma_start3A_48 = arith.constant 0 : i32
    %dma_start3A_49 = arith.constant 0 : i32
    %dma_start3A_50 = arith.constant 0 : i32
    %dma_start3A_51 = tpu.memref_slice %arg9[%arg1, %dma_start3A_48, %dma_start3A_49, %dma_start3A_50] : memref<16x260x1x80xi32, #tpu.memory_space<hbm>> -> memref<1x1x1x80xi32, #tpu.memory_space<hbm>>
    %dma_start3A_52 = tpu.memref_squeeze %dma_start3A_51 : memref<1x1x1x80xi32, #tpu.memory_space<hbm>> -> memref<1x80xi32, #tpu.memory_space<hbm>>
    %dma_start3A_53 = arith.constant 0 : i32
    %dma_start3A_54 = arith.constant 0 : i32
    %dma_start3A_55 = tpu.memref_slice %arg9[%arg1, %dma_start3A_48, %dma_start3A_53, %dma_start3A_54] : memref<16x260x1x80xi32, #tpu.memory_space<hbm>> -> memref<1x1x1x80xi32, #tpu.memory_space<hbm>>
    %dma_start3A_56 = tpu.memref_squeeze %dma_start3A_55 : memref<1x1x1x80xi32, #tpu.memory_space<hbm>> -> memref<1x80xi32, #tpu.memory_space<hbm>>
    tpu.enqueue_dma source(%dma_start3A_56 : memref<1x80xi32, #tpu.memory_space<hbm>>) target(%arg16 : memref<1x80xi32, #tpu.memory_space<vmem>>) target_semaphore(%arg30 : memref<!tpu.dma_semaphore, #tpu.memory_space<semaphore_mem>>)
    %dma_start3A_57 = arith.constant 1 : i32
    %dma_start3A_58 = arith.constant 0 : i32
    %dma_start3A_59 = arith.constant 0 : i32
    %dma_start3A_60 = tpu.memref_slice %arg8[%arg1, %dma_start3A_57, %dma_start3A_58, %dma_start3A_59] : memref<16x260x1x80xi32, #tpu.memory_space<hbm>> -> memref<1x1x1x80xi32, #tpu.memory_space<hbm>>
    %dma_start3A_61 = tpu.memref_squeeze %dma_start3A_60 : memref<1x1x1x80xi32, #tpu.memory_space<hbm>> -> memref<1x80xi32, #tpu.memory_space<hbm>>
    %dma_start3A_62 = arith.constant 0 : i32
    %dma_start3A_63 = arith.constant 0 : i32
    %dma_start3A_64 = tpu.memref_slice %arg8[%arg1, %dma_start3A_57, %dma_start3A_62, %dma_start3A_63] : memref<16x260x1x80xi32, #tpu.memory_space<hbm>> -> memref<1x1x1x80xi32, #tpu.memory_space<hbm>>
    %dma_start3A_65 = tpu.memref_squeeze %dma_start3A_64 : memref<1x1x1x80xi32, #tpu.memory_space<hbm>> -> memref<1x80xi32, #tpu.memory_space<hbm>>
    tpu.enqueue_dma source(%dma_start3A_65 : memref<1x80xi32, #tpu.memory_space<hbm>>) target(%arg14 : memref<1x80xi32, #tpu.memory_space<vmem>>) target_semaphore(%arg32 : memref<!tpu.dma_semaphore, #tpu.memory_space<semaphore_mem>>)
    %dma_start3A_66 = arith.constant 1 : i32
    %dma_start3A_67 = arith.constant 0 : i32
    %dma_start3A_68 = arith.constant 0 : i32
    %dma_start3A_69 = tpu.memref_slice %arg9[%arg1, %dma_start3A_66, %dma_start3A_67, %dma_start3A_68] : memref<16x260x1x80xi32, #tpu.memory_space<hbm>> -> memref<1x1x1x80xi32, #tpu.memory_space<hbm>>
    %dma_start3A_70 = tpu.memref_squeeze %dma_start3A_69 : memref<1x1x1x80xi32, #tpu.memory_space<hbm>> -> memref<1x80xi32, #tpu.memory_space<hbm>>
    %dma_start3A_71 = arith.constant 0 : i32
    %dma_start3A_72 = arith.constant 0 : i32
    %dma_start3A_73 = tpu.memref_slice %arg9[%arg1, %dma_start3A_66, %dma_start3A_71, %dma_start3A_72] : memref<16x260x1x80xi32, #tpu.memory_space<hbm>> -> memref<1x1x1x80xi32, #tpu.memory_space<hbm>>
    %dma_start3A_74 = tpu.memref_squeeze %dma_start3A_73 : memref<1x1x1x80xi32, #tpu.memory_space<hbm>> -> memref<1x80xi32, #tpu.memory_space<hbm>>
    tpu.enqueue_dma source(%dma_start3A_74 : memref<1x80xi32, #tpu.memory_space<hbm>>) target(%arg18 : memref<1x80xi32, #tpu.memory_space<vmem>>) target_semaphore(%arg32 : memref<!tpu.dma_semaphore, #tpu.memory_space<semaphore_mem>>)
    %dma_wait3A = arith.constant 0 : i32
    %dma_wait3A_75 = arith.constant 0 : i32
    %dma_wait3A_76 = arith.constant 0 : i32
    %dma_wait3A_77 = tpu.memref_slice %arg8[%arg1, %dma_wait3A, %dma_wait3A_75, %dma_wait3A_76] : memref<16x260x1x80xi32, #tpu.memory_space<hbm>> -> memref<1x1x1x80xi32, #tpu.memory_space<hbm>>
    %dma_wait3A_78 = tpu.memref_squeeze %dma_wait3A_77 : memref<1x1x1x80xi32, #tpu.memory_space<hbm>> -> memref<1x80xi32, #tpu.memory_space<hbm>>
    %dma_wait3A_79 = arith.constant 0 : i32
    %dma_wait3A_80 = arith.constant 0 : i32
    %dma_wait3A_81 = tpu.memref_slice %arg8[%arg1, %dma_wait3A, %dma_wait3A_79, %dma_wait3A_80] : memref<16x260x1x80xi32, #tpu.memory_space<hbm>> -> memref<1x1x1x80xi32, #tpu.memory_space<hbm>>
    %dma_wait3A_82 = tpu.memref_squeeze %dma_wait3A_81 : memref<1x1x1x80xi32, #tpu.memory_space<hbm>> -> memref<1x80xi32, #tpu.memory_space<hbm>>
    tpu.wait_dma2 semaphore(%arg30 : memref<!tpu.dma_semaphore, #tpu.memory_space<semaphore_mem>>) src(%dma_wait3A_82 : memref<1x80xi32, #tpu.memory_space<hbm>>) dst(%arg12 : memref<1x80xi32, #tpu.memory_space<vmem>>)
    %dma_wait3A_83 = arith.constant 0 : i32
    %dma_wait3A_84 = arith.constant 0 : i32
    %dma_wait3A_85 = arith.constant 0 : i32
    %dma_wait3A_86 = tpu.memref_slice %arg8[%arg1, %dma_wait3A_83, %dma_wait3A_84, %dma_wait3A_85] : memref<16x260x1x80xi32, #tpu.memory_space<hbm>> -> memref<1x1x1x80xi32, #tpu.memory_space<hbm>>
    %dma_wait3A_87 = tpu.memref_squeeze %dma_wait3A_86 : memref<1x1x1x80xi32, #tpu.memory_space<hbm>> -> memref<1x80xi32, #tpu.memory_space<hbm>>
    %dma_wait3A_88 = arith.constant 0 : i32
    %dma_wait3A_89 = arith.constant 0 : i32
    %dma_wait3A_90 = tpu.memref_slice %arg8[%arg1, %dma_wait3A_83, %dma_wait3A_88, %dma_wait3A_89] : memref<16x260x1x80xi32, #tpu.memory_space<hbm>> -> memref<1x1x1x80xi32, #tpu.memory_space<hbm>>
    %dma_wait3A_91 = tpu.memref_squeeze %dma_wait3A_90 : memref<1x1x1x80xi32, #tpu.memory_space<hbm>> -> memref<1x80xi32, #tpu.memory_space<hbm>>
    tpu.wait_dma2 semaphore(%arg30 : memref<!tpu.dma_semaphore, #tpu.memory_space<semaphore_mem>>) src(%dma_wait3A_91 : memref<1x80xi32, #tpu.memory_space<hbm>>) dst(%arg12 : memref<1x80xi32, #tpu.memory_space<vmem>>)
    %eq3A = arith.constant 0 : i32
    %eq3A_92 = arith.cmpi eq, %arg0, %eq3A : i32
    %convert_element_type3A = arith.extui %eq3A_92 : i1 to i32
    %cond3A = arith.constant 0 : i32
    %cond3A_93 = arith.cmpi ne, %convert_element_type3A, %cond3A : i32
    scf.if %cond3A_93 {
      %dma_start3A_277 = arith.constant 0 : i32
      %dma_start3A_278 = arith.constant 0 : i32
      %dma_start3A_279 = tpu.memref_slice %arg16[%dma_start3A_277, %dma_start3A_278] : memref<1x80xi32, #tpu.memory_space<vmem>> -> memref<1x80xi32, #tpu.memory_space<vmem>>
      %dma_start3A_280 = tpu.memref_squeeze %dma_start3A_279 : memref<1x80xi32, #tpu.memory_space<vmem>> -> memref<80xi32, #tpu.memory_space<vmem>>
      %dma_start3A_281 = arith.constant 0 : i32
      %dma_start3A_282 = arith.constant 0 : i32
      %dma_start3A_283 = tpu.memref_slice %arg2[%dma_start3A_281, %dma_start3A_282] : memref<10000x64xf32, #tpu.memory_space<hbm>> -> memref<10000x64xf32, #tpu.memory_space<hbm>>
      tpu.enqueue_indirect_dma source(%dma_start3A_283 : memref<10000x64xf32, #tpu.memory_space<hbm>>) target(%arg20 : memref<80x64xf32, #tpu.memory_space<vmem>>) offsets(%dma_start3A_280 : memref<80xi32, #tpu.memory_space<vmem>>) semaphore(%arg34 : memref<!tpu.dma_semaphore, #tpu.memory_space<semaphore_mem>>)
      %dma_start3A_284 = arith.constant 0 : i32
      %dma_start3A_285 = arith.constant 0 : i32
      %dma_start3A_286 = tpu.memref_slice %arg12[%dma_start3A_284, %dma_start3A_285] : memref<1x80xi32, #tpu.memory_space<vmem>> -> memref<1x80xi32, #tpu.memory_space<vmem>>
      %dma_start3A_287 = tpu.memref_squeeze %dma_start3A_286 : memref<1x80xi32, #tpu.memory_space<vmem>> -> memref<80xi32, #tpu.memory_space<vmem>>
      %dma_start3A_288 = arith.constant 0 : i32
      %dma_start3A_289 = arith.constant 0 : i32
      %dma_start3A_290 = tpu.memref_slice %arg4[%dma_start3A_288, %dma_start3A_289] : memref<10000x64xf32, #tpu.memory_space<hbm>> -> memref<10000x64xf32, #tpu.memory_space<hbm>>
      tpu.enqueue_indirect_dma source(%dma_start3A_290 : memref<10000x64xf32, #tpu.memory_space<hbm>>) target(%arg22 : memref<80x64xf32, #tpu.memory_space<vmem>>) offsets(%dma_start3A_287 : memref<80xi32, #tpu.memory_space<vmem>>) semaphore(%arg34 : memref<!tpu.dma_semaphore, #tpu.memory_space<semaphore_mem>>)
      %dma_start3A_291 = arith.constant 0 : i32
      %dma_start3A_292 = arith.constant 0 : i32
      %dma_start3A_293 = tpu.memref_slice %arg12[%dma_start3A_291, %dma_start3A_292] : memref<1x80xi32, #tpu.memory_space<vmem>> -> memref<1x80xi32, #tpu.memory_space<vmem>>
      %dma_start3A_294 = tpu.memref_squeeze %dma_start3A_293 : memref<1x80xi32, #tpu.memory_space<vmem>> -> memref<80xi32, #tpu.memory_space<vmem>>
      %dma_start3A_295 = arith.constant 0 : i32
      %dma_start3A_296 = arith.constant 0 : i32
      %dma_start3A_297 = tpu.memref_slice %arg6[%dma_start3A_295, %dma_start3A_296] : memref<10000x64xf32, #tpu.memory_space<hbm>> -> memref<10000x64xf32, #tpu.memory_space<hbm>>
      tpu.enqueue_indirect_dma source(%dma_start3A_297 : memref<10000x64xf32, #tpu.memory_space<hbm>>) target(%arg24 : memref<80x64xf32, #tpu.memory_space<vmem>>) offsets(%dma_start3A_294 : memref<80xi32, #tpu.memory_space<vmem>>) semaphore(%arg34 : memref<!tpu.dma_semaphore, #tpu.memory_space<semaphore_mem>>)
    } else {
    }
    %eq3A_94 = arith.constant 1 : i32
    %eq3A_95 = arith.cmpi eq, %arg0, %eq3A_94 : i32
    %convert_element_type3A_96 = arith.extui %eq3A_95 : i1 to i32
    %cond3A_97 = arith.constant 0 : i32
    %cond3A_98 = arith.cmpi ne, %convert_element_type3A_96, %cond3A_97 : i32
    scf.if %cond3A_98 {
      %dma_start3A_277 = arith.constant 0 : i32
      %dma_start3A_278 = arith.constant 0 : i32
      %dma_start3A_279 = tpu.memref_slice %arg16[%dma_start3A_277, %dma_start3A_278] : memref<1x80xi32, #tpu.memory_space<vmem>> -> memref<1x80xi32, #tpu.memory_space<vmem>>
      %dma_start3A_280 = tpu.memref_squeeze %dma_start3A_279 : memref<1x80xi32, #tpu.memory_space<vmem>> -> memref<80xi32, #tpu.memory_space<vmem>>
      %dma_start3A_281 = arith.constant 0 : i32
      %dma_start3A_282 = arith.constant 0 : i32
      %dma_start3A_283 = tpu.memref_slice %arg3[%dma_start3A_281, %dma_start3A_282] : memref<10000x64xf32, #tpu.memory_space<hbm>> -> memref<10000x64xf32, #tpu.memory_space<hbm>>
      tpu.enqueue_indirect_dma source(%dma_start3A_283 : memref<10000x64xf32, #tpu.memory_space<hbm>>) target(%arg20 : memref<80x64xf32, #tpu.memory_space<vmem>>) offsets(%dma_start3A_280 : memref<80xi32, #tpu.memory_space<vmem>>) semaphore(%arg34 : memref<!tpu.dma_semaphore, #tpu.memory_space<semaphore_mem>>)
      %dma_start3A_284 = arith.constant 0 : i32
      %dma_start3A_285 = arith.constant 0 : i32
      %dma_start3A_286 = tpu.memref_slice %arg12[%dma_start3A_284, %dma_start3A_285] : memref<1x80xi32, #tpu.memory_space<vmem>> -> memref<1x80xi32, #tpu.memory_space<vmem>>
      %dma_start3A_287 = tpu.memref_squeeze %dma_start3A_286 : memref<1x80xi32, #tpu.memory_space<vmem>> -> memref<80xi32, #tpu.memory_space<vmem>>
      %dma_start3A_288 = arith.constant 0 : i32
      %dma_start3A_289 = arith.constant 0 : i32
      %dma_start3A_290 = tpu.memref_slice %arg5[%dma_start3A_288, %dma_start3A_289] : memref<10000x64xf32, #tpu.memory_space<hbm>> -> memref<10000x64xf32, #tpu.memory_space<hbm>>
      tpu.enqueue_indirect_dma source(%dma_start3A_290 : memref<10000x64xf32, #tpu.memory_space<hbm>>) target(%arg22 : memref<80x64xf32, #tpu.memory_space<vmem>>) offsets(%dma_start3A_287 : memref<80xi32, #tpu.memory_space<vmem>>) semaphore(%arg34 : memref<!tpu.dma_semaphore, #tpu.memory_space<semaphore_mem>>)
      %dma_start3A_291 = arith.constant 0 : i32
      %dma_start3A_292 = arith.constant 0 : i32
      %dma_start3A_293 = tpu.memref_slice %arg12[%dma_start3A_291, %dma_start3A_292] : memref<1x80xi32, #tpu.memory_space<vmem>> -> memref<1x80xi32, #tpu.memory_space<vmem>>
      %dma_start3A_294 = tpu.memref_squeeze %dma_start3A_293 : memref<1x80xi32, #tpu.memory_space<vmem>> -> memref<80xi32, #tpu.memory_space<vmem>>
      %dma_start3A_295 = arith.constant 0 : i32
      %dma_start3A_296 = arith.constant 0 : i32
      %dma_start3A_297 = tpu.memref_slice %arg7[%dma_start3A_295, %dma_start3A_296] : memref<10000x64xf32, #tpu.memory_space<hbm>> -> memref<10000x64xf32, #tpu.memory_space<hbm>>
      tpu.enqueue_indirect_dma source(%dma_start3A_297 : memref<10000x64xf32, #tpu.memory_space<hbm>>) target(%arg24 : memref<80x64xf32, #tpu.memory_space<vmem>>) offsets(%dma_start3A_294 : memref<80xi32, #tpu.memory_space<vmem>>) semaphore(%arg34 : memref<!tpu.dma_semaphore, #tpu.memory_space<semaphore_mem>>)
    } else {
    }
    %dma_wait3A_99 = arith.constant 0 : i32
    %dma_wait3A_100 = arith.constant 0 : i32
    %dma_wait3A_101 = arith.constant 0 : i32
    %dma_wait3A_102 = tpu.memref_slice %arg8[%arg1, %dma_wait3A_99, %dma_wait3A_100, %dma_wait3A_101] : memref<16x260x1x80xi32, #tpu.memory_space<hbm>> -> memref<1x1x1x80xi32, #tpu.memory_space<hbm>>
    %dma_wait3A_103 = tpu.memref_squeeze %dma_wait3A_102 : memref<1x1x1x80xi32, #tpu.memory_space<hbm>> -> memref<1x80xi32, #tpu.memory_space<hbm>>
    %dma_wait3A_104 = arith.constant 0 : i32
    %dma_wait3A_105 = arith.constant 0 : i32
    %dma_wait3A_106 = tpu.memref_slice %arg8[%arg1, %dma_wait3A_99, %dma_wait3A_104, %dma_wait3A_105] : memref<16x260x1x80xi32, #tpu.memory_space<hbm>> -> memref<1x1x1x80xi32, #tpu.memory_space<hbm>>
    %dma_wait3A_107 = tpu.memref_squeeze %dma_wait3A_106 : memref<1x1x1x80xi32, #tpu.memory_space<hbm>> -> memref<1x80xi32, #tpu.memory_space<hbm>>
    tpu.wait_dma2 semaphore(%arg32 : memref<!tpu.dma_semaphore, #tpu.memory_space<semaphore_mem>>) src(%dma_wait3A_107 : memref<1x80xi32, #tpu.memory_space<hbm>>) dst(%arg14 : memref<1x80xi32, #tpu.memory_space<vmem>>)
    %dma_wait3A_108 = arith.constant 0 : i32
    %dma_wait3A_109 = arith.constant 0 : i32
    %dma_wait3A_110 = arith.constant 0 : i32
    %dma_wait3A_111 = tpu.memref_slice %arg8[%arg1, %dma_wait3A_108, %dma_wait3A_109, %dma_wait3A_110] : memref<16x260x1x80xi32, #tpu.memory_space<hbm>> -> memref<1x1x1x80xi32, #tpu.memory_space<hbm>>
    %dma_wait3A_112 = tpu.memref_squeeze %dma_wait3A_111 : memref<1x1x1x80xi32, #tpu.memory_space<hbm>> -> memref<1x80xi32, #tpu.memory_space<hbm>>
    %dma_wait3A_113 = arith.constant 0 : i32
    %dma_wait3A_114 = arith.constant 0 : i32
    %dma_wait3A_115 = tpu.memref_slice %arg8[%arg1, %dma_wait3A_108, %dma_wait3A_113, %dma_wait3A_114] : memref<16x260x1x80xi32, #tpu.memory_space<hbm>> -> memref<1x1x1x80xi32, #tpu.memory_space<hbm>>
    %dma_wait3A_116 = tpu.memref_squeeze %dma_wait3A_115 : memref<1x1x1x80xi32, #tpu.memory_space<hbm>> -> memref<1x80xi32, #tpu.memory_space<hbm>>
    tpu.wait_dma2 semaphore(%arg32 : memref<!tpu.dma_semaphore, #tpu.memory_space<semaphore_mem>>) src(%dma_wait3A_116 : memref<1x80xi32, #tpu.memory_space<hbm>>) dst(%arg14 : memref<1x80xi32, #tpu.memory_space<vmem>>)
    %eq3A_117 = arith.constant 0 : i32
    %eq3A_118 = arith.cmpi eq, %arg0, %eq3A_117 : i32
    %convert_element_type3A_119 = arith.extui %eq3A_118 : i1 to i32
    %cond3A_120 = arith.constant 0 : i32
    %cond3A_121 = arith.cmpi ne, %convert_element_type3A_119, %cond3A_120 : i32
    scf.if %cond3A_121 {
      %dma_start3A_277 = arith.constant 0 : i32
      %dma_start3A_278 = arith.constant 0 : i32
      %dma_start3A_279 = tpu.memref_slice %arg18[%dma_start3A_277, %dma_start3A_278] : memref<1x80xi32, #tpu.memory_space<vmem>> -> memref<1x80xi32, #tpu.memory_space<vmem>>
      %dma_start3A_280 = tpu.memref_squeeze %dma_start3A_279 : memref<1x80xi32, #tpu.memory_space<vmem>> -> memref<80xi32, #tpu.memory_space<vmem>>
      %dma_start3A_281 = arith.constant 0 : i32
      %dma_start3A_282 = arith.constant 0 : i32
      %dma_start3A_283 = tpu.memref_slice %arg2[%dma_start3A_281, %dma_start3A_282] : memref<10000x64xf32, #tpu.memory_space<hbm>> -> memref<10000x64xf32, #tpu.memory_space<hbm>>
      tpu.enqueue_indirect_dma source(%dma_start3A_283 : memref<10000x64xf32, #tpu.memory_space<hbm>>) target(%arg21 : memref<80x64xf32, #tpu.memory_space<vmem>>) offsets(%dma_start3A_280 : memref<80xi32, #tpu.memory_space<vmem>>) semaphore(%arg35 : memref<!tpu.dma_semaphore, #tpu.memory_space<semaphore_mem>>)
      %dma_start3A_284 = arith.constant 0 : i32
      %dma_start3A_285 = arith.constant 0 : i32
      %dma_start3A_286 = tpu.memref_slice %arg14[%dma_start3A_284, %dma_start3A_285] : memref<1x80xi32, #tpu.memory_space<vmem>> -> memref<1x80xi32, #tpu.memory_space<vmem>>
      %dma_start3A_287 = tpu.memref_squeeze %dma_start3A_286 : memref<1x80xi32, #tpu.memory_space<vmem>> -> memref<80xi32, #tpu.memory_space<vmem>>
      %dma_start3A_288 = arith.constant 0 : i32
      %dma_start3A_289 = arith.constant 0 : i32
      %dma_start3A_290 = tpu.memref_slice %arg4[%dma_start3A_288, %dma_start3A_289] : memref<10000x64xf32, #tpu.memory_space<hbm>> -> memref<10000x64xf32, #tpu.memory_space<hbm>>
      tpu.enqueue_indirect_dma source(%dma_start3A_290 : memref<10000x64xf32, #tpu.memory_space<hbm>>) target(%arg23 : memref<80x64xf32, #tpu.memory_space<vmem>>) offsets(%dma_start3A_287 : memref<80xi32, #tpu.memory_space<vmem>>) semaphore(%arg35 : memref<!tpu.dma_semaphore, #tpu.memory_space<semaphore_mem>>)
      %dma_start3A_291 = arith.constant 0 : i32
      %dma_start3A_292 = arith.constant 0 : i32
      %dma_start3A_293 = tpu.memref_slice %arg14[%dma_start3A_291, %dma_start3A_292] : memref<1x80xi32, #tpu.memory_space<vmem>> -> memref<1x80xi32, #tpu.memory_space<vmem>>
      %dma_start3A_294 = tpu.memref_squeeze %dma_start3A_293 : memref<1x80xi32, #tpu.memory_space<vmem>> -> memref<80xi32, #tpu.memory_space<vmem>>
      %dma_start3A_295 = arith.constant 0 : i32
      %dma_start3A_296 = arith.constant 0 : i32
      %dma_start3A_297 = tpu.memref_slice %arg6[%dma_start3A_295, %dma_start3A_296] : memref<10000x64xf32, #tpu.memory_space<hbm>> -> memref<10000x64xf32, #tpu.memory_space<hbm>>
      tpu.enqueue_indirect_dma source(%dma_start3A_297 : memref<10000x64xf32, #tpu.memory_space<hbm>>) target(%arg25 : memref<80x64xf32, #tpu.memory_space<vmem>>) offsets(%dma_start3A_294 : memref<80xi32, #tpu.memory_space<vmem>>) semaphore(%arg35 : memref<!tpu.dma_semaphore, #tpu.memory_space<semaphore_mem>>)
    } else {
    }
    %eq3A_122 = arith.constant 1 : i32
    %eq3A_123 = arith.cmpi eq, %arg0, %eq3A_122 : i32
    %convert_element_type3A_124 = arith.extui %eq3A_123 : i1 to i32
    %cond3A_125 = arith.constant 0 : i32
    %cond3A_126 = arith.cmpi ne, %convert_element_type3A_124, %cond3A_125 : i32
    scf.if %cond3A_126 {
      %dma_start3A_277 = arith.constant 0 : i32
      %dma_start3A_278 = arith.constant 0 : i32
      %dma_start3A_279 = tpu.memref_slice %arg18[%dma_start3A_277, %dma_start3A_278] : memref<1x80xi32, #tpu.memory_space<vmem>> -> memref<1x80xi32, #tpu.memory_space<vmem>>
      %dma_start3A_280 = tpu.memref_squeeze %dma_start3A_279 : memref<1x80xi32, #tpu.memory_space<vmem>> -> memref<80xi32, #tpu.memory_space<vmem>>
      %dma_start3A_281 = arith.constant 0 : i32
      %dma_start3A_282 = arith.constant 0 : i32
      %dma_start3A_283 = tpu.memref_slice %arg3[%dma_start3A_281, %dma_start3A_282] : memref<10000x64xf32, #tpu.memory_space<hbm>> -> memref<10000x64xf32, #tpu.memory_space<hbm>>
      tpu.enqueue_indirect_dma source(%dma_start3A_283 : memref<10000x64xf32, #tpu.memory_space<hbm>>) target(%arg21 : memref<80x64xf32, #tpu.memory_space<vmem>>) offsets(%dma_start3A_280 : memref<80xi32, #tpu.memory_space<vmem>>) semaphore(%arg35 : memref<!tpu.dma_semaphore, #tpu.memory_space<semaphore_mem>>)
      %dma_start3A_284 = arith.constant 0 : i32
      %dma_start3A_285 = arith.constant 0 : i32
      %dma_start3A_286 = tpu.memref_slice %arg14[%dma_start3A_284, %dma_start3A_285] : memref<1x80xi32, #tpu.memory_space<vmem>> -> memref<1x80xi32, #tpu.memory_space<vmem>>
      %dma_start3A_287 = tpu.memref_squeeze %dma_start3A_286 : memref<1x80xi32, #tpu.memory_space<vmem>> -> memref<80xi32, #tpu.memory_space<vmem>>
      %dma_start3A_288 = arith.constant 0 : i32
      %dma_start3A_289 = arith.constant 0 : i32
      %dma_start3A_290 = tpu.memref_slice %arg5[%dma_start3A_288, %dma_start3A_289] : memref<10000x64xf32, #tpu.memory_space<hbm>> -> memref<10000x64xf32, #tpu.memory_space<hbm>>
      tpu.enqueue_indirect_dma source(%dma_start3A_290 : memref<10000x64xf32, #tpu.memory_space<hbm>>) target(%arg23 : memref<80x64xf32, #tpu.memory_space<vmem>>) offsets(%dma_start3A_287 : memref<80xi32, #tpu.memory_space<vmem>>) semaphore(%arg35 : memref<!tpu.dma_semaphore, #tpu.memory_space<semaphore_mem>>)
      %dma_start3A_291 = arith.constant 0 : i32
      %dma_start3A_292 = arith.constant 0 : i32
      %dma_start3A_293 = tpu.memref_slice %arg14[%dma_start3A_291, %dma_start3A_292] : memref<1x80xi32, #tpu.memory_space<vmem>> -> memref<1x80xi32, #tpu.memory_space<vmem>>
      %dma_start3A_294 = tpu.memref_squeeze %dma_start3A_293 : memref<1x80xi32, #tpu.memory_space<vmem>> -> memref<80xi32, #tpu.memory_space<vmem>>
      %dma_start3A_295 = arith.constant 0 : i32
      %dma_start3A_296 = arith.constant 0 : i32
      %dma_start3A_297 = tpu.memref_slice %arg7[%dma_start3A_295, %dma_start3A_296] : memref<10000x64xf32, #tpu.memory_space<hbm>> -> memref<10000x64xf32, #tpu.memory_space<hbm>>
      tpu.enqueue_indirect_dma source(%dma_start3A_297 : memref<10000x64xf32, #tpu.memory_space<hbm>>) target(%arg25 : memref<80x64xf32, #tpu.memory_space<vmem>>) offsets(%dma_start3A_294 : memref<80xi32, #tpu.memory_space<vmem>>) semaphore(%arg35 : memref<!tpu.dma_semaphore, #tpu.memory_space<semaphore_mem>>)
    } else {
    }
    %dma_start3A_127 = arith.constant 2 : i32
    %dma_start3A_128 = arith.constant 0 : i32
    %dma_start3A_129 = arith.constant 0 : i32
    %dma_start3A_130 = tpu.memref_slice %arg8[%arg1, %dma_start3A_127, %dma_start3A_128, %dma_start3A_129] : memref<16x260x1x80xi32, #tpu.memory_space<hbm>> -> memref<1x1x1x80xi32, #tpu.memory_space<hbm>>
    %dma_start3A_131 = tpu.memref_squeeze %dma_start3A_130 : memref<1x1x1x80xi32, #tpu.memory_space<hbm>> -> memref<1x80xi32, #tpu.memory_space<hbm>>
    %dma_start3A_132 = arith.constant 0 : i32
    %dma_start3A_133 = arith.constant 0 : i32
    %dma_start3A_134 = tpu.memref_slice %arg8[%arg1, %dma_start3A_127, %dma_start3A_132, %dma_start3A_133] : memref<16x260x1x80xi32, #tpu.memory_space<hbm>> -> memref<1x1x1x80xi32, #tpu.memory_space<hbm>>
    %dma_start3A_135 = tpu.memref_squeeze %dma_start3A_134 : memref<1x1x1x80xi32, #tpu.memory_space<hbm>> -> memref<1x80xi32, #tpu.memory_space<hbm>>
    tpu.enqueue_dma source(%dma_start3A_135 : memref<1x80xi32, #tpu.memory_space<hbm>>) target(%arg13 : memref<1x80xi32, #tpu.memory_space<vmem>>) target_semaphore(%arg31 : memref<!tpu.dma_semaphore, #tpu.memory_space<semaphore_mem>>)
    %dma_start3A_136 = arith.constant 2 : i32
    %dma_start3A_137 = arith.constant 0 : i32
    %dma_start3A_138 = arith.constant 0 : i32
    %dma_start3A_139 = tpu.memref_slice %arg9[%arg1, %dma_start3A_136, %dma_start3A_137, %dma_start3A_138] : memref<16x260x1x80xi32, #tpu.memory_space<hbm>> -> memref<1x1x1x80xi32, #tpu.memory_space<hbm>>
    %dma_start3A_140 = tpu.memref_squeeze %dma_start3A_139 : memref<1x1x1x80xi32, #tpu.memory_space<hbm>> -> memref<1x80xi32, #tpu.memory_space<hbm>>
    %dma_start3A_141 = arith.constant 0 : i32
    %dma_start3A_142 = arith.constant 0 : i32
    %dma_start3A_143 = tpu.memref_slice %arg9[%arg1, %dma_start3A_136, %dma_start3A_141, %dma_start3A_142] : memref<16x260x1x80xi32, #tpu.memory_space<hbm>> -> memref<1x1x1x80xi32, #tpu.memory_space<hbm>>
    %dma_start3A_144 = tpu.memref_squeeze %dma_start3A_143 : memref<1x1x1x80xi32, #tpu.memory_space<hbm>> -> memref<1x80xi32, #tpu.memory_space<hbm>>
    tpu.enqueue_dma source(%dma_start3A_144 : memref<1x80xi32, #tpu.memory_space<hbm>>) target(%arg17 : memref<1x80xi32, #tpu.memory_space<vmem>>) target_semaphore(%arg31 : memref<!tpu.dma_semaphore, #tpu.memory_space<semaphore_mem>>)
    %dma_start3A_145 = arith.constant 3 : i32
    %dma_start3A_146 = arith.constant 0 : i32
    %dma_start3A_147 = arith.constant 0 : i32
    %dma_start3A_148 = tpu.memref_slice %arg8[%arg1, %dma_start3A_145, %dma_start3A_146, %dma_start3A_147] : memref<16x260x1x80xi32, #tpu.memory_space<hbm>> -> memref<1x1x1x80xi32, #tpu.memory_space<hbm>>
    %dma_start3A_149 = tpu.memref_squeeze %dma_start3A_148 : memref<1x1x1x80xi32, #tpu.memory_space<hbm>> -> memref<1x80xi32, #tpu.memory_space<hbm>>
    %dma_start3A_150 = arith.constant 0 : i32
    %dma_start3A_151 = arith.constant 0 : i32
    %dma_start3A_152 = tpu.memref_slice %arg8[%arg1, %dma_start3A_145, %dma_start3A_150, %dma_start3A_151] : memref<16x260x1x80xi32, #tpu.memory_space<hbm>> -> memref<1x1x1x80xi32, #tpu.memory_space<hbm>>
    %dma_start3A_153 = tpu.memref_squeeze %dma_start3A_152 : memref<1x1x1x80xi32, #tpu.memory_space<hbm>> -> memref<1x80xi32, #tpu.memory_space<hbm>>
    tpu.enqueue_dma source(%dma_start3A_153 : memref<1x80xi32, #tpu.memory_space<hbm>>) target(%arg15 : memref<1x80xi32, #tpu.memory_space<vmem>>) target_semaphore(%arg33 : memref<!tpu.dma_semaphore, #tpu.memory_space<semaphore_mem>>)
    %dma_start3A_154 = arith.constant 3 : i32
    %dma_start3A_155 = arith.constant 0 : i32
    %dma_start3A_156 = arith.constant 0 : i32
    %dma_start3A_157 = tpu.memref_slice %arg9[%arg1, %dma_start3A_154, %dma_start3A_155, %dma_start3A_156] : memref<16x260x1x80xi32, #tpu.memory_space<hbm>> -> memref<1x1x1x80xi32, #tpu.memory_space<hbm>>
    %dma_start3A_158 = tpu.memref_squeeze %dma_start3A_157 : memref<1x1x1x80xi32, #tpu.memory_space<hbm>> -> memref<1x80xi32, #tpu.memory_space<hbm>>
    %dma_start3A_159 = arith.constant 0 : i32
    %dma_start3A_160 = arith.constant 0 : i32
    %dma_start3A_161 = tpu.memref_slice %arg9[%arg1, %dma_start3A_154, %dma_start3A_159, %dma_start3A_160] : memref<16x260x1x80xi32, #tpu.memory_space<hbm>> -> memref<1x1x1x80xi32, #tpu.memory_space<hbm>>
    %dma_start3A_162 = tpu.memref_squeeze %dma_start3A_161 : memref<1x1x1x80xi32, #tpu.memory_space<hbm>> -> memref<1x80xi32, #tpu.memory_space<hbm>>
    tpu.enqueue_dma source(%dma_start3A_162 : memref<1x80xi32, #tpu.memory_space<hbm>>) target(%arg19 : memref<1x80xi32, #tpu.memory_space<vmem>>) target_semaphore(%arg33 : memref<!tpu.dma_semaphore, #tpu.memory_space<semaphore_mem>>)
    %scan3A_163 = arith.constant 0 : i32
    %scan3A_164 = arith.constant 64 : i32
    %scan3A_165 = arith.addi %scan3A_163, %scan3A_164 : i32
    %scan3A_166 = arith.constant 1 : i32
    %scan3A_167 = scf.for %scan3A_277 = %scan3A_163 to %scan3A_165 step %scan3A_166 iter_args(%scan3A_278 = %broadcast_in_dim3A_1) -> (vector<16xf32>)  : i32 {
      %mul3A_279 = arith.constant 4 : i32
      %mul3A_280 = arith.muli %mul3A_279, %scan3A_277 : i32
      %add3A_281 = arith.constant 0 : i32
      %add3A_282 = arith.addi %mul3A_280, %add3A_281 : i32
      %dma_wait3A_283 = arith.constant 0 : i32
      %dma_wait3A_284 = arith.constant 0 : i32
      %dma_wait3A_285 = tpu.memref_slice %arg2[%dma_wait3A_283, %dma_wait3A_284] : memref<10000x64xf32, #tpu.memory_space<hbm>> -> memref<80x64xf32, #tpu.memory_space<hbm>>
      %dma_wait3A_286 = arith.constant 0 : i32
      %dma_wait3A_287 = arith.constant 0 : i32
      %dma_wait3A_288 = tpu.memref_slice %arg2[%dma_wait3A_286, %dma_wait3A_287] : memref<10000x64xf32, #tpu.memory_space<hbm>> -> memref<80x64xf32, #tpu.memory_space<hbm>>
      tpu.wait_dma2 semaphore(%arg34 : memref<!tpu.dma_semaphore, #tpu.memory_space<semaphore_mem>>) src(%dma_wait3A_288 : memref<80x64xf32, #tpu.memory_space<hbm>>) dst(%arg20 : memref<80x64xf32, #tpu.memory_space<vmem>>)
      %dma_wait3A_289 = arith.constant 0 : i32
      %dma_wait3A_290 = arith.constant 0 : i32
      %dma_wait3A_291 = tpu.memref_slice %arg2[%dma_wait3A_289, %dma_wait3A_290] : memref<10000x64xf32, #tpu.memory_space<hbm>> -> memref<80x64xf32, #tpu.memory_space<hbm>>
      %dma_wait3A_292 = arith.constant 0 : i32
      %dma_wait3A_293 = arith.constant 0 : i32
      %dma_wait3A_294 = tpu.memref_slice %arg2[%dma_wait3A_292, %dma_wait3A_293] : memref<10000x64xf32, #tpu.memory_space<hbm>> -> memref<80x64xf32, #tpu.memory_space<hbm>>
      tpu.wait_dma2 semaphore(%arg34 : memref<!tpu.dma_semaphore, #tpu.memory_space<semaphore_mem>>) src(%dma_wait3A_294 : memref<80x64xf32, #tpu.memory_space<hbm>>) dst(%arg20 : memref<80x64xf32, #tpu.memory_space<vmem>>)
      %dma_wait3A_295 = arith.constant 0 : i32
      %dma_wait3A_296 = arith.constant 0 : i32
      %dma_wait3A_297 = tpu.memref_slice %arg2[%dma_wait3A_295, %dma_wait3A_296] : memref<10000x64xf32, #tpu.memory_space<hbm>> -> memref<80x64xf32, #tpu.memory_space<hbm>>
      %dma_wait3A_298 = arith.constant 0 : i32
      %dma_wait3A_299 = arith.constant 0 : i32
      %dma_wait3A_300 = tpu.memref_slice %arg2[%dma_wait3A_298, %dma_wait3A_299] : memref<10000x64xf32, #tpu.memory_space<hbm>> -> memref<80x64xf32, #tpu.memory_space<hbm>>
      tpu.wait_dma2 semaphore(%arg34 : memref<!tpu.dma_semaphore, #tpu.memory_space<semaphore_mem>>) src(%dma_wait3A_300 : memref<80x64xf32, #tpu.memory_space<hbm>>) dst(%arg20 : memref<80x64xf32, #tpu.memory_space<vmem>>)
      %mul3A_301 = arith.constant 20480 : i32
      %mul3A_302 = arith.muli %arg1, %mul3A_301 : i32
      %mul3A_303 = arith.constant 80 : i32
      %mul3A_304 = arith.muli %add3A_282, %mul3A_303 : i32
      %add3A_305 = arith.addi %mul3A_302, %mul3A_304 : i32
      %scan3A_306 = arith.constant 0 : i32
      %scan3A_307 = arith.constant 80 : i32
      %scan3A_308 = arith.addi %scan3A_306, %scan3A_307 : i32
      %scan3A_309 = arith.constant 1 : i32
      %scan3A_310 = scf.for %scan3A_598 = %scan3A_306 to %scan3A_308 step %scan3A_309 iter_args(%scan3A_599 = %scan3A_278) -> (vector<16xf32>)  : i32 {
        %get3A = arith.index_cast %scan3A_598 : i32 to index
        %get3A_600 = arith.constant 0 : index
        %get3A_601 = tpu.vector_load %arg20[%get3A, %get3A_600] {strides = array<i32>} : memref<80x64xf32, #tpu.memory_space<vmem>>, vector<16xf32>,
        %get3A_602 = arith.index_cast %scan3A_598 : i32 to index
        %get3A_603 = arith.constant 0 : index
        %get3A_604 = tpu.vector_load %arg22[%get3A_602, %get3A_603] {strides = array<i32>} : memref<80x64xf32, #tpu.memory_space<vmem>>, vector<16xf32>,
        %mul3A_605 = arith.mulf %get3A_601, %get3A_604 : vector<16xf32>
        %reduce_sum3A = arith.constant true
        %reduce_sum3A_606 = vector.broadcast %reduce_sum3A : i1 to vector<16xi1>
        %reduce_sum3A_607 = tpu.scan <sum>, %mul3A_605 masked %reduce_sum3A_606 : vector<16xf32>, vector<16xi1> -> vector<16xf32>
        %reduce_sum3A_608 = vector.extract %reduce_sum3A_607[15] : f32 from vector<16xf32>
        %eq3A_609 = arith.constant 0 : i32
        %eq3A_610 = vector.broadcast %eq3A_609 : i32 to vector<16xi32>
        %eq3A_611 = arith.cmpi eq, %iota3A, %eq3A_610 : vector<16xi32>
        %broadcast_in_dim3A_612 = vector.broadcast %reduce_sum3A_608 : f32 to vector<16xf32>
        %select_n3A = arith.select %eq3A_611, %broadcast_in_dim3A_612, %broadcast_in_dim3A_1 : vector<16xi1>, vector<16xf32>
        %get3A_613 = arith.index_cast %scan3A_598 : i32 to index
        %get3A_614 = arith.constant 16 : index
        %get3A_615 = tpu.vector_load %arg20[%get3A_613, %get3A_614] {strides = array<i32>} : memref<80x64xf32, #tpu.memory_space<vmem>>, vector<16xf32>,
        %get3A_616 = arith.index_cast %scan3A_598 : i32 to index
        %get3A_617 = arith.constant 16 : index
        %get3A_618 = tpu.vector_load %arg22[%get3A_616, %get3A_617] {strides = array<i32>} : memref<80x64xf32, #tpu.memory_space<vmem>>, vector<16xf32>,
        %mul3A_619 = arith.mulf %get3A_615, %get3A_618 : vector<16xf32>
        %reduce_sum3A_620 = arith.constant true
        %reduce_sum3A_621 = vector.broadcast %reduce_sum3A_620 : i1 to vector<16xi1>
        %reduce_sum3A_622 = tpu.scan <sum>, %mul3A_619 masked %reduce_sum3A_621 : vector<16xf32>, vector<16xi1> -> vector<16xf32>
        %reduce_sum3A_623 = vector.extract %reduce_sum3A_622[15] : f32 from vector<16xf32>
        %eq3A_624 = arith.constant 1 : i32
        %eq3A_625 = vector.broadcast %eq3A_624 : i32 to vector<16xi32>
        %eq3A_626 = arith.cmpi eq, %iota3A, %eq3A_625 : vector<16xi32>
        %broadcast_in_dim3A_627 = vector.broadcast %reduce_sum3A_623 : f32 to vector<16xf32>
        %select_n3A_628 = arith.select %eq3A_626, %broadcast_in_dim3A_627, %select_n3A : vector<16xi1>, vector<16xf32>
        %get3A_629 = arith.index_cast %scan3A_598 : i32 to index
        %get3A_630 = arith.constant 32 : index
        %get3A_631 = tpu.vector_load %arg20[%get3A_629, %get3A_630] {strides = array<i32>} : memref<80x64xf32, #tpu.memory_space<vmem>>, vector<16xf32>,
        %get3A_632 = arith.index_cast %scan3A_598 : i32 to index
        %get3A_633 = arith.constant 32 : index
        %get3A_634 = tpu.vector_load %arg22[%get3A_632, %get3A_633] {strides = array<i32>} : memref<80x64xf32, #tpu.memory_space<vmem>>, vector<16xf32>,
        %mul3A_635 = arith.mulf %get3A_631, %get3A_634 : vector<16xf32>
        %reduce_sum3A_636 = arith.constant true
        %reduce_sum3A_637 = vector.broadcast %reduce_sum3A_636 : i1 to vector<16xi1>
        %reduce_sum3A_638 = tpu.scan <sum>, %mul3A_635 masked %reduce_sum3A_637 : vector<16xf32>, vector<16xi1> -> vector<16xf32>
        %reduce_sum3A_639 = vector.extract %reduce_sum3A_638[15] : f32 from vector<16xf32>
        %eq3A_640 = arith.constant 2 : i32
        %eq3A_641 = vector.broadcast %eq3A_640 : i32 to vector<16xi32>
        %eq3A_642 = arith.cmpi eq, %iota3A, %eq3A_641 : vector<16xi32>
        %broadcast_in_dim3A_643 = vector.broadcast %reduce_sum3A_639 : f32 to vector<16xf32>
        %select_n3A_644 = arith.select %eq3A_642, %broadcast_in_dim3A_643, %select_n3A_628 : vector<16xi1>, vector<16xf32>
        %get3A_645 = arith.index_cast %scan3A_598 : i32 to index
        %get3A_646 = arith.constant 48 : index
        %get3A_647 = tpu.vector_load %arg20[%get3A_645, %get3A_646] {strides = array<i32>} : memref<80x64xf32, #tpu.memory_space<vmem>>, vector<16xf32>,
        %get3A_648 = arith.index_cast %scan3A_598 : i32 to index
        %get3A_649 = arith.constant 48 : index
        %get3A_650 = tpu.vector_load %arg22[%get3A_648, %get3A_649] {strides = array<i32>} : memref<80x64xf32, #tpu.memory_space<vmem>>, vector<16xf32>,
        %mul3A_651 = arith.mulf %get3A_647, %get3A_650 : vector<16xf32>
        %reduce_sum3A_652 = arith.constant true
        %reduce_sum3A_653 = vector.broadcast %reduce_sum3A_652 : i1 to vector<16xi1>
        %reduce_sum3A_654 = tpu.scan <sum>, %mul3A_651 masked %reduce_sum3A_653 : vector<16xf32>, vector<16xi1> -> vector<16xf32>
        %reduce_sum3A_655 = vector.extract %reduce_sum3A_654[15] : f32 from vector<16xf32>
        %eq3A_656 = arith.constant 3 : i32
        %eq3A_657 = vector.broadcast %eq3A_656 : i32 to vector<16xi32>
        %eq3A_658 = arith.cmpi eq, %iota3A, %eq3A_657 : vector<16xi32>
        %broadcast_in_dim3A_659 = vector.broadcast %reduce_sum3A_655 : f32 to vector<16xf32>
        %select_n3A_660 = arith.select %eq3A_658, %broadcast_in_dim3A_659, %select_n3A_644 : vector<16xi1>, vector<16xf32>
        %jit3A = arith.constant -5.000000e+00 : f32
        %jit3A_661 = arith.constant 5.000000e+00 : f32
        %max3A = vector.broadcast %jit3A : f32 to vector<16xf32>
        %max3A_662 = arith.maximumf %max3A, %select_n3A_660 : vector<16xf32>
        %min3A = vector.broadcast %jit3A_661 : f32 to vector<16xf32>
        %min3A_663 = arith.minimumf %min3A, %max3A_662 : vector<16xf32>
        %exp3A = math.exp %min3A_663 : vector<16xf32>
        %add3A_664 = arith.addi %add3A_305, %scan3A_598 : i32
        %lt3A = arith.constant 320000 : i32
        %lt3A_665 = arith.cmpi slt, %add3A_664, %lt3A : i32
        %jit3A_666 = arith.constant 0.000000e+00 : f32
        %broadcast_in_dim3A_667 = vector.broadcast %jit3A_666 : f32 to vector<16xf32>
        %select_n3A_668 = arith.select %lt3A_665, %exp3A, %broadcast_in_dim3A_667 : vector<16xf32>
        %add3A_669 = arith.addf %scan3A_599, %select_n3A_668 : vector<16xf32>
        %slice3A = vector.extract_strided_slice %select_n3A_668 {offsets = [0], sizes = [1], strides = [1]} : vector<16xf32> to vector<1xf32>
        %squeeze3A = vector.extract %slice3A[0] : f32 from vector<1xf32>
        %get3A_670 = arith.index_cast %scan3A_598 : i32 to index
        %get3A_671 = arith.constant 0 : index
        %get3A_672 = tpu.vector_load %arg24[%get3A_670, %get3A_671] {strides = array<i32>} : memref<80x64xf32, #tpu.memory_space<vmem>>, vector<16xf32>,
        %mul3A_673 = vector.broadcast %squeeze3A : f32 to vector<16xf32>
        %mul3A_674 = arith.mulf %mul3A_673, %get3A_672 : vector<16xf32>
        %swap3A_675 = arith.index_cast %scan3A_598 : i32 to index
        %swap3A_676 = arith.constant 0 : index
        %swap3A_677 = tpu.vector_load %arg26[%swap3A_675, %swap3A_676] {strides = array<i32>} : memref<80x64xf32, #tpu.memory_space<vmem>>, vector<16xf32>,
        tpu.vector_store %arg26[%swap3A_675, %swap3A_676], %mul3A_674 {strides = array<i32>} : memref<80x64xf32, #tpu.memory_space<vmem>>, vector<16xf32>,
        %slice3A_678 = vector.extract_strided_slice %select_n3A_668 {offsets = [1], sizes = [1], strides = [1]} : vector<16xf32> to vector<1xf32>
        %squeeze3A_679 = vector.extract %slice3A_678[0] : f32 from vector<1xf32>
        %get3A_680 = arith.index_cast %scan3A_598 : i32 to index
        %get3A_681 = arith.constant 16 : index
        %get3A_682 = tpu.vector_load %arg24[%get3A_680, %get3A_681] {strides = array<i32>} : memref<80x64xf32, #tpu.memory_space<vmem>>, vector<16xf32>,
        %mul3A_683 = vector.broadcast %squeeze3A_679 : f32 to vector<16xf32>
        %mul3A_684 = arith.mulf %mul3A_683, %get3A_682 : vector<16xf32>
        %swap3A_685 = arith.index_cast %scan3A_598 : i32 to index
        %swap3A_686 = arith.constant 16 : index
        %swap3A_687 = tpu.vector_load %arg26[%swap3A_685, %swap3A_686] {strides = array<i32>} : memref<80x64xf32, #tpu.memory_space<vmem>>, vector<16xf32>,
        tpu.vector_store %arg26[%swap3A_685, %swap3A_686], %mul3A_684 {strides = array<i32>} : memref<80x64xf32, #tpu.memory_space<vmem>>, vector<16xf32>,
        %slice3A_688 = vector.extract_strided_slice %select_n3A_668 {offsets = [2], sizes = [1], strides = [1]} : vector<16xf32> to vector<1xf32>
        %squeeze3A_689 = vector.extract %slice3A_688[0] : f32 from vector<1xf32>
        %get3A_690 = arith.index_cast %scan3A_598 : i32 to index
        %get3A_691 = arith.constant 32 : index
        %get3A_692 = tpu.vector_load %arg24[%get3A_690, %get3A_691] {strides = array<i32>} : memref<80x64xf32, #tpu.memory_space<vmem>>, vector<16xf32>,
        %mul3A_693 = vector.broadcast %squeeze3A_689 : f32 to vector<16xf32>
        %mul3A_694 = arith.mulf %mul3A_693, %get3A_692 : vector<16xf32>
        %swap3A_695 = arith.index_cast %scan3A_598 : i32 to index
        %swap3A_696 = arith.constant 32 : index
        %swap3A_697 = tpu.vector_load %arg26[%swap3A_695, %swap3A_696] {strides = array<i32>} : memref<80x64xf32, #tpu.memory_space<vmem>>, vector<16xf32>,
        tpu.vector_store %arg26[%swap3A_695, %swap3A_696], %mul3A_694 {strides = array<i32>} : memref<80x64xf32, #tpu.memory_space<vmem>>, vector<16xf32>,
        %slice3A_698 = vector.extract_strided_slice %select_n3A_668 {offsets = [3], sizes = [1], strides = [1]} : vector<16xf32> to vector<1xf32>
        %squeeze3A_699 = vector.extract %slice3A_698[0] : f32 from vector<1xf32>
        %get3A_700 = arith.index_cast %scan3A_598 : i32 to index
        %get3A_701 = arith.constant 48 : index
        %get3A_702 = tpu.vector_load %arg24[%get3A_700, %get3A_701] {strides = array<i32>} : memref<80x64xf32, #tpu.memory_space<vmem>>, vector<16xf32>,
        %mul3A_703 = vector.broadcast %squeeze3A_699 : f32 to vector<16xf32>
        %mul3A_704 = arith.mulf %mul3A_703, %get3A_702 : vector<16xf32>
        %swap3A_705 = arith.index_cast %scan3A_598 : i32 to index
        %swap3A_706 = arith.constant 48 : index
        %swap3A_707 = tpu.vector_load %arg26[%swap3A_705, %swap3A_706] {strides = array<i32>} : memref<80x64xf32, #tpu.memory_space<vmem>>, vector<16xf32>,
        tpu.vector_store %arg26[%swap3A_705, %swap3A_706], %mul3A_704 {strides = array<i32>} : memref<80x64xf32, #tpu.memory_space<vmem>>, vector<16xf32>,
        scf.yield %add3A_669 : vector<16xf32>
      }
      %scan3A_311 = arith.constant 80 : i32
      %run_scoped3A = arith.constant 0 : i32
      "tpu.region"() ({
        %run_scoped3A_598 = tpu.sem_alloc : memref<!tpu.dma_semaphore, #tpu.memory_space<semaphore_mem>>
        %dma_start3A_599 = arith.constant 0 : i32
        %dma_start3A_600 = tpu.memref_slice %arg16[%run_scoped3A, %dma_start3A_599] : memref<1x80xi32, #tpu.memory_space<vmem>> -> memref<1x80xi32, #tpu.memory_space<vmem>>
        %dma_start3A_601 = tpu.memref_squeeze %dma_start3A_600 : memref<1x80xi32, #tpu.memory_space<vmem>> -> memref<80xi32, #tpu.memory_space<vmem>>
        %dma_start3A_602 = arith.constant 0 : i32
        %dma_start3A_603 = arith.constant 0 : i32
        %dma_start3A_604 = tpu.memref_slice %arg29[%dma_start3A_602, %dma_start3A_603] : memref<10240x64xf32, #tpu.memory_space<vmem_shared>> -> memref<10240x64xf32, #tpu.memory_space<vmem_shared>>
        tpu.enqueue_indirect_dma source(%arg26 : memref<80x64xf32, #tpu.memory_space<vmem>>) target(%dma_start3A_604 : memref<10240x64xf32, #tpu.memory_space<vmem_shared>>) offsets(%dma_start3A_601 : memref<80xi32, #tpu.memory_space<vmem>>) semaphore(%run_scoped3A_598 : memref<!tpu.dma_semaphore, #tpu.memory_space<semaphore_mem>>) {add = true}
        %dma_wait3A_605 = arith.constant 0 : i32
        %dma_wait3A_606 = tpu.memref_slice %arg16[%run_scoped3A, %dma_wait3A_605] : memref<1x80xi32, #tpu.memory_space<vmem>> -> memref<1x80xi32, #tpu.memory_space<vmem>>
        %dma_wait3A_607 = tpu.memref_squeeze %dma_wait3A_606 : memref<1x80xi32, #tpu.memory_space<vmem>> -> memref<80xi32, #tpu.memory_space<vmem>>
        %dma_wait3A_608 = arith.constant 0 : i32
        %dma_wait3A_609 = arith.constant 0 : i32
        %dma_wait3A_610 = tpu.memref_slice %arg29[%dma_wait3A_608, %dma_wait3A_609] : memref<10240x64xf32, #tpu.memory_space<vmem_shared>> -> memref<10240x64xf32, #tpu.memory_space<vmem_shared>>
        tpu.wait_indirect_dma semaphore(%run_scoped3A_598 : memref<!tpu.dma_semaphore, #tpu.memory_space<semaphore_mem>>) src(%arg26 : memref<80x64xf32, #tpu.memory_space<vmem>>) dst(%dma_wait3A_610 : memref<10240x64xf32, #tpu.memory_space<vmem_shared>>)
        tpu.yield
      }) : () -> ()
      %dma_wait3A_312 = arith.constant 0 : i32
      %dma_wait3A_313 = arith.constant 0 : i32
      %dma_wait3A_314 = arith.constant 0 : i32
      %dma_wait3A_315 = tpu.memref_slice %arg8[%arg1, %dma_wait3A_312, %dma_wait3A_313, %dma_wait3A_314] : memref<16x260x1x80xi32, #tpu.memory_space<hbm>> -> memref<1x1x1x80xi32, #tpu.memory_space<hbm>>
      %dma_wait3A_316 = tpu.memref_squeeze %dma_wait3A_315 : memref<1x1x1x80xi32, #tpu.memory_space<hbm>> -> memref<1x80xi32, #tpu.memory_space<hbm>>
      %dma_wait3A_317 = arith.constant 0 : i32
      %dma_wait3A_318 = arith.constant 0 : i32
      %dma_wait3A_319 = tpu.memref_slice %arg8[%arg1, %dma_wait3A_312, %dma_wait3A_317, %dma_wait3A_318] : memref<16x260x1x80xi32, #tpu.memory_space<hbm>> -> memref<1x1x1x80xi32, #tpu.memory_space<hbm>>
      %dma_wait3A_320 = tpu.memref_squeeze %dma_wait3A_319 : memref<1x1x1x80xi32, #tpu.memory_space<hbm>> -> memref<1x80xi32, #tpu.memory_space<hbm>>
      tpu.wait_dma2 semaphore(%arg31 : memref<!tpu.dma_semaphore, #tpu.memory_space<semaphore_mem>>) src(%dma_wait3A_320 : memref<1x80xi32, #tpu.memory_space<hbm>>) dst(%arg13 : memref<1x80xi32, #tpu.memory_space<vmem>>)
      %dma_wait3A_321 = arith.constant 0 : i32
      %dma_wait3A_322 = arith.constant 0 : i32
      %dma_wait3A_323 = arith.constant 0 : i32
      %dma_wait3A_324 = tpu.memref_slice %arg8[%arg1, %dma_wait3A_321, %dma_wait3A_322, %dma_wait3A_323] : memref<16x260x1x80xi32, #tpu.memory_space<hbm>> -> memref<1x1x1x80xi32, #tpu.memory_space<hbm>>
      %dma_wait3A_325 = tpu.memref_squeeze %dma_wait3A_324 : memref<1x1x1x80xi32, #tpu.memory_space<hbm>> -> memref<1x80xi32, #tpu.memory_space<hbm>>
      %dma_wait3A_326 = arith.constant 0 : i32
      %dma_wait3A_327 = arith.constant 0 : i32
      %dma_wait3A_328 = tpu.memref_slice %arg8[%arg1, %dma_wait3A_321, %dma_wait3A_326, %dma_wait3A_327] : memref<16x260x1x80xi32, #tpu.memory_space<hbm>> -> memref<1x1x1x80xi32, #tpu.memory_space<hbm>>
      %dma_wait3A_329 = tpu.memref_squeeze %dma_wait3A_328 : memref<1x1x1x80xi32, #tpu.memory_space<hbm>> -> memref<1x80xi32, #tpu.memory_space<hbm>>
      tpu.wait_dma2 semaphore(%arg31 : memref<!tpu.dma_semaphore, #tpu.memory_space<semaphore_mem>>) src(%dma_wait3A_329 : memref<1x80xi32, #tpu.memory_space<hbm>>) dst(%arg13 : memref<1x80xi32, #tpu.memory_space<vmem>>)
      %eq3A_330 = arith.constant 0 : i32
      %eq3A_331 = arith.cmpi eq, %arg0, %eq3A_330 : i32
      %convert_element_type3A_332 = arith.extui %eq3A_331 : i1 to i32
      %cond3A_333 = arith.constant 0 : i32
      %cond3A_334 = arith.cmpi ne, %convert_element_type3A_332, %cond3A_333 : i32
      scf.if %cond3A_334 {
        %dma_start3A_598 = arith.constant 0 : i32
        %dma_start3A_599 = arith.constant 0 : i32
        %dma_start3A_600 = tpu.memref_slice %arg17[%dma_start3A_598, %dma_start3A_599] : memref<1x80xi32, #tpu.memory_space<vmem>> -> memref<1x80xi32, #tpu.memory_space<vmem>>
        %dma_start3A_601 = tpu.memref_squeeze %dma_start3A_600 : memref<1x80xi32, #tpu.memory_space<vmem>> -> memref<80xi32, #tpu.memory_space<vmem>>
        %dma_start3A_602 = arith.constant 0 : i32
        %dma_start3A_603 = arith.constant 0 : i32
        %dma_start3A_604 = tpu.memref_slice %arg2[%dma_start3A_602, %dma_start3A_603] : memref<10000x64xf32, #tpu.memory_space<hbm>> -> memref<10000x64xf32, #tpu.memory_space<hbm>>
        tpu.enqueue_indirect_dma source(%dma_start3A_604 : memref<10000x64xf32, #tpu.memory_space<hbm>>) target(%arg20 : memref<80x64xf32, #tpu.memory_space<vmem>>) offsets(%dma_start3A_601 : memref<80xi32, #tpu.memory_space<vmem>>) semaphore(%arg34 : memref<!tpu.dma_semaphore, #tpu.memory_space<semaphore_mem>>)
        %dma_start3A_605 = arith.constant 0 : i32
        %dma_start3A_606 = arith.constant 0 : i32
        %dma_start3A_607 = tpu.memref_slice %arg13[%dma_start3A_605, %dma_start3A_606] : memref<1x80xi32, #tpu.memory_space<vmem>> -> memref<1x80xi32, #tpu.memory_space<vmem>>
        %dma_start3A_608 = tpu.memref_squeeze %dma_start3A_607 : memref<1x80xi32, #tpu.memory_space<vmem>> -> memref<80xi32, #tpu.memory_space<vmem>>
        %dma_start3A_609 = arith.constant 0 : i32
        %dma_start3A_610 = arith.constant 0 : i32
        %dma_start3A_611 = tpu.memref_slice %arg4[%dma_start3A_609, %dma_start3A_610] : memref<10000x64xf32, #tpu.memory_space<hbm>> -> memref<10000x64xf32, #tpu.memory_space<hbm>>
        tpu.enqueue_indirect_dma source(%dma_start3A_611 : memref<10000x64xf32, #tpu.memory_space<hbm>>) target(%arg22 : memref<80x64xf32, #tpu.memory_space<vmem>>) offsets(%dma_start3A_608 : memref<80xi32, #tpu.memory_space<vmem>>) semaphore(%arg34 : memref<!tpu.dma_semaphore, #tpu.memory_space<semaphore_mem>>)
        %dma_start3A_612 = arith.constant 0 : i32
        %dma_start3A_613 = arith.constant 0 : i32
        %dma_start3A_614 = tpu.memref_slice %arg13[%dma_start3A_612, %dma_start3A_613] : memref<1x80xi32, #tpu.memory_space<vmem>> -> memref<1x80xi32, #tpu.memory_space<vmem>>
        %dma_start3A_615 = tpu.memref_squeeze %dma_start3A_614 : memref<1x80xi32, #tpu.memory_space<vmem>> -> memref<80xi32, #tpu.memory_space<vmem>>
        %dma_start3A_616 = arith.constant 0 : i32
        %dma_start3A_617 = arith.constant 0 : i32
        %dma_start3A_618 = tpu.memref_slice %arg6[%dma_start3A_616, %dma_start3A_617] : memref<10000x64xf32, #tpu.memory_space<hbm>> -> memref<10000x64xf32, #tpu.memory_space<hbm>>
        tpu.enqueue_indirect_dma source(%dma_start3A_618 : memref<10000x64xf32, #tpu.memory_space<hbm>>) target(%arg24 : memref<80x64xf32, #tpu.memory_space<vmem>>) offsets(%dma_start3A_615 : memref<80xi32, #tpu.memory_space<vmem>>) semaphore(%arg34 : memref<!tpu.dma_semaphore, #tpu.memory_space<semaphore_mem>>)
      } else {
      }
      %eq3A_335 = arith.constant 1 : i32
      %eq3A_336 = arith.cmpi eq, %arg0, %eq3A_335 : i32
      %convert_element_type3A_337 = arith.extui %eq3A_336 : i1 to i32
      %cond3A_338 = arith.constant 0 : i32
      %cond3A_339 = arith.cmpi ne, %convert_element_type3A_337, %cond3A_338 : i32
      scf.if %cond3A_339 {
        %dma_start3A_598 = arith.constant 0 : i32
        %dma_start3A_599 = arith.constant 0 : i32
        %dma_start3A_600 = tpu.memref_slice %arg17[%dma_start3A_598, %dma_start3A_599] : memref<1x80xi32, #tpu.memory_space<vmem>> -> memref<1x80xi32, #tpu.memory_space<vmem>>
        %dma_start3A_601 = tpu.memref_squeeze %dma_start3A_600 : memref<1x80xi32, #tpu.memory_space<vmem>> -> memref<80xi32, #tpu.memory_space<vmem>>
        %dma_start3A_602 = arith.constant 0 : i32
        %dma_start3A_603 = arith.constant 0 : i32
        %dma_start3A_604 = tpu.memref_slice %arg3[%dma_start3A_602, %dma_start3A_603] : memref<10000x64xf32, #tpu.memory_space<hbm>> -> memref<10000x64xf32, #tpu.memory_space<hbm>>
        tpu.enqueue_indirect_dma source(%dma_start3A_604 : memref<10000x64xf32, #tpu.memory_space<hbm>>) target(%arg20 : memref<80x64xf32, #tpu.memory_space<vmem>>) offsets(%dma_start3A_601 : memref<80xi32, #tpu.memory_space<vmem>>) semaphore(%arg34 : memref<!tpu.dma_semaphore, #tpu.memory_space<semaphore_mem>>)
        %dma_start3A_605 = arith.constant 0 : i32
        %dma_start3A_606 = arith.constant 0 : i32
        %dma_start3A_607 = tpu.memref_slice %arg13[%dma_start3A_605, %dma_start3A_606] : memref<1x80xi32, #tpu.memory_space<vmem>> -> memref<1x80xi32, #tpu.memory_space<vmem>>
        %dma_start3A_608 = tpu.memref_squeeze %dma_start3A_607 : memref<1x80xi32, #tpu.memory_space<vmem>> -> memref<80xi32, #tpu.memory_space<vmem>>
        %dma_start3A_609 = arith.constant 0 : i32
        %dma_start3A_610 = arith.constant 0 : i32
        %dma_start3A_611 = tpu.memref_slice %arg5[%dma_start3A_609, %dma_start3A_610] : memref<10000x64xf32, #tpu.memory_space<hbm>> -> memref<10000x64xf32, #tpu.memory_space<hbm>>
        tpu.enqueue_indirect_dma source(%dma_start3A_611 : memref<10000x64xf32, #tpu.memory_space<hbm>>) target(%arg22 : memref<80x64xf32, #tpu.memory_space<vmem>>) offsets(%dma_start3A_608 : memref<80xi32, #tpu.memory_space<vmem>>) semaphore(%arg34 : memref<!tpu.dma_semaphore, #tpu.memory_space<semaphore_mem>>)
        %dma_start3A_612 = arith.constant 0 : i32
        %dma_start3A_613 = arith.constant 0 : i32
        %dma_start3A_614 = tpu.memref_slice %arg13[%dma_start3A_612, %dma_start3A_613] : memref<1x80xi32, #tpu.memory_space<vmem>> -> memref<1x80xi32, #tpu.memory_space<vmem>>
        %dma_start3A_615 = tpu.memref_squeeze %dma_start3A_614 : memref<1x80xi32, #tpu.memory_space<vmem>> -> memref<80xi32, #tpu.memory_space<vmem>>
        %dma_start3A_616 = arith.constant 0 : i32
        %dma_start3A_617 = arith.constant 0 : i32
        %dma_start3A_618 = tpu.memref_slice %arg7[%dma_start3A_616, %dma_start3A_617] : memref<10000x64xf32, #tpu.memory_space<hbm>> -> memref<10000x64xf32, #tpu.memory_space<hbm>>
        tpu.enqueue_indirect_dma source(%dma_start3A_618 : memref<10000x64xf32, #tpu.memory_space<hbm>>) target(%arg24 : memref<80x64xf32, #tpu.memory_space<vmem>>) offsets(%dma_start3A_615 : memref<80xi32, #tpu.memory_space<vmem>>) semaphore(%arg34 : memref<!tpu.dma_semaphore, #tpu.memory_space<semaphore_mem>>)
      } else {
      }
      %add3A_340 = arith.constant 4 : i32
      %add3A_341 = arith.addi %add3A_282, %add3A_340 : i32
      %dma_start3A_342 = arith.constant 0 : i32
      %dma_start3A_343 = arith.constant 0 : i32
      %dma_start3A_344 = tpu.memref_slice %arg8[%arg1, %add3A_341, %dma_start3A_342, %dma_start3A_343] : memref<16x260x1x80xi32, #tpu.memory_space<hbm>> -> memref<1x1x1x80xi32, #tpu.memory_space<hbm>>
      %dma_start3A_345 = tpu.memref_squeeze %dma_start3A_344 : memref<1x1x1x80xi32, #tpu.memory_space<hbm>> -> memref<1x80xi32, #tpu.memory_space<hbm>>
      %dma_start3A_346 = arith.constant 0 : i32
      %dma_start3A_347 = arith.constant 0 : i32
      %dma_start3A_348 = tpu.memref_slice %arg8[%arg1, %add3A_341, %dma_start3A_346, %dma_start3A_347] : memref<16x260x1x80xi32, #tpu.memory_space<hbm>> -> memref<1x1x1x80xi32, #tpu.memory_space<hbm>>
      %dma_start3A_349 = tpu.memref_squeeze %dma_start3A_348 : memref<1x1x1x80xi32, #tpu.memory_space<hbm>> -> memref<1x80xi32, #tpu.memory_space<hbm>>
      tpu.enqueue_dma source(%dma_start3A_349 : memref<1x80xi32, #tpu.memory_space<hbm>>) target(%arg12 : memref<1x80xi32, #tpu.memory_space<vmem>>) target_semaphore(%arg30 : memref<!tpu.dma_semaphore, #tpu.memory_space<semaphore_mem>>)
      %dma_start3A_350 = arith.constant 0 : i32
      %dma_start3A_351 = arith.constant 0 : i32
      %dma_start3A_352 = tpu.memref_slice %arg9[%arg1, %add3A_341, %dma_start3A_350, %dma_start3A_351] : memref<16x260x1x80xi32, #tpu.memory_space<hbm>> -> memref<1x1x1x80xi32, #tpu.memory_space<hbm>>
      %dma_start3A_353 = tpu.memref_squeeze %dma_start3A_352 : memref<1x1x1x80xi32, #tpu.memory_space<hbm>> -> memref<1x80xi32, #tpu.memory_space<hbm>>
      %dma_start3A_354 = arith.constant 0 : i32
      %dma_start3A_355 = arith.constant 0 : i32
      %dma_start3A_356 = tpu.memref_slice %arg9[%arg1, %add3A_341, %dma_start3A_354, %dma_start3A_355] : memref<16x260x1x80xi32, #tpu.memory_space<hbm>> -> memref<1x1x1x80xi32, #tpu.memory_space<hbm>>
      %dma_start3A_357 = tpu.memref_squeeze %dma_start3A_356 : memref<1x1x1x80xi32, #tpu.memory_space<hbm>> -> memref<1x80xi32, #tpu.memory_space<hbm>>
      tpu.enqueue_dma source(%dma_start3A_357 : memref<1x80xi32, #tpu.memory_space<hbm>>) target(%arg16 : memref<1x80xi32, #tpu.memory_space<vmem>>) target_semaphore(%arg30 : memref<!tpu.dma_semaphore, #tpu.memory_space<semaphore_mem>>)
      %mul3A_358 = arith.constant 4 : i32
      %mul3A_359 = arith.muli %mul3A_358, %scan3A_277 : i32
      %add3A_360 = arith.constant 1 : i32
      %add3A_361 = arith.addi %mul3A_359, %add3A_360 : i32
      %dma_wait3A_362 = arith.constant 0 : i32
      %dma_wait3A_363 = arith.constant 0 : i32
      %dma_wait3A_364 = tpu.memref_slice %arg2[%dma_wait3A_362, %dma_wait3A_363] : memref<10000x64xf32, #tpu.memory_space<hbm>> -> memref<80x64xf32, #tpu.memory_space<hbm>>
      %dma_wait3A_365 = arith.constant 0 : i32
      %dma_wait3A_366 = arith.constant 0 : i32
      %dma_wait3A_367 = tpu.memref_slice %arg2[%dma_wait3A_365, %dma_wait3A_366] : memref<10000x64xf32, #tpu.memory_space<hbm>> -> memref<80x64xf32, #tpu.memory_space<hbm>>
      tpu.wait_dma2 semaphore(%arg35 : memref<!tpu.dma_semaphore, #tpu.memory_space<semaphore_mem>>) src(%dma_wait3A_367 : memref<80x64xf32, #tpu.memory_space<hbm>>) dst(%arg21 : memref<80x64xf32, #tpu.memory_space<vmem>>)
      %dma_wait3A_368 = arith.constant 0 : i32
      %dma_wait3A_369 = arith.constant 0 : i32
      %dma_wait3A_370 = tpu.memref_slice %arg2[%dma_wait3A_368, %dma_wait3A_369] : memref<10000x64xf32, #tpu.memory_space<hbm>> -> memref<80x64xf32, #tpu.memory_space<hbm>>
      %dma_wait3A_371 = arith.constant 0 : i32
      %dma_wait3A_372 = arith.constant 0 : i32
      %dma_wait3A_373 = tpu.memref_slice %arg2[%dma_wait3A_371, %dma_wait3A_372] : memref<10000x64xf32, #tpu.memory_space<hbm>> -> memref<80x64xf32, #tpu.memory_space<hbm>>
      tpu.wait_dma2 semaphore(%arg35 : memref<!tpu.dma_semaphore, #tpu.memory_space<semaphore_mem>>) src(%dma_wait3A_373 : memref<80x64xf32, #tpu.memory_space<hbm>>) dst(%arg21 : memref<80x64xf32, #tpu.memory_space<vmem>>)
      %dma_wait3A_374 = arith.constant 0 : i32
      %dma_wait3A_375 = arith.constant 0 : i32
      %dma_wait3A_376 = tpu.memref_slice %arg2[%dma_wait3A_374, %dma_wait3A_375] : memref<10000x64xf32, #tpu.memory_space<hbm>> -> memref<80x64xf32, #tpu.memory_space<hbm>>
      %dma_wait3A_377 = arith.constant 0 : i32
      %dma_wait3A_378 = arith.constant 0 : i32
      %dma_wait3A_379 = tpu.memref_slice %arg2[%dma_wait3A_377, %dma_wait3A_378] : memref<10000x64xf32, #tpu.memory_space<hbm>> -> memref<80x64xf32, #tpu.memory_space<hbm>>
      tpu.wait_dma2 semaphore(%arg35 : memref<!tpu.dma_semaphore, #tpu.memory_space<semaphore_mem>>) src(%dma_wait3A_379 : memref<80x64xf32, #tpu.memory_space<hbm>>) dst(%arg21 : memref<80x64xf32, #tpu.memory_space<vmem>>)
      %mul3A_380 = arith.constant 20480 : i32
      %mul3A_381 = arith.muli %arg1, %mul3A_380 : i32
      %mul3A_382 = arith.constant 80 : i32
      %mul3A_383 = arith.muli %add3A_361, %mul3A_382 : i32
      %add3A_384 = arith.addi %mul3A_381, %mul3A_383 : i32
      %scan3A_385 = arith.constant 0 : i32
      %scan3A_386 = arith.constant 80 : i32
      %scan3A_387 = arith.addi %scan3A_385, %scan3A_386 : i32
      %scan3A_388 = arith.constant 1 : i32
      %scan3A_389 = scf.for %scan3A_598 = %scan3A_385 to %scan3A_387 step %scan3A_388 iter_args(%scan3A_599 = %scan3A_310) -> (vector<16xf32>)  : i32 {
        %get3A = arith.index_cast %scan3A_598 : i32 to index
        %get3A_600 = arith.constant 0 : index
        %get3A_601 = tpu.vector_load %arg21[%get3A, %get3A_600] {strides = array<i32>} : memref<80x64xf32, #tpu.memory_space<vmem>>, vector<16xf32>,
        %get3A_602 = arith.index_cast %scan3A_598 : i32 to index
        %get3A_603 = arith.constant 0 : index
        %get3A_604 = tpu.vector_load %arg23[%get3A_602, %get3A_603] {strides = array<i32>} : memref<80x64xf32, #tpu.memory_space<vmem>>, vector<16xf32>,
        %mul3A_605 = arith.mulf %get3A_601, %get3A_604 : vector<16xf32>
        %reduce_sum3A = arith.constant true
        %reduce_sum3A_606 = vector.broadcast %reduce_sum3A : i1 to vector<16xi1>
        %reduce_sum3A_607 = tpu.scan <sum>, %mul3A_605 masked %reduce_sum3A_606 : vector<16xf32>, vector<16xi1> -> vector<16xf32>
        %reduce_sum3A_608 = vector.extract %reduce_sum3A_607[15] : f32 from vector<16xf32>
        %eq3A_609 = arith.constant 0 : i32
        %eq3A_610 = vector.broadcast %eq3A_609 : i32 to vector<16xi32>
        %eq3A_611 = arith.cmpi eq, %iota3A, %eq3A_610 : vector<16xi32>
        %broadcast_in_dim3A_612 = vector.broadcast %reduce_sum3A_608 : f32 to vector<16xf32>
        %select_n3A = arith.select %eq3A_611, %broadcast_in_dim3A_612, %broadcast_in_dim3A_1 : vector<16xi1>, vector<16xf32>
        %get3A_613 = arith.index_cast %scan3A_598 : i32 to index
        %get3A_614 = arith.constant 16 : index
        %get3A_615 = tpu.vector_load %arg21[%get3A_613, %get3A_614] {strides = array<i32>} : memref<80x64xf32, #tpu.memory_space<vmem>>, vector<16xf32>,
        %get3A_616 = arith.index_cast %scan3A_598 : i32 to index
        %get3A_617 = arith.constant 16 : index
        %get3A_618 = tpu.vector_load %arg23[%get3A_616, %get3A_617] {strides = array<i32>} : memref<80x64xf32, #tpu.memory_space<vmem>>, vector<16xf32>,
        %mul3A_619 = arith.mulf %get3A_615, %get3A_618 : vector<16xf32>
        %reduce_sum3A_620 = arith.constant true
        %reduce_sum3A_621 = vector.broadcast %reduce_sum3A_620 : i1 to vector<16xi1>
        %reduce_sum3A_622 = tpu.scan <sum>, %mul3A_619 masked %reduce_sum3A_621 : vector<16xf32>, vector<16xi1> -> vector<16xf32>
        %reduce_sum3A_623 = vector.extract %reduce_sum3A_622[15] : f32 from vector<16xf32>
        %eq3A_624 = arith.constant 1 : i32
        %eq3A_625 = vector.broadcast %eq3A_624 : i32 to vector<16xi32>
        %eq3A_626 = arith.cmpi eq, %iota3A, %eq3A_625 : vector<16xi32>
        %broadcast_in_dim3A_627 = vector.broadcast %reduce_sum3A_623 : f32 to vector<16xf32>
        %select_n3A_628 = arith.select %eq3A_626, %broadcast_in_dim3A_627, %select_n3A : vector<16xi1>, vector<16xf32>
        %get3A_629 = arith.index_cast %scan3A_598 : i32 to index
        %get3A_630 = arith.constant 32 : index
        %get3A_631 = tpu.vector_load %arg21[%get3A_629, %get3A_630] {strides = array<i32>} : memref<80x64xf32, #tpu.memory_space<vmem>>, vector<16xf32>,
        %get3A_632 = arith.index_cast %scan3A_598 : i32 to index
        %get3A_633 = arith.constant 32 : index
        %get3A_634 = tpu.vector_load %arg23[%get3A_632, %get3A_633] {strides = array<i32>} : memref<80x64xf32, #tpu.memory_space<vmem>>, vector<16xf32>,
        %mul3A_635 = arith.mulf %get3A_631, %get3A_634 : vector<16xf32>
        %reduce_sum3A_636 = arith.constant true
        %reduce_sum3A_637 = vector.broadcast %reduce_sum3A_636 : i1 to vector<16xi1>
        %reduce_sum3A_638 = tpu.scan <sum>, %mul3A_635 masked %reduce_sum3A_637 : vector<16xf32>, vector<16xi1> -> vector<16xf32>
        %reduce_sum3A_639 = vector.extract %reduce_sum3A_638[15] : f32 from vector<16xf32>
        %eq3A_640 = arith.constant 2 : i32
        %eq3A_641 = vector.broadcast %eq3A_640 : i32 to vector<16xi32>
        %eq3A_642 = arith.cmpi eq, %iota3A, %eq3A_641 : vector<16xi32>
        %broadcast_in_dim3A_643 = vector.broadcast %reduce_sum3A_639 : f32 to vector<16xf32>
        %select_n3A_644 = arith.select %eq3A_642, %broadcast_in_dim3A_643, %select_n3A_628 : vector<16xi1>, vector<16xf32>
        %get3A_645 = arith.index_cast %scan3A_598 : i32 to index
        %get3A_646 = arith.constant 48 : index
        %get3A_647 = tpu.vector_load %arg21[%get3A_645, %get3A_646] {strides = array<i32>} : memref<80x64xf32, #tpu.memory_space<vmem>>, vector<16xf32>,
        %get3A_648 = arith.index_cast %scan3A_598 : i32 to index
        %get3A_649 = arith.constant 48 : index
        %get3A_650 = tpu.vector_load %arg23[%get3A_648, %get3A_649] {strides = array<i32>} : memref<80x64xf32, #tpu.memory_space<vmem>>, vector<16xf32>,
        %mul3A_651 = arith.mulf %get3A_647, %get3A_650 : vector<16xf32>
        %reduce_sum3A_652 = arith.constant true
        %reduce_sum3A_653 = vector.broadcast %reduce_sum3A_652 : i1 to vector<16xi1>
        %reduce_sum3A_654 = tpu.scan <sum>, %mul3A_651 masked %reduce_sum3A_653 : vector<16xf32>, vector<16xi1> -> vector<16xf32>
        %reduce_sum3A_655 = vector.extract %reduce_sum3A_654[15] : f32 from vector<16xf32>
        %eq3A_656 = arith.constant 3 : i32
        %eq3A_657 = vector.broadcast %eq3A_656 : i32 to vector<16xi32>
        %eq3A_658 = arith.cmpi eq, %iota3A, %eq3A_657 : vector<16xi32>
        %broadcast_in_dim3A_659 = vector.broadcast %reduce_sum3A_655 : f32 to vector<16xf32>
        %select_n3A_660 = arith.select %eq3A_658, %broadcast_in_dim3A_659, %select_n3A_644 : vector<16xi1>, vector<16xf32>
        %jit3A = arith.constant -5.000000e+00 : f32
        %jit3A_661 = arith.constant 5.000000e+00 : f32
        %max3A = vector.broadcast %jit3A : f32 to vector<16xf32>
        %max3A_662 = arith.maximumf %max3A, %select_n3A_660 : vector<16xf32>
        %min3A = vector.broadcast %jit3A_661 : f32 to vector<16xf32>
        %min3A_663 = arith.minimumf %min3A, %max3A_662 : vector<16xf32>
        %exp3A = math.exp %min3A_663 : vector<16xf32>
        %add3A_664 = arith.addi %add3A_384, %scan3A_598 : i32
        %lt3A = arith.constant 320000 : i32
        %lt3A_665 = arith.cmpi slt, %add3A_664, %lt3A : i32
        %jit3A_666 = arith.constant 0.000000e+00 : f32
        %broadcast_in_dim3A_667 = vector.broadcast %jit3A_666 : f32 to vector<16xf32>
        %select_n3A_668 = arith.select %lt3A_665, %exp3A, %broadcast_in_dim3A_667 : vector<16xf32>
        %add3A_669 = arith.addf %scan3A_599, %select_n3A_668 : vector<16xf32>
        %slice3A = vector.extract_strided_slice %select_n3A_668 {offsets = [0], sizes = [1], strides = [1]} : vector<16xf32> to vector<1xf32>
        %squeeze3A = vector.extract %slice3A[0] : f32 from vector<1xf32>
        %get3A_670 = arith.index_cast %scan3A_598 : i32 to index
        %get3A_671 = arith.constant 0 : index
        %get3A_672 = tpu.vector_load %arg25[%get3A_670, %get3A_671] {strides = array<i32>} : memref<80x64xf32, #tpu.memory_space<vmem>>, vector<16xf32>,
        %mul3A_673 = vector.broadcast %squeeze3A : f32 to vector<16xf32>
        %mul3A_674 = arith.mulf %mul3A_673, %get3A_672 : vector<16xf32>
        %swap3A_675 = arith.index_cast %scan3A_598 : i32 to index
        %swap3A_676 = arith.constant 0 : index
        %swap3A_677 = tpu.vector_load %arg27[%swap3A_675, %swap3A_676] {strides = array<i32>} : memref<80x64xf32, #tpu.memory_space<vmem>>, vector<16xf32>,
        tpu.vector_store %arg27[%swap3A_675, %swap3A_676], %mul3A_674 {strides = array<i32>} : memref<80x64xf32, #tpu.memory_space<vmem>>, vector<16xf32>,
        %slice3A_678 = vector.extract_strided_slice %select_n3A_668 {offsets = [1], sizes = [1], strides = [1]} : vector<16xf32> to vector<1xf32>
        %squeeze3A_679 = vector.extract %slice3A_678[0] : f32 from vector<1xf32>
        %get3A_680 = arith.index_cast %scan3A_598 : i32 to index
        %get3A_681 = arith.constant 16 : index
        %get3A_682 = tpu.vector_load %arg25[%get3A_680, %get3A_681] {strides = array<i32>} : memref<80x64xf32, #tpu.memory_space<vmem>>, vector<16xf32>,
        %mul3A_683 = vector.broadcast %squeeze3A_679 : f32 to vector<16xf32>
        %mul3A_684 = arith.mulf %mul3A_683, %get3A_682 : vector<16xf32>
        %swap3A_685 = arith.index_cast %scan3A_598 : i32 to index
        %swap3A_686 = arith.constant 16 : index
        %swap3A_687 = tpu.vector_load %arg27[%swap3A_685, %swap3A_686] {strides = array<i32>} : memref<80x64xf32, #tpu.memory_space<vmem>>, vector<16xf32>,
        tpu.vector_store %arg27[%swap3A_685, %swap3A_686], %mul3A_684 {strides = array<i32>} : memref<80x64xf32, #tpu.memory_space<vmem>>, vector<16xf32>,
        %slice3A_688 = vector.extract_strided_slice %select_n3A_668 {offsets = [2], sizes = [1], strides = [1]} : vector<16xf32> to vector<1xf32>
        %squeeze3A_689 = vector.extract %slice3A_688[0] : f32 from vector<1xf32>
        %get3A_690 = arith.index_cast %scan3A_598 : i32 to index
        %get3A_691 = arith.constant 32 : index
        %get3A_692 = tpu.vector_load %arg25[%get3A_690, %get3A_691] {strides = array<i32>} : memref<80x64xf32, #tpu.memory_space<vmem>>, vector<16xf32>,
        %mul3A_693 = vector.broadcast %squeeze3A_689 : f32 to vector<16xf32>
        %mul3A_694 = arith.mulf %mul3A_693, %get3A_692 : vector<16xf32>
        %swap3A_695 = arith.index_cast %scan3A_598 : i32 to index
        %swap3A_696 = arith.constant 32 : index
        %swap3A_697 = tpu.vector_load %arg27[%swap3A_695, %swap3A_696] {strides = array<i32>} : memref<80x64xf32, #tpu.memory_space<vmem>>, vector<16xf32>,
        tpu.vector_store %arg27[%swap3A_695, %swap3A_696], %mul3A_694 {strides = array<i32>} : memref<80x64xf32, #tpu.memory_space<vmem>>, vector<16xf32>,
        %slice3A_698 = vector.extract_strided_slice %select_n3A_668 {offsets = [3], sizes = [1], strides = [1]} : vector<16xf32> to vector<1xf32>
        %squeeze3A_699 = vector.extract %slice3A_698[0] : f32 from vector<1xf32>
        %get3A_700 = arith.index_cast %scan3A_598 : i32 to index
        %get3A_701 = arith.constant 48 : index
        %get3A_702 = tpu.vector_load %arg25[%get3A_700, %get3A_701] {strides = array<i32>} : memref<80x64xf32, #tpu.memory_space<vmem>>, vector<16xf32>,
        %mul3A_703 = vector.broadcast %squeeze3A_699 : f32 to vector<16xf32>
        %mul3A_704 = arith.mulf %mul3A_703, %get3A_702 : vector<16xf32>
        %swap3A_705 = arith.index_cast %scan3A_598 : i32 to index
        %swap3A_706 = arith.constant 48 : index
        %swap3A_707 = tpu.vector_load %arg27[%swap3A_705, %swap3A_706] {strides = array<i32>} : memref<80x64xf32, #tpu.memory_space<vmem>>, vector<16xf32>,
        tpu.vector_store %arg27[%swap3A_705, %swap3A_706], %mul3A_704 {strides = array<i32>} : memref<80x64xf32, #tpu.memory_space<vmem>>, vector<16xf32>,
        scf.yield %add3A_669 : vector<16xf32>
      }
      %scan3A_390 = arith.constant 80 : i32
      %run_scoped3A_391 = arith.constant 0 : i32
      "tpu.region"() ({
        %run_scoped3A_598 = tpu.sem_alloc : memref<!tpu.dma_semaphore, #tpu.memory_space<semaphore_mem>>
        %dma_start3A_599 = arith.constant 0 : i32
        %dma_start3A_600 = tpu.memref_slice %arg18[%run_scoped3A_391, %dma_start3A_599] : memref<1x80xi32, #tpu.memory_space<vmem>> -> memref<1x80xi32, #tpu.memory_space<vmem>>
        %dma_start3A_601 = tpu.memref_squeeze %dma_start3A_600 : memref<1x80xi32, #tpu.memory_space<vmem>> -> memref<80xi32, #tpu.memory_space<vmem>>
        %dma_start3A_602 = arith.constant 0 : i32
        %dma_start3A_603 = arith.constant 0 : i32
        %dma_start3A_604 = tpu.memref_slice %arg29[%dma_start3A_602, %dma_start3A_603] : memref<10240x64xf32, #tpu.memory_space<vmem_shared>> -> memref<10240x64xf32, #tpu.memory_space<vmem_shared>>
        tpu.enqueue_indirect_dma source(%arg27 : memref<80x64xf32, #tpu.memory_space<vmem>>) target(%dma_start3A_604 : memref<10240x64xf32, #tpu.memory_space<vmem_shared>>) offsets(%dma_start3A_601 : memref<80xi32, #tpu.memory_space<vmem>>) semaphore(%run_scoped3A_598 : memref<!tpu.dma_semaphore, #tpu.memory_space<semaphore_mem>>) {add = true}
        %dma_wait3A_605 = arith.constant 0 : i32
        %dma_wait3A_606 = tpu.memref_slice %arg18[%run_scoped3A_391, %dma_wait3A_605] : memref<1x80xi32, #tpu.memory_space<vmem>> -> memref<1x80xi32, #tpu.memory_space<vmem>>
        %dma_wait3A_607 = tpu.memref_squeeze %dma_wait3A_606 : memref<1x80xi32, #tpu.memory_space<vmem>> -> memref<80xi32, #tpu.memory_space<vmem>>
        %dma_wait3A_608 = arith.constant 0 : i32
        %dma_wait3A_609 = arith.constant 0 : i32
        %dma_wait3A_610 = tpu.memref_slice %arg29[%dma_wait3A_608, %dma_wait3A_609] : memref<10240x64xf32, #tpu.memory_space<vmem_shared>> -> memref<10240x64xf32, #tpu.memory_space<vmem_shared>>
        tpu.wait_indirect_dma semaphore(%run_scoped3A_598 : memref<!tpu.dma_semaphore, #tpu.memory_space<semaphore_mem>>) src(%arg27 : memref<80x64xf32, #tpu.memory_space<vmem>>) dst(%dma_wait3A_610 : memref<10240x64xf32, #tpu.memory_space<vmem_shared>>)
        tpu.yield
      }) : () -> ()
      %dma_wait3A_392 = arith.constant 0 : i32
      %dma_wait3A_393 = arith.constant 0 : i32
      %dma_wait3A_394 = arith.constant 0 : i32
      %dma_wait3A_395 = tpu.memref_slice %arg8[%arg1, %dma_wait3A_392, %dma_wait3A_393, %dma_wait3A_394] : memref<16x260x1x80xi32, #tpu.memory_space<hbm>> -> memref<1x1x1x80xi32, #tpu.memory_space<hbm>>
      %dma_wait3A_396 = tpu.memref_squeeze %dma_wait3A_395 : memref<1x1x1x80xi32, #tpu.memory_space<hbm>> -> memref<1x80xi32, #tpu.memory_space<hbm>>
      %dma_wait3A_397 = arith.constant 0 : i32
      %dma_wait3A_398 = arith.constant 0 : i32
      %dma_wait3A_399 = tpu.memref_slice %arg8[%arg1, %dma_wait3A_392, %dma_wait3A_397, %dma_wait3A_398] : memref<16x260x1x80xi32, #tpu.memory_space<hbm>> -> memref<1x1x1x80xi32, #tpu.memory_space<hbm>>
      %dma_wait3A_400 = tpu.memref_squeeze %dma_wait3A_399 : memref<1x1x1x80xi32, #tpu.memory_space<hbm>> -> memref<1x80xi32, #tpu.memory_space<hbm>>
      tpu.wait_dma2 semaphore(%arg33 : memref<!tpu.dma_semaphore, #tpu.memory_space<semaphore_mem>>) src(%dma_wait3A_400 : memref<1x80xi32, #tpu.memory_space<hbm>>) dst(%arg15 : memref<1x80xi32, #tpu.memory_space<vmem>>)
      %dma_wait3A_401 = arith.constant 0 : i32
      %dma_wait3A_402 = arith.constant 0 : i32
      %dma_wait3A_403 = arith.constant 0 : i32
      %dma_wait3A_404 = tpu.memref_slice %arg8[%arg1, %dma_wait3A_401, %dma_wait3A_402, %dma_wait3A_403] : memref<16x260x1x80xi32, #tpu.memory_space<hbm>> -> memref<1x1x1x80xi32, #tpu.memory_space<hbm>>
      %dma_wait3A_405 = tpu.memref_squeeze %dma_wait3A_404 : memref<1x1x1x80xi32, #tpu.memory_space<hbm>> -> memref<1x80xi32, #tpu.memory_space<hbm>>
      %dma_wait3A_406 = arith.constant 0 : i32
      %dma_wait3A_407 = arith.constant 0 : i32
      %dma_wait3A_408 = tpu.memref_slice %arg8[%arg1, %dma_wait3A_401, %dma_wait3A_406, %dma_wait3A_407] : memref<16x260x1x80xi32, #tpu.memory_space<hbm>> -> memref<1x1x1x80xi32, #tpu.memory_space<hbm>>
      %dma_wait3A_409 = tpu.memref_squeeze %dma_wait3A_408 : memref<1x1x1x80xi32, #tpu.memory_space<hbm>> -> memref<1x80xi32, #tpu.memory_space<hbm>>
      tpu.wait_dma2 semaphore(%arg33 : memref<!tpu.dma_semaphore, #tpu.memory_space<semaphore_mem>>) src(%dma_wait3A_409 : memref<1x80xi32, #tpu.memory_space<hbm>>) dst(%arg15 : memref<1x80xi32, #tpu.memory_space<vmem>>)
      %eq3A_410 = arith.constant 0 : i32
      %eq3A_411 = arith.cmpi eq, %arg0, %eq3A_410 : i32
      %convert_element_type3A_412 = arith.extui %eq3A_411 : i1 to i32
      %cond3A_413 = arith.constant 0 : i32
      %cond3A_414 = arith.cmpi ne, %convert_element_type3A_412, %cond3A_413 : i32
      scf.if %cond3A_414 {
        %dma_start3A_598 = arith.constant 0 : i32
        %dma_start3A_599 = arith.constant 0 : i32
        %dma_start3A_600 = tpu.memref_slice %arg19[%dma_start3A_598, %dma_start3A_599] : memref<1x80xi32, #tpu.memory_space<vmem>> -> memref<1x80xi32, #tpu.memory_space<vmem>>
        %dma_start3A_601 = tpu.memref_squeeze %dma_start3A_600 : memref<1x80xi32, #tpu.memory_space<vmem>> -> memref<80xi32, #tpu.memory_space<vmem>>
        %dma_start3A_602 = arith.constant 0 : i32
        %dma_start3A_603 = arith.constant 0 : i32
        %dma_start3A_604 = tpu.memref_slice %arg2[%dma_start3A_602, %dma_start3A_603] : memref<10000x64xf32, #tpu.memory_space<hbm>> -> memref<10000x64xf32, #tpu.memory_space<hbm>>
        tpu.enqueue_indirect_dma source(%dma_start3A_604 : memref<10000x64xf32, #tpu.memory_space<hbm>>) target(%arg21 : memref<80x64xf32, #tpu.memory_space<vmem>>) offsets(%dma_start3A_601 : memref<80xi32, #tpu.memory_space<vmem>>) semaphore(%arg35 : memref<!tpu.dma_semaphore, #tpu.memory_space<semaphore_mem>>)
        %dma_start3A_605 = arith.constant 0 : i32
        %dma_start3A_606 = arith.constant 0 : i32
        %dma_start3A_607 = tpu.memref_slice %arg15[%dma_start3A_605, %dma_start3A_606] : memref<1x80xi32, #tpu.memory_space<vmem>> -> memref<1x80xi32, #tpu.memory_space<vmem>>
        %dma_start3A_608 = tpu.memref_squeeze %dma_start3A_607 : memref<1x80xi32, #tpu.memory_space<vmem>> -> memref<80xi32, #tpu.memory_space<vmem>>
        %dma_start3A_609 = arith.constant 0 : i32
        %dma_start3A_610 = arith.constant 0 : i32
        %dma_start3A_611 = tpu.memref_slice %arg4[%dma_start3A_609, %dma_start3A_610] : memref<10000x64xf32, #tpu.memory_space<hbm>> -> memref<10000x64xf32, #tpu.memory_space<hbm>>
        tpu.enqueue_indirect_dma source(%dma_start3A_611 : memref<10000x64xf32, #tpu.memory_space<hbm>>) target(%arg23 : memref<80x64xf32, #tpu.memory_space<vmem>>) offsets(%dma_start3A_608 : memref<80xi32, #tpu.memory_space<vmem>>) semaphore(%arg35 : memref<!tpu.dma_semaphore, #tpu.memory_space<semaphore_mem>>)
        %dma_start3A_612 = arith.constant 0 : i32
        %dma_start3A_613 = arith.constant 0 : i32
        %dma_start3A_614 = tpu.memref_slice %arg15[%dma_start3A_612, %dma_start3A_613] : memref<1x80xi32, #tpu.memory_space<vmem>> -> memref<1x80xi32, #tpu.memory_space<vmem>>
        %dma_start3A_615 = tpu.memref_squeeze %dma_start3A_614 : memref<1x80xi32, #tpu.memory_space<vmem>> -> memref<80xi32, #tpu.memory_space<vmem>>
        %dma_start3A_616 = arith.constant 0 : i32
        %dma_start3A_617 = arith.constant 0 : i32
        %dma_start3A_618 = tpu.memref_slice %arg6[%dma_start3A_616, %dma_start3A_617] : memref<10000x64xf32, #tpu.memory_space<hbm>> -> memref<10000x64xf32, #tpu.memory_space<hbm>>
        tpu.enqueue_indirect_dma source(%dma_start3A_618 : memref<10000x64xf32, #tpu.memory_space<hbm>>) target(%arg25 : memref<80x64xf32, #tpu.memory_space<vmem>>) offsets(%dma_start3A_615 : memref<80xi32, #tpu.memory_space<vmem>>) semaphore(%arg35 : memref<!tpu.dma_semaphore, #tpu.memory_space<semaphore_mem>>)
      } else {
      }
      %eq3A_415 = arith.constant 1 : i32
      %eq3A_416 = arith.cmpi eq, %arg0, %eq3A_415 : i32
      %convert_element_type3A_417 = arith.extui %eq3A_416 : i1 to i32
      %cond3A_418 = arith.constant 0 : i32
      %cond3A_419 = arith.cmpi ne, %convert_element_type3A_417, %cond3A_418 : i32
      scf.if %cond3A_419 {
        %dma_start3A_598 = arith.constant 0 : i32
        %dma_start3A_599 = arith.constant 0 : i32
        %dma_start3A_600 = tpu.memref_slice %arg19[%dma_start3A_598, %dma_start3A_599] : memref<1x80xi32, #tpu.memory_space<vmem>> -> memref<1x80xi32, #tpu.memory_space<vmem>>
        %dma_start3A_601 = tpu.memref_squeeze %dma_start3A_600 : memref<1x80xi32, #tpu.memory_space<vmem>> -> memref<80xi32, #tpu.memory_space<vmem>>
        %dma_start3A_602 = arith.constant 0 : i32
        %dma_start3A_603 = arith.constant 0 : i32
        %dma_start3A_604 = tpu.memref_slice %arg3[%dma_start3A_602, %dma_start3A_603] : memref<10000x64xf32, #tpu.memory_space<hbm>> -> memref<10000x64xf32, #tpu.memory_space<hbm>>
        tpu.enqueue_indirect_dma source(%dma_start3A_604 : memref<10000x64xf32, #tpu.memory_space<hbm>>) target(%arg21 : memref<80x64xf32, #tpu.memory_space<vmem>>) offsets(%dma_start3A_601 : memref<80xi32, #tpu.memory_space<vmem>>) semaphore(%arg35 : memref<!tpu.dma_semaphore, #tpu.memory_space<semaphore_mem>>)
        %dma_start3A_605 = arith.constant 0 : i32
        %dma_start3A_606 = arith.constant 0 : i32
        %dma_start3A_607 = tpu.memref_slice %arg15[%dma_start3A_605, %dma_start3A_606] : memref<1x80xi32, #tpu.memory_space<vmem>> -> memref<1x80xi32, #tpu.memory_space<vmem>>
        %dma_start3A_608 = tpu.memref_squeeze %dma_start3A_607 : memref<1x80xi32, #tpu.memory_space<vmem>> -> memref<80xi32, #tpu.memory_space<vmem>>
        %dma_start3A_609 = arith.constant 0 : i32
        %dma_start3A_610 = arith.constant 0 : i32
        %dma_start3A_611 = tpu.memref_slice %arg5[%dma_start3A_609, %dma_start3A_610] : memref<10000x64xf32, #tpu.memory_space<hbm>> -> memref<10000x64xf32, #tpu.memory_space<hbm>>
        tpu.enqueue_indirect_dma source(%dma_start3A_611 : memref<10000x64xf32, #tpu.memory_space<hbm>>) target(%arg23 : memref<80x64xf32, #tpu.memory_space<vmem>>) offsets(%dma_start3A_608 : memref<80xi32, #tpu.memory_space<vmem>>) semaphore(%arg35 : memref<!tpu.dma_semaphore, #tpu.memory_space<semaphore_mem>>)
        %dma_start3A_612 = arith.constant 0 : i32
        %dma_start3A_613 = arith.constant 0 : i32
        %dma_start3A_614 = tpu.memref_slice %arg15[%dma_start3A_612, %dma_start3A_613] : memref<1x80xi32, #tpu.memory_space<vmem>> -> memref<1x80xi32, #tpu.memory_space<vmem>>
        %dma_start3A_615 = tpu.memref_squeeze %dma_start3A_614 : memref<1x80xi32, #tpu.memory_space<vmem>> -> memref<80xi32, #tpu.memory_space<vmem>>
        %dma_start3A_616 = arith.constant 0 : i32
        %dma_start3A_617 = arith.constant 0 : i32
        %dma_start3A_618 = tpu.memref_slice %arg7[%dma_start3A_616, %dma_start3A_617] : memref<10000x64xf32, #tpu.memory_space<hbm>> -> memref<10000x64xf32, #tpu.memory_space<hbm>>
        tpu.enqueue_indirect_dma source(%dma_start3A_618 : memref<10000x64xf32, #tpu.memory_space<hbm>>) target(%arg25 : memref<80x64xf32, #tpu.memory_space<vmem>>) offsets(%dma_start3A_615 : memref<80xi32, #tpu.memory_space<vmem>>) semaphore(%arg35 : memref<!tpu.dma_semaphore, #tpu.memory_space<semaphore_mem>>)
      } else {
      }
      %add3A_420 = arith.constant 4 : i32
      %add3A_421 = arith.addi %add3A_361, %add3A_420 : i32
      %dma_start3A_422 = arith.constant 0 : i32
      %dma_start3A_423 = arith.constant 0 : i32
      %dma_start3A_424 = tpu.memref_slice %arg8[%arg1, %add3A_421, %dma_start3A_422, %dma_start3A_423] : memref<16x260x1x80xi32, #tpu.memory_space<hbm>> -> memref<1x1x1x80xi32, #tpu.memory_space<hbm>>
      %dma_start3A_425 = tpu.memref_squeeze %dma_start3A_424 : memref<1x1x1x80xi32, #tpu.memory_space<hbm>> -> memref<1x80xi32, #tpu.memory_space<hbm>>
      %dma_start3A_426 = arith.constant 0 : i32
      %dma_start3A_427 = arith.constant 0 : i32
      %dma_start3A_428 = tpu.memref_slice %arg8[%arg1, %add3A_421, %dma_start3A_426, %dma_start3A_427] : memref<16x260x1x80xi32, #tpu.memory_space<hbm>> -> memref<1x1x1x80xi32, #tpu.memory_space<hbm>>
      %dma_start3A_429 = tpu.memref_squeeze %dma_start3A_428 : memref<1x1x1x80xi32, #tpu.memory_space<hbm>> -> memref<1x80xi32, #tpu.memory_space<hbm>>
      tpu.enqueue_dma source(%dma_start3A_429 : memref<1x80xi32, #tpu.memory_space<hbm>>) target(%arg14 : memref<1x80xi32, #tpu.memory_space<vmem>>) target_semaphore(%arg32 : memref<!tpu.dma_semaphore, #tpu.memory_space<semaphore_mem>>)
      %dma_start3A_430 = arith.constant 0 : i32
      %dma_start3A_431 = arith.constant 0 : i32
      %dma_start3A_432 = tpu.memref_slice %arg9[%arg1, %add3A_421, %dma_start3A_430, %dma_start3A_431] : memref<16x260x1x80xi32, #tpu.memory_space<hbm>> -> memref<1x1x1x80xi32, #tpu.memory_space<hbm>>
      %dma_start3A_433 = tpu.memref_squeeze %dma_start3A_432 : memref<1x1x1x80xi32, #tpu.memory_space<hbm>> -> memref<1x80xi32, #tpu.memory_space<hbm>>
      %dma_start3A_434 = arith.constant 0 : i32
      %dma_start3A_435 = arith.constant 0 : i32
      %dma_start3A_436 = tpu.memref_slice %arg9[%arg1, %add3A_421, %dma_start3A_434, %dma_start3A_435] : memref<16x260x1x80xi32, #tpu.memory_space<hbm>> -> memref<1x1x1x80xi32, #tpu.memory_space<hbm>>
      %dma_start3A_437 = tpu.memref_squeeze %dma_start3A_436 : memref<1x1x1x80xi32, #tpu.memory_space<hbm>> -> memref<1x80xi32, #tpu.memory_space<hbm>>
      tpu.enqueue_dma source(%dma_start3A_437 : memref<1x80xi32, #tpu.memory_space<hbm>>) target(%arg18 : memref<1x80xi32, #tpu.memory_space<vmem>>) target_semaphore(%arg32 : memref<!tpu.dma_semaphore, #tpu.memory_space<semaphore_mem>>)
      %mul3A_438 = arith.constant 4 : i32
      %mul3A_439 = arith.muli %mul3A_438, %scan3A_277 : i32
      %add3A_440 = arith.constant 2 : i32
      %add3A_441 = arith.addi %mul3A_439, %add3A_440 : i32
      %dma_wait3A_442 = arith.constant 0 : i32
      %dma_wait3A_443 = arith.constant 0 : i32
      %dma_wait3A_444 = tpu.memref_slice %arg2[%dma_wait3A_442, %dma_wait3A_443] : memref<10000x64xf32, #tpu.memory_space<hbm>> -> memref<80x64xf32, #tpu.memory_space<hbm>>
      %dma_wait3A_445 = arith.constant 0 : i32
      %dma_wait3A_446 = arith.constant 0 : i32
      %dma_wait3A_447 = tpu.memref_slice %arg2[%dma_wait3A_445, %dma_wait3A_446] : memref<10000x64xf32, #tpu.memory_space<hbm>> -> memref<80x64xf32, #tpu.memory_space<hbm>>
      tpu.wait_dma2 semaphore(%arg34 : memref<!tpu.dma_semaphore, #tpu.memory_space<semaphore_mem>>) src(%dma_wait3A_447 : memref<80x64xf32, #tpu.memory_space<hbm>>) dst(%arg20 : memref<80x64xf32, #tpu.memory_space<vmem>>)
      %dma_wait3A_448 = arith.constant 0 : i32
      %dma_wait3A_449 = arith.constant 0 : i32
      %dma_wait3A_450 = tpu.memref_slice %arg2[%dma_wait3A_448, %dma_wait3A_449] : memref<10000x64xf32, #tpu.memory_space<hbm>> -> memref<80x64xf32, #tpu.memory_space<hbm>>
      %dma_wait3A_451 = arith.constant 0 : i32
      %dma_wait3A_452 = arith.constant 0 : i32
      %dma_wait3A_453 = tpu.memref_slice %arg2[%dma_wait3A_451, %dma_wait3A_452] : memref<10000x64xf32, #tpu.memory_space<hbm>> -> memref<80x64xf32, #tpu.memory_space<hbm>>
      tpu.wait_dma2 semaphore(%arg34 : memref<!tpu.dma_semaphore, #tpu.memory_space<semaphore_mem>>) src(%dma_wait3A_453 : memref<80x64xf32, #tpu.memory_space<hbm>>) dst(%arg20 : memref<80x64xf32, #tpu.memory_space<vmem>>)
      %dma_wait3A_454 = arith.constant 0 : i32
      %dma_wait3A_455 = arith.constant 0 : i32
      %dma_wait3A_456 = tpu.memref_slice %arg2[%dma_wait3A_454, %dma_wait3A_455] : memref<10000x64xf32, #tpu.memory_space<hbm>> -> memref<80x64xf32, #tpu.memory_space<hbm>>
      %dma_wait3A_457 = arith.constant 0 : i32
      %dma_wait3A_458 = arith.constant 0 : i32
      %dma_wait3A_459 = tpu.memref_slice %arg2[%dma_wait3A_457, %dma_wait3A_458] : memref<10000x64xf32, #tpu.memory_space<hbm>> -> memref<80x64xf32, #tpu.memory_space<hbm>>
      tpu.wait_dma2 semaphore(%arg34 : memref<!tpu.dma_semaphore, #tpu.memory_space<semaphore_mem>>) src(%dma_wait3A_459 : memref<80x64xf32, #tpu.memory_space<hbm>>) dst(%arg20 : memref<80x64xf32, #tpu.memory_space<vmem>>)
      %mul3A_460 = arith.constant 20480 : i32
      %mul3A_461 = arith.muli %arg1, %mul3A_460 : i32
      %mul3A_462 = arith.constant 80 : i32
      %mul3A_463 = arith.muli %add3A_441, %mul3A_462 : i32
      %add3A_464 = arith.addi %mul3A_461, %mul3A_463 : i32
      %scan3A_465 = arith.constant 0 : i32
      %scan3A_466 = arith.constant 80 : i32
      %scan3A_467 = arith.addi %scan3A_465, %scan3A_466 : i32
      %scan3A_468 = arith.constant 1 : i32
      %scan3A_469 = scf.for %scan3A_598 = %scan3A_465 to %scan3A_467 step %scan3A_468 iter_args(%scan3A_599 = %scan3A_389) -> (vector<16xf32>)  : i32 {
        %get3A = arith.index_cast %scan3A_598 : i32 to index
        %get3A_600 = arith.constant 0 : index
        %get3A_601 = tpu.vector_load %arg20[%get3A, %get3A_600] {strides = array<i32>} : memref<80x64xf32, #tpu.memory_space<vmem>>, vector<16xf32>,
        %get3A_602 = arith.index_cast %scan3A_598 : i32 to index
        %get3A_603 = arith.constant 0 : index
        %get3A_604 = tpu.vector_load %arg22[%get3A_602, %get3A_603] {strides = array<i32>} : memref<80x64xf32, #tpu.memory_space<vmem>>, vector<16xf32>,
        %mul3A_605 = arith.mulf %get3A_601, %get3A_604 : vector<16xf32>
        %reduce_sum3A = arith.constant true
        %reduce_sum3A_606 = vector.broadcast %reduce_sum3A : i1 to vector<16xi1>
        %reduce_sum3A_607 = tpu.scan <sum>, %mul3A_605 masked %reduce_sum3A_606 : vector<16xf32>, vector<16xi1> -> vector<16xf32>
        %reduce_sum3A_608 = vector.extract %reduce_sum3A_607[15] : f32 from vector<16xf32>
        %eq3A_609 = arith.constant 0 : i32
        %eq3A_610 = vector.broadcast %eq3A_609 : i32 to vector<16xi32>
        %eq3A_611 = arith.cmpi eq, %iota3A, %eq3A_610 : vector<16xi32>
        %broadcast_in_dim3A_612 = vector.broadcast %reduce_sum3A_608 : f32 to vector<16xf32>
        %select_n3A = arith.select %eq3A_611, %broadcast_in_dim3A_612, %broadcast_in_dim3A_1 : vector<16xi1>, vector<16xf32>
        %get3A_613 = arith.index_cast %scan3A_598 : i32 to index
        %get3A_614 = arith.constant 16 : index
        %get3A_615 = tpu.vector_load %arg20[%get3A_613, %get3A_614] {strides = array<i32>} : memref<80x64xf32, #tpu.memory_space<vmem>>, vector<16xf32>,
        %get3A_616 = arith.index_cast %scan3A_598 : i32 to index
        %get3A_617 = arith.constant 16 : index
        %get3A_618 = tpu.vector_load %arg22[%get3A_616, %get3A_617] {strides = array<i32>} : memref<80x64xf32, #tpu.memory_space<vmem>>, vector<16xf32>,
        %mul3A_619 = arith.mulf %get3A_615, %get3A_618 : vector<16xf32>
        %reduce_sum3A_620 = arith.constant true
        %reduce_sum3A_621 = vector.broadcast %reduce_sum3A_620 : i1 to vector<16xi1>
        %reduce_sum3A_622 = tpu.scan <sum>, %mul3A_619 masked %reduce_sum3A_621 : vector<16xf32>, vector<16xi1> -> vector<16xf32>
        %reduce_sum3A_623 = vector.extract %reduce_sum3A_622[15] : f32 from vector<16xf32>
        %eq3A_624 = arith.constant 1 : i32
        %eq3A_625 = vector.broadcast %eq3A_624 : i32 to vector<16xi32>
        %eq3A_626 = arith.cmpi eq, %iota3A, %eq3A_625 : vector<16xi32>
        %broadcast_in_dim3A_627 = vector.broadcast %reduce_sum3A_623 : f32 to vector<16xf32>
        %select_n3A_628 = arith.select %eq3A_626, %broadcast_in_dim3A_627, %select_n3A : vector<16xi1>, vector<16xf32>
        %get3A_629 = arith.index_cast %scan3A_598 : i32 to index
        %get3A_630 = arith.constant 32 : index
        %get3A_631 = tpu.vector_load %arg20[%get3A_629, %get3A_630] {strides = array<i32>} : memref<80x64xf32, #tpu.memory_space<vmem>>, vector<16xf32>,
        %get3A_632 = arith.index_cast %scan3A_598 : i32 to index
        %get3A_633 = arith.constant 32 : index
        %get3A_634 = tpu.vector_load %arg22[%get3A_632, %get3A_633] {strides = array<i32>} : memref<80x64xf32, #tpu.memory_space<vmem>>, vector<16xf32>,
        %mul3A_635 = arith.mulf %get3A_631, %get3A_634 : vector<16xf32>
        %reduce_sum3A_636 = arith.constant true
        %reduce_sum3A_637 = vector.broadcast %reduce_sum3A_636 : i1 to vector<16xi1>
        %reduce_sum3A_638 = tpu.scan <sum>, %mul3A_635 masked %reduce_sum3A_637 : vector<16xf32>, vector<16xi1> -> vector<16xf32>
        %reduce_sum3A_639 = vector.extract %reduce_sum3A_638[15] : f32 from vector<16xf32>
        %eq3A_640 = arith.constant 2 : i32
        %eq3A_641 = vector.broadcast %eq3A_640 : i32 to vector<16xi32>
        %eq3A_642 = arith.cmpi eq, %iota3A, %eq3A_641 : vector<16xi32>
        %broadcast_in_dim3A_643 = vector.broadcast %reduce_sum3A_639 : f32 to vector<16xf32>
        %select_n3A_644 = arith.select %eq3A_642, %broadcast_in_dim3A_643, %select_n3A_628 : vector<16xi1>, vector<16xf32>
        %get3A_645 = arith.index_cast %scan3A_598 : i32 to index
        %get3A_646 = arith.constant 48 : index
        %get3A_647 = tpu.vector_load %arg20[%get3A_645, %get3A_646] {strides = array<i32>} : memref<80x64xf32, #tpu.memory_space<vmem>>, vector<16xf32>,
        %get3A_648 = arith.index_cast %scan3A_598 : i32 to index
        %get3A_649 = arith.constant 48 : index
        %get3A_650 = tpu.vector_load %arg22[%get3A_648, %get3A_649] {strides = array<i32>} : memref<80x64xf32, #tpu.memory_space<vmem>>, vector<16xf32>,
        %mul3A_651 = arith.mulf %get3A_647, %get3A_650 : vector<16xf32>
        %reduce_sum3A_652 = arith.constant true
        %reduce_sum3A_653 = vector.broadcast %reduce_sum3A_652 : i1 to vector<16xi1>
        %reduce_sum3A_654 = tpu.scan <sum>, %mul3A_651 masked %reduce_sum3A_653 : vector<16xf32>, vector<16xi1> -> vector<16xf32>
        %reduce_sum3A_655 = vector.extract %reduce_sum3A_654[15] : f32 from vector<16xf32>
        %eq3A_656 = arith.constant 3 : i32
        %eq3A_657 = vector.broadcast %eq3A_656 : i32 to vector<16xi32>
        %eq3A_658 = arith.cmpi eq, %iota3A, %eq3A_657 : vector<16xi32>
        %broadcast_in_dim3A_659 = vector.broadcast %reduce_sum3A_655 : f32 to vector<16xf32>
        %select_n3A_660 = arith.select %eq3A_658, %broadcast_in_dim3A_659, %select_n3A_644 : vector<16xi1>, vector<16xf32>
        %jit3A = arith.constant -5.000000e+00 : f32
        %jit3A_661 = arith.constant 5.000000e+00 : f32
        %max3A = vector.broadcast %jit3A : f32 to vector<16xf32>
        %max3A_662 = arith.maximumf %max3A, %select_n3A_660 : vector<16xf32>
        %min3A = vector.broadcast %jit3A_661 : f32 to vector<16xf32>
        %min3A_663 = arith.minimumf %min3A, %max3A_662 : vector<16xf32>
        %exp3A = math.exp %min3A_663 : vector<16xf32>
        %add3A_664 = arith.addi %add3A_464, %scan3A_598 : i32
        %lt3A = arith.constant 320000 : i32
        %lt3A_665 = arith.cmpi slt, %add3A_664, %lt3A : i32
        %jit3A_666 = arith.constant 0.000000e+00 : f32
        %broadcast_in_dim3A_667 = vector.broadcast %jit3A_666 : f32 to vector<16xf32>
        %select_n3A_668 = arith.select %lt3A_665, %exp3A, %broadcast_in_dim3A_667 : vector<16xf32>
        %add3A_669 = arith.addf %scan3A_599, %select_n3A_668 : vector<16xf32>
        %slice3A = vector.extract_strided_slice %select_n3A_668 {offsets = [0], sizes = [1], strides = [1]} : vector<16xf32> to vector<1xf32>
        %squeeze3A = vector.extract %slice3A[0] : f32 from vector<1xf32>
        %get3A_670 = arith.index_cast %scan3A_598 : i32 to index
        %get3A_671 = arith.constant 0 : index
        %get3A_672 = tpu.vector_load %arg24[%get3A_670, %get3A_671] {strides = array<i32>} : memref<80x64xf32, #tpu.memory_space<vmem>>, vector<16xf32>,
        %mul3A_673 = vector.broadcast %squeeze3A : f32 to vector<16xf32>
        %mul3A_674 = arith.mulf %mul3A_673, %get3A_672 : vector<16xf32>
        %swap3A_675 = arith.index_cast %scan3A_598 : i32 to index
        %swap3A_676 = arith.constant 0 : index
        %swap3A_677 = tpu.vector_load %arg26[%swap3A_675, %swap3A_676] {strides = array<i32>} : memref<80x64xf32, #tpu.memory_space<vmem>>, vector<16xf32>,
        tpu.vector_store %arg26[%swap3A_675, %swap3A_676], %mul3A_674 {strides = array<i32>} : memref<80x64xf32, #tpu.memory_space<vmem>>, vector<16xf32>,
        %slice3A_678 = vector.extract_strided_slice %select_n3A_668 {offsets = [1], sizes = [1], strides = [1]} : vector<16xf32> to vector<1xf32>
        %squeeze3A_679 = vector.extract %slice3A_678[0] : f32 from vector<1xf32>
        %get3A_680 = arith.index_cast %scan3A_598 : i32 to index
        %get3A_681 = arith.constant 16 : index
        %get3A_682 = tpu.vector_load %arg24[%get3A_680, %get3A_681] {strides = array<i32>} : memref<80x64xf32, #tpu.memory_space<vmem>>, vector<16xf32>,
        %mul3A_683 = vector.broadcast %squeeze3A_679 : f32 to vector<16xf32>
        %mul3A_684 = arith.mulf %mul3A_683, %get3A_682 : vector<16xf32>
        %swap3A_685 = arith.index_cast %scan3A_598 : i32 to index
        %swap3A_686 = arith.constant 16 : index
        %swap3A_687 = tpu.vector_load %arg26[%swap3A_685, %swap3A_686] {strides = array<i32>} : memref<80x64xf32, #tpu.memory_space<vmem>>, vector<16xf32>,
        tpu.vector_store %arg26[%swap3A_685, %swap3A_686], %mul3A_684 {strides = array<i32>} : memref<80x64xf32, #tpu.memory_space<vmem>>, vector<16xf32>,
        %slice3A_688 = vector.extract_strided_slice %select_n3A_668 {offsets = [2], sizes = [1], strides = [1]} : vector<16xf32> to vector<1xf32>
        %squeeze3A_689 = vector.extract %slice3A_688[0] : f32 from vector<1xf32>
        %get3A_690 = arith.index_cast %scan3A_598 : i32 to index
        %get3A_691 = arith.constant 32 : index
        %get3A_692 = tpu.vector_load %arg24[%get3A_690, %get3A_691] {strides = array<i32>} : memref<80x64xf32, #tpu.memory_space<vmem>>, vector<16xf32>,
        %mul3A_693 = vector.broadcast %squeeze3A_689 : f32 to vector<16xf32>
        %mul3A_694 = arith.mulf %mul3A_693, %get3A_692 : vector<16xf32>
        %swap3A_695 = arith.index_cast %scan3A_598 : i32 to index
        %swap3A_696 = arith.constant 32 : index
        %swap3A_697 = tpu.vector_load %arg26[%swap3A_695, %swap3A_696] {strides = array<i32>} : memref<80x64xf32, #tpu.memory_space<vmem>>, vector<16xf32>,
        tpu.vector_store %arg26[%swap3A_695, %swap3A_696], %mul3A_694 {strides = array<i32>} : memref<80x64xf32, #tpu.memory_space<vmem>>, vector<16xf32>,
        %slice3A_698 = vector.extract_strided_slice %select_n3A_668 {offsets = [3], sizes = [1], strides = [1]} : vector<16xf32> to vector<1xf32>
        %squeeze3A_699 = vector.extract %slice3A_698[0] : f32 from vector<1xf32>
        %get3A_700 = arith.index_cast %scan3A_598 : i32 to index
        %get3A_701 = arith.constant 48 : index
        %get3A_702 = tpu.vector_load %arg24[%get3A_700, %get3A_701] {strides = array<i32>} : memref<80x64xf32, #tpu.memory_space<vmem>>, vector<16xf32>,
        %mul3A_703 = vector.broadcast %squeeze3A_699 : f32 to vector<16xf32>
        %mul3A_704 = arith.mulf %mul3A_703, %get3A_702 : vector<16xf32>
        %swap3A_705 = arith.index_cast %scan3A_598 : i32 to index
        %swap3A_706 = arith.constant 48 : index
        %swap3A_707 = tpu.vector_load %arg26[%swap3A_705, %swap3A_706] {strides = array<i32>} : memref<80x64xf32, #tpu.memory_space<vmem>>, vector<16xf32>,
        tpu.vector_store %arg26[%swap3A_705, %swap3A_706], %mul3A_704 {strides = array<i32>} : memref<80x64xf32, #tpu.memory_space<vmem>>, vector<16xf32>,
        scf.yield %add3A_669 : vector<16xf32>
      }
      %scan3A_470 = arith.constant 80 : i32
      %run_scoped3A_471 = arith.constant 0 : i32
      "tpu.region"() ({
        %run_scoped3A_598 = tpu.sem_alloc : memref<!tpu.dma_semaphore, #tpu.memory_space<semaphore_mem>>
        %dma_start3A_599 = arith.constant 0 : i32
        %dma_start3A_600 = tpu.memref_slice %arg17[%run_scoped3A_471, %dma_start3A_599] : memref<1x80xi32, #tpu.memory_space<vmem>> -> memref<1x80xi32, #tpu.memory_space<vmem>>
        %dma_start3A_601 = tpu.memref_squeeze %dma_start3A_600 : memref<1x80xi32, #tpu.memory_space<vmem>> -> memref<80xi32, #tpu.memory_space<vmem>>
        %dma_start3A_602 = arith.constant 0 : i32
        %dma_start3A_603 = arith.constant 0 : i32
        %dma_start3A_604 = tpu.memref_slice %arg29[%dma_start3A_602, %dma_start3A_603] : memref<10240x64xf32, #tpu.memory_space<vmem_shared>> -> memref<10240x64xf32, #tpu.memory_space<vmem_shared>>
        tpu.enqueue_indirect_dma source(%arg26 : memref<80x64xf32, #tpu.memory_space<vmem>>) target(%dma_start3A_604 : memref<10240x64xf32, #tpu.memory_space<vmem_shared>>) offsets(%dma_start3A_601 : memref<80xi32, #tpu.memory_space<vmem>>) semaphore(%run_scoped3A_598 : memref<!tpu.dma_semaphore, #tpu.memory_space<semaphore_mem>>) {add = true}
        %dma_wait3A_605 = arith.constant 0 : i32
        %dma_wait3A_606 = tpu.memref_slice %arg17[%run_scoped3A_471, %dma_wait3A_605] : memref<1x80xi32, #tpu.memory_space<vmem>> -> memref<1x80xi32, #tpu.memory_space<vmem>>
        %dma_wait3A_607 = tpu.memref_squeeze %dma_wait3A_606 : memref<1x80xi32, #tpu.memory_space<vmem>> -> memref<80xi32, #tpu.memory_space<vmem>>
        %dma_wait3A_608 = arith.constant 0 : i32
        %dma_wait3A_609 = arith.constant 0 : i32
        %dma_wait3A_610 = tpu.memref_slice %arg29[%dma_wait3A_608, %dma_wait3A_609] : memref<10240x64xf32, #tpu.memory_space<vmem_shared>> -> memref<10240x64xf32, #tpu.memory_space<vmem_shared>>
        tpu.wait_indirect_dma semaphore(%run_scoped3A_598 : memref<!tpu.dma_semaphore, #tpu.memory_space<semaphore_mem>>) src(%arg26 : memref<80x64xf32, #tpu.memory_space<vmem>>) dst(%dma_wait3A_610 : memref<10240x64xf32, #tpu.memory_space<vmem_shared>>)
        tpu.yield
      }) : () -> ()
      %dma_wait3A_472 = arith.constant 0 : i32
      %dma_wait3A_473 = arith.constant 0 : i32
      %dma_wait3A_474 = arith.constant 0 : i32
      %dma_wait3A_475 = tpu.memref_slice %arg8[%arg1, %dma_wait3A_472, %dma_wait3A_473, %dma_wait3A_474] : memref<16x260x1x80xi32, #tpu.memory_space<hbm>> -> memref<1x1x1x80xi32, #tpu.memory_space<hbm>>
      %dma_wait3A_476 = tpu.memref_squeeze %dma_wait3A_475 : memref<1x1x1x80xi32, #tpu.memory_space<hbm>> -> memref<1x80xi32, #tpu.memory_space<hbm>>
      %dma_wait3A_477 = arith.constant 0 : i32
      %dma_wait3A_478 = arith.constant 0 : i32
      %dma_wait3A_479 = tpu.memref_slice %arg8[%arg1, %dma_wait3A_472, %dma_wait3A_477, %dma_wait3A_478] : memref<16x260x1x80xi32, #tpu.memory_space<hbm>> -> memref<1x1x1x80xi32, #tpu.memory_space<hbm>>
      %dma_wait3A_480 = tpu.memref_squeeze %dma_wait3A_479 : memref<1x1x1x80xi32, #tpu.memory_space<hbm>> -> memref<1x80xi32, #tpu.memory_space<hbm>>
      tpu.wait_dma2 semaphore(%arg30 : memref<!tpu.dma_semaphore, #tpu.memory_space<semaphore_mem>>) src(%dma_wait3A_480 : memref<1x80xi32, #tpu.memory_space<hbm>>) dst(%arg12 : memref<1x80xi32, #tpu.memory_space<vmem>>)
      %dma_wait3A_481 = arith.constant 0 : i32
      %dma_wait3A_482 = arith.constant 0 : i32
      %dma_wait3A_483 = arith.constant 0 : i32
      %dma_wait3A_484 = tpu.memref_slice %arg8[%arg1, %dma_wait3A_481, %dma_wait3A_482, %dma_wait3A_483] : memref<16x260x1x80xi32, #tpu.memory_space<hbm>> -> memref<1x1x1x80xi32, #tpu.memory_space<hbm>>
      %dma_wait3A_485 = tpu.memref_squeeze %dma_wait3A_484 : memref<1x1x1x80xi32, #tpu.memory_space<hbm>> -> memref<1x80xi32, #tpu.memory_space<hbm>>
      %dma_wait3A_486 = arith.constant 0 : i32
      %dma_wait3A_487 = arith.constant 0 : i32
      %dma_wait3A_488 = tpu.memref_slice %arg8[%arg1, %dma_wait3A_481, %dma_wait3A_486, %dma_wait3A_487] : memref<16x260x1x80xi32, #tpu.memory_space<hbm>> -> memref<1x1x1x80xi32, #tpu.memory_space<hbm>>
      %dma_wait3A_489 = tpu.memref_squeeze %dma_wait3A_488 : memref<1x1x1x80xi32, #tpu.memory_space<hbm>> -> memref<1x80xi32, #tpu.memory_space<hbm>>
      tpu.wait_dma2 semaphore(%arg30 : memref<!tpu.dma_semaphore, #tpu.memory_space<semaphore_mem>>) src(%dma_wait3A_489 : memref<1x80xi32, #tpu.memory_space<hbm>>) dst(%arg12 : memref<1x80xi32, #tpu.memory_space<vmem>>)
      %eq3A_490 = arith.constant 0 : i32
      %eq3A_491 = arith.cmpi eq, %arg0, %eq3A_490 : i32
      %convert_element_type3A_492 = arith.extui %eq3A_491 : i1 to i32
      %cond3A_493 = arith.constant 0 : i32
      %cond3A_494 = arith.cmpi ne, %convert_element_type3A_492, %cond3A_493 : i32
      scf.if %cond3A_494 {
        %dma_start3A_598 = arith.constant 0 : i32
        %dma_start3A_599 = arith.constant 0 : i32
        %dma_start3A_600 = tpu.memref_slice %arg16[%dma_start3A_598, %dma_start3A_599] : memref<1x80xi32, #tpu.memory_space<vmem>> -> memref<1x80xi32, #tpu.memory_space<vmem>>
        %dma_start3A_601 = tpu.memref_squeeze %dma_start3A_600 : memref<1x80xi32, #tpu.memory_space<vmem>> -> memref<80xi32, #tpu.memory_space<vmem>>
        %dma_start3A_602 = arith.constant 0 : i32
        %dma_start3A_603 = arith.constant 0 : i32
        %dma_start3A_604 = tpu.memref_slice %arg2[%dma_start3A_602, %dma_start3A_603] : memref<10000x64xf32, #tpu.memory_space<hbm>> -> memref<10000x64xf32, #tpu.memory_space<hbm>>
        tpu.enqueue_indirect_dma source(%dma_start3A_604 : memref<10000x64xf32, #tpu.memory_space<hbm>>) target(%arg20 : memref<80x64xf32, #tpu.memory_space<vmem>>) offsets(%dma_start3A_601 : memref<80xi32, #tpu.memory_space<vmem>>) semaphore(%arg34 : memref<!tpu.dma_semaphore, #tpu.memory_space<semaphore_mem>>)
        %dma_start3A_605 = arith.constant 0 : i32
        %dma_start3A_606 = arith.constant 0 : i32
        %dma_start3A_607 = tpu.memref_slice %arg12[%dma_start3A_605, %dma_start3A_606] : memref<1x80xi32, #tpu.memory_space<vmem>> -> memref<1x80xi32, #tpu.memory_space<vmem>>
        %dma_start3A_608 = tpu.memref_squeeze %dma_start3A_607 : memref<1x80xi32, #tpu.memory_space<vmem>> -> memref<80xi32, #tpu.memory_space<vmem>>
        %dma_start3A_609 = arith.constant 0 : i32
        %dma_start3A_610 = arith.constant 0 : i32
        %dma_start3A_611 = tpu.memref_slice %arg4[%dma_start3A_609, %dma_start3A_610] : memref<10000x64xf32, #tpu.memory_space<hbm>> -> memref<10000x64xf32, #tpu.memory_space<hbm>>
        tpu.enqueue_indirect_dma source(%dma_start3A_611 : memref<10000x64xf32, #tpu.memory_space<hbm>>) target(%arg22 : memref<80x64xf32, #tpu.memory_space<vmem>>) offsets(%dma_start3A_608 : memref<80xi32, #tpu.memory_space<vmem>>) semaphore(%arg34 : memref<!tpu.dma_semaphore, #tpu.memory_space<semaphore_mem>>)
        %dma_start3A_612 = arith.constant 0 : i32
        %dma_start3A_613 = arith.constant 0 : i32
        %dma_start3A_614 = tpu.memref_slice %arg12[%dma_start3A_612, %dma_start3A_613] : memref<1x80xi32, #tpu.memory_space<vmem>> -> memref<1x80xi32, #tpu.memory_space<vmem>>
        %dma_start3A_615 = tpu.memref_squeeze %dma_start3A_614 : memref<1x80xi32, #tpu.memory_space<vmem>> -> memref<80xi32, #tpu.memory_space<vmem>>
        %dma_start3A_616 = arith.constant 0 : i32
        %dma_start3A_617 = arith.constant 0 : i32
        %dma_start3A_618 = tpu.memref_slice %arg6[%dma_start3A_616, %dma_start3A_617] : memref<10000x64xf32, #tpu.memory_space<hbm>> -> memref<10000x64xf32, #tpu.memory_space<hbm>>
        tpu.enqueue_indirect_dma source(%dma_start3A_618 : memref<10000x64xf32, #tpu.memory_space<hbm>>) target(%arg24 : memref<80x64xf32, #tpu.memory_space<vmem>>) offsets(%dma_start3A_615 : memref<80xi32, #tpu.memory_space<vmem>>) semaphore(%arg34 : memref<!tpu.dma_semaphore, #tpu.memory_space<semaphore_mem>>)
      } else {
      }
      %eq3A_495 = arith.constant 1 : i32
      %eq3A_496 = arith.cmpi eq, %arg0, %eq3A_495 : i32
      %convert_element_type3A_497 = arith.extui %eq3A_496 : i1 to i32
      %cond3A_498 = arith.constant 0 : i32
      %cond3A_499 = arith.cmpi ne, %convert_element_type3A_497, %cond3A_498 : i32
      scf.if %cond3A_499 {
        %dma_start3A_598 = arith.constant 0 : i32
        %dma_start3A_599 = arith.constant 0 : i32
        %dma_start3A_600 = tpu.memref_slice %arg16[%dma_start3A_598, %dma_start3A_599] : memref<1x80xi32, #tpu.memory_space<vmem>> -> memref<1x80xi32, #tpu.memory_space<vmem>>
        %dma_start3A_601 = tpu.memref_squeeze %dma_start3A_600 : memref<1x80xi32, #tpu.memory_space<vmem>> -> memref<80xi32, #tpu.memory_space<vmem>>
        %dma_start3A_602 = arith.constant 0 : i32
        %dma_start3A_603 = arith.constant 0 : i32
        %dma_start3A_604 = tpu.memref_slice %arg3[%dma_start3A_602, %dma_start3A_603] : memref<10000x64xf32, #tpu.memory_space<hbm>> -> memref<10000x64xf32, #tpu.memory_space<hbm>>
        tpu.enqueue_indirect_dma source(%dma_start3A_604 : memref<10000x64xf32, #tpu.memory_space<hbm>>) target(%arg20 : memref<80x64xf32, #tpu.memory_space<vmem>>) offsets(%dma_start3A_601 : memref<80xi32, #tpu.memory_space<vmem>>) semaphore(%arg34 : memref<!tpu.dma_semaphore, #tpu.memory_space<semaphore_mem>>)
        %dma_start3A_605 = arith.constant 0 : i32
        %dma_start3A_606 = arith.constant 0 : i32
        %dma_start3A_607 = tpu.memref_slice %arg12[%dma_start3A_605, %dma_start3A_606] : memref<1x80xi32, #tpu.memory_space<vmem>> -> memref<1x80xi32, #tpu.memory_space<vmem>>
        %dma_start3A_608 = tpu.memref_squeeze %dma_start3A_607 : memref<1x80xi32, #tpu.memory_space<vmem>> -> memref<80xi32, #tpu.memory_space<vmem>>
        %dma_start3A_609 = arith.constant 0 : i32
        %dma_start3A_610 = arith.constant 0 : i32
        %dma_start3A_611 = tpu.memref_slice %arg5[%dma_start3A_609, %dma_start3A_610] : memref<10000x64xf32, #tpu.memory_space<hbm>> -> memref<10000x64xf32, #tpu.memory_space<hbm>>
        tpu.enqueue_indirect_dma source(%dma_start3A_611 : memref<10000x64xf32, #tpu.memory_space<hbm>>) target(%arg22 : memref<80x64xf32, #tpu.memory_space<vmem>>) offsets(%dma_start3A_608 : memref<80xi32, #tpu.memory_space<vmem>>) semaphore(%arg34 : memref<!tpu.dma_semaphore, #tpu.memory_space<semaphore_mem>>)
        %dma_start3A_612 = arith.constant 0 : i32
        %dma_start3A_613 = arith.constant 0 : i32
        %dma_start3A_614 = tpu.memref_slice %arg12[%dma_start3A_612, %dma_start3A_613] : memref<1x80xi32, #tpu.memory_space<vmem>> -> memref<1x80xi32, #tpu.memory_space<vmem>>
        %dma_start3A_615 = tpu.memref_squeeze %dma_start3A_614 : memref<1x80xi32, #tpu.memory_space<vmem>> -> memref<80xi32, #tpu.memory_space<vmem>>
        %dma_start3A_616 = arith.constant 0 : i32
        %dma_start3A_617 = arith.constant 0 : i32
        %dma_start3A_618 = tpu.memref_slice %arg7[%dma_start3A_616, %dma_start3A_617] : memref<10000x64xf32, #tpu.memory_space<hbm>> -> memref<10000x64xf32, #tpu.memory_space<hbm>>
        tpu.enqueue_indirect_dma source(%dma_start3A_618 : memref<10000x64xf32, #tpu.memory_space<hbm>>) target(%arg24 : memref<80x64xf32, #tpu.memory_space<vmem>>) offsets(%dma_start3A_615 : memref<80xi32, #tpu.memory_space<vmem>>) semaphore(%arg34 : memref<!tpu.dma_semaphore, #tpu.memory_space<semaphore_mem>>)
      } else {
      }
      %add3A_500 = arith.constant 4 : i32
      %add3A_501 = arith.addi %add3A_441, %add3A_500 : i32
      %dma_start3A_502 = arith.constant 0 : i32
      %dma_start3A_503 = arith.constant 0 : i32
      %dma_start3A_504 = tpu.memref_slice %arg8[%arg1, %add3A_501, %dma_start3A_502, %dma_start3A_503] : memref<16x260x1x80xi32, #tpu.memory_space<hbm>> -> memref<1x1x1x80xi32, #tpu.memory_space<hbm>>
      %dma_start3A_505 = tpu.memref_squeeze %dma_start3A_504 : memref<1x1x1x80xi32, #tpu.memory_space<hbm>> -> memref<1x80xi32, #tpu.memory_space<hbm>>
      %dma_start3A_506 = arith.constant 0 : i32
      %dma_start3A_507 = arith.constant 0 : i32
      %dma_start3A_508 = tpu.memref_slice %arg8[%arg1, %add3A_501, %dma_start3A_506, %dma_start3A_507] : memref<16x260x1x80xi32, #tpu.memory_space<hbm>> -> memref<1x1x1x80xi32, #tpu.memory_space<hbm>>
      %dma_start3A_509 = tpu.memref_squeeze %dma_start3A_508 : memref<1x1x1x80xi32, #tpu.memory_space<hbm>> -> memref<1x80xi32, #tpu.memory_space<hbm>>
      tpu.enqueue_dma source(%dma_start3A_509 : memref<1x80xi32, #tpu.memory_space<hbm>>) target(%arg13 : memref<1x80xi32, #tpu.memory_space<vmem>>) target_semaphore(%arg31 : memref<!tpu.dma_semaphore, #tpu.memory_space<semaphore_mem>>)
      %dma_start3A_510 = arith.constant 0 : i32
      %dma_start3A_511 = arith.constant 0 : i32
      %dma_start3A_512 = tpu.memref_slice %arg9[%arg1, %add3A_501, %dma_start3A_510, %dma_start3A_511] : memref<16x260x1x80xi32, #tpu.memory_space<hbm>> -> memref<1x1x1x80xi32, #tpu.memory_space<hbm>>
      %dma_start3A_513 = tpu.memref_squeeze %dma_start3A_512 : memref<1x1x1x80xi32, #tpu.memory_space<hbm>> -> memref<1x80xi32, #tpu.memory_space<hbm>>
      %dma_start3A_514 = arith.constant 0 : i32
      %dma_start3A_515 = arith.constant 0 : i32
      %dma_start3A_516 = tpu.memref_slice %arg9[%arg1, %add3A_501, %dma_start3A_514, %dma_start3A_515] : memref<16x260x1x80xi32, #tpu.memory_space<hbm>> -> memref<1x1x1x80xi32, #tpu.memory_space<hbm>>
      %dma_start3A_517 = tpu.memref_squeeze %dma_start3A_516 : memref<1x1x1x80xi32, #tpu.memory_space<hbm>> -> memref<1x80xi32, #tpu.memory_space<hbm>>
      tpu.enqueue_dma source(%dma_start3A_517 : memref<1x80xi32, #tpu.memory_space<hbm>>) target(%arg17 : memref<1x80xi32, #tpu.memory_space<vmem>>) target_semaphore(%arg31 : memref<!tpu.dma_semaphore, #tpu.memory_space<semaphore_mem>>)
      %mul3A_518 = arith.constant 4 : i32
      %mul3A_519 = arith.muli %mul3A_518, %scan3A_277 : i32
      %add3A_520 = arith.constant 3 : i32
      %add3A_521 = arith.addi %mul3A_519, %add3A_520 : i32
      %dma_wait3A_522 = arith.constant 0 : i32
      %dma_wait3A_523 = arith.constant 0 : i32
      %dma_wait3A_524 = tpu.memref_slice %arg2[%dma_wait3A_522, %dma_wait3A_523] : memref<10000x64xf32, #tpu.memory_space<hbm>> -> memref<80x64xf32, #tpu.memory_space<hbm>>
      %dma_wait3A_525 = arith.constant 0 : i32
      %dma_wait3A_526 = arith.constant 0 : i32
      %dma_wait3A_527 = tpu.memref_slice %arg2[%dma_wait3A_525, %dma_wait3A_526] : memref<10000x64xf32, #tpu.memory_space<hbm>> -> memref<80x64xf32, #tpu.memory_space<hbm>>
      tpu.wait_dma2 semaphore(%arg35 : memref<!tpu.dma_semaphore, #tpu.memory_space<semaphore_mem>>) src(%dma_wait3A_527 : memref<80x64xf32, #tpu.memory_space<hbm>>) dst(%arg21 : memref<80x64xf32, #tpu.memory_space<vmem>>)
      %dma_wait3A_528 = arith.constant 0 : i32
      %dma_wait3A_529 = arith.constant 0 : i32
      %dma_wait3A_530 = tpu.memref_slice %arg2[%dma_wait3A_528, %dma_wait3A_529] : memref<10000x64xf32, #tpu.memory_space<hbm>> -> memref<80x64xf32, #tpu.memory_space<hbm>>
      %dma_wait3A_531 = arith.constant 0 : i32
      %dma_wait3A_532 = arith.constant 0 : i32
      %dma_wait3A_533 = tpu.memref_slice %arg2[%dma_wait3A_531, %dma_wait3A_532] : memref<10000x64xf32, #tpu.memory_space<hbm>> -> memref<80x64xf32, #tpu.memory_space<hbm>>
      tpu.wait_dma2 semaphore(%arg35 : memref<!tpu.dma_semaphore, #tpu.memory_space<semaphore_mem>>) src(%dma_wait3A_533 : memref<80x64xf32, #tpu.memory_space<hbm>>) dst(%arg21 : memref<80x64xf32, #tpu.memory_space<vmem>>)
      %dma_wait3A_534 = arith.constant 0 : i32
      %dma_wait3A_535 = arith.constant 0 : i32
      %dma_wait3A_536 = tpu.memref_slice %arg2[%dma_wait3A_534, %dma_wait3A_535] : memref<10000x64xf32, #tpu.memory_space<hbm>> -> memref<80x64xf32, #tpu.memory_space<hbm>>
      %dma_wait3A_537 = arith.constant 0 : i32
      %dma_wait3A_538 = arith.constant 0 : i32
      %dma_wait3A_539 = tpu.memref_slice %arg2[%dma_wait3A_537, %dma_wait3A_538] : memref<10000x64xf32, #tpu.memory_space<hbm>> -> memref<80x64xf32, #tpu.memory_space<hbm>>
      tpu.wait_dma2 semaphore(%arg35 : memref<!tpu.dma_semaphore, #tpu.memory_space<semaphore_mem>>) src(%dma_wait3A_539 : memref<80x64xf32, #tpu.memory_space<hbm>>) dst(%arg21 : memref<80x64xf32, #tpu.memory_space<vmem>>)
      %mul3A_540 = arith.constant 20480 : i32
      %mul3A_541 = arith.muli %arg1, %mul3A_540 : i32
      %mul3A_542 = arith.constant 80 : i32
      %mul3A_543 = arith.muli %add3A_521, %mul3A_542 : i32
      %add3A_544 = arith.addi %mul3A_541, %mul3A_543 : i32
      %scan3A_545 = arith.constant 0 : i32
      %scan3A_546 = arith.constant 80 : i32
      %scan3A_547 = arith.addi %scan3A_545, %scan3A_546 : i32
      %scan3A_548 = arith.constant 1 : i32
      %scan3A_549 = scf.for %scan3A_598 = %scan3A_545 to %scan3A_547 step %scan3A_548 iter_args(%scan3A_599 = %scan3A_469) -> (vector<16xf32>)  : i32 {
        %get3A = arith.index_cast %scan3A_598 : i32 to index
        %get3A_600 = arith.constant 0 : index
        %get3A_601 = tpu.vector_load %arg21[%get3A, %get3A_600] {strides = array<i32>} : memref<80x64xf32, #tpu.memory_space<vmem>>, vector<16xf32>,
        %get3A_602 = arith.index_cast %scan3A_598 : i32 to index
        %get3A_603 = arith.constant 0 : index
        %get3A_604 = tpu.vector_load %arg23[%get3A_602, %get3A_603] {strides = array<i32>} : memref<80x64xf32, #tpu.memory_space<vmem>>, vector<16xf32>,
        %mul3A_605 = arith.mulf %get3A_601, %get3A_604 : vector<16xf32>
        %reduce_sum3A = arith.constant true
        %reduce_sum3A_606 = vector.broadcast %reduce_sum3A : i1 to vector<16xi1>
        %reduce_sum3A_607 = tpu.scan <sum>, %mul3A_605 masked %reduce_sum3A_606 : vector<16xf32>, vector<16xi1> -> vector<16xf32>
        %reduce_sum3A_608 = vector.extract %reduce_sum3A_607[15] : f32 from vector<16xf32>
        %eq3A_609 = arith.constant 0 : i32
        %eq3A_610 = vector.broadcast %eq3A_609 : i32 to vector<16xi32>
        %eq3A_611 = arith.cmpi eq, %iota3A, %eq3A_610 : vector<16xi32>
        %broadcast_in_dim3A_612 = vector.broadcast %reduce_sum3A_608 : f32 to vector<16xf32>
        %select_n3A = arith.select %eq3A_611, %broadcast_in_dim3A_612, %broadcast_in_dim3A_1 : vector<16xi1>, vector<16xf32>
        %get3A_613 = arith.index_cast %scan3A_598 : i32 to index
        %get3A_614 = arith.constant 16 : index
        %get3A_615 = tpu.vector_load %arg21[%get3A_613, %get3A_614] {strides = array<i32>} : memref<80x64xf32, #tpu.memory_space<vmem>>, vector<16xf32>,
        %get3A_616 = arith.index_cast %scan3A_598 : i32 to index
        %get3A_617 = arith.constant 16 : index
        %get3A_618 = tpu.vector_load %arg23[%get3A_616, %get3A_617] {strides = array<i32>} : memref<80x64xf32, #tpu.memory_space<vmem>>, vector<16xf32>,
        %mul3A_619 = arith.mulf %get3A_615, %get3A_618 : vector<16xf32>
        %reduce_sum3A_620 = arith.constant true
        %reduce_sum3A_621 = vector.broadcast %reduce_sum3A_620 : i1 to vector<16xi1>
        %reduce_sum3A_622 = tpu.scan <sum>, %mul3A_619 masked %reduce_sum3A_621 : vector<16xf32>, vector<16xi1> -> vector<16xf32>
        %reduce_sum3A_623 = vector.extract %reduce_sum3A_622[15] : f32 from vector<16xf32>
        %eq3A_624 = arith.constant 1 : i32
        %eq3A_625 = vector.broadcast %eq3A_624 : i32 to vector<16xi32>
        %eq3A_626 = arith.cmpi eq, %iota3A, %eq3A_625 : vector<16xi32>
        %broadcast_in_dim3A_627 = vector.broadcast %reduce_sum3A_623 : f32 to vector<16xf32>
        %select_n3A_628 = arith.select %eq3A_626, %broadcast_in_dim3A_627, %select_n3A : vector<16xi1>, vector<16xf32>
        %get3A_629 = arith.index_cast %scan3A_598 : i32 to index
        %get3A_630 = arith.constant 32 : index
        %get3A_631 = tpu.vector_load %arg21[%get3A_629, %get3A_630] {strides = array<i32>} : memref<80x64xf32, #tpu.memory_space<vmem>>, vector<16xf32>,
        %get3A_632 = arith.index_cast %scan3A_598 : i32 to index
        %get3A_633 = arith.constant 32 : index
        %get3A_634 = tpu.vector_load %arg23[%get3A_632, %get3A_633] {strides = array<i32>} : memref<80x64xf32, #tpu.memory_space<vmem>>, vector<16xf32>,
        %mul3A_635 = arith.mulf %get3A_631, %get3A_634 : vector<16xf32>
        %reduce_sum3A_636 = arith.constant true
        %reduce_sum3A_637 = vector.broadcast %reduce_sum3A_636 : i1 to vector<16xi1>
        %reduce_sum3A_638 = tpu.scan <sum>, %mul3A_635 masked %reduce_sum3A_637 : vector<16xf32>, vector<16xi1> -> vector<16xf32>
        %reduce_sum3A_639 = vector.extract %reduce_sum3A_638[15] : f32 from vector<16xf32>
        %eq3A_640 = arith.constant 2 : i32
        %eq3A_641 = vector.broadcast %eq3A_640 : i32 to vector<16xi32>
        %eq3A_642 = arith.cmpi eq, %iota3A, %eq3A_641 : vector<16xi32>
        %broadcast_in_dim3A_643 = vector.broadcast %reduce_sum3A_639 : f32 to vector<16xf32>
        %select_n3A_644 = arith.select %eq3A_642, %broadcast_in_dim3A_643, %select_n3A_628 : vector<16xi1>, vector<16xf32>
        %get3A_645 = arith.index_cast %scan3A_598 : i32 to index
        %get3A_646 = arith.constant 48 : index
        %get3A_647 = tpu.vector_load %arg21[%get3A_645, %get3A_646] {strides = array<i32>} : memref<80x64xf32, #tpu.memory_space<vmem>>, vector<16xf32>,
        %get3A_648 = arith.index_cast %scan3A_598 : i32 to index
        %get3A_649 = arith.constant 48 : index
        %get3A_650 = tpu.vector_load %arg23[%get3A_648, %get3A_649] {strides = array<i32>} : memref<80x64xf32, #tpu.memory_space<vmem>>, vector<16xf32>,
        %mul3A_651 = arith.mulf %get3A_647, %get3A_650 : vector<16xf32>
        %reduce_sum3A_652 = arith.constant true
        %reduce_sum3A_653 = vector.broadcast %reduce_sum3A_652 : i1 to vector<16xi1>
        %reduce_sum3A_654 = tpu.scan <sum>, %mul3A_651 masked %reduce_sum3A_653 : vector<16xf32>, vector<16xi1> -> vector<16xf32>
        %reduce_sum3A_655 = vector.extract %reduce_sum3A_654[15] : f32 from vector<16xf32>
        %eq3A_656 = arith.constant 3 : i32
        %eq3A_657 = vector.broadcast %eq3A_656 : i32 to vector<16xi32>
        %eq3A_658 = arith.cmpi eq, %iota3A, %eq3A_657 : vector<16xi32>
        %broadcast_in_dim3A_659 = vector.broadcast %reduce_sum3A_655 : f32 to vector<16xf32>
        %select_n3A_660 = arith.select %eq3A_658, %broadcast_in_dim3A_659, %select_n3A_644 : vector<16xi1>, vector<16xf32>
        %jit3A = arith.constant -5.000000e+00 : f32
        %jit3A_661 = arith.constant 5.000000e+00 : f32
        %max3A = vector.broadcast %jit3A : f32 to vector<16xf32>
        %max3A_662 = arith.maximumf %max3A, %select_n3A_660 : vector<16xf32>
        %min3A = vector.broadcast %jit3A_661 : f32 to vector<16xf32>
        %min3A_663 = arith.minimumf %min3A, %max3A_662 : vector<16xf32>
        %exp3A = math.exp %min3A_663 : vector<16xf32>
        %add3A_664 = arith.addi %add3A_544, %scan3A_598 : i32
        %lt3A = arith.constant 320000 : i32
        %lt3A_665 = arith.cmpi slt, %add3A_664, %lt3A : i32
        %jit3A_666 = arith.constant 0.000000e+00 : f32
        %broadcast_in_dim3A_667 = vector.broadcast %jit3A_666 : f32 to vector<16xf32>
        %select_n3A_668 = arith.select %lt3A_665, %exp3A, %broadcast_in_dim3A_667 : vector<16xf32>
        %add3A_669 = arith.addf %scan3A_599, %select_n3A_668 : vector<16xf32>
        %slice3A = vector.extract_strided_slice %select_n3A_668 {offsets = [0], sizes = [1], strides = [1]} : vector<16xf32> to vector<1xf32>
        %squeeze3A = vector.extract %slice3A[0] : f32 from vector<1xf32>
        %get3A_670 = arith.index_cast %scan3A_598 : i32 to index
        %get3A_671 = arith.constant 0 : index
        %get3A_672 = tpu.vector_load %arg25[%get3A_670, %get3A_671] {strides = array<i32>} : memref<80x64xf32, #tpu.memory_space<vmem>>, vector<16xf32>,
        %mul3A_673 = vector.broadcast %squeeze3A : f32 to vector<16xf32>
        %mul3A_674 = arith.mulf %mul3A_673, %get3A_672 : vector<16xf32>
        %swap3A_675 = arith.index_cast %scan3A_598 : i32 to index
        %swap3A_676 = arith.constant 0 : index
        %swap3A_677 = tpu.vector_load %arg27[%swap3A_675, %swap3A_676] {strides = array<i32>} : memref<80x64xf32, #tpu.memory_space<vmem>>, vector<16xf32>,
        tpu.vector_store %arg27[%swap3A_675, %swap3A_676], %mul3A_674 {strides = array<i32>} : memref<80x64xf32, #tpu.memory_space<vmem>>, vector<16xf32>,
        %slice3A_678 = vector.extract_strided_slice %select_n3A_668 {offsets = [1], sizes = [1], strides = [1]} : vector<16xf32> to vector<1xf32>
        %squeeze3A_679 = vector.extract %slice3A_678[0] : f32 from vector<1xf32>
        %get3A_680 = arith.index_cast %scan3A_598 : i32 to index
        %get3A_681 = arith.constant 16 : index
        %get3A_682 = tpu.vector_load %arg25[%get3A_680, %get3A_681] {strides = array<i32>} : memref<80x64xf32, #tpu.memory_space<vmem>>, vector<16xf32>,
        %mul3A_683 = vector.broadcast %squeeze3A_679 : f32 to vector<16xf32>
        %mul3A_684 = arith.mulf %mul3A_683, %get3A_682 : vector<16xf32>
        %swap3A_685 = arith.index_cast %scan3A_598 : i32 to index
        %swap3A_686 = arith.constant 16 : index
        %swap3A_687 = tpu.vector_load %arg27[%swap3A_685, %swap3A_686] {strides = array<i32>} : memref<80x64xf32, #tpu.memory_space<vmem>>, vector<16xf32>,
        tpu.vector_store %arg27[%swap3A_685, %swap3A_686], %mul3A_684 {strides = array<i32>} : memref<80x64xf32, #tpu.memory_space<vmem>>, vector<16xf32>,
        %slice3A_688 = vector.extract_strided_slice %select_n3A_668 {offsets = [2], sizes = [1], strides = [1]} : vector<16xf32> to vector<1xf32>
        %squeeze3A_689 = vector.extract %slice3A_688[0] : f32 from vector<1xf32>
        %get3A_690 = arith.index_cast %scan3A_598 : i32 to index
        %get3A_691 = arith.constant 32 : index
        %get3A_692 = tpu.vector_load %arg25[%get3A_690, %get3A_691] {strides = array<i32>} : memref<80x64xf32, #tpu.memory_space<vmem>>, vector<16xf32>,
        %mul3A_693 = vector.broadcast %squeeze3A_689 : f32 to vector<16xf32>
        %mul3A_694 = arith.mulf %mul3A_693, %get3A_692 : vector<16xf32>
        %swap3A_695 = arith.index_cast %scan3A_598 : i32 to index
        %swap3A_696 = arith.constant 32 : index
        %swap3A_697 = tpu.vector_load %arg27[%swap3A_695, %swap3A_696] {strides = array<i32>} : memref<80x64xf32, #tpu.memory_space<vmem>>, vector<16xf32>,
        tpu.vector_store %arg27[%swap3A_695, %swap3A_696], %mul3A_694 {strides = array<i32>} : memref<80x64xf32, #tpu.memory_space<vmem>>, vector<16xf32>,
        %slice3A_698 = vector.extract_strided_slice %select_n3A_668 {offsets = [3], sizes = [1], strides = [1]} : vector<16xf32> to vector<1xf32>
        %squeeze3A_699 = vector.extract %slice3A_698[0] : f32 from vector<1xf32>
        %get3A_700 = arith.index_cast %scan3A_598 : i32 to index
        %get3A_701 = arith.constant 48 : index
        %get3A_702 = tpu.vector_load %arg25[%get3A_700, %get3A_701] {strides = array<i32>} : memref<80x64xf32, #tpu.memory_space<vmem>>, vector<16xf32>,
        %mul3A_703 = vector.broadcast %squeeze3A_699 : f32 to vector<16xf32>
        %mul3A_704 = arith.mulf %mul3A_703, %get3A_702 : vector<16xf32>
        %swap3A_705 = arith.index_cast %scan3A_598 : i32 to index
        %swap3A_706 = arith.constant 48 : index
        %swap3A_707 = tpu.vector_load %arg27[%swap3A_705, %swap3A_706] {strides = array<i32>} : memref<80x64xf32, #tpu.memory_space<vmem>>, vector<16xf32>,
        tpu.vector_store %arg27[%swap3A_705, %swap3A_706], %mul3A_704 {strides = array<i32>} : memref<80x64xf32, #tpu.memory_space<vmem>>, vector<16xf32>,
        scf.yield %add3A_669 : vector<16xf32>
      }
      %scan3A_550 = arith.constant 80 : i32
      %run_scoped3A_551 = arith.constant 0 : i32
      "tpu.region"() ({
        %run_scoped3A_598 = tpu.sem_alloc : memref<!tpu.dma_semaphore, #tpu.memory_space<semaphore_mem>>
        %dma_start3A_599 = arith.constant 0 : i32
        %dma_start3A_600 = tpu.memref_slice %arg19[%run_scoped3A_551, %dma_start3A_599] : memref<1x80xi32, #tpu.memory_space<vmem>> -> memref<1x80xi32, #tpu.memory_space<vmem>>
        %dma_start3A_601 = tpu.memref_squeeze %dma_start3A_600 : memref<1x80xi32, #tpu.memory_space<vmem>> -> memref<80xi32, #tpu.memory_space<vmem>>
        %dma_start3A_602 = arith.constant 0 : i32
        %dma_start3A_603 = arith.constant 0 : i32
        %dma_start3A_604 = tpu.memref_slice %arg29[%dma_start3A_602, %dma_start3A_603] : memref<10240x64xf32, #tpu.memory_space<vmem_shared>> -> memref<10240x64xf32, #tpu.memory_space<vmem_shared>>
        tpu.enqueue_indirect_dma source(%arg27 : memref<80x64xf32, #tpu.memory_space<vmem>>) target(%dma_start3A_604 : memref<10240x64xf32, #tpu.memory_space<vmem_shared>>) offsets(%dma_start3A_601 : memref<80xi32, #tpu.memory_space<vmem>>) semaphore(%run_scoped3A_598 : memref<!tpu.dma_semaphore, #tpu.memory_space<semaphore_mem>>) {add = true}
        %dma_wait3A_605 = arith.constant 0 : i32
        %dma_wait3A_606 = tpu.memref_slice %arg19[%run_scoped3A_551, %dma_wait3A_605] : memref<1x80xi32, #tpu.memory_space<vmem>> -> memref<1x80xi32, #tpu.memory_space<vmem>>
        %dma_wait3A_607 = tpu.memref_squeeze %dma_wait3A_606 : memref<1x80xi32, #tpu.memory_space<vmem>> -> memref<80xi32, #tpu.memory_space<vmem>>
        %dma_wait3A_608 = arith.constant 0 : i32
        %dma_wait3A_609 = arith.constant 0 : i32
        %dma_wait3A_610 = tpu.memref_slice %arg29[%dma_wait3A_608, %dma_wait3A_609] : memref<10240x64xf32, #tpu.memory_space<vmem_shared>> -> memref<10240x64xf32, #tpu.memory_space<vmem_shared>>
        tpu.wait_indirect_dma semaphore(%run_scoped3A_598 : memref<!tpu.dma_semaphore, #tpu.memory_space<semaphore_mem>>) src(%arg27 : memref<80x64xf32, #tpu.memory_space<vmem>>) dst(%dma_wait3A_610 : memref<10240x64xf32, #tpu.memory_space<vmem_shared>>)
        tpu.yield
      }) : () -> ()
      %dma_wait3A_552 = arith.constant 0 : i32
      %dma_wait3A_553 = arith.constant 0 : i32
      %dma_wait3A_554 = arith.constant 0 : i32
      %dma_wait3A_555 = tpu.memref_slice %arg8[%arg1, %dma_wait3A_552, %dma_wait3A_553, %dma_wait3A_554] : memref<16x260x1x80xi32, #tpu.memory_space<hbm>> -> memref<1x1x1x80xi32, #tpu.memory_space<hbm>>
      %dma_wait3A_556 = tpu.memref_squeeze %dma_wait3A_555 : memref<1x1x1x80xi32, #tpu.memory_space<hbm>> -> memref<1x80xi32, #tpu.memory_space<hbm>>
      %dma_wait3A_557 = arith.constant 0 : i32
      %dma_wait3A_558 = arith.constant 0 : i32
      %dma_wait3A_559 = tpu.memref_slice %arg8[%arg1, %dma_wait3A_552, %dma_wait3A_557, %dma_wait3A_558] : memref<16x260x1x80xi32, #tpu.memory_space<hbm>> -> memref<1x1x1x80xi32, #tpu.memory_space<hbm>>
      %dma_wait3A_560 = tpu.memref_squeeze %dma_wait3A_559 : memref<1x1x1x80xi32, #tpu.memory_space<hbm>> -> memref<1x80xi32, #tpu.memory_space<hbm>>
      tpu.wait_dma2 semaphore(%arg32 : memref<!tpu.dma_semaphore, #tpu.memory_space<semaphore_mem>>) src(%dma_wait3A_560 : memref<1x80xi32, #tpu.memory_space<hbm>>) dst(%arg14 : memref<1x80xi32, #tpu.memory_space<vmem>>)
      %dma_wait3A_561 = arith.constant 0 : i32
      %dma_wait3A_562 = arith.constant 0 : i32
      %dma_wait3A_563 = arith.constant 0 : i32
      %dma_wait3A_564 = tpu.memref_slice %arg8[%arg1, %dma_wait3A_561, %dma_wait3A_562, %dma_wait3A_563] : memref<16x260x1x80xi32, #tpu.memory_space<hbm>> -> memref<1x1x1x80xi32, #tpu.memory_space<hbm>>
      %dma_wait3A_565 = tpu.memref_squeeze %dma_wait3A_564 : memref<1x1x1x80xi32, #tpu.memory_space<hbm>> -> memref<1x80xi32, #tpu.memory_space<hbm>>
      %dma_wait3A_566 = arith.constant 0 : i32
      %dma_wait3A_567 = arith.constant 0 : i32
      %dma_wait3A_568 = tpu.memref_slice %arg8[%arg1, %dma_wait3A_561, %dma_wait3A_566, %dma_wait3A_567] : memref<16x260x1x80xi32, #tpu.memory_space<hbm>> -> memref<1x1x1x80xi32, #tpu.memory_space<hbm>>
      %dma_wait3A_569 = tpu.memref_squeeze %dma_wait3A_568 : memref<1x1x1x80xi32, #tpu.memory_space<hbm>> -> memref<1x80xi32, #tpu.memory_space<hbm>>
      tpu.wait_dma2 semaphore(%arg32 : memref<!tpu.dma_semaphore, #tpu.memory_space<semaphore_mem>>) src(%dma_wait3A_569 : memref<1x80xi32, #tpu.memory_space<hbm>>) dst(%arg14 : memref<1x80xi32, #tpu.memory_space<vmem>>)
      %eq3A_570 = arith.constant 0 : i32
      %eq3A_571 = arith.cmpi eq, %arg0, %eq3A_570 : i32
      %convert_element_type3A_572 = arith.extui %eq3A_571 : i1 to i32
      %cond3A_573 = arith.constant 0 : i32
      %cond3A_574 = arith.cmpi ne, %convert_element_type3A_572, %cond3A_573 : i32
      scf.if %cond3A_574 {
        %dma_start3A_598 = arith.constant 0 : i32
        %dma_start3A_599 = arith.constant 0 : i32
        %dma_start3A_600 = tpu.memref_slice %arg18[%dma_start3A_598, %dma_start3A_599] : memref<1x80xi32, #tpu.memory_space<vmem>> -> memref<1x80xi32, #tpu.memory_space<vmem>>
        %dma_start3A_601 = tpu.memref_squeeze %dma_start3A_600 : memref<1x80xi32, #tpu.memory_space<vmem>> -> memref<80xi32, #tpu.memory_space<vmem>>
        %dma_start3A_602 = arith.constant 0 : i32
        %dma_start3A_603 = arith.constant 0 : i32
        %dma_start3A_604 = tpu.memref_slice %arg2[%dma_start3A_602, %dma_start3A_603] : memref<10000x64xf32, #tpu.memory_space<hbm>> -> memref<10000x64xf32, #tpu.memory_space<hbm>>
        tpu.enqueue_indirect_dma source(%dma_start3A_604 : memref<10000x64xf32, #tpu.memory_space<hbm>>) target(%arg21 : memref<80x64xf32, #tpu.memory_space<vmem>>) offsets(%dma_start3A_601 : memref<80xi32, #tpu.memory_space<vmem>>) semaphore(%arg35 : memref<!tpu.dma_semaphore, #tpu.memory_space<semaphore_mem>>)
        %dma_start3A_605 = arith.constant 0 : i32
        %dma_start3A_606 = arith.constant 0 : i32
        %dma_start3A_607 = tpu.memref_slice %arg14[%dma_start3A_605, %dma_start3A_606] : memref<1x80xi32, #tpu.memory_space<vmem>> -> memref<1x80xi32, #tpu.memory_space<vmem>>
        %dma_start3A_608 = tpu.memref_squeeze %dma_start3A_607 : memref<1x80xi32, #tpu.memory_space<vmem>> -> memref<80xi32, #tpu.memory_space<vmem>>
        %dma_start3A_609 = arith.constant 0 : i32
        %dma_start3A_610 = arith.constant 0 : i32
        %dma_start3A_611 = tpu.memref_slice %arg4[%dma_start3A_609, %dma_start3A_610] : memref<10000x64xf32, #tpu.memory_space<hbm>> -> memref<10000x64xf32, #tpu.memory_space<hbm>>
        tpu.enqueue_indirect_dma source(%dma_start3A_611 : memref<10000x64xf32, #tpu.memory_space<hbm>>) target(%arg23 : memref<80x64xf32, #tpu.memory_space<vmem>>) offsets(%dma_start3A_608 : memref<80xi32, #tpu.memory_space<vmem>>) semaphore(%arg35 : memref<!tpu.dma_semaphore, #tpu.memory_space<semaphore_mem>>)
        %dma_start3A_612 = arith.constant 0 : i32
        %dma_start3A_613 = arith.constant 0 : i32
        %dma_start3A_614 = tpu.memref_slice %arg14[%dma_start3A_612, %dma_start3A_613] : memref<1x80xi32, #tpu.memory_space<vmem>> -> memref<1x80xi32, #tpu.memory_space<vmem>>
        %dma_start3A_615 = tpu.memref_squeeze %dma_start3A_614 : memref<1x80xi32, #tpu.memory_space<vmem>> -> memref<80xi32, #tpu.memory_space<vmem>>
        %dma_start3A_616 = arith.constant 0 : i32
        %dma_start3A_617 = arith.constant 0 : i32
        %dma_start3A_618 = tpu.memref_slice %arg6[%dma_start3A_616, %dma_start3A_617] : memref<10000x64xf32, #tpu.memory_space<hbm>> -> memref<10000x64xf32, #tpu.memory_space<hbm>>
        tpu.enqueue_indirect_dma source(%dma_start3A_618 : memref<10000x64xf32, #tpu.memory_space<hbm>>) target(%arg25 : memref<80x64xf32, #tpu.memory_space<vmem>>) offsets(%dma_start3A_615 : memref<80xi32, #tpu.memory_space<vmem>>) semaphore(%arg35 : memref<!tpu.dma_semaphore, #tpu.memory_space<semaphore_mem>>)
      } else {
      }
      %eq3A_575 = arith.constant 1 : i32
      %eq3A_576 = arith.cmpi eq, %arg0, %eq3A_575 : i32
      %convert_element_type3A_577 = arith.extui %eq3A_576 : i1 to i32
      %cond3A_578 = arith.constant 0 : i32
      %cond3A_579 = arith.cmpi ne, %convert_element_type3A_577, %cond3A_578 : i32
      scf.if %cond3A_579 {
        %dma_start3A_598 = arith.constant 0 : i32
        %dma_start3A_599 = arith.constant 0 : i32
        %dma_start3A_600 = tpu.memref_slice %arg18[%dma_start3A_598, %dma_start3A_599] : memref<1x80xi32, #tpu.memory_space<vmem>> -> memref<1x80xi32, #tpu.memory_space<vmem>>
        %dma_start3A_601 = tpu.memref_squeeze %dma_start3A_600 : memref<1x80xi32, #tpu.memory_space<vmem>> -> memref<80xi32, #tpu.memory_space<vmem>>
        %dma_start3A_602 = arith.constant 0 : i32
        %dma_start3A_603 = arith.constant 0 : i32
        %dma_start3A_604 = tpu.memref_slice %arg3[%dma_start3A_602, %dma_start3A_603] : memref<10000x64xf32, #tpu.memory_space<hbm>> -> memref<10000x64xf32, #tpu.memory_space<hbm>>
        tpu.enqueue_indirect_dma source(%dma_start3A_604 : memref<10000x64xf32, #tpu.memory_space<hbm>>) target(%arg21 : memref<80x64xf32, #tpu.memory_space<vmem>>) offsets(%dma_start3A_601 : memref<80xi32, #tpu.memory_space<vmem>>) semaphore(%arg35 : memref<!tpu.dma_semaphore, #tpu.memory_space<semaphore_mem>>)
        %dma_start3A_605 = arith.constant 0 : i32
        %dma_start3A_606 = arith.constant 0 : i32
        %dma_start3A_607 = tpu.memref_slice %arg14[%dma_start3A_605, %dma_start3A_606] : memref<1x80xi32, #tpu.memory_space<vmem>> -> memref<1x80xi32, #tpu.memory_space<vmem>>
        %dma_start3A_608 = tpu.memref_squeeze %dma_start3A_607 : memref<1x80xi32, #tpu.memory_space<vmem>> -> memref<80xi32, #tpu.memory_space<vmem>>
        %dma_start3A_609 = arith.constant 0 : i32
        %dma_start3A_610 = arith.constant 0 : i32
        %dma_start3A_611 = tpu.memref_slice %arg5[%dma_start3A_609, %dma_start3A_610] : memref<10000x64xf32, #tpu.memory_space<hbm>> -> memref<10000x64xf32, #tpu.memory_space<hbm>>
        tpu.enqueue_indirect_dma source(%dma_start3A_611 : memref<10000x64xf32, #tpu.memory_space<hbm>>) target(%arg23 : memref<80x64xf32, #tpu.memory_space<vmem>>) offsets(%dma_start3A_608 : memref<80xi32, #tpu.memory_space<vmem>>) semaphore(%arg35 : memref<!tpu.dma_semaphore, #tpu.memory_space<semaphore_mem>>)
        %dma_start3A_612 = arith.constant 0 : i32
        %dma_start3A_613 = arith.constant 0 : i32
        %dma_start3A_614 = tpu.memref_slice %arg14[%dma_start3A_612, %dma_start3A_613] : memref<1x80xi32, #tpu.memory_space<vmem>> -> memref<1x80xi32, #tpu.memory_space<vmem>>
        %dma_start3A_615 = tpu.memref_squeeze %dma_start3A_614 : memref<1x80xi32, #tpu.memory_space<vmem>> -> memref<80xi32, #tpu.memory_space<vmem>>
        %dma_start3A_616 = arith.constant 0 : i32
        %dma_start3A_617 = arith.constant 0 : i32
        %dma_start3A_618 = tpu.memref_slice %arg7[%dma_start3A_616, %dma_start3A_617] : memref<10000x64xf32, #tpu.memory_space<hbm>> -> memref<10000x64xf32, #tpu.memory_space<hbm>>
        tpu.enqueue_indirect_dma source(%dma_start3A_618 : memref<10000x64xf32, #tpu.memory_space<hbm>>) target(%arg25 : memref<80x64xf32, #tpu.memory_space<vmem>>) offsets(%dma_start3A_615 : memref<80xi32, #tpu.memory_space<vmem>>) semaphore(%arg35 : memref<!tpu.dma_semaphore, #tpu.memory_space<semaphore_mem>>)
      } else {
      }
      %add3A_580 = arith.constant 4 : i32
      %add3A_581 = arith.addi %add3A_521, %add3A_580 : i32
      %dma_start3A_582 = arith.constant 0 : i32
      %dma_start3A_583 = arith.constant 0 : i32
      %dma_start3A_584 = tpu.memref_slice %arg8[%arg1, %add3A_581, %dma_start3A_582, %dma_start3A_583] : memref<16x260x1x80xi32, #tpu.memory_space<hbm>> -> memref<1x1x1x80xi32, #tpu.memory_space<hbm>>
      %dma_start3A_585 = tpu.memref_squeeze %dma_start3A_584 : memref<1x1x1x80xi32, #tpu.memory_space<hbm>> -> memref<1x80xi32, #tpu.memory_space<hbm>>
      %dma_start3A_586 = arith.constant 0 : i32
      %dma_start3A_587 = arith.constant 0 : i32
      %dma_start3A_588 = tpu.memref_slice %arg8[%arg1, %add3A_581, %dma_start3A_586, %dma_start3A_587] : memref<16x260x1x80xi32, #tpu.memory_space<hbm>> -> memref<1x1x1x80xi32, #tpu.memory_space<hbm>>
      %dma_start3A_589 = tpu.memref_squeeze %dma_start3A_588 : memref<1x1x1x80xi32, #tpu.memory_space<hbm>> -> memref<1x80xi32, #tpu.memory_space<hbm>>
      tpu.enqueue_dma source(%dma_start3A_589 : memref<1x80xi32, #tpu.memory_space<hbm>>) target(%arg15 : memref<1x80xi32, #tpu.memory_space<vmem>>) target_semaphore(%arg33 : memref<!tpu.dma_semaphore, #tpu.memory_space<semaphore_mem>>)
      %dma_start3A_590 = arith.constant 0 : i32
      %dma_start3A_591 = arith.constant 0 : i32
      %dma_start3A_592 = tpu.memref_slice %arg9[%arg1, %add3A_581, %dma_start3A_590, %dma_start3A_591] : memref<16x260x1x80xi32, #tpu.memory_space<hbm>> -> memref<1x1x1x80xi32, #tpu.memory_space<hbm>>
      %dma_start3A_593 = tpu.memref_squeeze %dma_start3A_592 : memref<1x1x1x80xi32, #tpu.memory_space<hbm>> -> memref<1x80xi32, #tpu.memory_space<hbm>>
      %dma_start3A_594 = arith.constant 0 : i32
      %dma_start3A_595 = arith.constant 0 : i32
      %dma_start3A_596 = tpu.memref_slice %arg9[%arg1, %add3A_581, %dma_start3A_594, %dma_start3A_595] : memref<16x260x1x80xi32, #tpu.memory_space<hbm>> -> memref<1x1x1x80xi32, #tpu.memory_space<hbm>>
      %dma_start3A_597 = tpu.memref_squeeze %dma_start3A_596 : memref<1x1x1x80xi32, #tpu.memory_space<hbm>> -> memref<1x80xi32, #tpu.memory_space<hbm>>
      tpu.enqueue_dma source(%dma_start3A_597 : memref<1x80xi32, #tpu.memory_space<hbm>>) target(%arg19 : memref<1x80xi32, #tpu.memory_space<vmem>>) target_semaphore(%arg33 : memref<!tpu.dma_semaphore, #tpu.memory_space<semaphore_mem>>)
      scf.yield %scan3A_549 : vector<16xf32>
    }
    %scan3A_168 = arith.constant 64 : i32
    %dma_wait3A_169 = arith.constant 0 : i32
    %dma_wait3A_170 = arith.constant 0 : i32
    %dma_wait3A_171 = tpu.memref_slice %arg2[%dma_wait3A_169, %dma_wait3A_170] : memref<10000x64xf32, #tpu.memory_space<hbm>> -> memref<80x64xf32, #tpu.memory_space<hbm>>
    %dma_wait3A_172 = arith.constant 0 : i32
    %dma_wait3A_173 = arith.constant 0 : i32
    %dma_wait3A_174 = tpu.memref_slice %arg2[%dma_wait3A_172, %dma_wait3A_173] : memref<10000x64xf32, #tpu.memory_space<hbm>> -> memref<80x64xf32, #tpu.memory_space<hbm>>
    tpu.wait_dma2 semaphore(%arg34 : memref<!tpu.dma_semaphore, #tpu.memory_space<semaphore_mem>>) src(%dma_wait3A_174 : memref<80x64xf32, #tpu.memory_space<hbm>>) dst(%arg20 : memref<80x64xf32, #tpu.memory_space<vmem>>)
    %dma_wait3A_175 = arith.constant 0 : i32
    %dma_wait3A_176 = arith.constant 0 : i32
    %dma_wait3A_177 = tpu.memref_slice %arg2[%dma_wait3A_175, %dma_wait3A_176] : memref<10000x64xf32, #tpu.memory_space<hbm>> -> memref<80x64xf32, #tpu.memory_space<hbm>>
    %dma_wait3A_178 = arith.constant 0 : i32
    %dma_wait3A_179 = arith.constant 0 : i32
    %dma_wait3A_180 = tpu.memref_slice %arg2[%dma_wait3A_178, %dma_wait3A_179] : memref<10000x64xf32, #tpu.memory_space<hbm>> -> memref<80x64xf32, #tpu.memory_space<hbm>>
    tpu.wait_dma2 semaphore(%arg34 : memref<!tpu.dma_semaphore, #tpu.memory_space<semaphore_mem>>) src(%dma_wait3A_180 : memref<80x64xf32, #tpu.memory_space<hbm>>) dst(%arg20 : memref<80x64xf32, #tpu.memory_space<vmem>>)
    %dma_wait3A_181 = arith.constant 0 : i32
    %dma_wait3A_182 = arith.constant 0 : i32
    %dma_wait3A_183 = tpu.memref_slice %arg2[%dma_wait3A_181, %dma_wait3A_182] : memref<10000x64xf32, #tpu.memory_space<hbm>> -> memref<80x64xf32, #tpu.memory_space<hbm>>
    %dma_wait3A_184 = arith.constant 0 : i32
    %dma_wait3A_185 = arith.constant 0 : i32
    %dma_wait3A_186 = tpu.memref_slice %arg2[%dma_wait3A_184, %dma_wait3A_185] : memref<10000x64xf32, #tpu.memory_space<hbm>> -> memref<80x64xf32, #tpu.memory_space<hbm>>
    tpu.wait_dma2 semaphore(%arg34 : memref<!tpu.dma_semaphore, #tpu.memory_space<semaphore_mem>>) src(%dma_wait3A_186 : memref<80x64xf32, #tpu.memory_space<hbm>>) dst(%arg20 : memref<80x64xf32, #tpu.memory_space<vmem>>)
    %dma_wait3A_187 = arith.constant 0 : i32
    %dma_wait3A_188 = arith.constant 0 : i32
    %dma_wait3A_189 = arith.constant 0 : i32
    %dma_wait3A_190 = tpu.memref_slice %arg8[%arg1, %dma_wait3A_187, %dma_wait3A_188, %dma_wait3A_189] : memref<16x260x1x80xi32, #tpu.memory_space<hbm>> -> memref<1x1x1x80xi32, #tpu.memory_space<hbm>>
    %dma_wait3A_191 = tpu.memref_squeeze %dma_wait3A_190 : memref<1x1x1x80xi32, #tpu.memory_space<hbm>> -> memref<1x80xi32, #tpu.memory_space<hbm>>
    %dma_wait3A_192 = arith.constant 0 : i32
    %dma_wait3A_193 = arith.constant 0 : i32
    %dma_wait3A_194 = tpu.memref_slice %arg8[%arg1, %dma_wait3A_187, %dma_wait3A_192, %dma_wait3A_193] : memref<16x260x1x80xi32, #tpu.memory_space<hbm>> -> memref<1x1x1x80xi32, #tpu.memory_space<hbm>>
    %dma_wait3A_195 = tpu.memref_squeeze %dma_wait3A_194 : memref<1x1x1x80xi32, #tpu.memory_space<hbm>> -> memref<1x80xi32, #tpu.memory_space<hbm>>
    tpu.wait_dma2 semaphore(%arg31 : memref<!tpu.dma_semaphore, #tpu.memory_space<semaphore_mem>>) src(%dma_wait3A_195 : memref<1x80xi32, #tpu.memory_space<hbm>>) dst(%arg13 : memref<1x80xi32, #tpu.memory_space<vmem>>)
    %dma_wait3A_196 = arith.constant 0 : i32
    %dma_wait3A_197 = arith.constant 0 : i32
    %dma_wait3A_198 = arith.constant 0 : i32
    %dma_wait3A_199 = tpu.memref_slice %arg8[%arg1, %dma_wait3A_196, %dma_wait3A_197, %dma_wait3A_198] : memref<16x260x1x80xi32, #tpu.memory_space<hbm>> -> memref<1x1x1x80xi32, #tpu.memory_space<hbm>>
    %dma_wait3A_200 = tpu.memref_squeeze %dma_wait3A_199 : memref<1x1x1x80xi32, #tpu.memory_space<hbm>> -> memref<1x80xi32, #tpu.memory_space<hbm>>
    %dma_wait3A_201 = arith.constant 0 : i32
    %dma_wait3A_202 = arith.constant 0 : i32
    %dma_wait3A_203 = tpu.memref_slice %arg8[%arg1, %dma_wait3A_196, %dma_wait3A_201, %dma_wait3A_202] : memref<16x260x1x80xi32, #tpu.memory_space<hbm>> -> memref<1x1x1x80xi32, #tpu.memory_space<hbm>>
    %dma_wait3A_204 = tpu.memref_squeeze %dma_wait3A_203 : memref<1x1x1x80xi32, #tpu.memory_space<hbm>> -> memref<1x80xi32, #tpu.memory_space<hbm>>
    tpu.wait_dma2 semaphore(%arg31 : memref<!tpu.dma_semaphore, #tpu.memory_space<semaphore_mem>>) src(%dma_wait3A_204 : memref<1x80xi32, #tpu.memory_space<hbm>>) dst(%arg13 : memref<1x80xi32, #tpu.memory_space<vmem>>)
    %dma_wait3A_205 = arith.constant 0 : i32
    %dma_wait3A_206 = arith.constant 0 : i32
    %dma_wait3A_207 = tpu.memref_slice %arg2[%dma_wait3A_205, %dma_wait3A_206] : memref<10000x64xf32, #tpu.memory_space<hbm>> -> memref<80x64xf32, #tpu.memory_space<hbm>>
    %dma_wait3A_208 = arith.constant 0 : i32
    %dma_wait3A_209 = arith.constant 0 : i32
    %dma_wait3A_210 = tpu.memref_slice %arg2[%dma_wait3A_208, %dma_wait3A_209] : memref<10000x64xf32, #tpu.memory_space<hbm>> -> memref<80x64xf32, #tpu.memory_space<hbm>>
    tpu.wait_dma2 semaphore(%arg35 : memref<!tpu.dma_semaphore, #tpu.memory_space<semaphore_mem>>) src(%dma_wait3A_210 : memref<80x64xf32, #tpu.memory_space<hbm>>) dst(%arg21 : memref<80x64xf32, #tpu.memory_space<vmem>>)
    %dma_wait3A_211 = arith.constant 0 : i32
    %dma_wait3A_212 = arith.constant 0 : i32
    %dma_wait3A_213 = tpu.memref_slice %arg2[%dma_wait3A_211, %dma_wait3A_212] : memref<10000x64xf32, #tpu.memory_space<hbm>> -> memref<80x64xf32, #tpu.memory_space<hbm>>
    %dma_wait3A_214 = arith.constant 0 : i32
    %dma_wait3A_215 = arith.constant 0 : i32
    %dma_wait3A_216 = tpu.memref_slice %arg2[%dma_wait3A_214, %dma_wait3A_215] : memref<10000x64xf32, #tpu.memory_space<hbm>> -> memref<80x64xf32, #tpu.memory_space<hbm>>
    tpu.wait_dma2 semaphore(%arg35 : memref<!tpu.dma_semaphore, #tpu.memory_space<semaphore_mem>>) src(%dma_wait3A_216 : memref<80x64xf32, #tpu.memory_space<hbm>>) dst(%arg21 : memref<80x64xf32, #tpu.memory_space<vmem>>)
    %dma_wait3A_217 = arith.constant 0 : i32
    %dma_wait3A_218 = arith.constant 0 : i32
    %dma_wait3A_219 = tpu.memref_slice %arg2[%dma_wait3A_217, %dma_wait3A_218] : memref<10000x64xf32, #tpu.memory_space<hbm>> -> memref<80x64xf32, #tpu.memory_space<hbm>>
    %dma_wait3A_220 = arith.constant 0 : i32
    %dma_wait3A_221 = arith.constant 0 : i32
    %dma_wait3A_222 = tpu.memref_slice %arg2[%dma_wait3A_220, %dma_wait3A_221] : memref<10000x64xf32, #tpu.memory_space<hbm>> -> memref<80x64xf32, #tpu.memory_space<hbm>>
    tpu.wait_dma2 semaphore(%arg35 : memref<!tpu.dma_semaphore, #tpu.memory_space<semaphore_mem>>) src(%dma_wait3A_222 : memref<80x64xf32, #tpu.memory_space<hbm>>) dst(%arg21 : memref<80x64xf32, #tpu.memory_space<vmem>>)
    %dma_wait3A_223 = arith.constant 0 : i32
    %dma_wait3A_224 = arith.constant 0 : i32
    %dma_wait3A_225 = arith.constant 0 : i32
    %dma_wait3A_226 = tpu.memref_slice %arg8[%arg1, %dma_wait3A_223, %dma_wait3A_224, %dma_wait3A_225] : memref<16x260x1x80xi32, #tpu.memory_space<hbm>> -> memref<1x1x1x80xi32, #tpu.memory_space<hbm>>
    %dma_wait3A_227 = tpu.memref_squeeze %dma_wait3A_226 : memref<1x1x1x80xi32, #tpu.memory_space<hbm>> -> memref<1x80xi32, #tpu.memory_space<hbm>>
    %dma_wait3A_228 = arith.constant 0 : i32
    %dma_wait3A_229 = arith.constant 0 : i32
    %dma_wait3A_230 = tpu.memref_slice %arg8[%arg1, %dma_wait3A_223, %dma_wait3A_228, %dma_wait3A_229] : memref<16x260x1x80xi32, #tpu.memory_space<hbm>> -> memref<1x1x1x80xi32, #tpu.memory_space<hbm>>
    %dma_wait3A_231 = tpu.memref_squeeze %dma_wait3A_230 : memref<1x1x1x80xi32, #tpu.memory_space<hbm>> -> memref<1x80xi32, #tpu.memory_space<hbm>>
    tpu.wait_dma2 semaphore(%arg33 : memref<!tpu.dma_semaphore, #tpu.memory_space<semaphore_mem>>) src(%dma_wait3A_231 : memref<1x80xi32, #tpu.memory_space<hbm>>) dst(%arg15 : memref<1x80xi32, #tpu.memory_space<vmem>>)
    %dma_wait3A_232 = arith.constant 0 : i32
    %dma_wait3A_233 = arith.constant 0 : i32
    %dma_wait3A_234 = arith.constant 0 : i32
    %dma_wait3A_235 = tpu.memref_slice %arg8[%arg1, %dma_wait3A_232, %dma_wait3A_233, %dma_wait3A_234] : memref<16x260x1x80xi32, #tpu.memory_space<hbm>> -> memref<1x1x1x80xi32, #tpu.memory_space<hbm>>
    %dma_wait3A_236 = tpu.memref_squeeze %dma_wait3A_235 : memref<1x1x1x80xi32, #tpu.memory_space<hbm>> -> memref<1x80xi32, #tpu.memory_space<hbm>>
    %dma_wait3A_237 = arith.constant 0 : i32
    %dma_wait3A_238 = arith.constant 0 : i32
    %dma_wait3A_239 = tpu.memref_slice %arg8[%arg1, %dma_wait3A_232, %dma_wait3A_237, %dma_wait3A_238] : memref<16x260x1x80xi32, #tpu.memory_space<hbm>> -> memref<1x1x1x80xi32, #tpu.memory_space<hbm>>
    %dma_wait3A_240 = tpu.memref_squeeze %dma_wait3A_239 : memref<1x1x1x80xi32, #tpu.memory_space<hbm>> -> memref<1x80xi32, #tpu.memory_space<hbm>>
    tpu.wait_dma2 semaphore(%arg33 : memref<!tpu.dma_semaphore, #tpu.memory_space<semaphore_mem>>) src(%dma_wait3A_240 : memref<1x80xi32, #tpu.memory_space<hbm>>) dst(%arg15 : memref<1x80xi32, #tpu.memory_space<vmem>>)
    %barrier3A_241 = arith.constant 0 : index
    tpu.barrier barrier_id(%barrier3A_241)
    %swap3A = arith.constant 0 : i32
    %swap3A_242 = arith.index_cast %swap3A : i32 to index
    %swap3A_243 = arith.constant 0 : index
    %swap3A_244 = tpu.vector_load %arg28[%swap3A_242, %swap3A_243] {strides = array<i32>} : memref<1x16xf32, #tpu.memory_space<vmem>>, vector<16xf32>,
    tpu.vector_store %arg28[%swap3A_242, %swap3A_243], %scan3A_167 {strides = array<i32>} : memref<1x16xf32, #tpu.memory_space<vmem>>, vector<16xf32>,
    "tpu.region"() ({
      %run_scoped3A = tpu.sem_alloc : memref<!tpu.dma_semaphore, #tpu.memory_space<semaphore_mem>>
      %dma_start3A_277 = arith.constant 0 : i32
      %dma_start3A_278 = tpu.memref_slice %arg11[%add3A, %dma_start3A_277] : memref<32x16xf32, #tpu.memory_space<hbm>> -> memref<1x16xf32, #tpu.memory_space<hbm>>
      %dma_start3A_279 = arith.constant 0 : i32
      %dma_start3A_280 = tpu.memref_slice %arg11[%add3A, %dma_start3A_279] : memref<32x16xf32, #tpu.memory_space<hbm>> -> memref<1x16xf32, #tpu.memory_space<hbm>>
      tpu.enqueue_dma source(%arg28 : memref<1x16xf32, #tpu.memory_space<vmem>>) target(%dma_start3A_280 : memref<1x16xf32, #tpu.memory_space<hbm>>) target_semaphore(%run_scoped3A : memref<!tpu.dma_semaphore, #tpu.memory_space<semaphore_mem>>)
      %dma_wait3A_281 = arith.constant 0 : i32
      %dma_wait3A_282 = tpu.memref_slice %arg11[%add3A, %dma_wait3A_281] : memref<32x16xf32, #tpu.memory_space<hbm>> -> memref<1x16xf32, #tpu.memory_space<hbm>>
      %dma_wait3A_283 = arith.constant 0 : i32
      %dma_wait3A_284 = tpu.memref_slice %arg11[%add3A, %dma_wait3A_283] : memref<32x16xf32, #tpu.memory_space<hbm>> -> memref<1x16xf32, #tpu.memory_space<hbm>>
      tpu.wait_dma2 semaphore(%run_scoped3A : memref<!tpu.dma_semaphore, #tpu.memory_space<semaphore_mem>>) src(%arg28 : memref<1x16xf32, #tpu.memory_space<vmem>>) dst(%dma_wait3A_284 : memref<1x16xf32, #tpu.memory_space<hbm>>)
      tpu.yield
    }) : () -> ()
    %mul3A_245 = arith.constant 640 : i32
    %mul3A_246 = arith.muli %arg1, %mul3A_245 : i32
    %add3A_247 = arith.constant 0 : i32
    %add3A_248 = arith.addi %mul3A_246, %add3A_247 : i32
    "tpu.region"() ({
      %run_scoped3A = tpu.sem_alloc : memref<!tpu.dma_semaphore, #tpu.memory_space<semaphore_mem>>
      %dma_start3A_277 = arith.constant 0 : i32
      %dma_start3A_278 = arith.constant 0 : i32
      %dma_start3A_279 = tpu.memref_slice %arg26[%dma_start3A_277, %dma_start3A_278] : memref<80x64xf32, #tpu.memory_space<vmem>> -> memref<80x64xf32, #tpu.memory_space<vmem>>
      %dma_start3A_280 = arith.constant 0 : i32
      %dma_start3A_281 = tpu.memref_slice %arg29[%add3A_248, %dma_start3A_280] : memref<10240x64xf32, #tpu.memory_space<vmem_shared>> -> memref<80x64xf32, #tpu.memory_space<vmem_shared>>
      %dma_start3A_282 = arith.constant 0 : i32
      %dma_start3A_283 = arith.constant 0 : i32
      %dma_start3A_284 = tpu.memref_slice %arg26[%dma_start3A_282, %dma_start3A_283] : memref<80x64xf32, #tpu.memory_space<vmem>> -> memref<80x64xf32, #tpu.memory_space<vmem>>
      %dma_start3A_285 = arith.constant 0 : i32
      %dma_start3A_286 = tpu.memref_slice %arg29[%add3A_248, %dma_start3A_285] : memref<10240x64xf32, #tpu.memory_space<vmem_shared>> -> memref<80x64xf32, #tpu.memory_space<vmem_shared>>
      tpu.enqueue_dma source(%dma_start3A_286 : memref<80x64xf32, #tpu.memory_space<vmem_shared>>) target(%dma_start3A_284 : memref<80x64xf32, #tpu.memory_space<vmem>>) target_semaphore(%run_scoped3A : memref<!tpu.dma_semaphore, #tpu.memory_space<semaphore_mem>>)
      %dma_wait3A_287 = arith.constant 0 : i32
      %dma_wait3A_288 = arith.constant 0 : i32
      %dma_wait3A_289 = tpu.memref_slice %arg26[%dma_wait3A_287, %dma_wait3A_288] : memref<80x64xf32, #tpu.memory_space<vmem>> -> memref<80x64xf32, #tpu.memory_space<vmem>>
      %dma_wait3A_290 = arith.constant 0 : i32
      %dma_wait3A_291 = tpu.memref_slice %arg29[%add3A_248, %dma_wait3A_290] : memref<10240x64xf32, #tpu.memory_space<vmem_shared>> -> memref<80x64xf32, #tpu.memory_space<vmem_shared>>
      %dma_wait3A_292 = arith.constant 0 : i32
      %dma_wait3A_293 = arith.constant 0 : i32
      %dma_wait3A_294 = tpu.memref_slice %arg26[%dma_wait3A_292, %dma_wait3A_293] : memref<80x64xf32, #tpu.memory_space<vmem>> -> memref<80x64xf32, #tpu.memory_space<vmem>>
      %dma_wait3A_295 = arith.constant 0 : i32
      %dma_wait3A_296 = tpu.memref_slice %arg29[%add3A_248, %dma_wait3A_295] : memref<10240x64xf32, #tpu.memory_space<vmem_shared>> -> memref<80x64xf32, #tpu.memory_space<vmem_shared>>
      tpu.wait_dma2 semaphore(%run_scoped3A : memref<!tpu.dma_semaphore, #tpu.memory_space<semaphore_mem>>) src(%dma_wait3A_296 : memref<80x64xf32, #tpu.memory_space<vmem_shared>>) dst(%dma_wait3A_294 : memref<80x64xf32, #tpu.memory_space<vmem>>)
      tpu.yield
    }) : () -> ()
    "tpu.region"() ({
      %run_scoped3A = tpu.sem_alloc : memref<!tpu.dma_semaphore, #tpu.memory_space<semaphore_mem>>
      %dma_start3A_277 = arith.constant 0 : i32
      %dma_start3A_278 = arith.constant 0 : i32
      %dma_start3A_279 = tpu.memref_slice %arg26[%dma_start3A_277, %dma_start3A_278] : memref<80x64xf32, #tpu.memory_space<vmem>> -> memref<80x64xf32, #tpu.memory_space<vmem>>
      %dma_start3A_280 = arith.constant 0 : i32
      %dma_start3A_281 = tpu.memref_slice %arg10[%arg0, %add3A_248, %dma_start3A_280] : memref<2x10240x64xf32, #tpu.memory_space<hbm>> -> memref<1x80x64xf32, #tpu.memory_space<hbm>>
      %dma_start3A_282 = tpu.memref_squeeze %dma_start3A_281 : memref<1x80x64xf32, #tpu.memory_space<hbm>> -> memref<80x64xf32, #tpu.memory_space<hbm>>
      %dma_start3A_283 = arith.constant 0 : i32
      %dma_start3A_284 = tpu.memref_slice %arg10[%arg0, %add3A_248, %dma_start3A_283] : memref<2x10240x64xf32, #tpu.memory_space<hbm>> -> memref<1x80x64xf32, #tpu.memory_space<hbm>>
      %dma_start3A_285 = tpu.memref_squeeze %dma_start3A_284 : memref<1x80x64xf32, #tpu.memory_space<hbm>> -> memref<80x64xf32, #tpu.memory_space<hbm>>
      %dma_start3A_286 = arith.constant 0 : i32
      %dma_start3A_287 = arith.constant 0 : i32
      %dma_start3A_288 = tpu.memref_slice %arg26[%dma_start3A_286, %dma_start3A_287] : memref<80x64xf32, #tpu.memory_space<vmem>> -> memref<80x64xf32, #tpu.memory_space<vmem>>
      tpu.enqueue_dma source(%dma_start3A_288 : memref<80x64xf32, #tpu.memory_space<vmem>>) target(%dma_start3A_285 : memref<80x64xf32, #tpu.memory_space<hbm>>) target_semaphore(%run_scoped3A : memref<!tpu.dma_semaphore, #tpu.memory_space<semaphore_mem>>)
      %dma_wait3A_289 = arith.constant 0 : i32
      %dma_wait3A_290 = arith.constant 0 : i32
      %dma_wait3A_291 = tpu.memref_slice %arg26[%dma_wait3A_289, %dma_wait3A_290] : memref<80x64xf32, #tpu.memory_space<vmem>> -> memref<80x64xf32, #tpu.memory_space<vmem>>
      %dma_wait3A_292 = arith.constant 0 : i32
      %dma_wait3A_293 = tpu.memref_slice %arg10[%arg0, %add3A_248, %dma_wait3A_292] : memref<2x10240x64xf32, #tpu.memory_space<hbm>> -> memref<1x80x64xf32, #tpu.memory_space<hbm>>
      %dma_wait3A_294 = tpu.memref_squeeze %dma_wait3A_293 : memref<1x80x64xf32, #tpu.memory_space<hbm>> -> memref<80x64xf32, #tpu.memory_space<hbm>>
      %dma_wait3A_295 = arith.constant 0 : i32
      %dma_wait3A_296 = tpu.memref_slice %arg10[%arg0, %add3A_248, %dma_wait3A_295] : memref<2x10240x64xf32, #tpu.memory_space<hbm>> -> memref<1x80x64xf32, #tpu.memory_space<hbm>>
      %dma_wait3A_297 = tpu.memref_squeeze %dma_wait3A_296 : memref<1x80x64xf32, #tpu.memory_space<hbm>> -> memref<80x64xf32, #tpu.memory_space<hbm>>
      %dma_wait3A_298 = arith.constant 0 : i32
      %dma_wait3A_299 = arith.constant 0 : i32
      %dma_wait3A_300 = tpu.memref_slice %arg26[%dma_wait3A_298, %dma_wait3A_299] : memref<80x64xf32, #tpu.memory_space<vmem>> -> memref<80x64xf32, #tpu.memory_space<vmem>>
      tpu.wait_dma2 semaphore(%run_scoped3A : memref<!tpu.dma_semaphore, #tpu.memory_space<semaphore_mem>>) src(%dma_wait3A_300 : memref<80x64xf32, #tpu.memory_space<vmem>>) dst(%dma_wait3A_297 : memref<80x64xf32, #tpu.memory_space<hbm>>)
      tpu.yield
    }) : () -> ()
    %mul3A_249 = arith.constant 640 : i32
    %mul3A_250 = arith.muli %arg1, %mul3A_249 : i32
    %add3A_251 = arith.constant 80 : i32
    %add3A_252 = arith.addi %mul3A_250, %add3A_251 : i32
    "tpu.region"() ({
      %run_scoped3A = tpu.sem_alloc : memref<!tpu.dma_semaphore, #tpu.memory_space<semaphore_mem>>
      %dma_start3A_277 = arith.constant 0 : i32
      %dma_start3A_278 = arith.constant 0 : i32
      %dma_start3A_279 = tpu.memref_slice %arg26[%dma_start3A_277, %dma_start3A_278] : memref<80x64xf32, #tpu.memory_space<vmem>> -> memref<80x64xf32, #tpu.memory_space<vmem>>
      %dma_start3A_280 = arith.constant 0 : i32
      %dma_start3A_281 = tpu.memref_slice %arg29[%add3A_252, %dma_start3A_280] : memref<10240x64xf32, #tpu.memory_space<vmem_shared>> -> memref<80x64xf32, #tpu.memory_space<vmem_shared>>
      %dma_start3A_282 = arith.constant 0 : i32
      %dma_start3A_283 = arith.constant 0 : i32
      %dma_start3A_284 = tpu.memref_slice %arg26[%dma_start3A_282, %dma_start3A_283] : memref<80x64xf32, #tpu.memory_space<vmem>> -> memref<80x64xf32, #tpu.memory_space<vmem>>
      %dma_start3A_285 = arith.constant 0 : i32
      %dma_start3A_286 = tpu.memref_slice %arg29[%add3A_252, %dma_start3A_285] : memref<10240x64xf32, #tpu.memory_space<vmem_shared>> -> memref<80x64xf32, #tpu.memory_space<vmem_shared>>
      tpu.enqueue_dma source(%dma_start3A_286 : memref<80x64xf32, #tpu.memory_space<vmem_shared>>) target(%dma_start3A_284 : memref<80x64xf32, #tpu.memory_space<vmem>>) target_semaphore(%run_scoped3A : memref<!tpu.dma_semaphore, #tpu.memory_space<semaphore_mem>>)
      %dma_wait3A_287 = arith.constant 0 : i32
      %dma_wait3A_288 = arith.constant 0 : i32
      %dma_wait3A_289 = tpu.memref_slice %arg26[%dma_wait3A_287, %dma_wait3A_288] : memref<80x64xf32, #tpu.memory_space<vmem>> -> memref<80x64xf32, #tpu.memory_space<vmem>>
      %dma_wait3A_290 = arith.constant 0 : i32
      %dma_wait3A_291 = tpu.memref_slice %arg29[%add3A_252, %dma_wait3A_290] : memref<10240x64xf32, #tpu.memory_space<vmem_shared>> -> memref<80x64xf32, #tpu.memory_space<vmem_shared>>
      %dma_wait3A_292 = arith.constant 0 : i32
      %dma_wait3A_293 = arith.constant 0 : i32
      %dma_wait3A_294 = tpu.memref_slice %arg26[%dma_wait3A_292, %dma_wait3A_293] : memref<80x64xf32, #tpu.memory_space<vmem>> -> memref<80x64xf32, #tpu.memory_space<vmem>>
      %dma_wait3A_295 = arith.constant 0 : i32
      %dma_wait3A_296 = tpu.memref_slice %arg29[%add3A_252, %dma_wait3A_295] : memref<10240x64xf32, #tpu.memory_space<vmem_shared>> -> memref<80x64xf32, #tpu.memory_space<vmem_shared>>
      tpu.wait_dma2 semaphore(%run_scoped3A : memref<!tpu.dma_semaphore, #tpu.memory_space<semaphore_mem>>) src(%dma_wait3A_296 : memref<80x64xf32, #tpu.memory_space<vmem_shared>>) dst(%dma_wait3A_294 : memref<80x64xf32, #tpu.memory_space<vmem>>)
      tpu.yield
    }) : () -> ()
    "tpu.region"() ({
      %run_scoped3A = tpu.sem_alloc : memref<!tpu.dma_semaphore, #tpu.memory_space<semaphore_mem>>
      %dma_start3A_277 = arith.constant 0 : i32
      %dma_start3A_278 = arith.constant 0 : i32
      %dma_start3A_279 = tpu.memref_slice %arg26[%dma_start3A_277, %dma_start3A_278] : memref<80x64xf32, #tpu.memory_space<vmem>> -> memref<80x64xf32, #tpu.memory_space<vmem>>
      %dma_start3A_280 = arith.constant 0 : i32
      %dma_start3A_281 = tpu.memref_slice %arg10[%arg0, %add3A_252, %dma_start3A_280] : memref<2x10240x64xf32, #tpu.memory_space<hbm>> -> memref<1x80x64xf32, #tpu.memory_space<hbm>>
      %dma_start3A_282 = tpu.memref_squeeze %dma_start3A_281 : memref<1x80x64xf32, #tpu.memory_space<hbm>> -> memref<80x64xf32, #tpu.memory_space<hbm>>
      %dma_start3A_283 = arith.constant 0 : i32
      %dma_start3A_284 = tpu.memref_slice %arg10[%arg0, %add3A_252, %dma_start3A_283] : memref<2x10240x64xf32, #tpu.memory_space<hbm>> -> memref<1x80x64xf32, #tpu.memory_space<hbm>>
      %dma_start3A_285 = tpu.memref_squeeze %dma_start3A_284 : memref<1x80x64xf32, #tpu.memory_space<hbm>> -> memref<80x64xf32, #tpu.memory_space<hbm>>
      %dma_start3A_286 = arith.constant 0 : i32
      %dma_start3A_287 = arith.constant 0 : i32
      %dma_start3A_288 = tpu.memref_slice %arg26[%dma_start3A_286, %dma_start3A_287] : memref<80x64xf32, #tpu.memory_space<vmem>> -> memref<80x64xf32, #tpu.memory_space<vmem>>
      tpu.enqueue_dma source(%dma_start3A_288 : memref<80x64xf32, #tpu.memory_space<vmem>>) target(%dma_start3A_285 : memref<80x64xf32, #tpu.memory_space<hbm>>) target_semaphore(%run_scoped3A : memref<!tpu.dma_semaphore, #tpu.memory_space<semaphore_mem>>)
      %dma_wait3A_289 = arith.constant 0 : i32
      %dma_wait3A_290 = arith.constant 0 : i32
      %dma_wait3A_291 = tpu.memref_slice %arg26[%dma_wait3A_289, %dma_wait3A_290] : memref<80x64xf32, #tpu.memory_space<vmem>> -> memref<80x64xf32, #tpu.memory_space<vmem>>
      %dma_wait3A_292 = arith.constant 0 : i32
      %dma_wait3A_293 = tpu.memref_slice %arg10[%arg0, %add3A_252, %dma_wait3A_292] : memref<2x10240x64xf32, #tpu.memory_space<hbm>> -> memref<1x80x64xf32, #tpu.memory_space<hbm>>
      %dma_wait3A_294 = tpu.memref_squeeze %dma_wait3A_293 : memref<1x80x64xf32, #tpu.memory_space<hbm>> -> memref<80x64xf32, #tpu.memory_space<hbm>>
      %dma_wait3A_295 = arith.constant 0 : i32
      %dma_wait3A_296 = tpu.memref_slice %arg10[%arg0, %add3A_252, %dma_wait3A_295] : memref<2x10240x64xf32, #tpu.memory_space<hbm>> -> memref<1x80x64xf32, #tpu.memory_space<hbm>>
      %dma_wait3A_297 = tpu.memref_squeeze %dma_wait3A_296 : memref<1x80x64xf32, #tpu.memory_space<hbm>> -> memref<80x64xf32, #tpu.memory_space<hbm>>
      %dma_wait3A_298 = arith.constant 0 : i32
      %dma_wait3A_299 = arith.constant 0 : i32
      %dma_wait3A_300 = tpu.memref_slice %arg26[%dma_wait3A_298, %dma_wait3A_299] : memref<80x64xf32, #tpu.memory_space<vmem>> -> memref<80x64xf32, #tpu.memory_space<vmem>>
      tpu.wait_dma2 semaphore(%run_scoped3A : memref<!tpu.dma_semaphore, #tpu.memory_space<semaphore_mem>>) src(%dma_wait3A_300 : memref<80x64xf32, #tpu.memory_space<vmem>>) dst(%dma_wait3A_297 : memref<80x64xf32, #tpu.memory_space<hbm>>)
      tpu.yield
    }) : () -> ()
    %mul3A_253 = arith.constant 640 : i32
    %mul3A_254 = arith.muli %arg1, %mul3A_253 : i32
    %add3A_255 = arith.constant 160 : i32
    %add3A_256 = arith.addi %mul3A_254, %add3A_255 : i32
    "tpu.region"() ({
      %run_scoped3A = tpu.sem_alloc : memref<!tpu.dma_semaphore, #tpu.memory_space<semaphore_mem>>
      %dma_start3A_277 = arith.constant 0 : i32
      %dma_start3A_278 = arith.constant 0 : i32
      %dma_start3A_279 = tpu.memref_slice %arg26[%dma_start3A_277, %dma_start3A_278] : memref<80x64xf32, #tpu.memory_space<vmem>> -> memref<80x64xf32, #tpu.memory_space<vmem>>
      %dma_start3A_280 = arith.constant 0 : i32
      %dma_start3A_281 = tpu.memref_slice %arg29[%add3A_256, %dma_start3A_280] : memref<10240x64xf32, #tpu.memory_space<vmem_shared>> -> memref<80x64xf32, #tpu.memory_space<vmem_shared>>
      %dma_start3A_282 = arith.constant 0 : i32
      %dma_start3A_283 = arith.constant 0 : i32
      %dma_start3A_284 = tpu.memref_slice %arg26[%dma_start3A_282, %dma_start3A_283] : memref<80x64xf32, #tpu.memory_space<vmem>> -> memref<80x64xf32, #tpu.memory_space<vmem>>
      %dma_start3A_285 = arith.constant 0 : i32
      %dma_start3A_286 = tpu.memref_slice %arg29[%add3A_256, %dma_start3A_285] : memref<10240x64xf32, #tpu.memory_space<vmem_shared>> -> memref<80x64xf32, #tpu.memory_space<vmem_shared>>
      tpu.enqueue_dma source(%dma_start3A_286 : memref<80x64xf32, #tpu.memory_space<vmem_shared>>) target(%dma_start3A_284 : memref<80x64xf32, #tpu.memory_space<vmem>>) target_semaphore(%run_scoped3A : memref<!tpu.dma_semaphore, #tpu.memory_space<semaphore_mem>>)
      %dma_wait3A_287 = arith.constant 0 : i32
      %dma_wait3A_288 = arith.constant 0 : i32
      %dma_wait3A_289 = tpu.memref_slice %arg26[%dma_wait3A_287, %dma_wait3A_288] : memref<80x64xf32, #tpu.memory_space<vmem>> -> memref<80x64xf32, #tpu.memory_space<vmem>>
      %dma_wait3A_290 = arith.constant 0 : i32
      %dma_wait3A_291 = tpu.memref_slice %arg29[%add3A_256, %dma_wait3A_290] : memref<10240x64xf32, #tpu.memory_space<vmem_shared>> -> memref<80x64xf32, #tpu.memory_space<vmem_shared>>
      %dma_wait3A_292 = arith.constant 0 : i32
      %dma_wait3A_293 = arith.constant 0 : i32
      %dma_wait3A_294 = tpu.memref_slice %arg26[%dma_wait3A_292, %dma_wait3A_293] : memref<80x64xf32, #tpu.memory_space<vmem>> -> memref<80x64xf32, #tpu.memory_space<vmem>>
      %dma_wait3A_295 = arith.constant 0 : i32
      %dma_wait3A_296 = tpu.memref_slice %arg29[%add3A_256, %dma_wait3A_295] : memref<10240x64xf32, #tpu.memory_space<vmem_shared>> -> memref<80x64xf32, #tpu.memory_space<vmem_shared>>
      tpu.wait_dma2 semaphore(%run_scoped3A : memref<!tpu.dma_semaphore, #tpu.memory_space<semaphore_mem>>) src(%dma_wait3A_296 : memref<80x64xf32, #tpu.memory_space<vmem_shared>>) dst(%dma_wait3A_294 : memref<80x64xf32, #tpu.memory_space<vmem>>)
      tpu.yield
    }) : () -> ()
    "tpu.region"() ({
      %run_scoped3A = tpu.sem_alloc : memref<!tpu.dma_semaphore, #tpu.memory_space<semaphore_mem>>
      %dma_start3A_277 = arith.constant 0 : i32
      %dma_start3A_278 = arith.constant 0 : i32
      %dma_start3A_279 = tpu.memref_slice %arg26[%dma_start3A_277, %dma_start3A_278] : memref<80x64xf32, #tpu.memory_space<vmem>> -> memref<80x64xf32, #tpu.memory_space<vmem>>
      %dma_start3A_280 = arith.constant 0 : i32
      %dma_start3A_281 = tpu.memref_slice %arg10[%arg0, %add3A_256, %dma_start3A_280] : memref<2x10240x64xf32, #tpu.memory_space<hbm>> -> memref<1x80x64xf32, #tpu.memory_space<hbm>>
      %dma_start3A_282 = tpu.memref_squeeze %dma_start3A_281 : memref<1x80x64xf32, #tpu.memory_space<hbm>> -> memref<80x64xf32, #tpu.memory_space<hbm>>
      %dma_start3A_283 = arith.constant 0 : i32
      %dma_start3A_284 = tpu.memref_slice %arg10[%arg0, %add3A_256, %dma_start3A_283] : memref<2x10240x64xf32, #tpu.memory_space<hbm>> -> memref<1x80x64xf32, #tpu.memory_space<hbm>>
      %dma_start3A_285 = tpu.memref_squeeze %dma_start3A_284 : memref<1x80x64xf32, #tpu.memory_space<hbm>> -> memref<80x64xf32, #tpu.memory_space<hbm>>
      %dma_start3A_286 = arith.constant 0 : i32
      %dma_start3A_287 = arith.constant 0 : i32
      %dma_start3A_288 = tpu.memref_slice %arg26[%dma_start3A_286, %dma_start3A_287] : memref<80x64xf32, #tpu.memory_space<vmem>> -> memref<80x64xf32, #tpu.memory_space<vmem>>
      tpu.enqueue_dma source(%dma_start3A_288 : memref<80x64xf32, #tpu.memory_space<vmem>>) target(%dma_start3A_285 : memref<80x64xf32, #tpu.memory_space<hbm>>) target_semaphore(%run_scoped3A : memref<!tpu.dma_semaphore, #tpu.memory_space<semaphore_mem>>)
      %dma_wait3A_289 = arith.constant 0 : i32
      %dma_wait3A_290 = arith.constant 0 : i32
      %dma_wait3A_291 = tpu.memref_slice %arg26[%dma_wait3A_289, %dma_wait3A_290] : memref<80x64xf32, #tpu.memory_space<vmem>> -> memref<80x64xf32, #tpu.memory_space<vmem>>
      %dma_wait3A_292 = arith.constant 0 : i32
      %dma_wait3A_293 = tpu.memref_slice %arg10[%arg0, %add3A_256, %dma_wait3A_292] : memref<2x10240x64xf32, #tpu.memory_space<hbm>> -> memref<1x80x64xf32, #tpu.memory_space<hbm>>
      %dma_wait3A_294 = tpu.memref_squeeze %dma_wait3A_293 : memref<1x80x64xf32, #tpu.memory_space<hbm>> -> memref<80x64xf32, #tpu.memory_space<hbm>>
      %dma_wait3A_295 = arith.constant 0 : i32
      %dma_wait3A_296 = tpu.memref_slice %arg10[%arg0, %add3A_256, %dma_wait3A_295] : memref<2x10240x64xf32, #tpu.memory_space<hbm>> -> memref<1x80x64xf32, #tpu.memory_space<hbm>>
      %dma_wait3A_297 = tpu.memref_squeeze %dma_wait3A_296 : memref<1x80x64xf32, #tpu.memory_space<hbm>> -> memref<80x64xf32, #tpu.memory_space<hbm>>
      %dma_wait3A_298 = arith.constant 0 : i32
      %dma_wait3A_299 = arith.constant 0 : i32
      %dma_wait3A_300 = tpu.memref_slice %arg26[%dma_wait3A_298, %dma_wait3A_299] : memref<80x64xf32, #tpu.memory_space<vmem>> -> memref<80x64xf32, #tpu.memory_space<vmem>>
      tpu.wait_dma2 semaphore(%run_scoped3A : memref<!tpu.dma_semaphore, #tpu.memory_space<semaphore_mem>>) src(%dma_wait3A_300 : memref<80x64xf32, #tpu.memory_space<vmem>>) dst(%dma_wait3A_297 : memref<80x64xf32, #tpu.memory_space<hbm>>)
      tpu.yield
    }) : () -> ()
    %mul3A_257 = arith.constant 640 : i32
    %mul3A_258 = arith.muli %arg1, %mul3A_257 : i32
    %add3A_259 = arith.constant 240 : i32
    %add3A_260 = arith.addi %mul3A_258, %add3A_259 : i32
    "tpu.region"() ({
      %run_scoped3A = tpu.sem_alloc : memref<!tpu.dma_semaphore, #tpu.memory_space<semaphore_mem>>
      %dma_start3A_277 = arith.constant 0 : i32
      %dma_start3A_278 = arith.constant 0 : i32
      %dma_start3A_279 = tpu.memref_slice %arg26[%dma_start3A_277, %dma_start3A_278] : memref<80x64xf32, #tpu.memory_space<vmem>> -> memref<80x64xf32, #tpu.memory_space<vmem>>
      %dma_start3A_280 = arith.constant 0 : i32
      %dma_start3A_281 = tpu.memref_slice %arg29[%add3A_260, %dma_start3A_280] : memref<10240x64xf32, #tpu.memory_space<vmem_shared>> -> memref<80x64xf32, #tpu.memory_space<vmem_shared>>
      %dma_start3A_282 = arith.constant 0 : i32
      %dma_start3A_283 = arith.constant 0 : i32
      %dma_start3A_284 = tpu.memref_slice %arg26[%dma_start3A_282, %dma_start3A_283] : memref<80x64xf32, #tpu.memory_space<vmem>> -> memref<80x64xf32, #tpu.memory_space<vmem>>
      %dma_start3A_285 = arith.constant 0 : i32
      %dma_start3A_286 = tpu.memref_slice %arg29[%add3A_260, %dma_start3A_285] : memref<10240x64xf32, #tpu.memory_space<vmem_shared>> -> memref<80x64xf32, #tpu.memory_space<vmem_shared>>
      tpu.enqueue_dma source(%dma_start3A_286 : memref<80x64xf32, #tpu.memory_space<vmem_shared>>) target(%dma_start3A_284 : memref<80x64xf32, #tpu.memory_space<vmem>>) target_semaphore(%run_scoped3A : memref<!tpu.dma_semaphore, #tpu.memory_space<semaphore_mem>>)
      %dma_wait3A_287 = arith.constant 0 : i32
      %dma_wait3A_288 = arith.constant 0 : i32
      %dma_wait3A_289 = tpu.memref_slice %arg26[%dma_wait3A_287, %dma_wait3A_288] : memref<80x64xf32, #tpu.memory_space<vmem>> -> memref<80x64xf32, #tpu.memory_space<vmem>>
      %dma_wait3A_290 = arith.constant 0 : i32
      %dma_wait3A_291 = tpu.memref_slice %arg29[%add3A_260, %dma_wait3A_290] : memref<10240x64xf32, #tpu.memory_space<vmem_shared>> -> memref<80x64xf32, #tpu.memory_space<vmem_shared>>
      %dma_wait3A_292 = arith.constant 0 : i32
      %dma_wait3A_293 = arith.constant 0 : i32
      %dma_wait3A_294 = tpu.memref_slice %arg26[%dma_wait3A_292, %dma_wait3A_293] : memref<80x64xf32, #tpu.memory_space<vmem>> -> memref<80x64xf32, #tpu.memory_space<vmem>>
      %dma_wait3A_295 = arith.constant 0 : i32
      %dma_wait3A_296 = tpu.memref_slice %arg29[%add3A_260, %dma_wait3A_295] : memref<10240x64xf32, #tpu.memory_space<vmem_shared>> -> memref<80x64xf32, #tpu.memory_space<vmem_shared>>
      tpu.wait_dma2 semaphore(%run_scoped3A : memref<!tpu.dma_semaphore, #tpu.memory_space<semaphore_mem>>) src(%dma_wait3A_296 : memref<80x64xf32, #tpu.memory_space<vmem_shared>>) dst(%dma_wait3A_294 : memref<80x64xf32, #tpu.memory_space<vmem>>)
      tpu.yield
    }) : () -> ()
    "tpu.region"() ({
      %run_scoped3A = tpu.sem_alloc : memref<!tpu.dma_semaphore, #tpu.memory_space<semaphore_mem>>
      %dma_start3A_277 = arith.constant 0 : i32
      %dma_start3A_278 = arith.constant 0 : i32
      %dma_start3A_279 = tpu.memref_slice %arg26[%dma_start3A_277, %dma_start3A_278] : memref<80x64xf32, #tpu.memory_space<vmem>> -> memref<80x64xf32, #tpu.memory_space<vmem>>
      %dma_start3A_280 = arith.constant 0 : i32
      %dma_start3A_281 = tpu.memref_slice %arg10[%arg0, %add3A_260, %dma_start3A_280] : memref<2x10240x64xf32, #tpu.memory_space<hbm>> -> memref<1x80x64xf32, #tpu.memory_space<hbm>>
      %dma_start3A_282 = tpu.memref_squeeze %dma_start3A_281 : memref<1x80x64xf32, #tpu.memory_space<hbm>> -> memref<80x64xf32, #tpu.memory_space<hbm>>
      %dma_start3A_283 = arith.constant 0 : i32
      %dma_start3A_284 = tpu.memref_slice %arg10[%arg0, %add3A_260, %dma_start3A_283] : memref<2x10240x64xf32, #tpu.memory_space<hbm>> -> memref<1x80x64xf32, #tpu.memory_space<hbm>>
      %dma_start3A_285 = tpu.memref_squeeze %dma_start3A_284 : memref<1x80x64xf32, #tpu.memory_space<hbm>> -> memref<80x64xf32, #tpu.memory_space<hbm>>
      %dma_start3A_286 = arith.constant 0 : i32
      %dma_start3A_287 = arith.constant 0 : i32
      %dma_start3A_288 = tpu.memref_slice %arg26[%dma_start3A_286, %dma_start3A_287] : memref<80x64xf32, #tpu.memory_space<vmem>> -> memref<80x64xf32, #tpu.memory_space<vmem>>
      tpu.enqueue_dma source(%dma_start3A_288 : memref<80x64xf32, #tpu.memory_space<vmem>>) target(%dma_start3A_285 : memref<80x64xf32, #tpu.memory_space<hbm>>) target_semaphore(%run_scoped3A : memref<!tpu.dma_semaphore, #tpu.memory_space<semaphore_mem>>)
      %dma_wait3A_289 = arith.constant 0 : i32
      %dma_wait3A_290 = arith.constant 0 : i32
      %dma_wait3A_291 = tpu.memref_slice %arg26[%dma_wait3A_289, %dma_wait3A_290] : memref<80x64xf32, #tpu.memory_space<vmem>> -> memref<80x64xf32, #tpu.memory_space<vmem>>
      %dma_wait3A_292 = arith.constant 0 : i32
      %dma_wait3A_293 = tpu.memref_slice %arg10[%arg0, %add3A_260, %dma_wait3A_292] : memref<2x10240x64xf32, #tpu.memory_space<hbm>> -> memref<1x80x64xf32, #tpu.memory_space<hbm>>
      %dma_wait3A_294 = tpu.memref_squeeze %dma_wait3A_293 : memref<1x80x64xf32, #tpu.memory_space<hbm>> -> memref<80x64xf32, #tpu.memory_space<hbm>>
      %dma_wait3A_295 = arith.constant 0 : i32
      %dma_wait3A_296 = tpu.memref_slice %arg10[%arg0, %add3A_260, %dma_wait3A_295] : memref<2x10240x64xf32, #tpu.memory_space<hbm>> -> memref<1x80x64xf32, #tpu.memory_space<hbm>>
      %dma_wait3A_297 = tpu.memref_squeeze %dma_wait3A_296 : memref<1x80x64xf32, #tpu.memory_space<hbm>> -> memref<80x64xf32, #tpu.memory_space<hbm>>
      %dma_wait3A_298 = arith.constant 0 : i32
      %dma_wait3A_299 = arith.constant 0 : i32
      %dma_wait3A_300 = tpu.memref_slice %arg26[%dma_wait3A_298, %dma_wait3A_299] : memref<80x64xf32, #tpu.memory_space<vmem>> -> memref<80x64xf32, #tpu.memory_space<vmem>>
      tpu.wait_dma2 semaphore(%run_scoped3A : memref<!tpu.dma_semaphore, #tpu.memory_space<semaphore_mem>>) src(%dma_wait3A_300 : memref<80x64xf32, #tpu.memory_space<vmem>>) dst(%dma_wait3A_297 : memref<80x64xf32, #tpu.memory_space<hbm>>)
      tpu.yield
    }) : () -> ()
    %mul3A_261 = arith.constant 640 : i32
    %mul3A_262 = arith.muli %arg1, %mul3A_261 : i32
    %add3A_263 = arith.constant 320 : i32
    %add3A_264 = arith.addi %mul3A_262, %add3A_263 : i32
    "tpu.region"() ({
      %run_scoped3A = tpu.sem_alloc : memref<!tpu.dma_semaphore, #tpu.memory_space<semaphore_mem>>
      %dma_start3A_277 = arith.constant 0 : i32
      %dma_start3A_278 = arith.constant 0 : i32
      %dma_start3A_279 = tpu.memref_slice %arg26[%dma_start3A_277, %dma_start3A_278] : memref<80x64xf32, #tpu.memory_space<vmem>> -> memref<80x64xf32, #tpu.memory_space<vmem>>
      %dma_start3A_280 = arith.constant 0 : i32
      %dma_start3A_281 = tpu.memref_slice %arg29[%add3A_264, %dma_start3A_280] : memref<10240x64xf32, #tpu.memory_space<vmem_shared>> -> memref<80x64xf32, #tpu.memory_space<vmem_shared>>
      %dma_start3A_282 = arith.constant 0 : i32
      %dma_start3A_283 = arith.constant 0 : i32
      %dma_start3A_284 = tpu.memref_slice %arg26[%dma_start3A_282, %dma_start3A_283] : memref<80x64xf32, #tpu.memory_space<vmem>> -> memref<80x64xf32, #tpu.memory_space<vmem>>
      %dma_start3A_285 = arith.constant 0 : i32
      %dma_start3A_286 = tpu.memref_slice %arg29[%add3A_264, %dma_start3A_285] : memref<10240x64xf32, #tpu.memory_space<vmem_shared>> -> memref<80x64xf32, #tpu.memory_space<vmem_shared>>
      tpu.enqueue_dma source(%dma_start3A_286 : memref<80x64xf32, #tpu.memory_space<vmem_shared>>) target(%dma_start3A_284 : memref<80x64xf32, #tpu.memory_space<vmem>>) target_semaphore(%run_scoped3A : memref<!tpu.dma_semaphore, #tpu.memory_space<semaphore_mem>>)
      %dma_wait3A_287 = arith.constant 0 : i32
      %dma_wait3A_288 = arith.constant 0 : i32
      %dma_wait3A_289 = tpu.memref_slice %arg26[%dma_wait3A_287, %dma_wait3A_288] : memref<80x64xf32, #tpu.memory_space<vmem>> -> memref<80x64xf32, #tpu.memory_space<vmem>>
      %dma_wait3A_290 = arith.constant 0 : i32
      %dma_wait3A_291 = tpu.memref_slice %arg29[%add3A_264, %dma_wait3A_290] : memref<10240x64xf32, #tpu.memory_space<vmem_shared>> -> memref<80x64xf32, #tpu.memory_space<vmem_shared>>
      %dma_wait3A_292 = arith.constant 0 : i32
      %dma_wait3A_293 = arith.constant 0 : i32
      %dma_wait3A_294 = tpu.memref_slice %arg26[%dma_wait3A_292, %dma_wait3A_293] : memref<80x64xf32, #tpu.memory_space<vmem>> -> memref<80x64xf32, #tpu.memory_space<vmem>>
      %dma_wait3A_295 = arith.constant 0 : i32
      %dma_wait3A_296 = tpu.memref_slice %arg29[%add3A_264, %dma_wait3A_295] : memref<10240x64xf32, #tpu.memory_space<vmem_shared>> -> memref<80x64xf32, #tpu.memory_space<vmem_shared>>
      tpu.wait_dma2 semaphore(%run_scoped3A : memref<!tpu.dma_semaphore, #tpu.memory_space<semaphore_mem>>) src(%dma_wait3A_296 : memref<80x64xf32, #tpu.memory_space<vmem_shared>>) dst(%dma_wait3A_294 : memref<80x64xf32, #tpu.memory_space<vmem>>)
      tpu.yield
    }) : () -> ()
    "tpu.region"() ({
      %run_scoped3A = tpu.sem_alloc : memref<!tpu.dma_semaphore, #tpu.memory_space<semaphore_mem>>
      %dma_start3A_277 = arith.constant 0 : i32
      %dma_start3A_278 = arith.constant 0 : i32
      %dma_start3A_279 = tpu.memref_slice %arg26[%dma_start3A_277, %dma_start3A_278] : memref<80x64xf32, #tpu.memory_space<vmem>> -> memref<80x64xf32, #tpu.memory_space<vmem>>
      %dma_start3A_280 = arith.constant 0 : i32
      %dma_start3A_281 = tpu.memref_slice %arg10[%arg0, %add3A_264, %dma_start3A_280] : memref<2x10240x64xf32, #tpu.memory_space<hbm>> -> memref<1x80x64xf32, #tpu.memory_space<hbm>>
      %dma_start3A_282 = tpu.memref_squeeze %dma_start3A_281 : memref<1x80x64xf32, #tpu.memory_space<hbm>> -> memref<80x64xf32, #tpu.memory_space<hbm>>
      %dma_start3A_283 = arith.constant 0 : i32
      %dma_start3A_284 = tpu.memref_slice %arg10[%arg0, %add3A_264, %dma_start3A_283] : memref<2x10240x64xf32, #tpu.memory_space<hbm>> -> memref<1x80x64xf32, #tpu.memory_space<hbm>>
      %dma_start3A_285 = tpu.memref_squeeze %dma_start3A_284 : memref<1x80x64xf32, #tpu.memory_space<hbm>> -> memref<80x64xf32, #tpu.memory_space<hbm>>
      %dma_start3A_286 = arith.constant 0 : i32
      %dma_start3A_287 = arith.constant 0 : i32
      %dma_start3A_288 = tpu.memref_slice %arg26[%dma_start3A_286, %dma_start3A_287] : memref<80x64xf32, #tpu.memory_space<vmem>> -> memref<80x64xf32, #tpu.memory_space<vmem>>
      tpu.enqueue_dma source(%dma_start3A_288 : memref<80x64xf32, #tpu.memory_space<vmem>>) target(%dma_start3A_285 : memref<80x64xf32, #tpu.memory_space<hbm>>) target_semaphore(%run_scoped3A : memref<!tpu.dma_semaphore, #tpu.memory_space<semaphore_mem>>)
      %dma_wait3A_289 = arith.constant 0 : i32
      %dma_wait3A_290 = arith.constant 0 : i32
      %dma_wait3A_291 = tpu.memref_slice %arg26[%dma_wait3A_289, %dma_wait3A_290] : memref<80x64xf32, #tpu.memory_space<vmem>> -> memref<80x64xf32, #tpu.memory_space<vmem>>
      %dma_wait3A_292 = arith.constant 0 : i32
      %dma_wait3A_293 = tpu.memref_slice %arg10[%arg0, %add3A_264, %dma_wait3A_292] : memref<2x10240x64xf32, #tpu.memory_space<hbm>> -> memref<1x80x64xf32, #tpu.memory_space<hbm>>
      %dma_wait3A_294 = tpu.memref_squeeze %dma_wait3A_293 : memref<1x80x64xf32, #tpu.memory_space<hbm>> -> memref<80x64xf32, #tpu.memory_space<hbm>>
      %dma_wait3A_295 = arith.constant 0 : i32
      %dma_wait3A_296 = tpu.memref_slice %arg10[%arg0, %add3A_264, %dma_wait3A_295] : memref<2x10240x64xf32, #tpu.memory_space<hbm>> -> memref<1x80x64xf32, #tpu.memory_space<hbm>>
      %dma_wait3A_297 = tpu.memref_squeeze %dma_wait3A_296 : memref<1x80x64xf32, #tpu.memory_space<hbm>> -> memref<80x64xf32, #tpu.memory_space<hbm>>
      %dma_wait3A_298 = arith.constant 0 : i32
      %dma_wait3A_299 = arith.constant 0 : i32
      %dma_wait3A_300 = tpu.memref_slice %arg26[%dma_wait3A_298, %dma_wait3A_299] : memref<80x64xf32, #tpu.memory_space<vmem>> -> memref<80x64xf32, #tpu.memory_space<vmem>>
      tpu.wait_dma2 semaphore(%run_scoped3A : memref<!tpu.dma_semaphore, #tpu.memory_space<semaphore_mem>>) src(%dma_wait3A_300 : memref<80x64xf32, #tpu.memory_space<vmem>>) dst(%dma_wait3A_297 : memref<80x64xf32, #tpu.memory_space<hbm>>)
      tpu.yield
    }) : () -> ()
    %mul3A_265 = arith.constant 640 : i32
    %mul3A_266 = arith.muli %arg1, %mul3A_265 : i32
    %add3A_267 = arith.constant 400 : i32
    %add3A_268 = arith.addi %mul3A_266, %add3A_267 : i32
    "tpu.region"() ({
      %run_scoped3A = tpu.sem_alloc : memref<!tpu.dma_semaphore, #tpu.memory_space<semaphore_mem>>
      %dma_start3A_277 = arith.constant 0 : i32
      %dma_start3A_278 = arith.constant 0 : i32
      %dma_start3A_279 = tpu.memref_slice %arg26[%dma_start3A_277, %dma_start3A_278] : memref<80x64xf32, #tpu.memory_space<vmem>> -> memref<80x64xf32, #tpu.memory_space<vmem>>
      %dma_start3A_280 = arith.constant 0 : i32
      %dma_start3A_281 = tpu.memref_slice %arg29[%add3A_268, %dma_start3A_280] : memref<10240x64xf32, #tpu.memory_space<vmem_shared>> -> memref<80x64xf32, #tpu.memory_space<vmem_shared>>
      %dma_start3A_282 = arith.constant 0 : i32
      %dma_start3A_283 = arith.constant 0 : i32
      %dma_start3A_284 = tpu.memref_slice %arg26[%dma_start3A_282, %dma_start3A_283] : memref<80x64xf32, #tpu.memory_space<vmem>> -> memref<80x64xf32, #tpu.memory_space<vmem>>
      %dma_start3A_285 = arith.constant 0 : i32
      %dma_start3A_286 = tpu.memref_slice %arg29[%add3A_268, %dma_start3A_285] : memref<10240x64xf32, #tpu.memory_space<vmem_shared>> -> memref<80x64xf32, #tpu.memory_space<vmem_shared>>
      tpu.enqueue_dma source(%dma_start3A_286 : memref<80x64xf32, #tpu.memory_space<vmem_shared>>) target(%dma_start3A_284 : memref<80x64xf32, #tpu.memory_space<vmem>>) target_semaphore(%run_scoped3A : memref<!tpu.dma_semaphore, #tpu.memory_space<semaphore_mem>>)
      %dma_wait3A_287 = arith.constant 0 : i32
      %dma_wait3A_288 = arith.constant 0 : i32
      %dma_wait3A_289 = tpu.memref_slice %arg26[%dma_wait3A_287, %dma_wait3A_288] : memref<80x64xf32, #tpu.memory_space<vmem>> -> memref<80x64xf32, #tpu.memory_space<vmem>>
      %dma_wait3A_290 = arith.constant 0 : i32
      %dma_wait3A_291 = tpu.memref_slice %arg29[%add3A_268, %dma_wait3A_290] : memref<10240x64xf32, #tpu.memory_space<vmem_shared>> -> memref<80x64xf32, #tpu.memory_space<vmem_shared>>
      %dma_wait3A_292 = arith.constant 0 : i32
      %dma_wait3A_293 = arith.constant 0 : i32
      %dma_wait3A_294 = tpu.memref_slice %arg26[%dma_wait3A_292, %dma_wait3A_293] : memref<80x64xf32, #tpu.memory_space<vmem>> -> memref<80x64xf32, #tpu.memory_space<vmem>>
      %dma_wait3A_295 = arith.constant 0 : i32
      %dma_wait3A_296 = tpu.memref_slice %arg29[%add3A_268, %dma_wait3A_295] : memref<10240x64xf32, #tpu.memory_space<vmem_shared>> -> memref<80x64xf32, #tpu.memory_space<vmem_shared>>
      tpu.wait_dma2 semaphore(%run_scoped3A : memref<!tpu.dma_semaphore, #tpu.memory_space<semaphore_mem>>) src(%dma_wait3A_296 : memref<80x64xf32, #tpu.memory_space<vmem_shared>>) dst(%dma_wait3A_294 : memref<80x64xf32, #tpu.memory_space<vmem>>)
      tpu.yield
    }) : () -> ()
    "tpu.region"() ({
      %run_scoped3A = tpu.sem_alloc : memref<!tpu.dma_semaphore, #tpu.memory_space<semaphore_mem>>
      %dma_start3A_277 = arith.constant 0 : i32
      %dma_start3A_278 = arith.constant 0 : i32
      %dma_start3A_279 = tpu.memref_slice %arg26[%dma_start3A_277, %dma_start3A_278] : memref<80x64xf32, #tpu.memory_space<vmem>> -> memref<80x64xf32, #tpu.memory_space<vmem>>
      %dma_start3A_280 = arith.constant 0 : i32
      %dma_start3A_281 = tpu.memref_slice %arg10[%arg0, %add3A_268, %dma_start3A_280] : memref<2x10240x64xf32, #tpu.memory_space<hbm>> -> memref<1x80x64xf32, #tpu.memory_space<hbm>>
      %dma_start3A_282 = tpu.memref_squeeze %dma_start3A_281 : memref<1x80x64xf32, #tpu.memory_space<hbm>> -> memref<80x64xf32, #tpu.memory_space<hbm>>
      %dma_start3A_283 = arith.constant 0 : i32
      %dma_start3A_284 = tpu.memref_slice %arg10[%arg0, %add3A_268, %dma_start3A_283] : memref<2x10240x64xf32, #tpu.memory_space<hbm>> -> memref<1x80x64xf32, #tpu.memory_space<hbm>>
      %dma_start3A_285 = tpu.memref_squeeze %dma_start3A_284 : memref<1x80x64xf32, #tpu.memory_space<hbm>> -> memref<80x64xf32, #tpu.memory_space<hbm>>
      %dma_start3A_286 = arith.constant 0 : i32
      %dma_start3A_287 = arith.constant 0 : i32
      %dma_start3A_288 = tpu.memref_slice %arg26[%dma_start3A_286, %dma_start3A_287] : memref<80x64xf32, #tpu.memory_space<vmem>> -> memref<80x64xf32, #tpu.memory_space<vmem>>
      tpu.enqueue_dma source(%dma_start3A_288 : memref<80x64xf32, #tpu.memory_space<vmem>>) target(%dma_start3A_285 : memref<80x64xf32, #tpu.memory_space<hbm>>) target_semaphore(%run_scoped3A : memref<!tpu.dma_semaphore, #tpu.memory_space<semaphore_mem>>)
      %dma_wait3A_289 = arith.constant 0 : i32
      %dma_wait3A_290 = arith.constant 0 : i32
      %dma_wait3A_291 = tpu.memref_slice %arg26[%dma_wait3A_289, %dma_wait3A_290] : memref<80x64xf32, #tpu.memory_space<vmem>> -> memref<80x64xf32, #tpu.memory_space<vmem>>
      %dma_wait3A_292 = arith.constant 0 : i32
      %dma_wait3A_293 = tpu.memref_slice %arg10[%arg0, %add3A_268, %dma_wait3A_292] : memref<2x10240x64xf32, #tpu.memory_space<hbm>> -> memref<1x80x64xf32, #tpu.memory_space<hbm>>
      %dma_wait3A_294 = tpu.memref_squeeze %dma_wait3A_293 : memref<1x80x64xf32, #tpu.memory_space<hbm>> -> memref<80x64xf32, #tpu.memory_space<hbm>>
      %dma_wait3A_295 = arith.constant 0 : i32
      %dma_wait3A_296 = tpu.memref_slice %arg10[%arg0, %add3A_268, %dma_wait3A_295] : memref<2x10240x64xf32, #tpu.memory_space<hbm>> -> memref<1x80x64xf32, #tpu.memory_space<hbm>>
      %dma_wait3A_297 = tpu.memref_squeeze %dma_wait3A_296 : memref<1x80x64xf32, #tpu.memory_space<hbm>> -> memref<80x64xf32, #tpu.memory_space<hbm>>
      %dma_wait3A_298 = arith.constant 0 : i32
      %dma_wait3A_299 = arith.constant 0 : i32
      %dma_wait3A_300 = tpu.memref_slice %arg26[%dma_wait3A_298, %dma_wait3A_299] : memref<80x64xf32, #tpu.memory_space<vmem>> -> memref<80x64xf32, #tpu.memory_space<vmem>>
      tpu.wait_dma2 semaphore(%run_scoped3A : memref<!tpu.dma_semaphore, #tpu.memory_space<semaphore_mem>>) src(%dma_wait3A_300 : memref<80x64xf32, #tpu.memory_space<vmem>>) dst(%dma_wait3A_297 : memref<80x64xf32, #tpu.memory_space<hbm>>)
      tpu.yield
    }) : () -> ()
    %mul3A_269 = arith.constant 640 : i32
    %mul3A_270 = arith.muli %arg1, %mul3A_269 : i32
    %add3A_271 = arith.constant 480 : i32
    %add3A_272 = arith.addi %mul3A_270, %add3A_271 : i32
    "tpu.region"() ({
      %run_scoped3A = tpu.sem_alloc : memref<!tpu.dma_semaphore, #tpu.memory_space<semaphore_mem>>
      %dma_start3A_277 = arith.constant 0 : i32
      %dma_start3A_278 = arith.constant 0 : i32
      %dma_start3A_279 = tpu.memref_slice %arg26[%dma_start3A_277, %dma_start3A_278] : memref<80x64xf32, #tpu.memory_space<vmem>> -> memref<80x64xf32, #tpu.memory_space<vmem>>
      %dma_start3A_280 = arith.constant 0 : i32
      %dma_start3A_281 = tpu.memref_slice %arg29[%add3A_272, %dma_start3A_280] : memref<10240x64xf32, #tpu.memory_space<vmem_shared>> -> memref<80x64xf32, #tpu.memory_space<vmem_shared>>
      %dma_start3A_282 = arith.constant 0 : i32
      %dma_start3A_283 = arith.constant 0 : i32
      %dma_start3A_284 = tpu.memref_slice %arg26[%dma_start3A_282, %dma_start3A_283] : memref<80x64xf32, #tpu.memory_space<vmem>> -> memref<80x64xf32, #tpu.memory_space<vmem>>
      %dma_start3A_285 = arith.constant 0 : i32
      %dma_start3A_286 = tpu.memref_slice %arg29[%add3A_272, %dma_start3A_285] : memref<10240x64xf32, #tpu.memory_space<vmem_shared>> -> memref<80x64xf32, #tpu.memory_space<vmem_shared>>
      tpu.enqueue_dma source(%dma_start3A_286 : memref<80x64xf32, #tpu.memory_space<vmem_shared>>) target(%dma_start3A_284 : memref<80x64xf32, #tpu.memory_space<vmem>>) target_semaphore(%run_scoped3A : memref<!tpu.dma_semaphore, #tpu.memory_space<semaphore_mem>>)
      %dma_wait3A_287 = arith.constant 0 : i32
      %dma_wait3A_288 = arith.constant 0 : i32
      %dma_wait3A_289 = tpu.memref_slice %arg26[%dma_wait3A_287, %dma_wait3A_288] : memref<80x64xf32, #tpu.memory_space<vmem>> -> memref<80x64xf32, #tpu.memory_space<vmem>>
      %dma_wait3A_290 = arith.constant 0 : i32
      %dma_wait3A_291 = tpu.memref_slice %arg29[%add3A_272, %dma_wait3A_290] : memref<10240x64xf32, #tpu.memory_space<vmem_shared>> -> memref<80x64xf32, #tpu.memory_space<vmem_shared>>
      %dma_wait3A_292 = arith.constant 0 : i32
      %dma_wait3A_293 = arith.constant 0 : i32
      %dma_wait3A_294 = tpu.memref_slice %arg26[%dma_wait3A_292, %dma_wait3A_293] : memref<80x64xf32, #tpu.memory_space<vmem>> -> memref<80x64xf32, #tpu.memory_space<vmem>>
      %dma_wait3A_295 = arith.constant 0 : i32
      %dma_wait3A_296 = tpu.memref_slice %arg29[%add3A_272, %dma_wait3A_295] : memref<10240x64xf32, #tpu.memory_space<vmem_shared>> -> memref<80x64xf32, #tpu.memory_space<vmem_shared>>
      tpu.wait_dma2 semaphore(%run_scoped3A : memref<!tpu.dma_semaphore, #tpu.memory_space<semaphore_mem>>) src(%dma_wait3A_296 : memref<80x64xf32, #tpu.memory_space<vmem_shared>>) dst(%dma_wait3A_294 : memref<80x64xf32, #tpu.memory_space<vmem>>)
      tpu.yield
    }) : () -> ()
    "tpu.region"() ({
      %run_scoped3A = tpu.sem_alloc : memref<!tpu.dma_semaphore, #tpu.memory_space<semaphore_mem>>
      %dma_start3A_277 = arith.constant 0 : i32
      %dma_start3A_278 = arith.constant 0 : i32
      %dma_start3A_279 = tpu.memref_slice %arg26[%dma_start3A_277, %dma_start3A_278] : memref<80x64xf32, #tpu.memory_space<vmem>> -> memref<80x64xf32, #tpu.memory_space<vmem>>
      %dma_start3A_280 = arith.constant 0 : i32
      %dma_start3A_281 = tpu.memref_slice %arg10[%arg0, %add3A_272, %dma_start3A_280] : memref<2x10240x64xf32, #tpu.memory_space<hbm>> -> memref<1x80x64xf32, #tpu.memory_space<hbm>>
      %dma_start3A_282 = tpu.memref_squeeze %dma_start3A_281 : memref<1x80x64xf32, #tpu.memory_space<hbm>> -> memref<80x64xf32, #tpu.memory_space<hbm>>
      %dma_start3A_283 = arith.constant 0 : i32
      %dma_start3A_284 = tpu.memref_slice %arg10[%arg0, %add3A_272, %dma_start3A_283] : memref<2x10240x64xf32, #tpu.memory_space<hbm>> -> memref<1x80x64xf32, #tpu.memory_space<hbm>>
      %dma_start3A_285 = tpu.memref_squeeze %dma_start3A_284 : memref<1x80x64xf32, #tpu.memory_space<hbm>> -> memref<80x64xf32, #tpu.memory_space<hbm>>
      %dma_start3A_286 = arith.constant 0 : i32
      %dma_start3A_287 = arith.constant 0 : i32
      %dma_start3A_288 = tpu.memref_slice %arg26[%dma_start3A_286, %dma_start3A_287] : memref<80x64xf32, #tpu.memory_space<vmem>> -> memref<80x64xf32, #tpu.memory_space<vmem>>
      tpu.enqueue_dma source(%dma_start3A_288 : memref<80x64xf32, #tpu.memory_space<vmem>>) target(%dma_start3A_285 : memref<80x64xf32, #tpu.memory_space<hbm>>) target_semaphore(%run_scoped3A : memref<!tpu.dma_semaphore, #tpu.memory_space<semaphore_mem>>)
      %dma_wait3A_289 = arith.constant 0 : i32
      %dma_wait3A_290 = arith.constant 0 : i32
      %dma_wait3A_291 = tpu.memref_slice %arg26[%dma_wait3A_289, %dma_wait3A_290] : memref<80x64xf32, #tpu.memory_space<vmem>> -> memref<80x64xf32, #tpu.memory_space<vmem>>
      %dma_wait3A_292 = arith.constant 0 : i32
      %dma_wait3A_293 = tpu.memref_slice %arg10[%arg0, %add3A_272, %dma_wait3A_292] : memref<2x10240x64xf32, #tpu.memory_space<hbm>> -> memref<1x80x64xf32, #tpu.memory_space<hbm>>
      %dma_wait3A_294 = tpu.memref_squeeze %dma_wait3A_293 : memref<1x80x64xf32, #tpu.memory_space<hbm>> -> memref<80x64xf32, #tpu.memory_space<hbm>>
      %dma_wait3A_295 = arith.constant 0 : i32
      %dma_wait3A_296 = tpu.memref_slice %arg10[%arg0, %add3A_272, %dma_wait3A_295] : memref<2x10240x64xf32, #tpu.memory_space<hbm>> -> memref<1x80x64xf32, #tpu.memory_space<hbm>>
      %dma_wait3A_297 = tpu.memref_squeeze %dma_wait3A_296 : memref<1x80x64xf32, #tpu.memory_space<hbm>> -> memref<80x64xf32, #tpu.memory_space<hbm>>
      %dma_wait3A_298 = arith.constant 0 : i32
      %dma_wait3A_299 = arith.constant 0 : i32
      %dma_wait3A_300 = tpu.memref_slice %arg26[%dma_wait3A_298, %dma_wait3A_299] : memref<80x64xf32, #tpu.memory_space<vmem>> -> memref<80x64xf32, #tpu.memory_space<vmem>>
      tpu.wait_dma2 semaphore(%run_scoped3A : memref<!tpu.dma_semaphore, #tpu.memory_space<semaphore_mem>>) src(%dma_wait3A_300 : memref<80x64xf32, #tpu.memory_space<vmem>>) dst(%dma_wait3A_297 : memref<80x64xf32, #tpu.memory_space<hbm>>)
      tpu.yield
    }) : () -> ()
    %mul3A_273 = arith.constant 640 : i32
    %mul3A_274 = arith.muli %arg1, %mul3A_273 : i32
    %add3A_275 = arith.constant 560 : i32
    %add3A_276 = arith.addi %mul3A_274, %add3A_275 : i32
    "tpu.region"() ({
      %run_scoped3A = tpu.sem_alloc : memref<!tpu.dma_semaphore, #tpu.memory_space<semaphore_mem>>
      %dma_start3A_277 = arith.constant 0 : i32
      %dma_start3A_278 = arith.constant 0 : i32
      %dma_start3A_279 = tpu.memref_slice %arg26[%dma_start3A_277, %dma_start3A_278] : memref<80x64xf32, #tpu.memory_space<vmem>> -> memref<80x64xf32, #tpu.memory_space<vmem>>
      %dma_start3A_280 = arith.constant 0 : i32
      %dma_start3A_281 = tpu.memref_slice %arg29[%add3A_276, %dma_start3A_280] : memref<10240x64xf32, #tpu.memory_space<vmem_shared>> -> memref<80x64xf32, #tpu.memory_space<vmem_shared>>
      %dma_start3A_282 = arith.constant 0 : i32
      %dma_start3A_283 = arith.constant 0 : i32
      %dma_start3A_284 = tpu.memref_slice %arg26[%dma_start3A_282, %dma_start3A_283] : memref<80x64xf32, #tpu.memory_space<vmem>> -> memref<80x64xf32, #tpu.memory_space<vmem>>
      %dma_start3A_285 = arith.constant 0 : i32
      %dma_start3A_286 = tpu.memref_slice %arg29[%add3A_276, %dma_start3A_285] : memref<10240x64xf32, #tpu.memory_space<vmem_shared>> -> memref<80x64xf32, #tpu.memory_space<vmem_shared>>
      tpu.enqueue_dma source(%dma_start3A_286 : memref<80x64xf32, #tpu.memory_space<vmem_shared>>) target(%dma_start3A_284 : memref<80x64xf32, #tpu.memory_space<vmem>>) target_semaphore(%run_scoped3A : memref<!tpu.dma_semaphore, #tpu.memory_space<semaphore_mem>>)
      %dma_wait3A_287 = arith.constant 0 : i32
      %dma_wait3A_288 = arith.constant 0 : i32
      %dma_wait3A_289 = tpu.memref_slice %arg26[%dma_wait3A_287, %dma_wait3A_288] : memref<80x64xf32, #tpu.memory_space<vmem>> -> memref<80x64xf32, #tpu.memory_space<vmem>>
      %dma_wait3A_290 = arith.constant 0 : i32
      %dma_wait3A_291 = tpu.memref_slice %arg29[%add3A_276, %dma_wait3A_290] : memref<10240x64xf32, #tpu.memory_space<vmem_shared>> -> memref<80x64xf32, #tpu.memory_space<vmem_shared>>
      %dma_wait3A_292 = arith.constant 0 : i32
      %dma_wait3A_293 = arith.constant 0 : i32
      %dma_wait3A_294 = tpu.memref_slice %arg26[%dma_wait3A_292, %dma_wait3A_293] : memref<80x64xf32, #tpu.memory_space<vmem>> -> memref<80x64xf32, #tpu.memory_space<vmem>>
      %dma_wait3A_295 = arith.constant 0 : i32
      %dma_wait3A_296 = tpu.memref_slice %arg29[%add3A_276, %dma_wait3A_295] : memref<10240x64xf32, #tpu.memory_space<vmem_shared>> -> memref<80x64xf32, #tpu.memory_space<vmem_shared>>
      tpu.wait_dma2 semaphore(%run_scoped3A : memref<!tpu.dma_semaphore, #tpu.memory_space<semaphore_mem>>) src(%dma_wait3A_296 : memref<80x64xf32, #tpu.memory_space<vmem_shared>>) dst(%dma_wait3A_294 : memref<80x64xf32, #tpu.memory_space<vmem>>)
      tpu.yield
    }) : () -> ()
    "tpu.region"() ({
      %run_scoped3A = tpu.sem_alloc : memref<!tpu.dma_semaphore, #tpu.memory_space<semaphore_mem>>
      %dma_start3A_277 = arith.constant 0 : i32
      %dma_start3A_278 = arith.constant 0 : i32
      %dma_start3A_279 = tpu.memref_slice %arg26[%dma_start3A_277, %dma_start3A_278] : memref<80x64xf32, #tpu.memory_space<vmem>> -> memref<80x64xf32, #tpu.memory_space<vmem>>
      %dma_start3A_280 = arith.constant 0 : i32
      %dma_start3A_281 = tpu.memref_slice %arg10[%arg0, %add3A_276, %dma_start3A_280] : memref<2x10240x64xf32, #tpu.memory_space<hbm>> -> memref<1x80x64xf32, #tpu.memory_space<hbm>>
      %dma_start3A_282 = tpu.memref_squeeze %dma_start3A_281 : memref<1x80x64xf32, #tpu.memory_space<hbm>> -> memref<80x64xf32, #tpu.memory_space<hbm>>
      %dma_start3A_283 = arith.constant 0 : i32
      %dma_start3A_284 = tpu.memref_slice %arg10[%arg0, %add3A_276, %dma_start3A_283] : memref<2x10240x64xf32, #tpu.memory_space<hbm>> -> memref<1x80x64xf32, #tpu.memory_space<hbm>>
      %dma_start3A_285 = tpu.memref_squeeze %dma_start3A_284 : memref<1x80x64xf32, #tpu.memory_space<hbm>> -> memref<80x64xf32, #tpu.memory_space<hbm>>
      %dma_start3A_286 = arith.constant 0 : i32
      %dma_start3A_287 = arith.constant 0 : i32
      %dma_start3A_288 = tpu.memref_slice %arg26[%dma_start3A_286, %dma_start3A_287] : memref<80x64xf32, #tpu.memory_space<vmem>> -> memref<80x64xf32, #tpu.memory_space<vmem>>
      tpu.enqueue_dma source(%dma_start3A_288 : memref<80x64xf32, #tpu.memory_space<vmem>>) target(%dma_start3A_285 : memref<80x64xf32, #tpu.memory_space<hbm>>) target_semaphore(%run_scoped3A : memref<!tpu.dma_semaphore, #tpu.memory_space<semaphore_mem>>)
      %dma_wait3A_289 = arith.constant 0 : i32
      %dma_wait3A_290 = arith.constant 0 : i32
      %dma_wait3A_291 = tpu.memref_slice %arg26[%dma_wait3A_289, %dma_wait3A_290] : memref<80x64xf32, #tpu.memory_space<vmem>> -> memref<80x64xf32, #tpu.memory_space<vmem>>
      %dma_wait3A_292 = arith.constant 0 : i32
      %dma_wait3A_293 = tpu.memref_slice %arg10[%arg0, %add3A_276, %dma_wait3A_292] : memref<2x10240x64xf32, #tpu.memory_space<hbm>> -> memref<1x80x64xf32, #tpu.memory_space<hbm>>
      %dma_wait3A_294 = tpu.memref_squeeze %dma_wait3A_293 : memref<1x80x64xf32, #tpu.memory_space<hbm>> -> memref<80x64xf32, #tpu.memory_space<hbm>>
      %dma_wait3A_295 = arith.constant 0 : i32
      %dma_wait3A_296 = tpu.memref_slice %arg10[%arg0, %add3A_276, %dma_wait3A_295] : memref<2x10240x64xf32, #tpu.memory_space<hbm>> -> memref<1x80x64xf32, #tpu.memory_space<hbm>>
      %dma_wait3A_297 = tpu.memref_squeeze %dma_wait3A_296 : memref<1x80x64xf32, #tpu.memory_space<hbm>> -> memref<80x64xf32, #tpu.memory_space<hbm>>
      %dma_wait3A_298 = arith.constant 0 : i32
      %dma_wait3A_299 = arith.constant 0 : i32
      %dma_wait3A_300 = tpu.memref_slice %arg26[%dma_wait3A_298, %dma_wait3A_299] : memref<80x64xf32, #tpu.memory_space<vmem>> -> memref<80x64xf32, #tpu.memory_space<vmem>>
      tpu.wait_dma2 semaphore(%run_scoped3A : memref<!tpu.dma_semaphore, #tpu.memory_space<semaphore_mem>>) src(%dma_wait3A_300 : memref<80x64xf32, #tpu.memory_space<vmem>>) dst(%dma_wait3A_297 : memref<80x64xf32, #tpu.memory_space<hbm>>)
      tpu.yield
    }) : () -> ()
    return
  }
}

module attributes {stable_mosaic.version = 14 : i64} {
  func.func @_qkv_body(%arg0: i32, %arg1: memref<400x128xf32, #tpu.memory_space<vmem>>, %arg2: memref<128x128xf32, #tpu.memory_space<vmem>>, %arg3: memref<1x128xf32, #tpu.memory_space<vmem>>, %arg4: memref<128x128xf32, #tpu.memory_space<vmem>>, %arg5: memref<1x128xf32, #tpu.memory_space<vmem>>, %arg6: memref<128x128xf32, #tpu.memory_space<vmem>>, %arg7: memref<1x128xf32, #tpu.memory_space<vmem>>, %arg8: memref<400x128xf32, #tpu.memory_space<vmem>>, %arg9: memref<400x128xf32, #tpu.memory_space<vmem>>, %arg10: memref<400x128xf32, #tpu.memory_space<vmem>>) attributes {dimension_semantics = [#tpu.dimension_semantics<arbitrary>], iteration_bounds = array<i64: 25>, scalar_prefetch = 0 : i64, scratch_operands = 0 : i64, tpu.core_type = #tpu.core_type<tc>, window_params = [{transform_indices = @transform_0, window_bounds = array<i64: 400, 128>}, {pipeline_mode = #tpu.pipeline_mode<synchronous>, transform_indices = @transform_1, window_bounds = array<i64: 128, 128>}, {pipeline_mode = #tpu.pipeline_mode<synchronous>, transform_indices = @transform_2, window_bounds = array<i64: 1, 128>}, {pipeline_mode = #tpu.pipeline_mode<synchronous>, transform_indices = @transform_3, window_bounds = array<i64: 128, 128>}, {pipeline_mode = #tpu.pipeline_mode<synchronous>, transform_indices = @transform_4, window_bounds = array<i64: 1, 128>}, {pipeline_mode = #tpu.pipeline_mode<synchronous>, transform_indices = @transform_5, window_bounds = array<i64: 128, 128>}, {pipeline_mode = #tpu.pipeline_mode<synchronous>, transform_indices = @transform_6, window_bounds = array<i64: 1, 128>}, {transform_indices = @transform_7, window_bounds = array<i64: 400, 128>}, {transform_indices = @transform_8, window_bounds = array<i64: 400, 128>}, {transform_indices = @transform_9, window_bounds = array<i64: 400, 128>}]} {
    %get3A = arith.constant 0 : index
    %get3A_0 = arith.constant 0 : index
    %get3A_1 = vector.load %arg1[%get3A, %get3A_0] : memref<400x128xf32, #tpu.memory_space<vmem>>, vector<400x128xf32>
    %get3A_2 = arith.constant 0 : index
    %get3A_3 = arith.constant 0 : index
    %get3A_4 = vector.load %arg2[%get3A_2, %get3A_3] : memref<128x128xf32, #tpu.memory_space<vmem>>, vector<128x128xf32>
    %dot_general3A = arith.constant dense<0.000000e+00> : vector<400x128xf32>
    %dot_general3A_5 = tpu.matmul %get3A_1, %get3A_4, %dot_general3A {dimension_numbers = #tpu.dot_dimension_numbers<[1], [0], [0], [1], [0, 0, 1, 1], [], []>, transpose_lhs_hint = false} : vector<400x128xf32>, vector<128x128xf32>, vector<400x128xf32> -> vector<400x128xf32>
    %get3A_6 = arith.constant 0 : index
    %get3A_7 = arith.constant 0 : index
    %get3A_8 = vector.load %arg3[%get3A_6, %get3A_7] : memref<1x128xf32, #tpu.memory_space<vmem>>, vector<1x128xf32>
    %add3A = vector.broadcast %get3A_8 : vector<1x128xf32> to vector<400x128xf32>
    %add3A_9 = arith.addf %dot_general3A_5, %add3A : vector<400x128xf32>
    %mul3A = arith.constant 2.500000e-01 : f32
    %mul3A_10 = vector.broadcast %mul3A : f32 to vector<400x128xf32>
    %mul3A_11 = arith.mulf %add3A_9, %mul3A_10 : vector<400x128xf32>
    %swap3A = arith.constant 0 : index
    %swap3A_12 = arith.constant 0 : index
    %swap3A_13 = vector.load %arg8[%swap3A, %swap3A_12] : memref<400x128xf32, #tpu.memory_space<vmem>>, vector<400x128xf32>
    tpu.vector_store %arg8[%swap3A, %swap3A_12], %mul3A_11 {strides = array<i32>} : memref<400x128xf32, #tpu.memory_space<vmem>>, vector<400x128xf32>,
    %get3A_14 = arith.constant 0 : index
    %get3A_15 = arith.constant 0 : index
    %get3A_16 = vector.load %arg4[%get3A_14, %get3A_15] : memref<128x128xf32, #tpu.memory_space<vmem>>, vector<128x128xf32>
    %dot_general3A_17 = arith.constant dense<0.000000e+00> : vector<400x128xf32>
    %dot_general3A_18 = tpu.matmul %get3A_1, %get3A_16, %dot_general3A_17 {dimension_numbers = #tpu.dot_dimension_numbers<[1], [0], [0], [1], [0, 0, 1, 1], [], []>, transpose_lhs_hint = false} : vector<400x128xf32>, vector<128x128xf32>, vector<400x128xf32> -> vector<400x128xf32>
    %get3A_19 = arith.constant 0 : index
    %get3A_20 = arith.constant 0 : index
    %get3A_21 = vector.load %arg5[%get3A_19, %get3A_20] : memref<1x128xf32, #tpu.memory_space<vmem>>, vector<1x128xf32>
    %add3A_22 = vector.broadcast %get3A_21 : vector<1x128xf32> to vector<400x128xf32>
    %add3A_23 = arith.addf %dot_general3A_18, %add3A_22 : vector<400x128xf32>
    %swap3A_24 = arith.constant 0 : index
    %swap3A_25 = arith.constant 0 : index
    %swap3A_26 = vector.load %arg9[%swap3A_24, %swap3A_25] : memref<400x128xf32, #tpu.memory_space<vmem>>, vector<400x128xf32>
    tpu.vector_store %arg9[%swap3A_24, %swap3A_25], %add3A_23 {strides = array<i32>} : memref<400x128xf32, #tpu.memory_space<vmem>>, vector<400x128xf32>,
    %get3A_27 = arith.constant 0 : index
    %get3A_28 = arith.constant 0 : index
    %get3A_29 = vector.load %arg6[%get3A_27, %get3A_28] : memref<128x128xf32, #tpu.memory_space<vmem>>, vector<128x128xf32>
    %dot_general3A_30 = arith.constant dense<0.000000e+00> : vector<400x128xf32>
    %dot_general3A_31 = tpu.matmul %get3A_1, %get3A_29, %dot_general3A_30 {dimension_numbers = #tpu.dot_dimension_numbers<[1], [0], [0], [1], [0, 0, 1, 1], [], []>, transpose_lhs_hint = false} : vector<400x128xf32>, vector<128x128xf32>, vector<400x128xf32> -> vector<400x128xf32>
    %get3A_32 = arith.constant 0 : index
    %get3A_33 = arith.constant 0 : index
    %get3A_34 = vector.load %arg7[%get3A_32, %get3A_33] : memref<1x128xf32, #tpu.memory_space<vmem>>, vector<1x128xf32>
    %add3A_35 = vector.broadcast %get3A_34 : vector<1x128xf32> to vector<400x128xf32>
    %add3A_36 = arith.addf %dot_general3A_31, %add3A_35 : vector<400x128xf32>
    %swap3A_37 = arith.constant 0 : index
    %swap3A_38 = arith.constant 0 : index
    %swap3A_39 = vector.load %arg10[%swap3A_37, %swap3A_38] : memref<400x128xf32, #tpu.memory_space<vmem>>, vector<400x128xf32>
    tpu.vector_store %arg10[%swap3A_37, %swap3A_38], %add3A_36 {strides = array<i32>} : memref<400x128xf32, #tpu.memory_space<vmem>>, vector<400x128xf32>,
    return
  }
  func.func @transform_0(%arg0: i32) -> (i32, i32) {
    %c0_i32 = arith.constant 0 : i32
    %c0_i32_0 = arith.constant 0 : i32
    return %arg0, %c0_i32 : i32, i32
  }
  func.func @transform_1(%arg0: i32) -> (i32, i32) {
    %c0_i32 = arith.constant 0 : i32
    %c0_i32_0 = arith.constant 0 : i32
    %c0_i32_1 = arith.constant 0 : i32
    return %c0_i32, %c0_i32_0 : i32, i32
  }
  func.func @transform_2(%arg0: i32) -> (i32, i32) {
    %c0_i32 = arith.constant 0 : i32
    %c0_i32_0 = arith.constant 0 : i32
    %c0_i32_1 = arith.constant 0 : i32
    return %c0_i32, %c0_i32_0 : i32, i32
  }
  func.func @transform_3(%arg0: i32) -> (i32, i32) {
    %c0_i32 = arith.constant 0 : i32
    %c0_i32_0 = arith.constant 0 : i32
    %c0_i32_1 = arith.constant 0 : i32
    return %c0_i32, %c0_i32_0 : i32, i32
  }
  func.func @transform_4(%arg0: i32) -> (i32, i32) {
    %c0_i32 = arith.constant 0 : i32
    %c0_i32_0 = arith.constant 0 : i32
    %c0_i32_1 = arith.constant 0 : i32
    return %c0_i32, %c0_i32_0 : i32, i32
  }
  func.func @transform_5(%arg0: i32) -> (i32, i32) {
    %c0_i32 = arith.constant 0 : i32
    %c0_i32_0 = arith.constant 0 : i32
    %c0_i32_1 = arith.constant 0 : i32
    return %c0_i32, %c0_i32_0 : i32, i32
  }
  func.func @transform_6(%arg0: i32) -> (i32, i32) {
    %c0_i32 = arith.constant 0 : i32
    %c0_i32_0 = arith.constant 0 : i32
    %c0_i32_1 = arith.constant 0 : i32
    return %c0_i32, %c0_i32_0 : i32, i32
  }
  func.func @transform_7(%arg0: i32) -> (i32, i32) {
    %c0_i32 = arith.constant 0 : i32
    %c0_i32_0 = arith.constant 0 : i32
    return %arg0, %c0_i32 : i32, i32
  }
  func.func @transform_8(%arg0: i32) -> (i32, i32) {
    %c0_i32 = arith.constant 0 : i32
    %c0_i32_0 = arith.constant 0 : i32
    return %arg0, %c0_i32 : i32, i32
  }
  func.func @transform_9(%arg0: i32) -> (i32, i32) {
    %c0_i32 = arith.constant 0 : i32
    %c0_i32_0 = arith.constant 0 : i32
    return %arg0, %c0_i32 : i32, i32
  }
}

module attributes {stable_mosaic.version = 14 : i64} {
  func.func @_epi_body(%arg0: i32, %arg1: memref<2x400x64xf32, #tpu.memory_space<vmem>>, %arg2: memref<16x16xf32, #tpu.memory_space<vmem>>, %arg3: memref<16x16xf32, #tpu.memory_space<vmem>>, %arg4: memref<16x64xf32, #tpu.memory_space<vmem>>, %arg5: memref<400x128xf32, #tpu.memory_space<vmem>>, %arg6: memref<128x128xf32, #tpu.memory_space<vmem>>, %arg7: memref<1x128xf32, #tpu.memory_space<vmem>>, %arg8: memref<128x128xf32, #tpu.memory_space<vmem>>, %arg9: memref<1x128xf32, #tpu.memory_space<vmem>>, %arg10: memref<128x128xf32, #tpu.memory_space<vmem>>, %arg11: memref<1x128xf32, #tpu.memory_space<vmem>>, %arg12: memref<1x128xf32, #tpu.memory_space<vmem>>, %arg13: memref<1x128xf32, #tpu.memory_space<vmem>>, %arg14: memref<1x128xf32, #tpu.memory_space<vmem>>, %arg15: memref<1x128xf32, #tpu.memory_space<vmem>>, %arg16: memref<400x128xf32, #tpu.memory_space<vmem>>) attributes {dimension_semantics = [#tpu.dimension_semantics<arbitrary>], iteration_bounds = array<i64: 25>, scalar_prefetch = 0 : i64, scratch_operands = 0 : i64, tpu.core_type = #tpu.core_type<tc>, window_params = [{transform_indices = @transform_0, window_bounds = array<i64: 2, 400, 64>}, {pipeline_mode = #tpu.pipeline_mode<synchronous>, transform_indices = @transform_1, window_bounds = array<i64: 16, 16>}, {pipeline_mode = #tpu.pipeline_mode<synchronous>, transform_indices = @transform_2, window_bounds = array<i64: 16, 16>}, {pipeline_mode = #tpu.pipeline_mode<synchronous>, transform_indices = @transform_3, window_bounds = array<i64: 16, 64>}, {transform_indices = @transform_4, window_bounds = array<i64: 400, 128>}, {pipeline_mode = #tpu.pipeline_mode<synchronous>, transform_indices = @transform_5, window_bounds = array<i64: 128, 128>}, {pipeline_mode = #tpu.pipeline_mode<synchronous>, transform_indices = @transform_6, window_bounds = array<i64: 1, 128>}, {pipeline_mode = #tpu.pipeline_mode<synchronous>, transform_indices = @transform_7, window_bounds = array<i64: 128, 128>}, {pipeline_mode = #tpu.pipeline_mode<synchronous>, transform_indices = @transform_8, window_bounds = array<i64: 1, 128>}, {pipeline_mode = #tpu.pipeline_mode<synchronous>, transform_indices = @transform_9, window_bounds = array<i64: 128, 128>}, {pipeline_mode = #tpu.pipeline_mode<synchronous>, transform_indices = @transform_10, window_bounds = array<i64: 1, 128>}, {pipeline_mode = #tpu.pipeline_mode<synchronous>, transform_indices = @transform_11, window_bounds = array<i64: 1, 128>}, {pipeline_mode = #tpu.pipeline_mode<synchronous>, transform_indices = @transform_12, window_bounds = array<i64: 1, 128>}, {pipeline_mode = #tpu.pipeline_mode<synchronous>, transform_indices = @transform_13, window_bounds = array<i64: 1, 128>}, {pipeline_mode = #tpu.pipeline_mode<synchronous>, transform_indices = @transform_14, window_bounds = array<i64: 1, 128>}, {transform_indices = @transform_15, window_bounds = array<i64: 400, 128>}]} {
    %get3A = arith.constant 0 : index
    %get3A_0 = arith.constant 0 : index
    %get3A_1 = vector.load %arg4[%get3A, %get3A_0] : memref<16x64xf32, #tpu.memory_space<vmem>>, vector<16x64xf32>
    %get3A_2 = arith.constant 0 : index
    %get3A_3 = arith.constant 0 : index
    %get3A_4 = vector.load %arg2[%get3A_2, %get3A_3] : memref<16x16xf32, #tpu.memory_space<vmem>>, vector<16x16xf32>
    %reduce_sum3A = arith.constant dense<0.000000e+00> : vector<16xf32>
    %reduce_sum3A_5 = vector.multi_reduction <add>, %get3A_4, %reduce_sum3A [0] : vector<16x16xf32> to vector<16xf32>
    %broadcast_in_dim3A = vector.shape_cast %reduce_sum3A_5 : vector<16xf32> to vector<1x16xf32>
    %dot_general3A = arith.constant dense<0.000000e+00> : vector<1x64xf32>
    %dot_general3A_6 = tpu.matmul %broadcast_in_dim3A, %get3A_1, %dot_general3A {dimension_numbers = #tpu.dot_dimension_numbers<[1], [0], [0], [1], [0, 0, 1, 1], [], []>, transpose_lhs_hint = false} : vector<1x16xf32>, vector<16x64xf32>, vector<1x64xf32> -> vector<1x64xf32>
    %get3A_7 = arith.constant 0 : index
    %get3A_8 = arith.constant 0 : index
    %get3A_9 = vector.load %arg3[%get3A_7, %get3A_8] : memref<16x16xf32, #tpu.memory_space<vmem>>, vector<16x16xf32>
    %reduce_sum3A_10 = arith.constant dense<0.000000e+00> : vector<16xf32>
    %reduce_sum3A_11 = vector.multi_reduction <add>, %get3A_9, %reduce_sum3A_10 [0] : vector<16x16xf32> to vector<16xf32>
    %broadcast_in_dim3A_12 = vector.shape_cast %reduce_sum3A_11 : vector<16xf32> to vector<1x16xf32>
    %dot_general3A_13 = arith.constant dense<0.000000e+00> : vector<1x64xf32>
    %dot_general3A_14 = tpu.matmul %broadcast_in_dim3A_12, %get3A_1, %dot_general3A_13 {dimension_numbers = #tpu.dot_dimension_numbers<[1], [0], [0], [1], [0, 0, 1, 1], [], []>, transpose_lhs_hint = false} : vector<1x16xf32>, vector<16x64xf32>, vector<1x64xf32> -> vector<1x64xf32>
    %get3A_15 = arith.constant 0 : index
    %get3A_16 = arith.constant 0 : index
    %get3A_17 = arith.constant 0 : index
    %get3A_18 = vector.load %arg1[%get3A_15, %get3A_16, %get3A_17] : memref<2x400x64xf32, #tpu.memory_space<vmem>>, vector<1x400x64xf32>
    %get3A_19 = vector.shape_cast %get3A_18 : vector<1x400x64xf32> to vector<400x64xf32>
    %div3A = vector.broadcast %dot_general3A_6 : vector<1x64xf32> to vector<400x64xf32>
    %div3A_20 = arith.divf %get3A_19, %div3A : vector<400x64xf32>
    %get3A_21 = arith.constant 1 : index
    %get3A_22 = arith.constant 0 : index
    %get3A_23 = arith.constant 0 : index
    %get3A_24 = vector.load %arg1[%get3A_21, %get3A_22, %get3A_23] : memref<2x400x64xf32, #tpu.memory_space<vmem>>, vector<1x400x64xf32>
    %get3A_25 = vector.shape_cast %get3A_24 : vector<1x400x64xf32> to vector<400x64xf32>
    %div3A_26 = vector.broadcast %dot_general3A_14 : vector<1x64xf32> to vector<400x64xf32>
    %div3A_27 = arith.divf %get3A_25, %div3A_26 : vector<400x64xf32>
    %get3A_28 = arith.constant 0 : index
    %get3A_29 = arith.constant 0 : index
    %get3A_30 = vector.load %arg6[%get3A_28, %get3A_29] : memref<128x128xf32, #tpu.memory_space<vmem>>, vector<128x128xf32>
    %get3A_31 = arith.constant 0 : index
    %get3A_32 = arith.constant 0 : index
    %get3A_33 = vector.load %arg5[%get3A_31, %get3A_32] : memref<400x128xf32, #tpu.memory_space<vmem>>, vector<400x128xf32>
    %get3A_34 = arith.constant 0 : index
    %get3A_35 = arith.constant 0 : index
    %get3A_36 = vector.load %arg7[%get3A_34, %get3A_35] : memref<1x128xf32, #tpu.memory_space<vmem>>, vector<1x128xf32>
    %add3A = vector.broadcast %get3A_36 : vector<1x128xf32> to vector<400x128xf32>
    %add3A_37 = arith.addf %get3A_33, %add3A : vector<400x128xf32>
    %slice3A = vector.extract_strided_slice %get3A_30 {offsets = [0, 0], sizes = [64, 128], strides = [1, 1]} : vector<128x128xf32> to vector<64x128xf32>
    %dot_general3A_38 = arith.constant dense<0.000000e+00> : vector<400x128xf32>
    %dot_general3A_39 = tpu.matmul %div3A_20, %slice3A, %dot_general3A_38 {dimension_numbers = #tpu.dot_dimension_numbers<[1], [0], [0], [1], [0, 0, 1, 1], [], []>, transpose_lhs_hint = false} : vector<400x64xf32>, vector<64x128xf32>, vector<400x128xf32> -> vector<400x128xf32>
    %add3A_40 = arith.addf %add3A_37, %dot_general3A_39 : vector<400x128xf32>
    %slice3A_41 = vector.extract_strided_slice %get3A_30 {offsets = [64, 0], sizes = [64, 128], strides = [1, 1]} : vector<128x128xf32> to vector<64x128xf32>
    %dot_general3A_42 = arith.constant dense<0.000000e+00> : vector<400x128xf32>
    %dot_general3A_43 = tpu.matmul %div3A_27, %slice3A_41, %dot_general3A_42 {dimension_numbers = #tpu.dot_dimension_numbers<[1], [0], [0], [1], [0, 0, 1, 1], [], []>, transpose_lhs_hint = false} : vector<400x64xf32>, vector<64x128xf32>, vector<400x128xf32> -> vector<400x128xf32>
    %add3A_44 = arith.addf %add3A_40, %dot_general3A_43 : vector<400x128xf32>
    %get3A_45 = arith.constant 0 : index
    %get3A_46 = arith.constant 0 : index
    %get3A_47 = vector.load %arg12[%get3A_45, %get3A_46] : memref<1x128xf32, #tpu.memory_space<vmem>>, vector<1x128xf32>
    %get3A_48 = arith.constant 0 : index
    %get3A_49 = arith.constant 0 : index
    %get3A_50 = vector.load %arg13[%get3A_48, %get3A_49] : memref<1x128xf32, #tpu.memory_space<vmem>>, vector<1x128xf32>
    %reduce_sum3A_51 = arith.constant dense<0.000000e+00> : vector<400xf32>
    %reduce_sum3A_52 = vector.multi_reduction <add>, %add3A_44, %reduce_sum3A_51 [1] : vector<400x128xf32> to vector<400xf32>
    %broadcast_in_dim3A_53 = vector.shape_cast %reduce_sum3A_52 : vector<400xf32> to vector<400x1xf32>
    %div3A_54 = arith.constant 1.280000e+02 : f32
    %div3A_55 = vector.broadcast %div3A_54 : f32 to vector<400x1xf32>
    %div3A_56 = arith.divf %broadcast_in_dim3A_53, %div3A_55 : vector<400x1xf32>
    %sub3A = vector.broadcast %div3A_56 : vector<400x1xf32> to vector<400x128xf32>
    %sub3A_57 = arith.subf %add3A_44, %sub3A : vector<400x128xf32>
    %integer_pow3A = arith.mulf %sub3A_57, %sub3A_57 : vector<400x128xf32>
    %reduce_sum3A_58 = arith.constant dense<0.000000e+00> : vector<400xf32>
    %reduce_sum3A_59 = vector.multi_reduction <add>, %integer_pow3A, %reduce_sum3A_58 [1] : vector<400x128xf32> to vector<400xf32>
    %broadcast_in_dim3A_60 = vector.shape_cast %reduce_sum3A_59 : vector<400xf32> to vector<400x1xf32>
    %div3A_61 = arith.constant 1.280000e+02 : f32
    %div3A_62 = vector.broadcast %div3A_61 : f32 to vector<400x1xf32>
    %div3A_63 = arith.divf %broadcast_in_dim3A_60, %div3A_62 : vector<400x1xf32>
    %sub3A_64 = vector.broadcast %div3A_56 : vector<400x1xf32> to vector<400x128xf32>
    %sub3A_65 = arith.subf %add3A_44, %sub3A_64 : vector<400x128xf32>
    %add3A_66 = arith.constant 9.99999974E-6 : f32
    %add3A_67 = vector.broadcast %add3A_66 : f32 to vector<400x1xf32>
    %add3A_68 = arith.addf %div3A_63, %add3A_67 : vector<400x1xf32>
    %rsqrt3A = math.rsqrt %add3A_68 : vector<400x1xf32>
    %mul3A = vector.broadcast %rsqrt3A : vector<400x1xf32> to vector<400x128xf32>
    %mul3A_69 = arith.mulf %sub3A_65, %mul3A : vector<400x128xf32>
    %mul3A_70 = vector.broadcast %get3A_47 : vector<1x128xf32> to vector<400x128xf32>
    %mul3A_71 = arith.mulf %mul3A_69, %mul3A_70 : vector<400x128xf32>
    %add3A_72 = vector.broadcast %get3A_50 : vector<1x128xf32> to vector<400x128xf32>
    %add3A_73 = arith.addf %mul3A_71, %add3A_72 : vector<400x128xf32>
    %get3A_74 = arith.constant 0 : index
    %get3A_75 = arith.constant 0 : index
    %get3A_76 = vector.load %arg8[%get3A_74, %get3A_75] : memref<128x128xf32, #tpu.memory_space<vmem>>, vector<128x128xf32>
    %dot_general3A_77 = arith.constant dense<0.000000e+00> : vector<400x128xf32>
    %dot_general3A_78 = tpu.matmul %add3A_73, %get3A_76, %dot_general3A_77 {dimension_numbers = #tpu.dot_dimension_numbers<[1], [0], [0], [1], [0, 0, 1, 1], [], []>, transpose_lhs_hint = false} : vector<400x128xf32>, vector<128x128xf32>, vector<400x128xf32> -> vector<400x128xf32>
    %get3A_79 = arith.constant 0 : index
    %get3A_80 = arith.constant 0 : index
    %get3A_81 = vector.load %arg9[%get3A_79, %get3A_80] : memref<1x128xf32, #tpu.memory_space<vmem>>, vector<1x128xf32>
    %add3A_82 = vector.broadcast %get3A_81 : vector<1x128xf32> to vector<400x128xf32>
    %add3A_83 = arith.addf %dot_general3A_78, %add3A_82 : vector<400x128xf32>
    %max3A = arith.constant 0.000000e+00 : f32
    %max3A_84 = vector.broadcast %max3A : f32 to vector<400x128xf32>
    %max3A_85 = arith.maximumf %add3A_83, %max3A_84 : vector<400x128xf32>
    %get3A_86 = arith.constant 0 : index
    %get3A_87 = arith.constant 0 : index
    %get3A_88 = vector.load %arg10[%get3A_86, %get3A_87] : memref<128x128xf32, #tpu.memory_space<vmem>>, vector<128x128xf32>
    %dot_general3A_89 = arith.constant dense<0.000000e+00> : vector<400x128xf32>
    %dot_general3A_90 = tpu.matmul %max3A_85, %get3A_88, %dot_general3A_89 {dimension_numbers = #tpu.dot_dimension_numbers<[1], [0], [0], [1], [0, 0, 1, 1], [], []>, transpose_lhs_hint = false} : vector<400x128xf32>, vector<128x128xf32>, vector<400x128xf32> -> vector<400x128xf32>
    %get3A_91 = arith.constant 0 : index
    %get3A_92 = arith.constant 0 : index
    %get3A_93 = vector.load %arg11[%get3A_91, %get3A_92] : memref<1x128xf32, #tpu.memory_space<vmem>>, vector<1x128xf32>
    %add3A_94 = vector.broadcast %get3A_93 : vector<1x128xf32> to vector<400x128xf32>
    %add3A_95 = arith.addf %dot_general3A_90, %add3A_94 : vector<400x128xf32>
    %add3A_96 = arith.addf %add3A_73, %add3A_95 : vector<400x128xf32>
    %get3A_97 = arith.constant 0 : index
    %get3A_98 = arith.constant 0 : index
    %get3A_99 = vector.load %arg14[%get3A_97, %get3A_98] : memref<1x128xf32, #tpu.memory_space<vmem>>, vector<1x128xf32>
    %get3A_100 = arith.constant 0 : index
    %get3A_101 = arith.constant 0 : index
    %get3A_102 = vector.load %arg15[%get3A_100, %get3A_101] : memref<1x128xf32, #tpu.memory_space<vmem>>, vector<1x128xf32>
    %reduce_sum3A_103 = arith.constant dense<0.000000e+00> : vector<400xf32>
    %reduce_sum3A_104 = vector.multi_reduction <add>, %add3A_96, %reduce_sum3A_103 [1] : vector<400x128xf32> to vector<400xf32>
    %broadcast_in_dim3A_105 = vector.shape_cast %reduce_sum3A_104 : vector<400xf32> to vector<400x1xf32>
    %div3A_106 = arith.constant 1.280000e+02 : f32
    %div3A_107 = vector.broadcast %div3A_106 : f32 to vector<400x1xf32>
    %div3A_108 = arith.divf %broadcast_in_dim3A_105, %div3A_107 : vector<400x1xf32>
    %sub3A_109 = vector.broadcast %div3A_108 : vector<400x1xf32> to vector<400x128xf32>
    %sub3A_110 = arith.subf %add3A_96, %sub3A_109 : vector<400x128xf32>
    %integer_pow3A_111 = arith.mulf %sub3A_110, %sub3A_110 : vector<400x128xf32>
    %reduce_sum3A_112 = arith.constant dense<0.000000e+00> : vector<400xf32>
    %reduce_sum3A_113 = vector.multi_reduction <add>, %integer_pow3A_111, %reduce_sum3A_112 [1] : vector<400x128xf32> to vector<400xf32>
    %broadcast_in_dim3A_114 = vector.shape_cast %reduce_sum3A_113 : vector<400xf32> to vector<400x1xf32>
    %div3A_115 = arith.constant 1.280000e+02 : f32
    %div3A_116 = vector.broadcast %div3A_115 : f32 to vector<400x1xf32>
    %div3A_117 = arith.divf %broadcast_in_dim3A_114, %div3A_116 : vector<400x1xf32>
    %sub3A_118 = vector.broadcast %div3A_108 : vector<400x1xf32> to vector<400x128xf32>
    %sub3A_119 = arith.subf %add3A_96, %sub3A_118 : vector<400x128xf32>
    %add3A_120 = arith.constant 9.99999974E-6 : f32
    %add3A_121 = vector.broadcast %add3A_120 : f32 to vector<400x1xf32>
    %add3A_122 = arith.addf %div3A_117, %add3A_121 : vector<400x1xf32>
    %rsqrt3A_123 = math.rsqrt %add3A_122 : vector<400x1xf32>
    %mul3A_124 = vector.broadcast %rsqrt3A_123 : vector<400x1xf32> to vector<400x128xf32>
    %mul3A_125 = arith.mulf %sub3A_119, %mul3A_124 : vector<400x128xf32>
    %mul3A_126 = vector.broadcast %get3A_99 : vector<1x128xf32> to vector<400x128xf32>
    %mul3A_127 = arith.mulf %mul3A_125, %mul3A_126 : vector<400x128xf32>
    %add3A_128 = vector.broadcast %get3A_102 : vector<1x128xf32> to vector<400x128xf32>
    %add3A_129 = arith.addf %mul3A_127, %add3A_128 : vector<400x128xf32>
    %swap3A = arith.constant 0 : index
    %swap3A_130 = arith.constant 0 : index
    %swap3A_131 = vector.load %arg16[%swap3A, %swap3A_130] : memref<400x128xf32, #tpu.memory_space<vmem>>, vector<400x128xf32>
    tpu.vector_store %arg16[%swap3A, %swap3A_130], %add3A_129 {strides = array<i32>} : memref<400x128xf32, #tpu.memory_space<vmem>>, vector<400x128xf32>,
    return
  }
  func.func @transform_0(%arg0: i32) -> (i32, i32, i32) {
    %c0_i32 = arith.constant 0 : i32
    %c0_i32_0 = arith.constant 0 : i32
    %c0_i32_1 = arith.constant 0 : i32
    return %c0_i32, %arg0, %c0_i32_0 : i32, i32, i32
  }
  func.func @transform_1(%arg0: i32) -> (i32, i32) {
    %c0_i32 = arith.constant 0 : i32
    %c0_i32_0 = arith.constant 0 : i32
    %c0_i32_1 = arith.constant 0 : i32
    return %c0_i32, %c0_i32_0 : i32, i32
  }
  func.func @transform_2(%arg0: i32) -> (i32, i32) {
    %c0_i32 = arith.constant 0 : i32
    %c0_i32_0 = arith.constant 0 : i32
    %c0_i32_1 = arith.constant 0 : i32
    return %c0_i32, %c0_i32_0 : i32, i32
  }
  func.func @transform_3(%arg0: i32) -> (i32, i32) {
    %c0_i32 = arith.constant 0 : i32
    %c0_i32_0 = arith.constant 0 : i32
    %c0_i32_1 = arith.constant 0 : i32
    return %c0_i32, %c0_i32_0 : i32, i32
  }
  func.func @transform_4(%arg0: i32) -> (i32, i32) {
    %c0_i32 = arith.constant 0 : i32
    %c0_i32_0 = arith.constant 0 : i32
    return %arg0, %c0_i32 : i32, i32
  }
  func.func @transform_5(%arg0: i32) -> (i32, i32) {
    %c0_i32 = arith.constant 0 : i32
    %c0_i32_0 = arith.constant 0 : i32
    %c0_i32_1 = arith.constant 0 : i32
    return %c0_i32, %c0_i32_0 : i32, i32
  }
  func.func @transform_6(%arg0: i32) -> (i32, i32) {
    %c0_i32 = arith.constant 0 : i32
    %c0_i32_0 = arith.constant 0 : i32
    %c0_i32_1 = arith.constant 0 : i32
    return %c0_i32, %c0_i32_0 : i32, i32
  }
  func.func @transform_7(%arg0: i32) -> (i32, i32) {
    %c0_i32 = arith.constant 0 : i32
    %c0_i32_0 = arith.constant 0 : i32
    %c0_i32_1 = arith.constant 0 : i32
    return %c0_i32, %c0_i32_0 : i32, i32
  }
  func.func @transform_8(%arg0: i32) -> (i32, i32) {
    %c0_i32 = arith.constant 0 : i32
    %c0_i32_0 = arith.constant 0 : i32
    %c0_i32_1 = arith.constant 0 : i32
    return %c0_i32, %c0_i32_0 : i32, i32
  }
  func.func @transform_9(%arg0: i32) -> (i32, i32) {
    %c0_i32 = arith.constant 0 : i32
    %c0_i32_0 = arith.constant 0 : i32
    %c0_i32_1 = arith.constant 0 : i32
    return %c0_i32, %c0_i32_0 : i32, i32
  }
  func.func @transform_10(%arg0: i32) -> (i32, i32) {
    %c0_i32 = arith.constant 0 : i32
    %c0_i32_0 = arith.constant 0 : i32
    %c0_i32_1 = arith.constant 0 : i32
    return %c0_i32, %c0_i32_0 : i32, i32
  }
  func.func @transform_11(%arg0: i32) -> (i32, i32) {
    %c0_i32 = arith.constant 0 : i32
    %c0_i32_0 = arith.constant 0 : i32
    %c0_i32_1 = arith.constant 0 : i32
    return %c0_i32, %c0_i32_0 : i32, i32
  }
  func.func @transform_12(%arg0: i32) -> (i32, i32) {
    %c0_i32 = arith.constant 0 : i32
    %c0_i32_0 = arith.constant 0 : i32
    %c0_i32_1 = arith.constant 0 : i32
    return %c0_i32, %c0_i32_0 : i32, i32
  }
  func.func @transform_13(%arg0: i32) -> (i32, i32) {
    %c0_i32 = arith.constant 0 : i32
    %c0_i32_0 = arith.constant 0 : i32
    %c0_i32_1 = arith.constant 0 : i32
    return %c0_i32, %c0_i32_0 : i32, i32
  }
  func.func @transform_14(%arg0: i32) -> (i32, i32) {
    %c0_i32 = arith.constant 0 : i32
    %c0_i32_0 = arith.constant 0 : i32
    %c0_i32_1 = arith.constant 0 : i32
    return %c0_i32, %c0_i32_0 : i32, i32
  }
  func.func @transform_15(%arg0: i32) -> (i32, i32) {
    %c0_i32 = arith.constant 0 : i32
    %c0_i32_0 = arith.constant 0 : i32
    return %arg0, %c0_i32 : i32, i32
  }
}

</mosaic_0001>

<sc_bundles>
// kernel: kernel.5.cloned.1.call-start
scs
__scs_entry_jumppad:
0x0: {  	(pc) =	sbr.rel $0x88, $3  }
0x1: {  	(tag) =	ssettag $0x0;
	lr =	simm.s32 $0x1  }
0x2: {  	[smem:$0x3F8F] =	sst lr;
	_ =	strace $0xD0000000  }
0x3: {  	_ = 	snop  }
0x4: {  	_ = 	snop  }
0x5: {  	_ = 	snop  }
0x6: {  	_ = 	snop  }
0x7: {  	_ = 	snop  }
__scs_overlays_trampoline_lowered:
0x8: {  	[smem:$0x3F9E] =	sst s0  }
0x9: {  	[smem:$0x3F9F] =	sst s1  }
0xa: {  	[smem:$0x3FA0] =	sst s2  }
0xb: {  	[smem:$0x3FA1] =	sst s3  }
0xc: {  	[smem:$0x3FA2] =	sst s4  }
0xd: {  	[smem:$0x3FA3] =	sst s5  }
0xe: {  	[smem:$0x3FA4] =	sst s6  }
0xf: {  	[smem:$0x3FA5] =	sst s7  }
0x10: {  	[smem:$0x3FA6] =	sst s8  }
0x11: {  	[smem:$0x3FA7] =	sst s9;
	s0 =	simm.s32 @!p0 $0x0  }
0x12: {  	s1 =	sld [smem:$0x3F8D];
	s0 =	simm.s32 @p0 $0x1  }
0x13: {  	[smem:$0x3FA8] =	sst s0;
	s0 =	simm.s32 @!p1 $0x0  }
0x14: {  	s2 =	sld [smem:$0x3F8C];
	s0 =	simm.s32 @p1 $0x1  }
0x15: {  	[smem:$0x3FA9] =	sst s0;
	s0 =	simm.s32 @!p2 $0x0  }
0x16: {  	s3 =	sld [smem:$0x3FDB];
	s0 =	simm.s32 @p2 $0x1  }
0x17: {  	s4 =	simm.s32 $0x1BF5;
	[smem:$0x3FAB] =	sst s0  }
0x18: {  	s0 =	sld [smem:$0x3F8E];
	_ =	swait.ge [sflag:s4], $0x0  }
0x19: {  	s7 =	sld [smem:$0x3F8F]  }
0x1a: {  	s8 =	sadd.s32 $0xFFFFE003, lr  }
0x1b: {  	s9 =	sadd.s32 $0xFFFFFEF7, lr;
	s5 =	simm.s32 $0xFFFFFFFF;
	p2 =	slt.u32 s8, $0xFFFFF086  }
0x1c: {  	p1 =	slt.u32 s9, $0xF7A;
	s5 =	simm.s32 @!p2 $0x0  }
0x1d: {  	s5 =	simm.s32 @p1 $0x1;
	p0 =	seq.s32 s7, s2  }
0x1e: {  	s7 =	smul.u32 @!p0 $0xF7A, s2;
	p2 =	seq.s32 @!p0 s5, $0x0  }
0x1f: {  	s9 =	smul.u32 $0xF7A, s1;
	s8 =	simm.s32 @!p0 $0x1BF5;
	p2 =	por !p2, p0  }
0x20: {  	[sflag:s8] =	ssyncset.s32 @!p0 $0xFFFFF086;
	s6 =	sadd.s32 @!p0 s3, s7;
	s7 =	simm.s32 @!p0 $0x108  }
0x21: {  	s3 =	sadd.s32 s3, s9;
	s6 =	sadd.s32 @!p0 $0x88, s6;
	s7 =	simm.s32 @p2 $0x1082  }
0x22: {  	[simem:s7], [sflag:s8] =	dma.local @!p0 [hbm:s6], $0xF7A  }
0x23: {  	s9 =	sor.u32 $0xD0000000, s2;
	s6 =	simm.s32 $0x108;
	_ =	swait.ge @!p0 [sflag:s8], $0x0  }
0x24: {  	s3 =	sadd.s32 $0x88, s3;
	s6 =	simm.s32 @!p1 $0x1082;
	[sflag:s4] =	ssyncset.s32 $0xFFFFF086  }
0x25: {  	[simem:s6], [sflag:s4] =	dma.local [hbm:s3], $0xF7A  }
0x26: {  	[smem:$0x3F8F] =	sst s1;
	(tag) =	ssettag s2;
	_ =	strace s9  }
0x27: {  	s1 =	sld [smem:$0x3F9F]  }
0x28: {  	s2 =	sld [smem:$0x3FA0]  }
0x29: {  	s4 =	sld [smem:$0x3FA2]  }
0x2a: {  	p0 =	seq.s32 s5, $0x0;
	s5 =	sld [smem:$0x3FA3]  }
0x2b: {  	s6 =	sld [smem:$0x3FA4]  }
0x2c: {  	s7 =	sld [smem:$0x3FA5]  }
0x2d: {  	s3 =	simm.s32 $0x108;
	s8 =	sld [smem:$0x3FA6]  }
0x2e: {  	s3 =	simm.s32 @!p0 $0x1082;
	s9 =	sld [smem:$0x3FA7]  }
0x2f: {  	lr =	sadd.s32 s0, s3;
	s0 =	sld [smem:$0x3F9E]  }
0x30: {  	s3 =	sld [smem:$0x3FA1]  }
0x31: {  	[smem:$0x3FAA] =	sst s10  }
0x32: {  	s10 =	sld [smem:$0x3FA8];
	_ =	sdelay $0x3  }
0x33: {  	p0 =	seq.s32 s10, $0x1;
	s10 =	sld [smem:$0x3FAA];
	_ =	sdelay $0x3  }
0x34: {  	[smem:$0x3FAA] =	sst s10  }
0x35: {  	s10 =	sld [smem:$0x3FA9];
	_ =	sdelay $0x3  }
0x36: {  	p1 =	seq.s32 s10, $0x1;
	s10 =	sld [smem:$0x3FAA];
	_ =	sdelay $0x3  }
0x37: {  	[smem:$0x3FAA] =	sst s10  }
0x38: {  	s10 =	sld [smem:$0x3FAB]  }
0x39: {  	_ = 	snop;
	(pc) =	sbr.ind lr, $3  }
0x3a: {  	_ = 	snop  }
0x3b: {  	_ = 	snop  }
0x3c: {  	p2 =	seq.s32 s10, $0x1;
	s10 =	sld [smem:$0x3FAA]  }
0x3d: {  	_ =	shalt  }
0x3e: {  	_ =	shalt  }
0x3f: {  	_ =	shalt  }
0x40: {  	_ =	shalt  }
0x41: {  	_ =	shalt  }
0x42: {  	_ =	shalt  }
0x43: {  	_ =	shalt  }
0x44: {  	_ =	shalt  }
0x45: {  	_ =	shalt  }
0x46: {  	_ =	shalt  }
0x47: {  	_ =	shalt  }
0x48: {  	_ =	shalt  }
0x49: {  	_ =	shalt  }
0x4a: {  	_ =	shalt  }
0x4b: {  	_ =	shalt  }
0x4c: {  	_ =	shalt  }
0x4d: {  	_ =	shalt  }
0x4e: {  	_ =	shalt  }
0x4f: {  	_ =	shalt  }
0x50: {  	_ =	shalt  }
0x51: {  	_ =	shalt  }
0x52: {  	_ =	shalt  }
0x53: {  	_ =	shalt  }
0x54: {  	_ =	shalt  }
0x55: {  	_ =	shalt  }
0x56: {  	_ =	shalt  }
0x57: {  	_ =	shalt  }
0x58: {  	_ =	shalt  }
0x59: {  	_ =	shalt  }
0x5a: {  	_ =	shalt  }
0x5b: {  	_ =	shalt  }
0x5c: {  	_ =	shalt  }
0x5d: {  	_ =	shalt  }
0x5e: {  	_ =	shalt  }
0x5f: {  	_ =	shalt  }
0x60: {  	_ =	shalt  }
0x61: {  	_ =	shalt  }
0x62: {  	_ =	shalt  }
0x63: {  	_ =	shalt  }
0x64: {  	_ =	shalt  }
0x65: {  	_ =	shalt  }
0x66: {  	_ =	shalt  }
0x67: {  	_ =	shalt  }
0x68: {  	_ =	shalt  }
0x69: {  	_ =	shalt  }
0x6a: {  	_ =	shalt  }
0x6b: {  	_ =	shalt  }
0x6c: {  	_ =	shalt  }
0x6d: {  	_ =	shalt  }
0x6e: {  	_ =	shalt  }
0x6f: {  	_ =	shalt  }
0x70: {  	_ =	shalt  }
0x71: {  	_ =	shalt  }
0x72: {  	_ =	shalt  }
0x73: {  	_ =	shalt  }
0x74: {  	_ =	shalt  }
0x75: {  	_ =	shalt  }
0x76: {  	_ =	shalt  }
0x77: {  	_ =	shalt  }
0x78: {  	_ =	shalt  }
0x79: {  	_ =	shalt  }
0x7a: {  	_ =	shalt  }
0x7b: {  	_ =	shalt  }
0x7c: {  	_ =	shalt  }
0x7d: {  	_ =	shalt  }
0x7e: {  	_ =	shalt  }
0x7f: {  	_ =	shalt  }
0x80: {  	_ =	shalt  }
0x81: {  	_ =	shalt  }
0x82: {  	_ =	shalt  }
0x83: {  	_ =	shalt  }
0x84: {  	_ =	shalt  }
0x85: {  	_ =	shalt  }
0x86: {  	_ =	shalt  }
0x87: {  	_ =	shalt  }
.Lfunc_end0:
.L_simem_size_0:
called_computation_lowered:
.L_overlay_start_0:
0x88: {  	s2 =	sld [smem:$0x3FD9]  }
0x89: {  	s3 =	sld [smem:$0x3FFE];
	_ =	sdelay $0x1  }
0x8a: {  	s1 =	srdreg.scid  }
0x8b: {  	s0 =	sand.u32 $0x1, s1  }
0x8c: {  	s17 =	sshll.u32 s0, $0xA;
	s2 =	sadd.s32 s3, s2  }
0x8d: {  	s2 =	sadd.s32 s2, s17  }
0x8e: {  	[smem:$0x3FB6] =	sst s2  }
0x8f: {  	_ = 	snop  }
0x90: {  	s2 =	sld [smem:$0x3FD0];
	(tm) =	ssettm $0x1  }
0x91: {  	s18 =	sld [smem:$0x3FFB];
	_ =	sdelay $0x3  }
0x92: {  	_ =	strace s18  }
0x93: {  	s3 =	sld [smem:$0x3FFC];
	_ =	sdelay $0x3  }
0x94: {  	_ =	strace s3  }
0x95: {  	s3 =	sld [smem:$0x3FFD];
	_ =	sdelay $0x3  }
0x96: {  	_ =	strace s3  }
0x97: {  	_ =	strace $0x8FFFFFFF  }
0x98: {  	s19 =	sld [smem:$0x3FDB];
	_ =	sdelay $0x1  }
0x99: {  	s4 =	simm.s32 $_scs_section_size  }
0x9a: {  	s5 =	simm.s32 $_size__tile_overlayer_lowered;
	s6 =	simm.s32 $_tile_overlayer_lowered  }
0x9b: {  	s22 =	simm.s32 $0x1BFF;
	s21 =	sshll.u32 s6, $0x1;
	s3 =	sadd.s32 s4, s19  }
0x9c: {  	s7 =	simm.s32 $0x0;
	s20 =	sshll.u32 s5, $0x1;
	s5 =	sadd.s32 s21, s3  }
0x9d: {  	[timem:s7], [sflag:s22] =	dma.local [hbm:s5], s20  }
0x9e: {  	_ =	swait.ge [sflag:s22], s20  }
0x9f: {  	s4 =	ssub.s32 $0x0, s20;
	[sflag:s22] =	ssyncset.done $0x0  }
0xa0: {  	[sflag:s22] =	ssyncadd.s32 s4;
	_ =	sdelay $0x1  }
0xa1: {  	s23 =	simm.s32 $0x1B8B  }
0xa2: {  	_ =	swait.ge [sflag:s23], $0x1  }
0xa3: {  	[sflag:s23] =	ssyncset.done $0x0  }
0xa4: {  	s25 =	simm.s32 $0x1B8E;
	s24 =	sld [smem:$0x3FFE];
	[sflag:s23] =	ssyncadd.s32 $0xFFFFFFFF  }
0xa5: {  	s26 =	simm.s32 $execute0_lowered;
	[smem:$0x3FD2] =	sst s25  }
0xa6: {  	s5 =	sshll.u32 s26, $0x1;
	_ =	strace $0x80000046;
	[dreg:$0x1] =	wrdreg $0xFFFFFFFF  }
0xa7: {  	s28 =	simm.s32 $_size_execute0_lowered;
	s3 =	sadd.s32 s3, s5;
	[dreg:$0x0] =	wrdreg $0x0  }
0xa8: {  	s5 =	sshll.u32 s28, $0x1;
	[dreg:$0x2] =	wrdreg s3  }
0xa9: {  	[dreg:$0x3] =	wrdreg s5  }
0xaa: {  	[dreg:$0x4] =	wrdreg $0xC0  }
0xab: {  	_ =	task [dreg:s7], $0x5FFFF  }
0xac: {  	[dreg:$0x1] =	wrdreg $0xFFFFFFFF  }
0xad: {  	[dreg:$0x0] =	wrdreg $0x60  }
0xae: {  	[dreg:$0x2] =	wrdreg s24  }
0xaf: {  	[dreg:$0x3] =	wrdreg s2  }
0xb0: {  	[dreg:$0x4] =	wrdreg $0xA2900  }
0xb1: {  	[dreg:$0x5] =	wrdreg $0x9  }
0xb2: {  	_ =	task.clear_ibuf [dreg:s7], $0x6FFFF;
	_ =	strace $0x90000046  }
0xb3: {  	s29 =	simm.s32 $0x9;
	_ =	strace $0x80000048  }
0xb4: {  	_ =	swait.ge [sflag:s29], $0x1  }
0xb5: {  	[sflag:s29] =	ssyncadd.s32 $0xFFFFFFFF  }
0xb6: {  	_ =	strace $0x90000048  }
0xb7: {  	_ =	sfence  }
0xb8: {  	s30 =	sld [smem:$0x0];
	_ =	sdelay $0x2  }
0xb9: {  	s31 =	sshll.u32 s1, $0xD;
	s1 =	sshrl.u32 s1, $0x2  }
0xba: {  	s3 =	sand.u32 $0x4000, s31;
	s1 =	sadd.s32 s1, s30  }
0xbb: {  	s0 =	sor.u32 s3, s0;
	s1 =	sshll.u32 s1, $0x11  }
0xbc: {  	s0 =	sor.u32 s1, s0  }
0xbd: {  	s0 =	sadd.s32 $0x8F2B, s0  }
0xbe: {  	[sflag:s0] =	ssyncadd.remote.s32 $0x1  }
0xbf: {  	_ =	sfence.sel $0xFFFF  }
0xc0: {  	[dreg:$0x0] =	wrdreg $0xFFFFFFFF;
	(pc) =	sbr.abs _section_cstart, $3  }
0xc1: {  	[dreg:$0x1] =	wrdreg $0xFFFFFFFF  }
0xc2: {  	_ =	task.clear_ibuf [dreg:s7], $0x2FFFF;
	_ =	strace $0x9FFFFFFF  }
0xc3: {  	(tm) =	ssettm $0x7FFFFFFF  }
tec
execute0_lowered:
.L_overlay_start_1:
0x0: {  	(tag) =	ssettag $0x1  }
0x1: {  	s3 =	rddreg [dreg:$0x0]  }
0x2: {  	s1 =	rddreg [dreg:$0x1]  }
0x3: {  	s2 =	rddreg [dreg:$0x2];
	s15 =	simm.s32 $0x0  }
0x4: {  	s0 =	srdreg.scid;
	s20 =	stileid.u32;
	s4 =	sadd.s32 $0x2A00, s3  }
0x5: {  	s5 =	sand.u32 $0x1, s0;
	s7 =	smul.u32 $0xA000, s20;
	s8 =	sadd.s32 $0x79400, s3  }
0x6: {  	s21 =	sshll.u32 s20, $0x2;
	[smem:$0x7FF] =	sst s15;
	s15 =	sadd.s32 $0x64C00, s3  }
0x7: {  	s0 =	sshll.u32 s5, $0x1;
	s6 =	ssub.s32 $0x2, s5;
	s12 =	smul.u32 $0xA0000, s5  }
0x8: {  	p0 =	seq.s32 s5, $0x0;
	s9 =	sadd.s32 s0, s3;
	s19 =	sshrl.u32 s6, $0x1  }
0x9: {  	s10 =	sadd.s32 $0x2800, s7;
	s11 =	sadd.s32 $0x3C00, s7;
	s13 =	sadd.s32 $0x5000, s7  }
0xa: {  	s17 =	sadd.s32 $0x6400, s7;
	s18 =	sadd.s32 $0x7800, s7;
	s0 =	ssub.s32 s6, s19  }
0xb: {  	s6 =	sor.u32 $0x1400, s7;
	s19 =	sadd.s32 $0x8C00, s7;
	s14 =	sadd.s32 s7, s12  }
0xc: {  	s5 =	sadd.s32 s21, s9;
	s25 =	sadd.s32 s12, s10;
	s28 =	sadd.s32 s12, s11  }
0xd: {  	s21 =	sadd.s32 s12, s13;
	s11 =	sadd.s32 s11, s2;
	s22 =	sshrl.u32 s14, $0x3  }
0xe: {  	s23 =	sadd.s32 s12, s6;
	s26 =	sshrl.u32 s25, $0x3;
	s16 =	sshrl.u32 s28, $0x3  }
0xf: {  	s25 =	sadd.s32 s12, s18;
	s9 =	sadd.s32 s8, s22;
	s24 =	sshrl.u32 s23, $0x3  }
0x10: {  	s22 =	sshrl.u32 s21, $0x3;
	[dreg:$0x4] =	wrdreg s9;
	s9 =	sadd.s32 s8, s24  }
0x11: {  	s23 =	sadd.s32 s12, s17;
	[dreg:$0x5] =	wrdreg s9;
	s9 =	sadd.s32 s8, s26  }
0x12: {  	s12 =	sadd.s32 s12, s19;
	[dreg:$0x6] =	wrdreg s9;
	s9 =	sadd.s32 s8, s16  }
0x13: {  	s24 =	sshrl.u32 s23, $0x3;
	[dreg:$0x7] =	wrdreg s9;
	s9 =	sadd.s32 s8, s22  }
0x14: {  	s26 =	sshrl.u32 s25, $0x3;
	[dreg:$0x8] =	wrdreg s9;
	s9 =	sadd.s32 s8, s24  }
0x15: {  	s28 =	sshrl.u32 s12, $0x3;
	[dreg:$0x9] =	wrdreg s9;
	s9 =	sadd.s32 s8, s26  }
0x16: {  	s13 =	sadd.s32 s13, s2;
	s8 =	sadd.s32 s8, s28;
	[dreg:$0xa] =	wrdreg s9  }
0x17: {  	s14 =	sadd.s32 $0x51200, s3;
	s0 =	smax.u32 s0, $0x1;
	[dreg:$0xb] =	wrdreg s8  }
0x18: {  	s9 =	sadd.s32 s6, s2;
	_ =	strace $0x80000047;
	[smem:$0x7FA] =	sst s0  }
0x19: {  	s18 =	sadd.s32 s18, s2;
	s25 =	sadd.s32 s10, s2;
	[dreg:$0xd] =	wrdreg s9  }
0x1a: {  	s17 =	sadd.s32 s17, s2;
	s12 =	sadd.s32 $0x16400, s3;
	[dreg:$0xe] =	wrdreg s25  }
0x1b: {  	s19 =	sadd.s32 s19, s2;
	s12 =	smov.u32 @p0 s4;
	[dreg:$0xf] =	wrdreg s11  }
0x1c: {  	s4 =	sadd.s32 $0x29E00, s3;
	s16 =	sadd.s32 $0x6F000, s3;
	[dreg:$0x10] =	wrdreg s13  }
0x1d: {  	s8 =	sadd.s32 $0x3D800, s3;
	s3 =	smul.u32 $0x5140, s20;
	[dreg:$0x11] =	wrdreg s17  }
0x1e: {  	s1 =	smov.u32 @p0 s4;
	s14 =	smov.u32 @p0 s8;
	[dreg:$0x12] =	wrdreg s18  }
0x1f: {  	s8 =	sadd.s32 s7, s2;
	[dreg:$0x13] =	wrdreg s19;
	s4 =	sshrl.u32 s3, $0x3  }
0x20: {  	[dreg:$0xc] =	wrdreg s8;
	s26 =	sadd.s32 s15, s4  }
0x21: {  	s10 =	sadd.s32 $0xA, s4;
	s28 =	sadd.s32 s16, s4;
	[dreg:$0x18] =	wrdreg s26  }
0x22: {  	s21 =	sadd.s32 s15, s10;
	[dreg:$0x19] =	wrdreg s28  }
0x23: {  	s22 =	sadd.s32 $0x14, s4;
	s6 =	sadd.s32 s16, s10;
	[dreg:$0x14] =	wrdreg s21  }
0x24: {  	s23 =	sadd.s32 s15, s22;
	[dreg:$0x15] =	wrdreg s6  }
0x25: {  	s4 =	sadd.s32 $0x1E, s4;
	s24 =	sadd.s32 s16, s22;
	[dreg:$0x16] =	wrdreg s23  }
0x26: {  	s29 =	simm.s32 $0x7;
	s7 =	sadd.s32 s15, s4;
	[dreg:$0x17] =	wrdreg s24  }
0x27: {  	s31 =	simm.s32 $0xA0;
	s4 =	sadd.s32 s16, s4;
	[dreg:$0x1a] =	wrdreg s7  }
0x28: {  	s10 =	smul.u32 $0x5000, s20;
	s20 =	sadd.s32 $0x140, s3;
	[dreg:$0x1b] =	wrdreg s4  }
0x29: {  	s30 =	simm.s32 $0xF0;
	s22 =	sadd.s32 $0x1E0, s3;
	[dreg:$0x1d] =	wrdreg s20  }
0x2a: {  	s0 =	simm.s32 $0x230;
	s21 =	sadd.s32 $0x190, s3;
	[dreg:$0x1f] =	wrdreg s22  }
0x2b: {  	s3 =	sadd.s32 $0x230, s3;
	s23 =	sadd.s32 $0xA1400, s5;
	[dreg:$0x1e] =	wrdreg s21  }
0x2c: {  	s22 =	simm.s32 $0x5;
	s7 =	simm.s32 $0x4;
	[smem:$0x7F8] =	sst s3  }
0x2d: {  	s5 =	simm.s32 $0x0;
	[smem:$0x7F9] =	sst s23;
	s24 =	sor.u32 $0x50, s10  }
0x2e: {  	s26 =	sor.u32 $0xA0, s10;
	[dreg:$0x1c] =	wrdreg s10;
	s28 =	sor.u32 $0xF0, s10  }
0x2f: {  	s3 =	simm.s32 $0x1;
	s10 =	simm.s32 $0x50;
	[smem:$0x7FB] =	sst s24  }
0x30: {  	v0 =	vimm.f32 $0.0e+00;
	vm0 =	vmmov $0x1;
	s21 =	simm.s32 $0x190;
	s23 =	simm.s32 $0x2;
	[smem:$0x7FC] =	sst s26  }
0x31: {  	vm1 =	vcmask $0x310;
	vm2 =	vcmask $0x710;
	vm3 =	vcmask $0xB10;
	[smem:$0x7FD] =	sst s28;
	s26 =	simm.s32 $0x3;
	s24 =	simm.s32 $0x6  }
.LBB2_1:
0x32: {  	[smem:$0x7F7] =	sst s5;
	s5 =	simm.s32 $0x100;
	s4 =	simm.s32 $0x0  }
.LBB2_2:
0x33: {  	p0 =	sne.s32 s5, $0x4F00;
	[tilespmem:s4+$0x7AB0] =	vst v0;
	s6 =	smov.u32 s5;
	s5 =	sadd.s32 $0x100, s5  }
.Ltmp0:
0x34: {  	[tilespmem:s4+$0x7AA0] =	vst v0;
	(pc) =	sbr.rel @p0 .LBB2_2-.Ltmp0, $3  }
0x35: {  	[tilespmem:s4+$0x7A80] =	vst v0  }
0x36: {  	[tilespmem:s4+$0x7A90] =	vst v0;
	_ =	sdelay $0x1  }
0x37: {  	s4 =	sshra.s32 s6, $0x2  }
0x38: {  	[tilespmem:s4+$0x7AB0] =	vst v0  }
0x39: {  	[tilespmem:s4+$0x7AA0] =	vst v0  }
0x3a: {  	[tilespmem:s4+$0x7A80] =	vst v0  }
0x3b: {  	[tilespmem:s4+$0x7A90] =	vst v0;
	s6 =	simm.s32 $0x7A80  }
0x3c: {  	[spmem:s8] =	stream.linear.scatter [tilespmem:s6], [sflag:$0x7], $0x1400, $0x38;
	[tilespmem:$0x14290] =	vst v63  }
0x3d: {  	_ =	swait.ge [sflag:s29], $0x1400  }
0x3e: {  	[sflag:s29] =	ssyncset.done $0x0  }
0x3f: {  	[sflag:s29] =	ssyncadd.s32 $0xFFFFEC00  }
0x40: {  	[spmem:s9] =	stream.linear.scatter [tilespmem:s6], [sflag:$0x7], $0x1400, $0x38;
	[tilespmem:$0x14290] =	vst v63  }
0x41: {  	_ =	swait.ge [sflag:s29], $0x1400  }
0x42: {  	[sflag:s29] =	ssyncset.done $0x0  }
0x43: {  	[sflag:s29] =	ssyncadd.s32 $0xFFFFEC00  }
0x44: {  	[spmem:s25] =	stream.linear.scatter [tilespmem:s6], [sflag:$0x7], $0x1400, $0x38;
	[tilespmem:$0x14290] =	vst v63  }
0x45: {  	_ =	swait.ge [sflag:s29], $0x1400  }
0x46: {  	[sflag:s29] =	ssyncset.done $0x0  }
0x47: {  	[sflag:s29] =	ssyncadd.s32 $0xFFFFEC00  }
0x48: {  	[spmem:s11] =	stream.linear.scatter [tilespmem:s6], [sflag:$0x7], $0x1400, $0x38;
	[tilespmem:$0x14290] =	vst v63  }
0x49: {  	_ =	swait.ge [sflag:s29], $0x1400  }
0x4a: {  	[sflag:s29] =	ssyncset.done $0x0  }
0x4b: {  	[sflag:s29] =	ssyncadd.s32 $0xFFFFEC00  }
0x4c: {  	[spmem:s13] =	stream.linear.scatter [tilespmem:s6], [sflag:$0x7], $0x1400, $0x38;
	[tilespmem:$0x14290] =	vst v63  }
0x4d: {  	_ =	swait.ge [sflag:s29], $0x1400  }
0x4e: {  	[sflag:s29] =	ssyncset.done $0x0  }
0x4f: {  	[sflag:s29] =	ssyncadd.s32 $0xFFFFEC00  }
0x50: {  	[spmem:s17] =	stream.linear.scatter [tilespmem:s6], [sflag:$0x7], $0x1400, $0x38;
	[tilespmem:$0x14290] =	vst v63  }
0x51: {  	_ =	swait.ge [sflag:s29], $0x1400  }
0x52: {  	[sflag:s29] =	ssyncset.done $0x0  }
0x53: {  	[sflag:s29] =	ssyncadd.s32 $0xFFFFEC00  }
0x54: {  	[spmem:s18] =	stream.linear.scatter [tilespmem:s6], [sflag:$0x7], $0x1400, $0x38;
	[tilespmem:$0x14290] =	vst v63  }
0x55: {  	_ =	swait.ge [sflag:s29], $0x1400  }
0x56: {  	[sflag:s29] =	ssyncset.done $0x0  }
0x57: {  	[sflag:s29] =	ssyncadd.s32 $0xFFFFEC00  }
0x58: {  	[spmem:s19] =	stream.linear.scatter [tilespmem:s6], [sflag:$0x7], $0x1400, $0x38;
	[tilespmem:$0x14290] =	vst v63  }
0x59: {  	_ =	swait.ge [sflag:s29], $0x1400  }
0x5a: {  	[sflag:s29] =	ssyncset.done $0x0  }
0x5b: {  	[sflag:s29] =	ssyncadd.s32 $0xFFFFEC00  }
0x5c: {  	[bflag:$0x0] =	sbarrier.arrive $0xFFFF  }
0x5d: {  	s8 =	simm.s32 $0x0;
	s19 =	rddreg [dreg:$0x18]  }
0x5e: {  	[tilespmem:s8], [sflag:$0x1] =	stream.linear.gather [hbm4b:s19+s8], $0x50, $0x38;
	[tilespmem:$0x14290] =	vst v63  }
0x5f: {  	s5 =	simm.s32 $0x140;
	s20 =	rddreg [dreg:$0x19]  }
0x60: {  	[tilespmem:s5], [sflag:$0x1] =	stream.linear.gather [hbm4b:s20+s8], $0x50, $0x38;
	[tilespmem:$0x14290] =	vst v63  }
0x61: {  	s25 =	rddreg [dreg:$0x14]  }
0x62: {  	[tilespmem:s31], [sflag:$0x3] =	stream.linear.gather [hbm4b:s25+s8], $0x50, $0x38;
	[tilespmem:$0x14290] =	vst v63  }
0x63: {  	s6 =	simm.s32 $0x1E0;
	s28 =	rddreg [dreg:$0x15]  }
0x64: {  	[tilespmem:s6], [sflag:$0x3] =	stream.linear.gather [hbm4b:s28+s8], $0x50, $0x38;
	[tilespmem:$0x14290] =	vst v63  }
0x65: {  	_ =	swait.ge [sflag:s3], $0x50  }
0x66: {  	[sflag:s3] =	ssyncset.done $0x0  }
0x67: {  	[sflag:s3] =	ssyncadd.s32 $0xFFFFFFB0  }
0x68: {  	_ =	swait.ge [sflag:s3], $0x50  }
0x69: {  	[sflag:s3] =	ssyncset.done $0x0  }
0x6a: {  	s9 =	simm.s32 $0x280;
	[sflag:s3] =	ssyncadd.s32 $0xFFFFFFB0  }
0x6b: {  	[tilespmem:s9], [sflag:$0x5] =	stream.indirect.gather [hbm4b:s12+s10], $0x40, s5, s10, $0xb8;
	[tilespmem:$0x14290] =	vst v63  }
0x6c: {  	s11 =	simm.s32 $0x2A80  }
0x6d: {  	[tilespmem:s11], [sflag:$0x5] =	stream.indirect.gather [hbm4b:s1+s10], $0x40, s8, s10, $0xb8;
	[tilespmem:$0x14290] =	vst v63  }
0x6e: {  	s13 =	simm.s32 $0x5280  }
0x6f: {  	[tilespmem:s13], [sflag:$0x5] =	stream.indirect.gather [hbm4b:s14+s10], $0x40, s8, s10, $0xb8;
	[tilespmem:$0x14290] =	vst v63  }
0x70: {  	_ =	swait.ge [sflag:s26], $0x50  }
0x71: {  	[sflag:s26] =	ssyncset.done $0x0  }
0x72: {  	[sflag:s26] =	ssyncadd.s32 $0xFFFFFFB0  }
0x73: {  	_ =	swait.ge [sflag:s26], $0x50  }
0x74: {  	[sflag:s26] =	ssyncset.done $0x0;
	s20 =	rddreg [dreg:$0x16]  }
0x75: {  	s17 =	simm.s32 $0x1680;
	s25 =	rddreg [dreg:$0x17];
	[sflag:s26] =	ssyncadd.s32 $0xFFFFFFB0  }
0x76: {  	[tilespmem:s17], [sflag:$0x6] =	stream.indirect.gather [hbm4b:s12+s10], $0x40, s6, s10, $0xb8;
	[tilespmem:$0x14290] =	vst v63  }
0x77: {  	s18 =	simm.s32 $0x3E80;
	s28 =	rddreg [dreg:$0x1a]  }
0x78: {  	[tilespmem:s18], [sflag:$0x6] =	stream.indirect.gather [hbm4b:s1+s10], $0x40, s31, s10, $0xb8;
	[tilespmem:$0x14290] =	vst v63  }
0x79: {  	s19 =	simm.s32 $0x6680;
	s9 =	sld [smem:$0x7FD]  }
0x7a: {  	[tilespmem:s19], [sflag:$0x6] =	stream.indirect.gather [hbm4b:s14+s10], $0x40, s31, s10, $0xb8;
	[tilespmem:$0x14290] =	vst v63  }
0x7b: {  	s11 =	sld [smem:$0x7FB]  }
0x7c: {  	[tilespmem:s10], [sflag:$0x2] =	stream.linear.gather [hbm4b:s20+s8], $0x50, $0x38;
	[tilespmem:$0x14290] =	vst v63  }
0x7d: {  	s6 =	sld [smem:$0x7FC]  }
0x7e: {  	[tilespmem:s21], [sflag:$0x2] =	stream.linear.gather [hbm4b:s25+s8], $0x50, $0x38;
	[tilespmem:$0x14290] =	vst v63  }
0x7f: {  	s19 =	rddreg [dreg:$0x1c]  }
0x80: {  	[tilespmem:s30], [sflag:$0x4] =	stream.linear.gather [hbm4b:s28+s8], $0x50, $0x38;
	[tilespmem:$0x14290] =	vst v63  }
0x81: {  	s30 =	rddreg [dreg:$0x1b]  }
0x82: {  	v1 =	vimm.f32 $0.0e+00;
	[tilespmem:s0], [sflag:$0x4] =	stream.linear.gather [hbm4b:s30+s8], $0x50, $0x38;
	[tilespmem:$0x14290] =	vst v63  }
.LBB2_4:
0x83: {  	_ =	swait.ge [sflag:s22], $0x1400  }
0x84: {  	[sflag:s22] =	ssyncset.done $0x0  }
0x85: {  	[sflag:s22] =	ssyncadd.s32 $0xFFFFEC00  }
0x86: {  	_ =	swait.ge [sflag:s22], $0x1400  }
0x87: {  	[sflag:s22] =	ssyncset.done $0x0  }
0x88: {  	[sflag:s22] =	ssyncadd.s32 $0xFFFFEC00  }
0x89: {  	_ =	swait.ge [sflag:s22], $0x1400  }
0x8a: {  	[sflag:s22] =	ssyncset.done $0x0  }
0x8b: {  	s28 =	simm.s32 $0x0;
	[sflag:s22] =	ssyncadd.s32 $0xFFFFEC00  }
0x8c: {  	v2 =	vld [tilespmem:s28+$0x2A0]  }
0x8d: {  	v3 =	vld [tilespmem:s28+$0x2AA0]  }
0x8e: {  	v4 =	vld [tilespmem:s28+$0x290]  }
0x8f: {  	v5 =	vld [tilespmem:s28+$0x2A90]  }
0x90: {  	v6 =	vld [tilespmem:s28+$0x280]  }
0x91: {  	v7 =	vld [tilespmem:s28+$0x2A80];
	_ =	sdelay $0x1  }
0x92: {  	v8 =	vld [tilespmem:s28+$0x2B0]  }
0x93: {  	v2 =	vmul.f32 v3, v2;
	v3 =	vld [tilespmem:s28+$0x2AB0]  }
0x94: {  	v4 =	vmul.f32 v5, v4  }
0x95: {  	(xrf2) =	vadd.scan.msk.f32 $0xffff, v2;
	v2 =	vmul.f32 v7, v6  }
0x96: {  	v12 =	vld [tilespmem:s28+$0x5280];
	(xrf2) =	vadd.scan.msk.f32 $0xffff, v4  }
0x97: {  	v14 =	vld [tilespmem:s28+$0x5290];
	(xrf2) =	vadd.scan.msk.f32 $0xffff, v2  }
0x98: {  	s17 =	simm.s32 $0x40;
	v10 =	vld [tilespmem:s28+$0x52A0];
	v2 =	vmul.f32 v3, v8  }
0x99: {  	v9 =	vld [tilespmem:s17+$0x2A90]  }
0x9a: {  	v11 =	vld [tilespmem:s17+$0x280];
	(xrf2) =	vadd.scan.msk.f32 $0xffff, v2  }
0x9b: {  	v13 =	vld [tilespmem:s17+$0x2A80]  }
0x9c: {  	v15 =	vld [tilespmem:s17+$0x2B0]  }
0x9d: {  	v5 =	vld [tilespmem:s17+$0x2A0]  }
0x9e: {  	v6 =	vld [tilespmem:s17+$0x2AA0]  }
0x9f: {  	v8 =	vld [tilespmem:s17+$0x290];
	v16, _, _ =	vpop (xrf2)  }
0xa0: {  	s5 =	simm.s32 $0x80;
	v17 =	vld [tilespmem:s17+$0x2AB0];
	v18, _, _ =	vpop (xrf2)  }
0xa1: {  	v19 =	vld [tilespmem:s5+$0x2A0];
	v2, _, _ =	vpop (xrf2)  }
0xa2: {  	s18 =	simm.s32 $0xC0;
	v20 =	vld [tilespmem:s5+$0x2AA0];
	v21 =	vbroadcast v2, $0xF  }
0xa3: {  	v57 =	vld [tilespmem:s18+$0x2A90];
	v5 =	vmul.f32 v6, v5;
	v6 =	vbroadcast v18, $0xF  }
0xa4: {  	v22 =	vld [tilespmem:s18+$0x2A80];
	v8 =	vmul.f32 v9, v8;
	v16 =	vbroadcast v16, $0xF;
	v18 =	vnsel vm0, $0x0, v21;
	v56, _, _ =	vpop (xrf2)  }
0xa5: {  	v58 =	vld [tilespmem:s18+$0x2B0];
	(xrf2) =	vadd.scan.msk.f32 $0xffff, v5;
	v5 =	vmul.f32 v13, v11;
	v6 =	vsel vm1, v18, v6;
	v13 =	vbroadcast v56, $0xF  }
0xa6: {  	v59 =	vld [tilespmem:s18+$0x2AB0];
	(xrf2) =	vadd.scan.msk.f32 $0xffff, v8;
	v6 =	vsel vm2, v6, v16  }
0xa7: {  	v9 =	vld [tilespmem:s5+$0x290];
	(xrf2) =	vadd.scan.msk.f32 $0xffff, v5;
	v5 =	vsel vm3, v6, v13  }
0xa8: {  	s4 =	simm.s32 $0x100;
	v11 =	vld [tilespmem:s5+$0x2A90];
	v8 =	vmul.f32 v17, v15;
	v5 =	vmax.f32 v5, $-5.000000000e+00  }
0xa9: {  	v60 =	vld [tilespmem:s4+$0x2AA0];
	v5 =	vmin.f32 v5, $5.000000000e+00  }
0xaa: {  	v19 =	vmul.f32 v20, v19;
	v20 =	vld [tilespmem:s18+$0x2AA0];
	(xrf2) =	vadd.scan.msk.f32 $0xffff, v8;
	v8 =	vmul.f32 $1.442695020e+00, v5  }
0xab: {  	v16 =	vld [tilespmem:s5+$0x280]  }
0xac: {  	v13 =	vld [tilespmem:s5+$0x2A80];
	(erf) = vpow2.f32 v8  }
0xad: {  	v15 =	vld [tilespmem:s5+$0x2B0];
	v9 =	vmul.f32 v11, v9  }
0xae: {  	v17 =	vld [tilespmem:s5+$0x2AB0]  }
0xaf: {  	v7 =	vld [tilespmem:s17+$0x5280];
	v11, _, _ =	vpop (xrf2)  }
0xb0: {  	v18 =	vld [tilespmem:s18+$0x2A0];
	(xrf2) =	vadd.scan.msk.f32 $0xffff, v19;
	v19, _, _ =	vpop (xrf2)  }
0xb1: {  	v4 =	vld [tilespmem:s17+$0x52A0];
	(xrf2) =	vadd.scan.msk.f32 $0xffff, v9;
	v13 =	vmul.f32 v13, v16;
	v9, _, _ =	vpop (xrf2)  }
0xb2: {  	v3 =	vld [tilespmem:s17+$0x5290];
	v9 =	vbroadcast v9, $0xF  }
0xb3: {  	v15 =	vmul.f32 v17, v15;
	v16 =	vld [tilespmem:s18+$0x290];
	v19 =	vbroadcast v19, $0xF;
	(xrf2) =	vadd.scan.msk.f32 $0xffff, v13  }
0xb4: {  	v11 =	vbroadcast v11, $0xF;
	v13 =	vld [tilespmem:s28+$0x52B0];
	v24, _, _ =	vpop (xrf2);
	v23 =	vnsel vm0, $0x0, v9  }
0xb5: {  	p0 =	slt.u32 s19, $0x4E200;
	v2 =	vld [tilespmem:s5+$0x5280];
	v18 =	vmul.f32 v20, v18;
	(xrf2) =	vadd.scan.msk.f32 $0xffff, v15;
	v15 =	vsel vm1, v23, v19;
	v19 =	vbroadcast v24, $0xF;
	v20 =	vpop (erf)  }
0xb6: {  	v17 =	vld [tilespmem:s18+$0x280];
	v11 =	vsel vm2, v15, v11;
	v20 =	vpsel !p0, $0x0, v20  }
0xb7: {  	v6 =	vld [tilespmem:s5+$0x5290];
	(xrf2) =	vadd.scan.msk.f32 $0xffff, v18;
	v15 =	vsel vm3, v11, v19;
	v18 =	vbroadcast v20, $0x3  }
0xb8: {  	v5 =	vld [tilespmem:s5+$0x52A0];
	v15 =	vmax.f32 v15, $-5.000000000e+00  }
0xb9: {  	v8 =	vld [tilespmem:s18+$0x5280];
	v16 =	vmul.f32 v57, v16;
	v15 =	vmin.f32 v15, $5.000000000e+00;
	v18 =	vmul.f32 v18, v13  }
0xba: {  	v9 =	vld [tilespmem:s18+$0x5290];
	v27 =	vmul.f32 $1.442695020e+00, v15;
	v15 =	vbroadcast v20, $0x0  }
0xbb: {  	v25, _, _ =	vpop (xrf2);
	v11 =	vld [tilespmem:s18+$0x52A0]  }
0xbc: {  	v19 =	vld [tilespmem:s4+$0x2A0];
	v26, _, _ =	vpop (xrf2);
	(xrf2) =	vadd.scan.msk.f32 $0xffff, v16;
	v12 =	vmul.f32 v15, v12;
	(erf) = vpow2.f32 v27  }
0xbd: {  	v17 =	vmul.f32 v22, v17;
	v13 =	vld [tilespmem:s4+$0x5280];
	[tilespmem:s28+$0x7AB0] =	vst v18;
	v18, _, _ =	vpop (xrf2)  }
0xbe: {  	v25 =	vbroadcast v25, $0xF;
	v18 =	vbroadcast v18, $0xF  }
0xbf: {  	v26 =	vbroadcast v26, $0xF;
	v61 =	vbroadcast v20, $0x1;
	v15 =	vld [tilespmem:s4+$0x290];
	(xrf2) =	vadd.scan.msk.f32 $0xffff, v17  }
0xc0: {  	v23 =	vmul.f32 v59, v58;
	v62 =	vbroadcast v20, $0x2;
	v16 =	vld [tilespmem:s4+$0x2A90];
	[tilespmem:s28+$0x7A80] =	vst v12;
	v12, _, _ =	vpop (xrf2);
	v18 =	vnsel vm0, $0x0, v18  }
0xc1: {  	v22 =	vmul.f32 v61, v14;
	v63 =	vbroadcast v12, $0xF;
	v17 =	vsel vm1, v18, v26  }
0xc2: {  	v1 =	vadd.f32 v20, v1;
	(xrf2) =	vadd.scan.msk.f32 $0xffff, v23;
	v12 =	vld [tilespmem:s17+$0x52B0];
	v18 =	vmul.f32 v62, v10;
	v20 =	vsel vm2, v17, v25  }
0xc3: {  	s25 =	smul.u32 $0x140, s8;
	s20 =	simm.s32 $0x500;
	s13 =	smov.u32 s19;
	v14, _, _ =	vpop (xrf2);
	v10 =	vmul.f32 v60, v19;
	v17 =	vld [tilespmem:s4+$0x280];
	[tilespmem:s28+$0x7A90] =	vst v22;
	v19 =	vsel vm3, v20, v63  }
.LBB2_5:
0xc4: {  	p0 =	sne.s32 s20, $0x4F00;
	v20 =	vld [tilespmem:s4+$0x2A80];
	v19 =	vmax.f32 v19, $-5.000000000e+00;
	[tilespmem:s28+$0x7AA0] =	vst v18;
	s13 =	sadd.s32 $0x1, s13;
	v21 =	vmovc v5;
	v5 =	vmovc v11;
	v18 =	vmov v2;
	v2 =	vmov v8;
	s28 =	smov.u32 s17  }
0xc5: {  	v8 =	vmov v13;
	s17 =	smov.u32 s5;
	s5 =	smov.u32 s18;
	v22 =	vld [tilespmem:s4+$0x5290];
	(xrf2) =	vadd.scan.msk.f32 $0xffff, v10;
	v10 =	vmin.f32 v19, $5.000000000e+00;
	p1 =	slt.u32 s13, $0x4E200;
	v11 =	vpop (erf)  }
0xc6: {  	s18 =	smov.u32 s4;
	v27 =	vmul.f32 v16, v15;
	v16 =	vld [tilespmem:s4+$0x2B0];
	v15, _, _ =	vpop (xrf2);
	v10 =	vmul.f32 $1.442695020e+00, v10;
	v19 =	vpsel !p1, $0x0, v11  }
0xc7: {  	v23 =	vld [tilespmem:s18+$0x2AB0];
	v1 =	vadd.f32 v19, v1;
	v24 =	vbroadcast v19, $0x0;
	v25 =	vbroadcast v19, $0x3  }
0xc8: {  	s4 =	sshra.s32 s20, $0x2;
	v11 =	vld [tilespmem:s18+$0x52A0];
	(xrf2) =	vadd.scan.msk.f32 $0xffff, v27;
	(erf) = vpow2.f32 v10;
	v10 =	vbroadcast v19, $0x1  }
0xc9: {  	v26 =	vld [tilespmem:s4+$0x2A0];
	v17 =	vmul.f32 v20, v17;
	v13, _, _ =	vpop (xrf2);
	v12 =	vmul.f32 v25, v12  }
0xca: {  	v19 =	vbroadcast v19, $0x2;
	v20 =	vld [tilespmem:s4+$0x2AA0];
	v25 =	vbroadcast v13, $0xF  }
.Ltmp1:
0xcb: {  	v24 =	vmul.f32 v24, v7;
	v7 =	vmovc v18;
	v13 =	vld [tilespmem:s4+$0x5280];
	(xrf2) =	vadd.scan.msk.f32 $0xffff, v17;
	v17 =	vbroadcast v15, $0xF;
	[tilespmem:s28+$0x7AB0] =	vst v12;
	(pc) =	sbr.rel @p0 .LBB2_5-.Ltmp1, $4  }
0xcc: {  	v27 =	vbroadcast v14, $0xF;
	v15 =	vld [tilespmem:s4+$0x290];
	v12 =	vmul.f32 v23, v16;
	v18 =	vnsel vm0, $0x0, v25;
	v23, _, _ =	vpop (xrf2)  }
0xcd: {  	v16 =	vld [tilespmem:s4+$0x2A90];
	v17 =	vsel vm1, v18, v17;
	v23 =	vbroadcast v23, $0xF;
	[tilespmem:s28+$0x7A80] =	vst v24;
	v24 =	vmul.f32 v10, v3;
	v3 =	vmovc v6  }
0xce: {  	v18 =	vmul.f32 v19, v4;
	v6 =	vmovc v9;
	v9 =	vmov v22;
	(xrf2) =	vadd.scan.msk.f32 $0xffff, v12;
	v25 =	vsel vm2, v17, v27;
	v12 =	vld [tilespmem:s17+$0x52B0]  }
0xcf: {  	s20 =	sadd.s32 $0x100, s20;
	v4 =	vmov v21;
	v17 =	vld [tilespmem:s4+$0x280];
	v10 =	vmul.f32 v20, v26;
	v14, _, _ =	vpop (xrf2);
	v19 =	vsel vm3, v25, v23;
	[tilespmem:s28+$0x7A90] =	vst v24  }
0xd0: {  	v20 =	vld [tilespmem:s4+$0x2A80];
	[tilespmem:s28+$0x7AA0] =	vst v18  }
0xd1: {  	v18 =	vld [tilespmem:s4+$0x2B0]  }
0xd2: {  	v21 =	vld [tilespmem:s4+$0x2AB0]  }
0xd3: {  	v15 =	vmul.f32 v16, v15  }
0xd4: {  	(xrf2) =	vadd.scan.msk.f32 $0xffff, v10;
	v16 =	vmax.f32 v19, $-5.000000000e+00  }
0xd5: {  	(xrf2) =	vadd.scan.msk.f32 $0xffff, v15;
	v15 =	vmin.f32 v16, $5.000000000e+00  }
0xd6: {  	v10 =	vmul.f32 v20, v17  }
0xd7: {  	v16, _, _ =	vpop (xrf2);
	v17 =	vmul.f32 v21, v18  }
0xd8: {  	(xrf2) =	vadd.scan.msk.f32 $0xffff, v10;
	v10 =	vmul.f32 $1.442695020e+00, v15;
	v15, _, _ =	vpop (xrf2)  }
0xd9: {  	s13 =	sadd.s32 $0x1, s13;
	v15 =	vbroadcast v15, $0xF  }
0xda: {  	v14 =	vbroadcast v14, $0xF;
	p0 =	slt.u32 s13, $0x4E200;
	v18 =	vpop (erf);
	v16 =	vbroadcast v16, $0xF  }
0xdb: {  	(xrf2) =	vadd.scan.msk.f32 $0xffff, v17;
	(erf) = vpow2.f32 v10;
	v10 =	vpsel !p0, $0x0, v18;
	v15 =	vnsel vm0, $0x0, v15;
	v17, _, _ =	vpop (xrf2)  }
0xdc: {  	v18 =	vbroadcast v10, $0x3;
	v15 =	vsel vm1, v15, v16;
	v16 =	vbroadcast v17, $0xF  }
0xdd: {  	v14 =	vsel vm2, v15, v14  }
0xde: {  	v12 =	vmul.f32 v18, v12;
	v14 =	vsel vm3, v14, v16  }
0xdf: {  	v19 =	vld [tilespmem:s4+$0x5290];
	v17 =	vbroadcast v10, $0x0;
	v14 =	vmax.f32 v14, $-5.000000000e+00  }
0xe0: {  	v16 =	vld [tilespmem:s4+$0x52A0];
	[tilespmem:s17+$0x7AB0] =	vst v12;
	v12 =	vmin.f32 v14, $5.000000000e+00  }
0xe1: {  	v7 =	vmul.f32 v17, v7;
	v15, _, _ =	vpop (xrf2)  }
0xe2: {  	v14, _, _ =	vpop (xrf2)  }
0xe3: {  	[tilespmem:s17+$0x7A80] =	vst v7;
	v7 =	vmul.f32 $1.442695020e+00, v12;
	v12, _, _ =	vpop (xrf2)  }
0xe4: {  	v17 =	vbroadcast v10, $0x1;
	v20 =	vbroadcast v12, $0xF;
	_ =	sdelay $0x1  }
0xe5: {  	s13 =	sadd.s32 $0x1, s13;
	v18 =	vbroadcast v10, $0x2;
	v3 =	vmul.f32 v17, v3;
	v17 =	vld [tilespmem:s5+$0x52B0]  }
0xe6: {  	p3 =	slt.u32 s13, $0x4E200;
	v12 =	vpop (erf);
	(erf) = vpow2.f32 v7;
	v7 =	vbroadcast v14, $0xF  }
0xe7: {  	v15 =	vbroadcast v15, $0xF;
	v12 =	vpsel !p3, $0x0, v12;
	v14 =	vnsel vm0, $0x0, v20;
	v20, _, _ =	vpop (xrf2)  }
0xe8: {  	v42 =	vbroadcast v12, $0x3;
	v7 =	vsel vm1, v14, v7;
	v14 =	vbroadcast v20, $0xF  }
0xe9: {  	v4 =	vmul.f32 v18, v4;
	v18 =	vbroadcast v12, $0x0;
	v7 =	vsel vm2, v7, v15  }
0xea: {  	[tilespmem:s17+$0x7A90] =	vst v3;
	v3 =	vmul.f32 v42, v17;
	v7 =	vsel vm3, v7, v14  }
0xeb: {  	[tilespmem:s17+$0x7AA0] =	vst v4;
	v2 =	vmul.f32 v18, v2;
	v4 =	vmax.f32 v7, $-5.000000000e+00  }
0xec: {  	[tilespmem:s5+$0x7AB0] =	vst v3;
	v3 =	vmin.f32 v4, $5.000000000e+00  }
0xed: {  	[tilespmem:s5+$0x7A80] =	vst v2;
	v2 =	vmul.f32 $1.442695020e+00, v3  }
0xee: {  	s13 =	sadd.s32 $0x1, s13;
	v3 =	vld [tilespmem:s18+$0x52B0]  }
0xef: {  	p4 =	slt.u32 s13, $0x4E200;
	v4 =	vbroadcast v12, $0x1;
	v7 =	vpop (erf);
	(erf) = vpow2.f32 v2  }
0xf0: {  	v14 =	vpsel !p4, $0x0, v7;
	v2 =	vbroadcast v12, $0x2  }
0xf1: {  	v4 =	vmul.f32 v4, v6;
	v6 =	vbroadcast v14, $0x3  }
0xf2: {  	v2 =	vmul.f32 v2, v5;
	v5 =	vbroadcast v14, $0x0  }
0xf3: {  	[tilespmem:s5+$0x7A90] =	vst v4;
	v3 =	vmul.f32 v6, v3  }
0xf4: {  	[tilespmem:s5+$0x7AA0] =	vst v2;
	v2 =	vmul.f32 v5, v8  }
0xf5: {  	[tilespmem:s18+$0x7AB0] =	vst v3  }
0xf6: {  	[tilespmem:s18+$0x7A80] =	vst v2  }
0xf7: {  	s20 =	sadd.s32 $0x1, s13;
	v2 =	vld [tilespmem:s4+$0x52B0]  }
0xf8: {  	p5 =	slt.u32 s20, $0x4E200;
	v3 =	vbroadcast v14, $0x1;
	v4 =	vpop (erf)  }
0xf9: {  	v5 =	vbroadcast v14, $0x2;
	v15 =	vpsel !p5, $0x0, v4  }
0xfa: {  	v3 =	vmul.f32 v3, v9;
	v4 =	vbroadcast v15, $0x3  }
0xfb: {  	v5 =	vmul.f32 v5, v11;
	v6 =	vbroadcast v15, $0x0  }
0xfc: {  	[tilespmem:s18+$0x7A90] =	vst v3;
	v3 =	vbroadcast v15, $0x1;
	v2 =	vmul.f32 v4, v2  }
0xfd: {  	[tilespmem:s18+$0x7AA0] =	vst v5;
	v4 =	vbroadcast v15, $0x2;
	v5 =	vmul.f32 v6, v13  }
0xfe: {  	[tilespmem:s4+$0x7AB0] =	vst v2;
	v2 =	vmul.f32 v3, v19  }
0xff: {  	[tilespmem:s4+$0x7A80] =	vst v5;
	v3 =	vmul.f32 v4, v16  }
0x100: {  	[tilespmem:s4+$0x7A90] =	vst v2  }
0x101: {  	s30 =	simm.s32 $0x7A80;
	s17 =	simm.s32 $0x140;
	[tilespmem:s4+$0x7AA0] =	vst v3  }
0x102: {  	[spmem:s2] =	stream.indirect.scatter.add.f32 [tilespmem:s30], [sflag:$0x7], $0x40, s17, s10, $0xb8;
	[tilespmem:$0x14290] =	vst v63  }
0x103: {  	_ =	swait.ge [sflag:s29], $0x1400  }
0x104: {  	[sflag:s29] =	ssyncset.done $0x0  }
0x105: {  	[sflag:s29] =	ssyncadd.s32 $0xFFFFEC00  }
0x106: {  	_ =	swait.ge [sflag:s23], $0x50  }
0x107: {  	[sflag:s23] =	ssyncset.done $0x0  }
0x108: {  	[sflag:s23] =	ssyncadd.s32 $0xFFFFFFB0  }
0x109: {  	_ =	swait.ge [sflag:s23], $0x50  }
0x10a: {  	[sflag:s23] =	ssyncset.done $0x0  }
0x10b: {  	s5 =	simm.s32 $0x280;
	s20 =	rddreg [dreg:$0x1d];
	[sflag:s23] =	ssyncadd.s32 $0xFFFFFFB0  }
0x10c: {  	[tilespmem:s5], [sflag:$0x5] =	stream.indirect.gather [hbm4b:s12+s10], $0x40, s21, s10, $0xb8;
	[tilespmem:$0x14290] =	vst v63  }
0x10d: {  	s13 =	simm.s32 $0x2A80;
	s4 =	sadd.s32 s25, s20  }
0x10e: {  	[tilespmem:s13], [sflag:$0x5] =	stream.indirect.gather [hbm4b:s1+s10], $0x40, s10, s10, $0xb8;
	[tilespmem:$0x14290] =	vst v63  }
0x10f: {  	s18 =	simm.s32 $0x5280;
	s4 =	sshrl.u32 s4, $0x3  }
0x110: {  	[tilespmem:s18], [sflag:$0x5] =	stream.indirect.gather [hbm4b:s14+s10], $0x40, s10, s10, $0xb8;
	[tilespmem:$0x14290] =	vst v63  }
0x111: {  	s30 =	simm.s32 $0x0;
	s21 =	sadd.s32 s15, s4  }
0x112: {  	[tilespmem:s30], [sflag:$0x1] =	stream.linear.gather [hbm4b:s21+s30], $0x50, $0x38;
	[tilespmem:$0x14290] =	vst v63  }
0x113: {  	s4 =	sadd.s32 s16, s4  }
0x114: {  	[tilespmem:s17], [sflag:$0x1] =	stream.linear.gather [hbm4b:s4+s30], $0x50, $0x38;
	[tilespmem:$0x14290] =	vst v63  }
0x115: {  	_ =	swait.ge [sflag:s24], $0x1400  }
0x116: {  	[sflag:s24] =	ssyncset.done $0x0  }
0x117: {  	[sflag:s24] =	ssyncadd.s32 $0xFFFFEC00  }
0x118: {  	_ =	swait.ge [sflag:s24], $0x1400  }
0x119: {  	[sflag:s24] =	ssyncset.done $0x0  }
0x11a: {  	[sflag:s24] =	ssyncadd.s32 $0xFFFFEC00  }
0x11b: {  	_ =	swait.ge [sflag:s24], $0x1400  }
0x11c: {  	[sflag:s24] =	ssyncset.done $0x0  }
0x11d: {  	s28 =	simm.s32 $0x0;
	[sflag:s24] =	ssyncadd.s32 $0xFFFFEC00  }
0x11e: {  	v2 =	vld [tilespmem:s28+$0x16A0]  }
0x11f: {  	v3 =	vld [tilespmem:s28+$0x3EA0]  }
0x120: {  	v4 =	vld [tilespmem:s28+$0x1690]  }
0x121: {  	v5 =	vld [tilespmem:s28+$0x3E90]  }
0x122: {  	v6 =	vld [tilespmem:s28+$0x1680]  }
0x123: {  	v7 =	vld [tilespmem:s28+$0x3E80];
	_ =	sdelay $0x1  }
0x124: {  	v8 =	vld [tilespmem:s28+$0x16B0]  }
0x125: {  	v2 =	vmul.f32 v3, v2;
	v3 =	vld [tilespmem:s28+$0x3EB0]  }
0x126: {  	v18 =	vld [tilespmem:s28+$0x6680];
	v4 =	vmul.f32 v5, v4  }
0x127: {  	v17 =	vld [tilespmem:s28+$0x6690];
	(xrf2) =	vadd.scan.msk.f32 $0xffff, v2;
	v2 =	vmul.f32 v7, v6  }
0x128: {  	s17 =	simm.s32 $0x40;
	v16 =	vld [tilespmem:s28+$0x66A0];
	(xrf2) =	vadd.scan.msk.f32 $0xffff, v4  }
0x129: {  	v9 =	vld [tilespmem:s17+$0x3E90];
	(xrf2) =	vadd.scan.msk.f32 $0xffff, v2  }
0x12a: {  	v11 =	vld [tilespmem:s17+$0x1680];
	v2 =	vmul.f32 v3, v8  }
0x12b: {  	v13 =	vld [tilespmem:s17+$0x3E80]  }
0x12c: {  	v19 =	vld [tilespmem:s17+$0x16B0];
	(xrf2) =	vadd.scan.msk.f32 $0xffff, v2  }
0x12d: {  	v5 =	vld [tilespmem:s17+$0x16A0]  }
0x12e: {  	v6 =	vld [tilespmem:s17+$0x3EA0]  }
0x12f: {  	v8 =	vld [tilespmem:s17+$0x1690]  }
0x130: {  	s5 =	simm.s32 $0x80;
	v43 =	vld [tilespmem:s17+$0x3EB0]  }
0x131: {  	v23 =	vld [tilespmem:s5+$0x16A0];
	v20, _, _ =	vpop (xrf2)  }
0x132: {  	v24 =	vld [tilespmem:s5+$0x3EA0];
	v22, _, _ =	vpop (xrf2)  }
0x133: {  	s18 =	simm.s32 $0xC0;
	v46 =	vld [tilespmem:s5+$0x3EB0];
	v5 =	vmul.f32 v6, v5;
	v2, _, _ =	vpop (xrf2)  }
0x134: {  	v47 =	vld [tilespmem:s18+$0x16A0];
	v8 =	vmul.f32 v9, v8;
	v25 =	vbroadcast v2, $0xF  }
0x135: {  	v48 =	vld [tilespmem:s18+$0x3EA0];
	(xrf2) =	vadd.scan.msk.f32 $0xffff, v5;
	v5 =	vmul.f32 v13, v11;
	v6 =	vbroadcast v22, $0xF  }
0x136: {  	v50 =	vld [tilespmem:s18+$0x3E90];
	v20 =	vbroadcast v20, $0xF;
	(xrf2) =	vadd.scan.msk.f32 $0xffff, v8;
	v44 =	vnsel vm0, $0x0, v25;
	v45, _, _ =	vpop (xrf2)  }
0x137: {  	v9 =	vld [tilespmem:s5+$0x1690];
	(xrf2) =	vadd.scan.msk.f32 $0xffff, v5;
	v6 =	vsel vm1, v44, v6;
	v13 =	vbroadcast v45, $0xF  }
0x138: {  	v11 =	vld [tilespmem:s5+$0x3E90];
	v8 =	vmul.f32 v43, v19;
	v6 =	vsel vm2, v6, v20  }
0x139: {  	v51 =	vld [tilespmem:s18+$0x1680];
	v5 =	vsel vm3, v6, v13  }
0x13a: {  	(xrf2) =	vadd.scan.msk.f32 $0xffff, v8;
	v20 =	vld [tilespmem:s5+$0x1680];
	v5 =	vmax.f32 v5, $-5.000000000e+00  }
0x13b: {  	v13 =	vld [tilespmem:s5+$0x3E80];
	v5 =	vmin.f32 v5, $5.000000000e+00  }
0x13c: {  	v26 =	vld [tilespmem:s18+$0x3E80];
	v8 =	vmul.f32 $1.442695020e+00, v5  }
0x13d: {  	v54 =	vld [tilespmem:s18+$0x16B0];
	v9 =	vmul.f32 v11, v9  }
0x13e: {  	v23 =	vmul.f32 v24, v23;
	v19 =	vld [tilespmem:s5+$0x16B0];
	(erf) = vpow2.f32 v8  }
0x13f: {  	s4 =	simm.s32 $0x100;
	v55 =	vld [tilespmem:s18+$0x3EB0];
	v11, _, _ =	vpop (xrf2)  }
0x140: {  	v57 =	vld [tilespmem:s4+$0x16A0];
	(xrf2) =	vadd.scan.msk.f32 $0xffff, v23;
	v49, _, _ =	vpop (xrf2);
	v13 =	vmul.f32 v13, v20  }
0x141: {  	v58 =	vld [tilespmem:s4+$0x3EA0];
	(xrf2) =	vadd.scan.msk.f32 $0xffff, v9;
	v9, _, _ =	vpop (xrf2)  }
0x142: {  	v7 =	vld [tilespmem:s17+$0x6680];
	v9 =	vbroadcast v9, $0xF;
	(xrf2) =	vadd.scan.msk.f32 $0xffff, v13  }
0x143: {  	v4 =	vld [tilespmem:s17+$0x66A0];
	v19 =	vmul.f32 v46, v19;
	v23 =	vbroadcast v49, $0xF  }
0x144: {  	v3 =	vld [tilespmem:s17+$0x6690];
	v11 =	vbroadcast v11, $0xF;
	v27 =	vnsel vm0, $0x0, v9;
	v28, _, _ =	vpop (xrf2)  }
0x145: {  	v20 =	vld [tilespmem:s18+$0x1690];
	(xrf2) =	vadd.scan.msk.f32 $0xffff, v19;
	v19 =	vsel vm1, v27, v23;
	v52 =	vbroadcast v28, $0xF  }
0x146: {  	v1 =	vadd.f32 v10, v1;
	v13 =	vld [tilespmem:s28+$0x66B0];
	v10 =	vsel vm2, v19, v11  }
0x147: {  	p6 =	slt.u32 s11, $0x4E200;
	v22 =	vmul.f32 v48, v47;
	v2 =	vld [tilespmem:s5+$0x6680];
	v10 =	vsel vm3, v10, v52;
	v53 =	vpop (erf)  }
0x148: {  	v6 =	vld [tilespmem:s5+$0x6690];
	v10 =	vmax.f32 v10, $-5.000000000e+00;
	v19 =	vpsel !p6, $0x0, v53  }
0x149: {  	v5 =	vld [tilespmem:s5+$0x66A0];
	(xrf2) =	vadd.scan.msk.f32 $0xffff, v22;
	v10 =	vmin.f32 v10, $5.000000000e+00;
	v56 =	vbroadcast v19, $0x3  }
0x14a: {  	v1 =	vadd.f32 v12, v1;
	v8 =	vld [tilespmem:s18+$0x6680];
	v12, _, _ =	vpop (xrf2);
	v20 =	vmul.f32 v50, v20;
	v29 =	vmul.f32 $1.442695020e+00, v10  }
0x14b: {  	v9 =	vld [tilespmem:s18+$0x6690];
	v59, _, _ =	vpop (xrf2);
	v22 =	vmul.f32 v56, v13  }
0x14c: {  	v1 =	vadd.f32 v14, v1;
	v14 =	vmul.f32 v26, v51;
	v11 =	vld [tilespmem:s18+$0x66A0];
	(xrf2) =	vadd.scan.msk.f32 $0xffff, v20;
	(erf) = vpow2.f32 v29;
	v61, _, _ =	vpop (xrf2)  }
0x14d: {  	v10 =	vbroadcast v19, $0x0;
	v13 =	vld [tilespmem:s4+$0x6680];
	[tilespmem:s28+$0x8EB0] =	vst v22;
	v22 =	vbroadcast v61, $0xF  }
0x14e: {  	v1 =	vadd.f32 v15, v1;
	v24 =	vmul.f32 v55, v54;
	v20 =	vbroadcast v59, $0xF  }
0x14f: {  	v60 =	vbroadcast v19, $0x1;
	(xrf2) =	vadd.scan.msk.f32 $0xffff, v14;
	v18 =	vmul.f32 v10, v18;
	v22 =	vnsel vm0, $0x0, v22  }
0x150: {  	v63 =	vbroadcast v12, $0xF;
	v62 =	vbroadcast v19, $0x2;
	v12, _, _ =	vpop (xrf2);
	v10 =	vld [tilespmem:s4+$0x1690];
	v14 =	vsel vm1, v22, v20  }
0x151: {  	v21 =	vmul.f32 v60, v17;
	v15 =	vld [tilespmem:s4+$0x3E90];
	[tilespmem:s28+$0x8E80] =	vst v18;
	v20 =	vbroadcast v12, $0xF  }
0x152: {  	v1 =	vadd.f32 v19, v1;
	(xrf2) =	vadd.scan.msk.f32 $0xffff, v24;
	v18 =	vmul.f32 v62, v16;
	v17 =	vld [tilespmem:s4+$0x1680];
	v19 =	vsel vm2, v14, v63  }
0x153: {  	s20 =	simm.s32 $0x500;
	s13 =	smov.u32 s11;
	s21 =	simm.s32 $0x140;
	v16 =	vmul.f32 v58, v57;
	v12 =	vld [tilespmem:s17+$0x66B0];
	[tilespmem:s28+$0x8E90] =	vst v21;
	v19 =	vsel vm3, v19, v20;
	v14, _, _ =	vpop (xrf2)  }
.LBB2_7:
0x154: {  	p0 =	sne.s32 s20, $0x4F00;
	v20 =	vld [tilespmem:s4+$0x3E80];
	v23 =	vmax.f32 v19, $-5.000000000e+00;
	[tilespmem:s28+$0x8EA0] =	vst v18;
	s13 =	sadd.s32 $0x1, s13;
	v21 =	vmovc v5;
	v5 =	vmovc v11;
	v18 =	vmov v2;
	v2 =	vmov v8;
	s28 =	smov.u32 s17  }
0x155: {  	v8 =	vmov v13;
	s17 =	smov.u32 s5;
	s5 =	smov.u32 s18;
	v22 =	vld [tilespmem:s4+$0x6690];
	(xrf2) =	vadd.scan.msk.f32 $0xffff, v16;
	v11 =	vmin.f32 v23, $5.000000000e+00;
	p1 =	slt.u32 s13, $0x4E200;
	v16 =	vpop (erf)  }
0x156: {  	s18 =	smov.u32 s4;
	v10 =	vmul.f32 v15, v10;
	v15 =	vld [tilespmem:s4+$0x16B0];
	v19, _, _ =	vpop (xrf2);
	v28 =	vmul.f32 $1.442695020e+00, v11;
	v16 =	vpsel !p1, $0x0, v16  }
0x157: {  	v23 =	vld [tilespmem:s18+$0x3EB0];
	v1 =	vadd.f32 v16, v1;
	v24 =	vbroadcast v16, $0x0;
	v25 =	vbroadcast v16, $0x3  }
0x158: {  	s4 =	sshra.s32 s20, $0x2;
	v26 =	vbroadcast v16, $0x1;
	v11 =	vld [tilespmem:s18+$0x66A0];
	(xrf2) =	vadd.scan.msk.f32 $0xffff, v10;
	(erf) = vpow2.f32 v28  }
0x159: {  	v27 =	vld [tilespmem:s4+$0x16A0];
	v10 =	vmul.f32 v20, v17;
	v13, _, _ =	vpop (xrf2);
	v12 =	vmul.f32 v25, v12  }
0x15a: {  	v16 =	vbroadcast v16, $0x2;
	v20 =	vld [tilespmem:s4+$0x3EA0];
	v17 =	vbroadcast v13, $0xF  }
.Ltmp2:
0x15b: {  	v19 =	vbroadcast v19, $0xF;
	v24 =	vmul.f32 v24, v7;
	v7 =	vmovc v18;
	v13 =	vld [tilespmem:s4+$0x6680];
	(xrf2) =	vadd.scan.msk.f32 $0xffff, v10;
	[tilespmem:s28+$0x8EB0] =	vst v12;
	(pc) =	sbr.rel @p0 .LBB2_7-.Ltmp2, $4  }
0x15c: {  	v25 =	vbroadcast v14, $0xF;
	v10 =	vld [tilespmem:s4+$0x1690];
	v12 =	vmul.f32 v23, v15;
	v17 =	vnsel vm0, $0x0, v17;
	v18, _, _ =	vpop (xrf2)  }
0x15d: {  	v23 =	vmul.f32 v26, v3;
	v3 =	vmovc v6;
	v15 =	vld [tilespmem:s4+$0x3E90];
	v17 =	vsel vm1, v17, v19;
	v19 =	vbroadcast v18, $0xF;
	[tilespmem:s28+$0x8E80] =	vst v24  }
0x15e: {  	v6 =	vmovc v9;
	v9 =	vmov v22;
	v18 =	vmul.f32 v16, v4;
	(xrf2) =	vadd.scan.msk.f32 $0xffff, v12;
	v24 =	vsel vm2, v17, v25;
	v12 =	vld [tilespmem:s17+$0x66B0]  }
0x15f: {  	s20 =	sadd.s32 $0x100, s20;
	v4 =	vmov v21;
	v17 =	vld [tilespmem:s4+$0x1680];
	v16 =	vmul.f32 v20, v27;
	v14, _, _ =	vpop (xrf2);
	v19 =	vsel vm3, v24, v19;
	[tilespmem:s28+$0x8E90] =	vst v23  }
0x160: {  	v20 =	vld [tilespmem:s4+$0x3E80]  }
0x161: {  	[tilespmem:s28+$0x8EA0] =	vst v18  }
0x162: {  	v18 =	vld [tilespmem:s4+$0x16B0]  }
0x163: {  	v21 =	vld [tilespmem:s4+$0x3EB0];
	_ =	sdelay $0x1  }
0x164: {  	(xrf2) =	vadd.scan.msk.f32 $0xffff, v16;
	v16 =	vmax.f32 v19, $-5.000000000e+00;
	v10 =	vmul.f32 v15, v10;
	v15 =	vmul.f32 v20, v17;
	_ =	sdelay $0x2  }
0x165: {  	(xrf2) =	vadd.scan.msk.f32 $0xffff, v10;
	v10 =	vmin.f32 v16, $5.000000000e+00;
	v16, _, _ =	vpop (xrf2);
	v17 =	vmul.f32 v21, v18  }
0x166: {  	(xrf2) =	vadd.scan.msk.f32 $0xffff, v15;
	v15, _, _ =	vpop (xrf2)  }
0x167: {  	s13 =	sadd.s32 $0x1, s13;
	v10 =	vmul.f32 $1.442695020e+00, v10;
	v15 =	vbroadcast v15, $0xF  }
0x168: {  	v14 =	vbroadcast v14, $0xF;
	p0 =	slt.u32 s13, $0x4E200;
	v16 =	vbroadcast v16, $0xF;
	v18 =	vpop (erf)  }
0x169: {  	(erf) = vpow2.f32 v10;
	v10 =	vpsel !p0, $0x0, v18;
	(xrf2) =	vadd.scan.msk.f32 $0xffff, v17;
	v17, _, _ =	vpop (xrf2);
	v15 =	vnsel vm0, $0x0, v15  }
0x16a: {  	v18 =	vbroadcast v10, $0x3;
	v15 =	vsel vm1, v15, v16;
	v16 =	vbroadcast v17, $0xF  }
0x16b: {  	v14 =	vsel vm2, v15, v14  }
0x16c: {  	v12 =	vmul.f32 v18, v12;
	v14 =	vsel vm3, v14, v16  }
0x16d: {  	v19 =	vld [tilespmem:s4+$0x6690];
	v17 =	vbroadcast v10, $0x0;
	v14 =	vmax.f32 v14, $-5.000000000e+00  }
0x16e: {  	v16 =	vld [tilespmem:s4+$0x66A0];
	[tilespmem:s17+$0x8EB0] =	vst v12;
	v12 =	vmin.f32 v14, $5.000000000e+00  }
0x16f: {  	v7 =	vmul.f32 v17, v7;
	v15, _, _ =	vpop (xrf2)  }
0x170: {  	v14, _, _ =	vpop (xrf2)  }
0x171: {  	[tilespmem:s17+$0x8E80] =	vst v7;
	v7 =	vmul.f32 $1.442695020e+00, v12;
	v12, _, _ =	vpop (xrf2)  }
0x172: {  	v17 =	vbroadcast v10, $0x1;
	v20 =	vbroadcast v12, $0xF;
	_ =	sdelay $0x1  }
0x173: {  	s13 =	sadd.s32 $0x1, s13;
	v18 =	vbroadcast v10, $0x2;
	v3 =	vmul.f32 v17, v3;
	v17 =	vld [tilespmem:s5+$0x66B0]  }
0x174: {  	p3 =	slt.u32 s13, $0x4E200;
	v12 =	vpop (erf);
	(erf) = vpow2.f32 v7;
	v7 =	vbroadcast v14, $0xF  }
0x175: {  	v15 =	vbroadcast v15, $0xF;
	v12 =	vpsel !p3, $0x0, v12;
	v14 =	vnsel vm0, $0x0, v20;
	v20, _, _ =	vpop (xrf2)  }
0x176: {  	v42 =	vbroadcast v12, $0x3;
	v7 =	vsel vm1, v14, v7;
	v14 =	vbroadcast v20, $0xF  }
0x177: {  	v4 =	vmul.f32 v18, v4;
	v18 =	vbroadcast v12, $0x0;
	v7 =	vsel vm2, v7, v15  }
0x178: {  	[tilespmem:s17+$0x8E90] =	vst v3;
	v3 =	vmul.f32 v42, v17;
	v7 =	vsel vm3, v7, v14  }
0x179: {  	[tilespmem:s17+$0x8EA0] =	vst v4;
	v2 =	vmul.f32 v18, v2;
	v4 =	vmax.f32 v7, $-5.000000000e+00  }
0x17a: {  	[tilespmem:s5+$0x8EB0] =	vst v3;
	v3 =	vmin.f32 v4, $5.000000000e+00  }
0x17b: {  	[tilespmem:s5+$0x8E80] =	vst v2;
	v2 =	vmul.f32 $1.442695020e+00, v3  }
0x17c: {  	s13 =	sadd.s32 $0x1, s13;
	v3 =	vld [tilespmem:s18+$0x66B0]  }
0x17d: {  	p4 =	slt.u32 s13, $0x4E200;
	v4 =	vbroadcast v12, $0x1;
	v7 =	vpop (erf);
	(erf) = vpow2.f32 v2  }
0x17e: {  	v14 =	vpsel !p4, $0x0, v7;
	v2 =	vbroadcast v12, $0x2  }
0x17f: {  	v4 =	vmul.f32 v4, v6;
	v6 =	vbroadcast v14, $0x3  }
0x180: {  	v2 =	vmul.f32 v2, v5;
	v5 =	vbroadcast v14, $0x0  }
0x181: {  	[tilespmem:s5+$0x8E90] =	vst v4;
	v3 =	vmul.f32 v6, v3  }
0x182: {  	[tilespmem:s5+$0x8EA0] =	vst v2;
	v2 =	vmul.f32 v5, v8  }
0x183: {  	[tilespmem:s18+$0x8EB0] =	vst v3  }
0x184: {  	[tilespmem:s18+$0x8E80] =	vst v2  }
0x185: {  	s20 =	sadd.s32 $0x1, s13;
	v2 =	vld [tilespmem:s4+$0x66B0]  }
0x186: {  	p5 =	slt.u32 s20, $0x4E200;
	v3 =	vbroadcast v14, $0x1;
	v4 =	vpop (erf)  }
0x187: {  	v5 =	vbroadcast v14, $0x2;
	v15 =	vpsel !p5, $0x0, v4  }
0x188: {  	v3 =	vmul.f32 v3, v9;
	v4 =	vbroadcast v15, $0x3  }
0x189: {  	v5 =	vmul.f32 v5, v11;
	v6 =	vbroadcast v15, $0x0  }
0x18a: {  	[tilespmem:s18+$0x8E90] =	vst v3;
	v3 =	vbroadcast v15, $0x1;
	v2 =	vmul.f32 v4, v2  }
0x18b: {  	[tilespmem:s18+$0x8EA0] =	vst v5;
	v4 =	vbroadcast v15, $0x2;
	v5 =	vmul.f32 v6, v13  }
0x18c: {  	[tilespmem:s4+$0x8EB0] =	vst v2;
	v2 =	vmul.f32 v3, v19  }
0x18d: {  	[tilespmem:s4+$0x8E80] =	vst v5;
	v3 =	vmul.f32 v4, v16  }
0x18e: {  	[tilespmem:s4+$0x8E90] =	vst v2  }
0x18f: {  	s17 =	simm.s32 $0x1E0;
	s5 =	simm.s32 $0x8E80;
	[tilespmem:s4+$0x8EA0] =	vst v3  }
0x190: {  	[spmem:s2] =	stream.indirect.scatter.add.f32 [tilespmem:s5], [sflag:$0x7], $0x40, s17, s10, $0xb8;
	[tilespmem:$0x14290] =	vst v63  }
0x191: {  	_ =	swait.ge [sflag:s29], $0x1400  }
0x192: {  	[sflag:s29] =	ssyncset.done $0x0  }
0x193: {  	[sflag:s29] =	ssyncadd.s32 $0xFFFFEC00  }
0x194: {  	_ =	swait.ge [sflag:s7], $0x50  }
0x195: {  	[sflag:s7] =	ssyncset.done $0x0  }
0x196: {  	[sflag:s7] =	ssyncadd.s32 $0xFFFFFFB0  }
0x197: {  	_ =	swait.ge [sflag:s7], $0x50  }
0x198: {  	[sflag:s7] =	ssyncset.done $0x0  }
0x199: {  	s13 =	simm.s32 $0x1680;
	[sflag:s7] =	ssyncadd.s32 $0xFFFFFFB0  }
0x19a: {  	[tilespmem:s13], [sflag:$0x6] =	stream.indirect.gather [hbm4b:s12+s10], $0x40, s0, s10, $0xb8;
	[tilespmem:$0x14290] =	vst v63  }
0x19b: {  	s13 =	rddreg [dreg:$0x1e]  }
0x19c: {  	s20 =	simm.s32 $0xF0;
	s18 =	simm.s32 $0x3E80;
	s4 =	sadd.s32 s25, s13  }
0x19d: {  	[tilespmem:s18], [sflag:$0x6] =	stream.indirect.gather [hbm4b:s1+s10], $0x40, s20, s10, $0xb8;
	[tilespmem:$0x14290] =	vst v63  }
0x19e: {  	s0 =	simm.s32 $0x6680;
	s4 =	sshrl.u32 s4, $0x3  }
0x19f: {  	[tilespmem:s0], [sflag:$0x6] =	stream.indirect.gather [hbm4b:s14+s10], $0x40, s20, s10, $0xb8;
	[tilespmem:$0x14290] =	vst v63  }
0x1a0: {  	s18 =	sadd.s32 s15, s4;
	s20 =	simm.s32 $0x0  }
0x1a1: {  	[tilespmem:s31], [sflag:$0x3] =	stream.linear.gather [hbm4b:s18+s20], $0x50, $0x38;
	[tilespmem:$0x14290] =	vst v63  }
0x1a2: {  	s4 =	sadd.s32 s16, s4  }
0x1a3: {  	[tilespmem:s17], [sflag:$0x3] =	stream.linear.gather [hbm4b:s4+s20], $0x50, $0x38;
	[tilespmem:$0x14290] =	vst v63  }
0x1a4: {  	_ =	swait.ge [sflag:s22], $0x1400  }
0x1a5: {  	[sflag:s22] =	ssyncset.done $0x0  }
0x1a6: {  	[sflag:s22] =	ssyncadd.s32 $0xFFFFEC00  }
0x1a7: {  	_ =	swait.ge [sflag:s22], $0x1400  }
0x1a8: {  	[sflag:s22] =	ssyncset.done $0x0  }
0x1a9: {  	[sflag:s22] =	ssyncadd.s32 $0xFFFFEC00  }
0x1aa: {  	_ =	swait.ge [sflag:s22], $0x1400  }
0x1ab: {  	[sflag:s22] =	ssyncset.done $0x0  }
0x1ac: {  	s28 =	simm.s32 $0x0;
	[sflag:s22] =	ssyncadd.s32 $0xFFFFEC00  }
0x1ad: {  	v2 =	vld [tilespmem:s28+$0x2A0]  }
0x1ae: {  	v3 =	vld [tilespmem:s28+$0x2AA0]  }
0x1af: {  	v4 =	vld [tilespmem:s28+$0x290]  }
0x1b0: {  	v5 =	vld [tilespmem:s28+$0x2A90]  }
0x1b1: {  	v6 =	vld [tilespmem:s28+$0x280]  }
0x1b2: {  	v7 =	vld [tilespmem:s28+$0x2A80];
	_ =	sdelay $0x1  }
0x1b3: {  	v8 =	vld [tilespmem:s28+$0x2B0]  }
0x1b4: {  	v2 =	vmul.f32 v3, v2;
	v3 =	vld [tilespmem:s28+$0x2AB0]  }
0x1b5: {  	v18 =	vld [tilespmem:s28+$0x5280];
	v4 =	vmul.f32 v5, v4  }
0x1b6: {  	v17 =	vld [tilespmem:s28+$0x5290];
	(xrf2) =	vadd.scan.msk.f32 $0xffff, v2;
	v2 =	vmul.f32 v7, v6  }
0x1b7: {  	s17 =	simm.s32 $0x40;
	v16 =	vld [tilespmem:s28+$0x52A0];
	(xrf2) =	vadd.scan.msk.f32 $0xffff, v4  }
0x1b8: {  	v9 =	vld [tilespmem:s17+$0x2A90];
	(xrf2) =	vadd.scan.msk.f32 $0xffff, v2  }
0x1b9: {  	v11 =	vld [tilespmem:s17+$0x280];
	v2 =	vmul.f32 v3, v8  }
0x1ba: {  	v13 =	vld [tilespmem:s17+$0x2A80]  }
0x1bb: {  	v19 =	vld [tilespmem:s17+$0x2B0];
	(xrf2) =	vadd.scan.msk.f32 $0xffff, v2  }
0x1bc: {  	v5 =	vld [tilespmem:s17+$0x2A0]  }
0x1bd: {  	v6 =	vld [tilespmem:s17+$0x2AA0]  }
0x1be: {  	v8 =	vld [tilespmem:s17+$0x290]  }
0x1bf: {  	s5 =	simm.s32 $0x80;
	v43 =	vld [tilespmem:s17+$0x2AB0]  }
0x1c0: {  	v23 =	vld [tilespmem:s5+$0x2A0];
	v20, _, _ =	vpop (xrf2)  }
0x1c1: {  	v24 =	vld [tilespmem:s5+$0x2AA0];
	v22, _, _ =	vpop (xrf2)  }
0x1c2: {  	s18 =	simm.s32 $0xC0;
	v46 =	vld [tilespmem:s5+$0x2AB0];
	v5 =	vmul.f32 v6, v5;
	v2, _, _ =	vpop (xrf2)  }
0x1c3: {  	v47 =	vld [tilespmem:s18+$0x2A0];
	v8 =	vmul.f32 v9, v8;
	v25 =	vbroadcast v2, $0xF  }
0x1c4: {  	v48 =	vld [tilespmem:s18+$0x2AA0];
	(xrf2) =	vadd.scan.msk.f32 $0xffff, v5;
	v5 =	vmul.f32 v13, v11;
	v6 =	vbroadcast v22, $0xF  }
0x1c5: {  	v50 =	vld [tilespmem:s18+$0x2A90];
	v20 =	vbroadcast v20, $0xF;
	(xrf2) =	vadd.scan.msk.f32 $0xffff, v8;
	v44 =	vnsel vm0, $0x0, v25;
	v45, _, _ =	vpop (xrf2)  }
0x1c6: {  	v9 =	vld [tilespmem:s5+$0x290];
	(xrf2) =	vadd.scan.msk.f32 $0xffff, v5;
	v6 =	vsel vm1, v44, v6;
	v13 =	vbroadcast v45, $0xF  }
0x1c7: {  	v11 =	vld [tilespmem:s5+$0x2A90];
	v8 =	vmul.f32 v43, v19;
	v6 =	vsel vm2, v6, v20  }
0x1c8: {  	v51 =	vld [tilespmem:s18+$0x280];
	v5 =	vsel vm3, v6, v13  }
0x1c9: {  	(xrf2) =	vadd.scan.msk.f32 $0xffff, v8;
	v20 =	vld [tilespmem:s5+$0x280];
	v5 =	vmax.f32 v5, $-5.000000000e+00  }
0x1ca: {  	v13 =	vld [tilespmem:s5+$0x2A80];
	v5 =	vmin.f32 v5, $5.000000000e+00  }
0x1cb: {  	v26 =	vld [tilespmem:s18+$0x2A80];
	v8 =	vmul.f32 $1.442695020e+00, v5  }
0x1cc: {  	v54 =	vld [tilespmem:s18+$0x2B0];
	v9 =	vmul.f32 v11, v9  }
0x1cd: {  	v23 =	vmul.f32 v24, v23;
	v19 =	vld [tilespmem:s5+$0x2B0];
	(erf) = vpow2.f32 v8  }
0x1ce: {  	s4 =	simm.s32 $0x100;
	v55 =	vld [tilespmem:s18+$0x2AB0];
	v11, _, _ =	vpop (xrf2)  }
0x1cf: {  	v57 =	vld [tilespmem:s4+$0x2A0];
	(xrf2) =	vadd.scan.msk.f32 $0xffff, v23;
	v49, _, _ =	vpop (xrf2);
	v13 =	vmul.f32 v13, v20  }
0x1d0: {  	v58 =	vld [tilespmem:s4+$0x2AA0];
	(xrf2) =	vadd.scan.msk.f32 $0xffff, v9;
	v9, _, _ =	vpop (xrf2)  }
0x1d1: {  	v7 =	vld [tilespmem:s17+$0x5280];
	v9 =	vbroadcast v9, $0xF;
	(xrf2) =	vadd.scan.msk.f32 $0xffff, v13  }
0x1d2: {  	v4 =	vld [tilespmem:s17+$0x52A0];
	v19 =	vmul.f32 v46, v19;
	v23 =	vbroadcast v49, $0xF  }
0x1d3: {  	v3 =	vld [tilespmem:s17+$0x5290];
	v11 =	vbroadcast v11, $0xF;
	v27 =	vnsel vm0, $0x0, v9;
	v28, _, _ =	vpop (xrf2)  }
0x1d4: {  	v20 =	vld [tilespmem:s18+$0x290];
	(xrf2) =	vadd.scan.msk.f32 $0xffff, v19;
	v19 =	vsel vm1, v27, v23;
	v52 =	vbroadcast v28, $0xF  }
0x1d5: {  	v1 =	vadd.f32 v10, v1;
	v13 =	vld [tilespmem:s28+$0x52B0];
	v10 =	vsel vm2, v19, v11  }
0x1d6: {  	p6 =	slt.u32 s6, $0x4E200;
	v22 =	vmul.f32 v48, v47;
	v2 =	vld [tilespmem:s5+$0x5280];
	v10 =	vsel vm3, v10, v52;
	v53 =	vpop (erf)  }
0x1d7: {  	v6 =	vld [tilespmem:s5+$0x5290];
	v10 =	vmax.f32 v10, $-5.000000000e+00;
	v19 =	vpsel !p6, $0x0, v53  }
0x1d8: {  	v5 =	vld [tilespmem:s5+$0x52A0];
	(xrf2) =	vadd.scan.msk.f32 $0xffff, v22;
	v10 =	vmin.f32 v10, $5.000000000e+00;
	v56 =	vbroadcast v19, $0x3  }
0x1d9: {  	v1 =	vadd.f32 v12, v1;
	v8 =	vld [tilespmem:s18+$0x5280];
	v12, _, _ =	vpop (xrf2);
	v20 =	vmul.f32 v50, v20;
	v29 =	vmul.f32 $1.442695020e+00, v10  }
0x1da: {  	v9 =	vld [tilespmem:s18+$0x5290];
	v59, _, _ =	vpop (xrf2);
	v22 =	vmul.f32 v56, v13  }
0x1db: {  	v1 =	vadd.f32 v14, v1;
	v14 =	vmul.f32 v26, v51;
	v11 =	vld [tilespmem:s18+$0x52A0];
	(xrf2) =	vadd.scan.msk.f32 $0xffff, v20;
	(erf) = vpow2.f32 v29;
	v61, _, _ =	vpop (xrf2)  }
0x1dc: {  	v10 =	vbroadcast v19, $0x0;
	v13 =	vld [tilespmem:s4+$0x5280];
	[tilespmem:s28+$0x7AB0] =	vst v22;
	v22 =	vbroadcast v61, $0xF  }
0x1dd: {  	v1 =	vadd.f32 v15, v1;
	v24 =	vmul.f32 v55, v54;
	v20 =	vbroadcast v59, $0xF  }
0x1de: {  	v60 =	vbroadcast v19, $0x1;
	(xrf2) =	vadd.scan.msk.f32 $0xffff, v14;
	v18 =	vmul.f32 v10, v18;
	v22 =	vnsel vm0, $0x0, v22  }
0x1df: {  	v63 =	vbroadcast v12, $0xF;
	v62 =	vbroadcast v19, $0x2;
	v12, _, _ =	vpop (xrf2);
	v10 =	vld [tilespmem:s4+$0x290];
	v14 =	vsel vm1, v22, v20  }
0x1e0: {  	v21 =	vmul.f32 v60, v17;
	v15 =	vld [tilespmem:s4+$0x2A90];
	[tilespmem:s28+$0x7A80] =	vst v18;
	v20 =	vbroadcast v12, $0xF  }
0x1e1: {  	s30 =	simm.s32 $0xF0;
	v1 =	vadd.f32 v19, v1;
	(xrf2) =	vadd.scan.msk.f32 $0xffff, v24;
	v18 =	vmul.f32 v62, v16;
	v17 =	vld [tilespmem:s4+$0x280];
	v19 =	vsel vm2, v14, v63  }
0x1e2: {  	s13 =	smov.u32 s6;
	s0 =	simm.s32 $0x1E0;
	s20 =	simm.s32 $0x500;
	v16 =	vmul.f32 v58, v57;
	v12 =	vld [tilespmem:s17+$0x52B0];
	[tilespmem:s28+$0x7A90] =	vst v21;
	v19 =	vsel vm3, v19, v20;
	v14, _, _ =	vpop (xrf2)  }
.LBB2_9:
0x1e3: {  	p0 =	sne.s32 s20, $0x4F00;
	v20 =	vld [tilespmem:s4+$0x2A80];
	v23 =	vmax.f32 v19, $-5.000000000e+00;
	[tilespmem:s28+$0x7AA0] =	vst v18;
	s13 =	sadd.s32 $0x1, s13;
	v21 =	vmovc v5;
	v5 =	vmovc v11;
	v18 =	vmov v2;
	v2 =	vmov v8;
	s28 =	smov.u32 s17  }
0x1e4: {  	v8 =	vmov v13;
	s17 =	smov.u32 s5;
	s5 =	smov.u32 s18;
	v22 =	vld [tilespmem:s4+$0x5290];
	(xrf2) =	vadd.scan.msk.f32 $0xffff, v16;
	v11 =	vmin.f32 v23, $5.000000000e+00;
	p1 =	slt.u32 s13, $0x4E200;
	v16 =	vpop (erf)  }
0x1e5: {  	s18 =	smov.u32 s4;
	v10 =	vmul.f32 v15, v10;
	v15 =	vld [tilespmem:s4+$0x2B0];
	v19, _, _ =	vpop (xrf2);
	v28 =	vmul.f32 $1.442695020e+00, v11;
	v16 =	vpsel !p1, $0x0, v16  }
0x1e6: {  	v23 =	vld [tilespmem:s18+$0x2AB0];
	v1 =	vadd.f32 v16, v1;
	v24 =	vbroadcast v16, $0x0;
	v25 =	vbroadcast v16, $0x3  }
0x1e7: {  	s4 =	sshra.s32 s20, $0x2;
	v26 =	vbroadcast v16, $0x1;
	v11 =	vld [tilespmem:s18+$0x52A0];
	(xrf2) =	vadd.scan.msk.f32 $0xffff, v10;
	(erf) = vpow2.f32 v28  }
0x1e8: {  	v27 =	vld [tilespmem:s4+$0x2A0];
	v10 =	vmul.f32 v20, v17;
	v13, _, _ =	vpop (xrf2);
	v12 =	vmul.f32 v25, v12  }
0x1e9: {  	v16 =	vbroadcast v16, $0x2;
	v20 =	vld [tilespmem:s4+$0x2AA0];
	v17 =	vbroadcast v13, $0xF  }
.Ltmp3:
0x1ea: {  	v19 =	vbroadcast v19, $0xF;
	v24 =	vmul.f32 v24, v7;
	v7 =	vmovc v18;
	v13 =	vld [tilespmem:s4+$0x5280];
	(xrf2) =	vadd.scan.msk.f32 $0xffff, v10;
	[tilespmem:s28+$0x7AB0] =	vst v12;
	(pc) =	sbr.rel @p0 .LBB2_9-.Ltmp3, $4  }
0x1eb: {  	v25 =	vbroadcast v14, $0xF;
	v10 =	vld [tilespmem:s4+$0x290];
	v12 =	vmul.f32 v23, v15;
	v17 =	vnsel vm0, $0x0, v17;
	v18, _, _ =	vpop (xrf2)  }
0x1ec: {  	v23 =	vmul.f32 v26, v3;
	v3 =	vmovc v6;
	v15 =	vld [tilespmem:s4+$0x2A90];
	v17 =	vsel vm1, v17, v19;
	v19 =	vbroadcast v18, $0xF;
	[tilespmem:s28+$0x7A80] =	vst v24  }
0x1ed: {  	v6 =	vmovc v9;
	v9 =	vmov v22;
	v18 =	vmul.f32 v16, v4;
	(xrf2) =	vadd.scan.msk.f32 $0xffff, v12;
	v24 =	vsel vm2, v17, v25;
	v12 =	vld [tilespmem:s17+$0x52B0]  }
0x1ee: {  	s20 =	sadd.s32 $0x100, s20;
	v4 =	vmov v21;
	v17 =	vld [tilespmem:s4+$0x280];
	v16 =	vmul.f32 v20, v27;
	v14, _, _ =	vpop (xrf2);
	v19 =	vsel vm3, v24, v19;
	[tilespmem:s28+$0x7A90] =	vst v23  }
0x1ef: {  	v20 =	vld [tilespmem:s4+$0x2A80]  }
0x1f0: {  	[tilespmem:s28+$0x7AA0] =	vst v18  }
0x1f1: {  	v18 =	vld [tilespmem:s4+$0x2B0]  }
0x1f2: {  	v21 =	vld [tilespmem:s4+$0x2AB0];
	_ =	sdelay $0x1  }
0x1f3: {  	(xrf2) =	vadd.scan.msk.f32 $0xffff, v16;
	v16 =	vmax.f32 v19, $-5.000000000e+00;
	v10 =	vmul.f32 v15, v10;
	v15 =	vmul.f32 v20, v17;
	_ =	sdelay $0x2  }
0x1f4: {  	(xrf2) =	vadd.scan.msk.f32 $0xffff, v10;
	v10 =	vmin.f32 v16, $5.000000000e+00;
	v16, _, _ =	vpop (xrf2);
	v17 =	vmul.f32 v21, v18  }
0x1f5: {  	(xrf2) =	vadd.scan.msk.f32 $0xffff, v15;
	v15, _, _ =	vpop (xrf2)  }
0x1f6: {  	s13 =	sadd.s32 $0x1, s13;
	v10 =	vmul.f32 $1.442695020e+00, v10;
	v15 =	vbroadcast v15, $0xF  }
0x1f7: {  	v14 =	vbroadcast v14, $0xF;
	p0 =	slt.u32 s13, $0x4E200;
	v16 =	vbroadcast v16, $0xF;
	v18 =	vpop (erf)  }
0x1f8: {  	(erf) = vpow2.f32 v10;
	v10 =	vpsel !p0, $0x0, v18;
	(xrf2) =	vadd.scan.msk.f32 $0xffff, v17;
	v17, _, _ =	vpop (xrf2);
	v15 =	vnsel vm0, $0x0, v15  }
0x1f9: {  	v18 =	vbroadcast v10, $0x3;
	v15 =	vsel vm1, v15, v16;
	v16 =	vbroadcast v17, $0xF  }
0x1fa: {  	v14 =	vsel vm2, v15, v14  }
0x1fb: {  	v12 =	vmul.f32 v18, v12;
	v14 =	vsel vm3, v14, v16  }
0x1fc: {  	v19 =	vld [tilespmem:s4+$0x5290];
	v17 =	vbroadcast v10, $0x0;
	v14 =	vmax.f32 v14, $-5.000000000e+00  }
0x1fd: {  	v16 =	vld [tilespmem:s4+$0x52A0];
	[tilespmem:s17+$0x7AB0] =	vst v12;
	v12 =	vmin.f32 v14, $5.000000000e+00  }
0x1fe: {  	v7 =	vmul.f32 v17, v7;
	v15, _, _ =	vpop (xrf2)  }
0x1ff: {  	v14, _, _ =	vpop (xrf2)  }
0x200: {  	[tilespmem:s17+$0x7A80] =	vst v7;
	v7 =	vmul.f32 $1.442695020e+00, v12;
	v12, _, _ =	vpop (xrf2)  }
0x201: {  	v17 =	vbroadcast v10, $0x1;
	v20 =	vbroadcast v12, $0xF;
	_ =	sdelay $0x1  }
0x202: {  	s13 =	sadd.s32 $0x1, s13;
	v18 =	vbroadcast v10, $0x2;
	v3 =	vmul.f32 v17, v3;
	v17 =	vld [tilespmem:s5+$0x52B0]  }
0x203: {  	p3 =	slt.u32 s13, $0x4E200;
	v12 =	vpop (erf);
	(erf) = vpow2.f32 v7;
	v7 =	vbroadcast v14, $0xF  }
0x204: {  	v15 =	vbroadcast v15, $0xF;
	v12 =	vpsel !p3, $0x0, v12;
	v14 =	vnsel vm0, $0x0, v20;
	v20, _, _ =	vpop (xrf2)  }
0x205: {  	v41 =	vbroadcast v12, $0x3;
	v7 =	vsel vm1, v14, v7;
	v14 =	vbroadcast v20, $0xF  }
0x206: {  	v4 =	vmul.f32 v18, v4;
	v18 =	vbroadcast v12, $0x0;
	v7 =	vsel vm2, v7, v15  }
0x207: {  	[tilespmem:s17+$0x7A90] =	vst v3;
	v3 =	vmul.f32 v41, v17;
	v7 =	vsel vm3, v7, v14  }
0x208: {  	[tilespmem:s17+$0x7AA0] =	vst v4;
	v2 =	vmul.f32 v18, v2;
	v4 =	vmax.f32 v7, $-5.000000000e+00  }
0x209: {  	[tilespmem:s5+$0x7AB0] =	vst v3;
	v3 =	vmin.f32 v4, $5.000000000e+00  }
0x20a: {  	[tilespmem:s5+$0x7A80] =	vst v2;
	v2 =	vmul.f32 $1.442695020e+00, v3  }
0x20b: {  	s13 =	sadd.s32 $0x1, s13;
	v3 =	vld [tilespmem:s18+$0x52B0]  }
0x20c: {  	p4 =	slt.u32 s13, $0x4E200;
	v4 =	vbroadcast v12, $0x1;
	v7 =	vpop (erf);
	(erf) = vpow2.f32 v2  }
0x20d: {  	v14 =	vpsel !p4, $0x0, v7;
	v2 =	vbroadcast v12, $0x2  }
0x20e: {  	v4 =	vmul.f32 v4, v6;
	v6 =	vbroadcast v14, $0x3  }
0x20f: {  	v2 =	vmul.f32 v2, v5;
	v5 =	vbroadcast v14, $0x0  }
0x210: {  	[tilespmem:s5+$0x7A90] =	vst v4;
	v3 =	vmul.f32 v6, v3  }
0x211: {  	[tilespmem:s5+$0x7AA0] =	vst v2;
	v2 =	vmul.f32 v5, v8  }
0x212: {  	[tilespmem:s18+$0x7AB0] =	vst v3  }
0x213: {  	[tilespmem:s18+$0x7A80] =	vst v2  }
0x214: {  	s17 =	sadd.s32 $0x1, s13;
	v2 =	vld [tilespmem:s4+$0x52B0]  }
0x215: {  	p5 =	slt.u32 s17, $0x4E200;
	v3 =	vbroadcast v14, $0x1;
	v4 =	vpop (erf)  }
0x216: {  	v5 =	vbroadcast v14, $0x2;
	v15 =	vpsel !p5, $0x0, v4  }
0x217: {  	v3 =	vmul.f32 v3, v9;
	v4 =	vbroadcast v15, $0x3  }
0x218: {  	v5 =	vmul.f32 v5, v11;
	v6 =	vbroadcast v15, $0x0  }
0x219: {  	[tilespmem:s18+$0x7A90] =	vst v3;
	v3 =	vbroadcast v15, $0x1;
	v2 =	vmul.f32 v4, v2  }
0x21a: {  	[tilespmem:s18+$0x7AA0] =	vst v5;
	v4 =	vbroadcast v15, $0x2;
	v5 =	vmul.f32 v6, v13  }
0x21b: {  	[tilespmem:s4+$0x7AB0] =	vst v2;
	v2 =	vmul.f32 v3, v19  }
0x21c: {  	[tilespmem:s4+$0x7A80] =	vst v5;
	v3 =	vmul.f32 v4, v16  }
0x21d: {  	[tilespmem:s4+$0x7A90] =	vst v2  }
0x21e: {  	s20 =	simm.s32 $0x7A80;
	s17 =	simm.s32 $0x190;
	[tilespmem:s4+$0x7AA0] =	vst v3  }
0x21f: {  	[spmem:s2] =	stream.indirect.scatter.add.f32 [tilespmem:s20], [sflag:$0x7], $0x40, s17, s10, $0xb8;
	[tilespmem:$0x14290] =	vst v63  }
0x220: {  	_ =	swait.ge [sflag:s29], $0x1400  }
0x221: {  	[sflag:s29] =	ssyncset.done $0x0  }
0x222: {  	[sflag:s29] =	ssyncadd.s32 $0xFFFFEC00  }
0x223: {  	_ =	swait.ge [sflag:s3], $0x50  }
0x224: {  	[sflag:s3] =	ssyncset.done $0x0  }
0x225: {  	[sflag:s3] =	ssyncadd.s32 $0xFFFFFFB0  }
0x226: {  	_ =	swait.ge [sflag:s3], $0x50  }
0x227: {  	[sflag:s3] =	ssyncset.done $0x0  }
0x228: {  	s5 =	simm.s32 $0x280;
	s20 =	rddreg [dreg:$0x1f];
	[sflag:s3] =	ssyncadd.s32 $0xFFFFFFB0  }
0x229: {  	[tilespmem:s5], [sflag:$0x5] =	stream.indirect.gather [hbm4b:s12+s10], $0x40, s21, s10, $0xb8;
	[tilespmem:$0x14290] =	vst v63  }
0x22a: {  	s13 =	simm.s32 $0x2A80;
	s4 =	simm.s32 $0x0;
	s5 =	sadd.s32 s25, s20  }
0x22b: {  	[tilespmem:s13], [sflag:$0x5] =	stream.indirect.gather [hbm4b:s1+s10], $0x40, s4, s10, $0xb8;
	[tilespmem:$0x14290] =	vst v63  }
0x22c: {  	s18 =	simm.s32 $0x5280;
	s5 =	sshrl.u32 s5, $0x3  }
0x22d: {  	[tilespmem:s18], [sflag:$0x5] =	stream.indirect.gather [hbm4b:s14+s10], $0x40, s4, s10, $0xb8;
	[tilespmem:$0x14290] =	vst v63  }
0x22e: {  	s21 =	sadd.s32 s15, s5  }
0x22f: {  	[tilespmem:s10], [sflag:$0x2] =	stream.linear.gather [hbm4b:s21+s4], $0x50, $0x38;
	[tilespmem:$0x14290] =	vst v63  }
0x230: {  	s5 =	sadd.s32 s16, s5  }
0x231: {  	[tilespmem:s17], [sflag:$0x2] =	stream.linear.gather [hbm4b:s5+s4], $0x50, $0x38;
	[tilespmem:$0x14290] =	vst v63  }
0x232: {  	_ =	swait.ge [sflag:s24], $0x1400  }
0x233: {  	[sflag:s24] =	ssyncset.done $0x0  }
0x234: {  	[sflag:s24] =	ssyncadd.s32 $0xFFFFEC00  }
0x235: {  	_ =	swait.ge [sflag:s24], $0x1400  }
0x236: {  	[sflag:s24] =	ssyncset.done $0x0  }
0x237: {  	[sflag:s24] =	ssyncadd.s32 $0xFFFFEC00  }
0x238: {  	_ =	swait.ge [sflag:s24], $0x1400  }
0x239: {  	[sflag:s24] =	ssyncset.done $0x0  }
0x23a: {  	s28 =	simm.s32 $0x0;
	[sflag:s24] =	ssyncadd.s32 $0xFFFFEC00  }
0x23b: {  	v2 =	vld [tilespmem:s28+$0x16A0]  }
0x23c: {  	v3 =	vld [tilespmem:s28+$0x3EA0]  }
0x23d: {  	v4 =	vld [tilespmem:s28+$0x1690]  }
0x23e: {  	v5 =	vld [tilespmem:s28+$0x3E90]  }
0x23f: {  	v6 =	vld [tilespmem:s28+$0x1680]  }
0x240: {  	v7 =	vld [tilespmem:s28+$0x3E80];
	_ =	sdelay $0x1  }
0x241: {  	v8 =	vld [tilespmem:s28+$0x16B0]  }
0x242: {  	v2 =	vmul.f32 v3, v2;
	v3 =	vld [tilespmem:s28+$0x3EB0]  }
0x243: {  	v17 =	vld [tilespmem:s28+$0x6680];
	v4 =	vmul.f32 v5, v4  }
0x244: {  	v16 =	vld [tilespmem:s28+$0x6690];
	(xrf2) =	vadd.scan.msk.f32 $0xffff, v2;
	v2 =	vmul.f32 v7, v6  }
0x245: {  	s17 =	simm.s32 $0x40;
	v13 =	vld [tilespmem:s28+$0x66A0];
	(xrf2) =	vadd.scan.msk.f32 $0xffff, v4  }
0x246: {  	v9 =	vld [tilespmem:s17+$0x3E90];
	(xrf2) =	vadd.scan.msk.f32 $0xffff, v2  }
0x247: {  	v11 =	vld [tilespmem:s17+$0x1680];
	v2 =	vmul.f32 v3, v8  }
0x248: {  	v18 =	vld [tilespmem:s17+$0x3E80]  }
0x249: {  	v5 =	vld [tilespmem:s17+$0x16A0];
	(xrf2) =	vadd.scan.msk.f32 $0xffff, v2  }
0x24a: {  	v6 =	vld [tilespmem:s17+$0x3EA0]  }
0x24b: {  	v8 =	vld [tilespmem:s17+$0x1690]  }
0x24c: {  	v19 =	vld [tilespmem:s17+$0x16B0]  }
0x24d: {  	s5 =	simm.s32 $0x80;
	v42 =	vld [tilespmem:s17+$0x3EB0]  }
0x24e: {  	v23 =	vld [tilespmem:s5+$0x16A0];
	v20, _, _ =	vpop (xrf2)  }
0x24f: {  	v24 =	vld [tilespmem:s5+$0x3EA0];
	v5 =	vmul.f32 v6, v5;
	v22, _, _ =	vpop (xrf2)  }
0x250: {  	s18 =	simm.s32 $0xC0;
	v45 =	vld [tilespmem:s5+$0x3EB0];
	v8 =	vmul.f32 v9, v8;
	v2, _, _ =	vpop (xrf2)  }
0x251: {  	v46 =	vld [tilespmem:s18+$0x16A0];
	(xrf2) =	vadd.scan.msk.f32 $0xffff, v5;
	v5 =	vmul.f32 v18, v11;
	v25 =	vbroadcast v2, $0xF  }
0x252: {  	v47 =	vld [tilespmem:s18+$0x3EA0];
	(xrf2) =	vadd.scan.msk.f32 $0xffff, v8;
	v6 =	vbroadcast v22, $0xF  }
0x253: {  	v9 =	vld [tilespmem:s5+$0x1690];
	v20 =	vbroadcast v20, $0xF;
	(xrf2) =	vadd.scan.msk.f32 $0xffff, v5;
	v43 =	vnsel vm0, $0x0, v25;
	v44, _, _ =	vpop (xrf2)  }
0x254: {  	v11 =	vld [tilespmem:s5+$0x3E90];
	v8 =	vmul.f32 v42, v19;
	v6 =	vsel vm1, v43, v6;
	v18 =	vbroadcast v44, $0xF  }
0x255: {  	v49 =	vld [tilespmem:s18+$0x3E90];
	v6 =	vsel vm2, v6, v20  }
0x256: {  	v50 =	vld [tilespmem:s18+$0x1680];
	(xrf2) =	vadd.scan.msk.f32 $0xffff, v8;
	v5 =	vsel vm3, v6, v18  }
0x257: {  	v20 =	vld [tilespmem:s5+$0x1680];
	v5 =	vmax.f32 v5, $-5.000000000e+00  }
0x258: {  	v18 =	vld [tilespmem:s5+$0x3E80];
	v5 =	vmin.f32 v5, $5.000000000e+00  }
0x259: {  	v26 =	vld [tilespmem:s18+$0x3E80];
	v9 =	vmul.f32 v11, v9;
	v8 =	vmul.f32 $1.442695020e+00, v5  }
0x25a: {  	v23 =	vmul.f32 v24, v23;
	v19 =	vld [tilespmem:s5+$0x16B0]  }
0x25b: {  	v53 =	vld [tilespmem:s18+$0x16B0];
	v11, _, _ =	vpop (xrf2);
	(erf) = vpow2.f32 v8  }
0x25c: {  	s4 =	simm.s32 $0x100;
	v54 =	vld [tilespmem:s18+$0x3EB0];
	(xrf2) =	vadd.scan.msk.f32 $0xffff, v23;
	v48, _, _ =	vpop (xrf2)  }
0x25d: {  	v56 =	vld [tilespmem:s4+$0x16A0];
	(xrf2) =	vadd.scan.msk.f32 $0xffff, v9;
	v9, _, _ =	vpop (xrf2);
	v18 =	vmul.f32 v18, v20  }
0x25e: {  	v57 =	vld [tilespmem:s4+$0x3EA0];
	v9 =	vbroadcast v9, $0xF  }
0x25f: {  	v7 =	vld [tilespmem:s17+$0x6680];
	v19 =	vmul.f32 v45, v19;
	v23 =	vbroadcast v48, $0xF;
	(xrf2) =	vadd.scan.msk.f32 $0xffff, v18  }
0x260: {  	v11 =	vbroadcast v11, $0xF;
	v20 =	vld [tilespmem:s18+$0x1690];
	v27 =	vnsel vm0, $0x0, v9;
	v28, _, _ =	vpop (xrf2)  }
0x261: {  	v4 =	vld [tilespmem:s17+$0x66A0];
	(xrf2) =	vadd.scan.msk.f32 $0xffff, v19;
	v19 =	vsel vm1, v27, v23;
	v51 =	vbroadcast v28, $0xF  }
0x262: {  	v1 =	vadd.f32 v10, v1;
	v3 =	vld [tilespmem:s17+$0x6690];
	v10 =	vsel vm2, v19, v11  }
0x263: {  	v22 =	vmul.f32 v47, v46;
	v18 =	vld [tilespmem:s28+$0x66B0];
	v11 =	vsel vm3, v10, v51  }
0x264: {  	p6 =	slt.u32 s9, $0x4E200;
	v2 =	vld [tilespmem:s5+$0x6680];
	v11 =	vmax.f32 v11, $-5.000000000e+00;
	v52 =	vpop (erf)  }
0x265: {  	v6 =	vld [tilespmem:s5+$0x6690];
	(xrf2) =	vadd.scan.msk.f32 $0xffff, v22;
	v20 =	vmul.f32 v49, v20;
	v11 =	vmin.f32 v11, $5.000000000e+00;
	v19 =	vpsel !p6, $0x0, v52  }
0x266: {  	v5 =	vld [tilespmem:s5+$0x66A0];
	v59 =	vmul.f32 $1.442695020e+00, v11;
	v55 =	vbroadcast v19, $0x3  }
0x267: {  	v1 =	vadd.f32 v12, v1;
	v21 =	vmul.f32 v26, v50;
	v8 =	vld [tilespmem:s18+$0x6680];
	v12, _, _ =	vpop (xrf2)  }
0x268: {  	v9 =	vld [tilespmem:s18+$0x6690];
	v58, _, _ =	vpop (xrf2);
	(xrf2) =	vadd.scan.msk.f32 $0xffff, v20;
	(erf) = vpow2.f32 v59;
	v18 =	vmul.f32 v55, v18  }
0x269: {  	v1 =	vadd.f32 v14, v1;
	v24 =	vmul.f32 v54, v53;
	v10 =	vld [tilespmem:s18+$0x66A0];
	v29 =	vbroadcast v19, $0x0;
	v14, _, _ =	vpop (xrf2)  }
0x26a: {  	v11 =	vld [tilespmem:s4+$0x6680];
	v20 =	vbroadcast v58, $0xF;
	[tilespmem:s28+$0x8EB0] =	vst v18;
	v18 =	vbroadcast v14, $0xF  }
0x26b: {  	v1 =	vadd.f32 v15, v1;
	v60 =	vbroadcast v19, $0x1;
	(xrf2) =	vadd.scan.msk.f32 $0xffff, v21;
	v17 =	vmul.f32 v29, v17  }
0x26c: {  	v62 =	vbroadcast v12, $0xF;
	v61 =	vbroadcast v19, $0x2;
	v12, _, _ =	vpop (xrf2);
	v14 =	vld [tilespmem:s4+$0x1690];
	v18 =	vnsel vm0, $0x0, v18  }
0x26d: {  	v63 =	vmul.f32 v60, v16;
	v15 =	vld [tilespmem:s4+$0x3E90];
	[tilespmem:s28+$0x8E80] =	vst v17;
	v17 =	vsel vm1, v18, v20;
	v20 =	vbroadcast v12, $0xF  }
0x26e: {  	v1 =	vadd.f32 v19, v1;
	(xrf2) =	vadd.scan.msk.f32 $0xffff, v24;
	v16 =	vld [tilespmem:s4+$0x1680];
	v18 =	vmul.f32 v61, v13;
	v19 =	vsel vm2, v17, v62  }
0x26f: {  	s20 =	simm.s32 $0x500;
	s13 =	smov.u32 s9;
	s21 =	simm.s32 $0x190;
	v12 =	vld [tilespmem:s17+$0x66B0];
	v13, _, _ =	vpop (xrf2);
	[tilespmem:s28+$0x8E90] =	vst v63;
	v17 =	vmul.f32 v57, v56;
	v19 =	vsel vm3, v19, v20  }
.LBB2_11:
0x270: {  	p0 =	sne.s32 s20, $0x4F00;
	v20 =	vld [tilespmem:s4+$0x3E80];
	v19 =	vmax.f32 v19, $-5.000000000e+00;
	[tilespmem:s28+$0x8EA0] =	vst v18;
	s13 =	sadd.s32 $0x1, s13;
	v21 =	vmovc v5;
	v5 =	vmovc v10;
	v18 =	vmov v2;
	v2 =	vmov v8;
	s28 =	smov.u32 s17  }
0x271: {  	v8 =	vmov v11;
	s17 =	smov.u32 s5;
	s5 =	smov.u32 s18;
	v22 =	vld [tilespmem:s4+$0x6690];
	(xrf2) =	vadd.scan.msk.f32 $0xffff, v17;
	v10 =	vmin.f32 v19, $5.000000000e+00;
	p1 =	slt.u32 s13, $0x4E200;
	v17 =	vpop (erf)  }
0x272: {  	s18 =	smov.u32 s4;
	v27 =	vmul.f32 v15, v14;
	v15 =	vld [tilespmem:s4+$0x16B0];
	v14, _, _ =	vpop (xrf2);
	v19 =	vmul.f32 $1.442695020e+00, v10;
	v17 =	vpsel !p1, $0x0, v17  }
0x273: {  	v23 =	vld [tilespmem:s18+$0x3EB0];
	v1 =	vadd.f32 v17, v1;
	v24 =	vbroadcast v17, $0x0;
	v25 =	vbroadcast v17, $0x3  }
0x274: {  	s4 =	sshra.s32 s20, $0x2;
	v10 =	vld [tilespmem:s18+$0x66A0];
	(xrf2) =	vadd.scan.msk.f32 $0xffff, v27;
	(erf) = vpow2.f32 v19;
	v19 =	vbroadcast v17, $0x1  }
0x275: {  	v26 =	vld [tilespmem:s4+$0x16A0];
	v16 =	vmul.f32 v20, v16;
	v11, _, _ =	vpop (xrf2);
	v12 =	vmul.f32 v25, v12  }
0x276: {  	v17 =	vbroadcast v17, $0x2;
	v20 =	vld [tilespmem:s4+$0x3EA0];
	v25 =	vbroadcast v11, $0xF  }
.Ltmp4:
0x277: {  	v24 =	vmul.f32 v24, v7;
	v7 =	vmovc v18;
	v11 =	vld [tilespmem:s4+$0x6680];
	(xrf2) =	vadd.scan.msk.f32 $0xffff, v16;
	v16 =	vbroadcast v14, $0xF;
	[tilespmem:s28+$0x8EB0] =	vst v12;
	(pc) =	sbr.rel @p0 .LBB2_11-.Ltmp4, $4  }
0x278: {  	v14 =	vld [tilespmem:s4+$0x1690];
	v12 =	vmul.f32 v23, v15;
	v18 =	vnsel vm0, $0x0, v25;
	v25 =	vbroadcast v13, $0xF;
	v23, _, _ =	vpop (xrf2)  }
0x279: {  	v15 =	vld [tilespmem:s4+$0x3E90];
	v16 =	vsel vm1, v18, v16;
	v23 =	vbroadcast v23, $0xF;
	[tilespmem:s28+$0x8E80] =	vst v24;
	v24 =	vmul.f32 v19, v3;
	v3 =	vmovc v6  }
0x27a: {  	v18 =	vmul.f32 v17, v4;
	v6 =	vmovc v9;
	v9 =	vmov v22;
	(xrf2) =	vadd.scan.msk.f32 $0xffff, v12;
	v19 =	vsel vm2, v16, v25;
	v12 =	vld [tilespmem:s17+$0x66B0]  }
0x27b: {  	s20 =	sadd.s32 $0x100, s20;
	v4 =	vmov v21;
	v16 =	vld [tilespmem:s4+$0x1680];
	v17 =	vmul.f32 v20, v26;
	v13, _, _ =	vpop (xrf2);
	v19 =	vsel vm3, v19, v23;
	[tilespmem:s28+$0x8E90] =	vst v24  }
0x27c: {  	v20 =	vld [tilespmem:s4+$0x3E80]  }
0x27d: {  	[tilespmem:s28+$0x8EA0] =	vst v18  }
0x27e: {  	v18 =	vld [tilespmem:s4+$0x16B0]  }
0x27f: {  	v21 =	vld [tilespmem:s4+$0x3EB0]  }
0x280: {  	v14 =	vmul.f32 v15, v14  }
0x281: {  	(xrf2) =	vadd.scan.msk.f32 $0xffff, v17;
	v24 =	vmul.f32 v20, v16  }
0x282: {  	v25 =	vmax.f32 v19, $-5.000000000e+00;
	(xrf2) =	vadd.scan.msk.f32 $0xffff, v14  }
0x283: {  	v26 =	vmin.f32 v25, $5.000000000e+00;
	v27, _, _ =	vpop (xrf2);
	(xrf2) =	vadd.scan.msk.f32 $0xffff, v24  }
0x284: {  	v14 =	vmul.f32 $1.442695020e+00, v26;
	v28, _, _ =	vpop (xrf2);
	v29 =	vmul.f32 v21, v18  }
0x285: {  	s13 =	sadd.s32 $0x1, s13;
	v15 =	vbroadcast v28, $0xF  }
0x286: {  	p0 =	slt.u32 s13, $0x4E200;
	v30 =	vpop (erf);
	v31 =	vbroadcast v27, $0xF;
	(erf) = vpow2.f32 v14;
	(xrf2) =	vadd.scan.msk.f32 $0xffff, v29  }
0x287: {  	v13 =	vbroadcast v13, $0xF;
	v33 =	vpsel !p0, $0x0, v30;
	v32, _, _ =	vpop (xrf2);
	v15 =	vnsel vm0, $0x0, v15  }
0x288: {  	v35 =	vbroadcast v33, $0x0;
	v14 =	vsel vm1, v15, v31;
	v34 =	vbroadcast v32, $0xF  }
0x289: {  	v18 =	vbroadcast v33, $0x3;
	v13 =	vsel vm2, v14, v13  }
0x28a: {  	v7 =	vmul.f32 v35, v7;
	v13 =	vsel vm3, v13, v34  }
0x28b: {  	v36 =	vld [tilespmem:s4+$0x6690];
	v12 =	vmul.f32 v18, v12;
	v38, _, _ =	vpop (xrf2);
	v13 =	vmax.f32 v13, $-5.000000000e+00  }
0x28c: {  	v37 =	vld [tilespmem:s4+$0x66A0];
	v39 =	vbroadcast v33, $0x1;
	[tilespmem:s17+$0x8E80] =	vst v7;
	v40 =	vmin.f32 v13, $5.000000000e+00;
	v41, _, _ =	vpop (xrf2)  }
0x28d: {  	v42 =	vbroadcast v33, $0x2;
	[tilespmem:s17+$0x8EB0] =	vst v12;
	v43 =	vmul.f32 $1.442695020e+00, v40;
	v44, _, _ =	vpop (xrf2)  }
0x28e: {  	s13 =	sadd.s32 $0x1, s13;
	v3 =	vmul.f32 v39, v3;
	v45 =	vld [tilespmem:s5+$0x66B0];
	v12 =	vbroadcast v44, $0xF  }
0x28f: {  	p4 =	slt.u32 s13, $0x4E200;
	v46 =	vpop (erf);
	v47 =	vbroadcast v41, $0xF;
	(erf) = vpow2.f32 v43  }
0x290: {  	v16 =	vbroadcast v38, $0xF;
	v48 =	vpsel !p4, $0x0, v46;
	v49, _, _ =	vpop (xrf2);
	v12 =	vnsel vm0, $0x0, v12  }
0x291: {  	v50 =	vbroadcast v48, $0x3;
	v51 =	vbroadcast v49, $0xF;
	v7 =	vsel vm1, v12, v47  }
0x292: {  	v4 =	vmul.f32 v42, v4;
	v52 =	vbroadcast v48, $0x0;
	v7 =	vsel vm2, v7, v16  }
0x293: {  	[tilespmem:s17+$0x8E90] =	vst v3;
	v3 =	vmul.f32 v50, v45;
	v7 =	vsel vm3, v7, v51  }
0x294: {  	[tilespmem:s17+$0x8EA0] =	vst v4;
	v2 =	vmul.f32 v52, v2;
	v53 =	vmax.f32 v7, $-5.000000000e+00  }
0x295: {  	[tilespmem:s5+$0x8EB0] =	vst v3;
	v3 =	vmin.f32 v53, $5.000000000e+00  }
0x296: {  	[tilespmem:s5+$0x8E80] =	vst v2;
	v2 =	vmul.f32 $1.442695020e+00, v3  }
0x297: {  	s13 =	sadd.s32 $0x1, s13;
	v3 =	vld [tilespmem:s18+$0x66B0]  }
0x298: {  	p5 =	slt.u32 s13, $0x4E200;
	v54 =	vbroadcast v48, $0x1;
	v55 =	vpop (erf);
	(erf) = vpow2.f32 v2  }
0x299: {  	v7 =	vpsel !p5, $0x0, v55;
	v2 =	vbroadcast v48, $0x2  }
0x29a: {  	v4 =	vmul.f32 v54, v6;
	v56 =	vbroadcast v7, $0x3  }
0x29b: {  	v57 =	vbroadcast v7, $0x0;
	v2 =	vmul.f32 v2, v5  }
0x29c: {  	[tilespmem:s5+$0x8E90] =	vst v4;
	v3 =	vmul.f32 v56, v3  }
0x29d: {  	[tilespmem:s5+$0x8EA0] =	vst v2;
	v2 =	vmul.f32 v57, v8  }
0x29e: {  	[tilespmem:s18+$0x8EB0] =	vst v3  }
0x29f: {  	[tilespmem:s18+$0x8E80] =	vst v2  }
0x2a0: {  	s20 =	sadd.s32 $0x1, s13;
	v2 =	vld [tilespmem:s4+$0x66B0]  }
0x2a1: {  	p6 =	slt.u32 s20, $0x4E200;
	v3 =	vbroadcast v7, $0x1;
	v58 =	vpop (erf)  }
0x2a2: {  	v59 =	vbroadcast v7, $0x2;
	v4 =	vpsel !p6, $0x0, v58  }
0x2a3: {  	v3 =	vmul.f32 v3, v9;
	v60 =	vbroadcast v4, $0x3  }
0x2a4: {  	v5 =	vmul.f32 v59, v10;
	v61 =	vbroadcast v4, $0x0  }
0x2a5: {  	[tilespmem:s18+$0x8E90] =	vst v3;
	v3 =	vbroadcast v4, $0x1;
	v2 =	vmul.f32 v60, v2  }
0x2a6: {  	[tilespmem:s18+$0x8EA0] =	vst v5;
	v62 =	vbroadcast v4, $0x2;
	v63 =	vmul.f32 v61, v11  }
0x2a7: {  	[tilespmem:s4+$0x8EB0] =	vst v2;
	v2 =	vmul.f32 v3, v36  }
0x2a8: {  	[tilespmem:s4+$0x8E80] =	vst v63;
	v3 =	vmul.f32 v62, v37  }
0x2a9: {  	[tilespmem:s4+$0x8E90] =	vst v2  }
0x2aa: {  	s28 =	simm.s32 $0x8E80;
	s17 =	simm.s32 $0x230;
	[tilespmem:s4+$0x8EA0] =	vst v3  }
0x2ab: {  	[spmem:s2] =	stream.indirect.scatter.add.f32 [tilespmem:s28], [sflag:$0x7], $0x40, s17, s10, $0xb8;
	[tilespmem:$0x14290] =	vst v63  }
0x2ac: {  	_ =	swait.ge [sflag:s29], $0x1400  }
0x2ad: {  	[sflag:s29] =	ssyncset.done $0x0  }
0x2ae: {  	[sflag:s29] =	ssyncadd.s32 $0xFFFFEC00  }
0x2af: {  	_ =	swait.ge [sflag:s26], $0x50  }
0x2b0: {  	[sflag:s26] =	ssyncset.done $0x0  }
0x2b1: {  	[sflag:s26] =	ssyncadd.s32 $0xFFFFFFB0  }
0x2b2: {  	_ =	swait.ge [sflag:s26], $0x50  }
0x2b3: {  	[sflag:s26] =	ssyncset.done $0x0  }
0x2b4: {  	s5 =	simm.s32 $0x1680;
	s20 =	sld [smem:$0x7F8];
	[sflag:s26] =	ssyncadd.s32 $0xFFFFFFB0  }
0x2b5: {  	[tilespmem:s5], [sflag:$0x6] =	stream.indirect.gather [hbm4b:s12+s10], $0x40, s0, s10, $0xb8;
	[tilespmem:$0x14290] =	vst v63  }
0x2b6: {  	s8 =	sadd.s32 $0x1, s8;
	s19 =	sadd.s32 $0x140, s19;
	s13 =	simm.s32 $0x3E80  }
0x2b7: {  	[tilespmem:s13], [sflag:$0x6] =	stream.indirect.gather [hbm4b:s1+s10], $0x40, s31, s10, $0xb8;
	[tilespmem:$0x14290] =	vst v63  }
0x2b8: {  	p0 =	sne.s32 s8, $0x40;
	v1 =	vadd.f32 v33, v1;
	s18 =	simm.s32 $0x6680;
	s4 =	sadd.s32 s25, s20  }
0x2b9: {  	[tilespmem:s18], [sflag:$0x6] =	stream.indirect.gather [hbm4b:s14+s10], $0x40, s31, s10, $0xb8;
	[tilespmem:$0x14290] =	vst v63  }
.Ltmp5:
0x2ba: {  	s11 =	sadd.s32 $0x140, s11;
	v1 =	vadd.f32 v48, v1;
	s4 =	sshrl.u32 s4, $0x3;
	(pc) =	sbr.rel @p0 .LBB2_4-.Ltmp5, $4  }
0x2bb: {  	s6 =	sadd.s32 $0x140, s6;
	s28 =	simm.s32 $0x0;
	s25 =	sadd.s32 s15, s4  }
0x2bc: {  	v1 =	vadd.f32 v7, v1;
	[tilespmem:s30], [sflag:$0x4] =	stream.linear.gather [hbm4b:s25+s28], $0x50, $0x38;
	[tilespmem:$0x14290] =	vst v63  }
0x2bd: {  	s9 =	sadd.s32 $0x140, s9;
	s0 =	simm.s32 $0x230;
	s4 =	sadd.s32 s16, s4  }
0x2be: {  	v1 =	vadd.f32 v4, v1;
	[tilespmem:s17], [sflag:$0x4] =	stream.linear.gather [hbm4b:s4+s28], $0x50, $0x38;
	[tilespmem:$0x14290] =	vst v63  }
0x2bf: {  	_ =	swait.ge [sflag:s22], $0x1400  }
0x2c0: {  	[sflag:s22] =	ssyncset.done $0x0  }
0x2c1: {  	[sflag:s22] =	ssyncadd.s32 $0xFFFFEC00  }
0x2c2: {  	_ =	swait.ge [sflag:s22], $0x1400  }
0x2c3: {  	[sflag:s22] =	ssyncset.done $0x0  }
0x2c4: {  	[sflag:s22] =	ssyncadd.s32 $0xFFFFEC00  }
0x2c5: {  	_ =	swait.ge [sflag:s22], $0x1400  }
0x2c6: {  	[sflag:s22] =	ssyncset.done $0x0  }
0x2c7: {  	[sflag:s22] =	ssyncadd.s32 $0xFFFFEC00  }
0x2c8: {  	_ =	swait.ge [sflag:s23], $0x50  }
0x2c9: {  	[sflag:s23] =	ssyncset.done $0x0  }
0x2ca: {  	[sflag:s23] =	ssyncadd.s32 $0xFFFFFFB0  }
0x2cb: {  	_ =	swait.ge [sflag:s23], $0x50  }
0x2cc: {  	[sflag:s23] =	ssyncset.done $0x0  }
0x2cd: {  	[sflag:s23] =	ssyncadd.s32 $0xFFFFFFB0  }
0x2ce: {  	_ =	swait.ge [sflag:s24], $0x1400  }
0x2cf: {  	[sflag:s24] =	ssyncset.done $0x0  }
0x2d0: {  	[sflag:s24] =	ssyncadd.s32 $0xFFFFEC00  }
0x2d1: {  	_ =	swait.ge [sflag:s24], $0x1400  }
0x2d2: {  	[sflag:s24] =	ssyncset.done $0x0  }
0x2d3: {  	[sflag:s24] =	ssyncadd.s32 $0xFFFFEC00  }
0x2d4: {  	_ =	swait.ge [sflag:s24], $0x1400  }
0x2d5: {  	[sflag:s24] =	ssyncset.done $0x0  }
0x2d6: {  	[sflag:s24] =	ssyncadd.s32 $0xFFFFEC00  }
0x2d7: {  	_ =	swait.ge [sflag:s7], $0x50  }
0x2d8: {  	[sflag:s7] =	ssyncset.done $0x0  }
0x2d9: {  	[sflag:s7] =	ssyncadd.s32 $0xFFFFFFB0  }
0x2da: {  	_ =	swait.ge [sflag:s7], $0x50  }
0x2db: {  	[sflag:s7] =	ssyncset.done $0x0  }
0x2dc: {  	[sflag:s7] =	ssyncadd.s32 $0xFFFFFFB0  }
0x2dd: {  	[bflag:$0x0] =	sbarrier.arrive $0xFFFF  }
0x2de: {  	s5 =	sld [smem:$0x7F9];
	_ =	sdelay $0x1  }
0x2df: {  	s4 =	simm.s32 $0x0;
	s6 =	simm.s32 $0xA280;
	[tilespmem:$0xA280] =	vst v1  }
0x2e0: {  	[hbm4b:s5+s4] =	stream.linear.scatter [tilespmem:s6], [sflag:$0x7], $0x10, $0x38;
	[tilespmem:$0x14290] =	vst v63  }
0x2e1: {  	_ =	swait.ge [sflag:s29], $0x10  }
0x2e2: {  	[sflag:s29] =	ssyncset.done $0x0  }
0x2e3: {  	s6 =	simm.s32 $0x7A80;
	s8 =	rddreg [dreg:$0xc];
	[sflag:s29] =	ssyncadd.s32 $0xFFFFFFF0  }
0x2e4: {  	[tilespmem:s6], [sflag:$0x7] =	stream.linear.gather [spmem:s8], $0x1400, $0x38;
	[tilespmem:$0x14290] =	vst v63  }
0x2e5: {  	_ =	swait.ge [sflag:s29], $0x1400  }
0x2e6: {  	[sflag:s29] =	ssyncset.done $0x0  }
0x2e7: {  	s9 =	rddreg [dreg:$0x4];
	[sflag:s29] =	ssyncadd.s32 $0xFFFFEC00  }
0x2e8: {  	[hbm4b:s9+s4] =	stream.linear.scatter [tilespmem:s6], [sflag:$0x7], $0x1400, $0x38;
	[tilespmem:$0x14290] =	vst v63  }
0x2e9: {  	_ =	swait.ge [sflag:s29], $0x1400  }
0x2ea: {  	[sflag:s29] =	ssyncset.done $0x0  }
0x2eb: {  	s9 =	rddreg [dreg:$0xd];
	[sflag:s29] =	ssyncadd.s32 $0xFFFFEC00  }
0x2ec: {  	[tilespmem:s6], [sflag:$0x7] =	stream.linear.gather [spmem:s9], $0x1400, $0x38;
	[tilespmem:$0x14290] =	vst v63  }
0x2ed: {  	_ =	swait.ge [sflag:s29], $0x1400  }
0x2ee: {  	[sflag:s29] =	ssyncset.done $0x0  }
0x2ef: {  	s11 =	rddreg [dreg:$0x5];
	[sflag:s29] =	ssyncadd.s32 $0xFFFFEC00  }
0x2f0: {  	[hbm4b:s11+s4] =	stream.linear.scatter [tilespmem:s6], [sflag:$0x7], $0x1400, $0x38;
	[tilespmem:$0x14290] =	vst v63  }
0x2f1: {  	_ =	swait.ge [sflag:s29], $0x1400  }
0x2f2: {  	[sflag:s29] =	ssyncset.done $0x0  }
0x2f3: {  	s25 =	rddreg [dreg:$0xe];
	[sflag:s29] =	ssyncadd.s32 $0xFFFFEC00  }
0x2f4: {  	[tilespmem:s6], [sflag:$0x7] =	stream.linear.gather [spmem:s25], $0x1400, $0x38;
	[tilespmem:$0x14290] =	vst v63  }
0x2f5: {  	_ =	swait.ge [sflag:s29], $0x1400  }
0x2f6: {  	[sflag:s29] =	ssyncset.done $0x0  }
0x2f7: {  	s13 =	rddreg [dreg:$0x6];
	[sflag:s29] =	ssyncadd.s32 $0xFFFFEC00  }
0x2f8: {  	[hbm4b:s13+s4] =	stream.linear.scatter [tilespmem:s6], [sflag:$0x7], $0x1400, $0x38;
	[tilespmem:$0x14290] =	vst v63  }
0x2f9: {  	_ =	swait.ge [sflag:s29], $0x1400  }
0x2fa: {  	[sflag:s29] =	ssyncset.done $0x0  }
0x2fb: {  	s11 =	rddreg [dreg:$0xf];
	[sflag:s29] =	ssyncadd.s32 $0xFFFFEC00  }
0x2fc: {  	[tilespmem:s6], [sflag:$0x7] =	stream.linear.gather [spmem:s11], $0x1400, $0x38;
	[tilespmem:$0x14290] =	vst v63  }
0x2fd: {  	_ =	swait.ge [sflag:s29], $0x1400  }
0x2fe: {  	[sflag:s29] =	ssyncset.done $0x0  }
0x2ff: {  	s17 =	rddreg [dreg:$0x7];
	[sflag:s29] =	ssyncadd.s32 $0xFFFFEC00  }
0x300: {  	[hbm4b:s17+s4] =	stream.linear.scatter [tilespmem:s6], [sflag:$0x7], $0x1400, $0x38;
	[tilespmem:$0x14290] =	vst v63  }
0x301: {  	_ =	swait.ge [sflag:s29], $0x1400  }
0x302: {  	[sflag:s29] =	ssyncset.done $0x0  }
0x303: {  	s13 =	rddreg [dreg:$0x10];
	[sflag:s29] =	ssyncadd.s32 $0xFFFFEC00  }
0x304: {  	[tilespmem:s6], [sflag:$0x7] =	stream.linear.gather [spmem:s13], $0x1400, $0x38;
	[tilespmem:$0x14290] =	vst v63  }
0x305: {  	_ =	swait.ge [sflag:s29], $0x1400  }
0x306: {  	[sflag:s29] =	ssyncset.done $0x0  }
0x307: {  	s18 =	rddreg [dreg:$0x8];
	[sflag:s29] =	ssyncadd.s32 $0xFFFFEC00  }
0x308: {  	[hbm4b:s18+s4] =	stream.linear.scatter [tilespmem:s6], [sflag:$0x7], $0x1400, $0x38;
	[tilespmem:$0x14290] =	vst v63  }
0x309: {  	_ =	swait.ge [sflag:s29], $0x1400  }
0x30a: {  	[sflag:s29] =	ssyncset.done $0x0  }
0x30b: {  	s17 =	rddreg [dreg:$0x11];
	[sflag:s29] =	ssyncadd.s32 $0xFFFFEC00  }
0x30c: {  	[tilespmem:s6], [sflag:$0x7] =	stream.linear.gather [spmem:s17], $0x1400, $0x38;
	[tilespmem:$0x14290] =	vst v63  }
0x30d: {  	_ =	swait.ge [sflag:s29], $0x1400  }
0x30e: {  	[sflag:s29] =	ssyncset.done $0x0  }
0x30f: {  	s19 =	rddreg [dreg:$0x9];
	[sflag:s29] =	ssyncadd.s32 $0xFFFFEC00  }
0x310: {  	[hbm4b:s19+s4] =	stream.linear.scatter [tilespmem:s6], [sflag:$0x7], $0x1400, $0x38;
	[tilespmem:$0x14290] =	vst v63  }
0x311: {  	_ =	swait.ge [sflag:s29], $0x1400  }
0x312: {  	[sflag:s29] =	ssyncset.done $0x0  }
0x313: {  	s18 =	rddreg [dreg:$0x12];
	[sflag:s29] =	ssyncadd.s32 $0xFFFFEC00  }
0x314: {  	[tilespmem:s6], [sflag:$0x7] =	stream.linear.gather [spmem:s18], $0x1400, $0x38;
	[tilespmem:$0x14290] =	vst v63  }
0x315: {  	_ =	swait.ge [sflag:s29], $0x1400  }
0x316: {  	[sflag:s29] =	ssyncset.done $0x0  }
0x317: {  	s20 =	rddreg [dreg:$0xa];
	[sflag:s29] =	ssyncadd.s32 $0xFFFFEC00  }
0x318: {  	[hbm4b:s20+s4] =	stream.linear.scatter [tilespmem:s6], [sflag:$0x7], $0x1400, $0x38;
	[tilespmem:$0x14290] =	vst v63  }
0x319: {  	_ =	swait.ge [sflag:s29], $0x1400  }
0x31a: {  	[sflag:s29] =	ssyncset.done $0x0  }
0x31b: {  	s19 =	rddreg [dreg:$0x13];
	[sflag:s29] =	ssyncadd.s32 $0xFFFFEC00  }
0x31c: {  	[tilespmem:s6], [sflag:$0x7] =	stream.linear.gather [spmem:s19], $0x1400, $0x38;
	[tilespmem:$0x14290] =	vst v63  }
0x31d: {  	_ =	swait.ge [sflag:s29], $0x1400  }
0x31e: {  	[sflag:s29] =	ssyncset.done $0x0  }
0x31f: {  	s28 =	rddreg [dreg:$0xb];
	[sflag:s29] =	ssyncadd.s32 $0xFFFFEC00  }
0x320: {  	[hbm4b:s28+s4] =	stream.linear.scatter [tilespmem:s6], [sflag:$0x7], $0x1400, $0x38;
	[tilespmem:$0x14290] =	vst v63  }
0x321: {  	_ =	swait.ge [sflag:s29], $0x1400  }
0x322: {  	s20 =	sld [smem:$0x7F7]  }
0x323: {  	s28 =	sld [smem:$0x7FA];
	_ =	sdelay $0x1  }
0x324: {  	s5 =	sadd.s32 $0x1, s20  }
0x325: {  	p0 =	sne.s32 s5, s28  }
.Ltmp6:
0x326: {  	_ = 	snop;
	(pc) =	sbr.rel @p0 .LBB2_1-.Ltmp6, $3  }
0x327: {  	_ =	sdelay $0x1  }
0x328: {  	[sflag:s29] =	ssyncset.done $0x0  }
0x329: {  	[sflag:s29] =	ssyncadd.s32 $0xFFFFEC00  }
0x32a: {  	_ =	sfence.sel $0x180000  }
0x32b: {  	[bflag:$0x0] =	sbarrier.arrive $0xFFFF  }
0x32c: {  	_ =	strace $0x90000047  }
0x32d: {  	s0 =	stileid.u32;
	[bflag:$0x2] =	sbarrier.arrive $0xFFFF  }
0x32e: {  	p0 =	sne.s32 s0, $0x0;
	s0 =	rddreg [dreg:$0x3]  }
0x32f: {  	s0 =	sadd.s32 @!p0 $0x100000, s0  }
0x330: {  	[sflag:s0] =	ssyncadd.tile.s32 @!p0 $0x1;
	_ =	shalt  }
.Lfunc_end2:
_tile_overlayer_lowered:
.L_overlay_start_2:
0x331: {  	(tag) =	ssettag $0x2  }
0x332: {  	s0 =	rddreg [dreg:$0x0];
	s2 =	stileid.u32  }
0x333: {  	s1 =	rddreg [dreg:$0x1];
	p0 =	sne.s32 s2, $0x0  }
0x334: {  	s3 =	rddreg [dreg:$0x2];
	[bflag:$0x3] =	sbarrier.arrive $0xFFFF;
	s2 =	simm.s32 @!p0 $0x1C07  }
0x335: {  	[timem:s3], [sflag:s2] =	dma.local @!p0 [hbm:s0], s1  }
0x336: {  	s0 =	simm.s32 @!p0 $0x7  }
0x337: {  	_ =	swait.ge @!p0 [sflag:s0], s1  }
0x338: {  	s1 =	ssub.s32 @!p0 $0x0, s1;
	[sflag:s0] =	ssyncset.done @!p0 $0x0  }
0x339: {  	[sflag:s0] =	ssyncadd.s32 @!p0 s1  }
0x33a: {  	[bflag:$0x3] =	sbarrier.arrive $0xFFFF  }
0x33b: {  	_ =	shalt  }

</sc_bundles>
